<compile_context>
chip_gen: v7x
topology: tpu7x:2x2x1
jax: 0.10.2.dev20260603
libtpu: 0.0.44.dev20260713+nightly
codegen_flags: <defaults>
</compile_context>

<pallas_src>
import jax
import jax.numpy as jnp
from jax import lax
from jax.experimental import pallas as pl
from jax.experimental.pallas import tpu as pltpu
from jax.experimental.pallas import tpu_sc as plsc

_B = 4096
_NS = 25
_NF = 26
_V = 100000
_D = 16
_SEQ = 50

_NW = 32
_ROWS_W = _B // _NW
_SUB = 32
_NSUB = _ROWS_W // _SUB
_G = 128

_SP_B = _SUB * _NF
_SQ_B = _SUB * _SEQ
_SP_N = _SP_B * _D
_SQ_N = _SQ_B * _D
_SP_OPS = _SP_N // _G
_SQ_OPS = _SQ_N // _G


def _emb_body(tab_ref, t0r_ref, isp_ref, isq_ref, out_ref,
              bsp0, bsp1, bsq0, bsq1, xsp0, xsp1,
              spv0, spv1, sqv0, sqv1,
              isem0, isem1, gsem0, gsem1, ssem0, ssem1):
    cid = lax.axis_index("c")
    sid = lax.axis_index("s")
    wid = sid * 2 + cid

    bsp = (bsp0, bsp1)
    bsq = (bsq0, bsq1)
    xsp = (xsp0, xsp1)
    spv = (spv0, spv1)
    sqv = (sqv0, sqv1)
    isems = (isem0, isem1)
    gsems = (gsem0, gsem1)
    ssems = (ssem0, ssem1)

    doffv = lax.iota(jnp.int32, _D) * _V

    def stage(c, p):
        base = wid * _ROWS_W + c * _SUB
        return [
            pltpu.async_copy(isp_ref.at[pl.ds(base * _NF, _SP_B)],
                             bsp[p], isems[p]),
            pltpu.async_copy(isq_ref.at[pl.ds(base * _SEQ, _SQ_B)],
                             bsq[p], isems[p]),
        ]

    gdn = lax.GatherDimensionNumbers(
        offset_dims=(), collapsed_slice_dims=(0,), start_index_map=(0,))

    def expand(src, dst, n_groups):
        def g_body(g, carry):
            basev = src[pl.ds(g * _D, _D)]
            for k in range(_D):
                bk = lax.gather(
                    basev, jnp.full((_D, 1), k, jnp.int32), gdn, (1,),
                    mode=lax.GatherScatterMode.PROMISE_IN_BOUNDS)
                dst[pl.ds((g * _D + k) * _D, _D)] = bk + doffv
            return carry
        lax.fori_loop(0, n_groups, g_body, 0)

    def fire(p):
        expand(bsp[p], xsp[p], _SP_B // _D)

        def fire_sp(j, carry):
            pltpu.async_copy(tab_ref.at[xsp[p].at[pl.ds(j * _G, _G)]],
                             spv[p].at[pl.ds(j * _G, _G)], gsems[p])
            return carry
        lax.fori_loop(0, _SP_OPS, fire_sp, 0)
        off = 0
        while off < _SQ_B:
            n = min(_G, _SQ_B - off)
            pltpu.async_copy(t0r_ref.at[bsq[p].at[pl.ds(off, n)]],
                             sqv[p].at[pl.ds(off, n)], gsems[p])
            off += n

    def drain(p):
        pltpu.make_async_copy(tab_ref.at[pl.ds(0, _SP_N)], spv[p],
                              gsems[p]).wait()
        pltpu.make_async_copy(t0r_ref.at[pl.ds(0, _SQ_B)], sqv[p],
                              gsems[p]).wait()

    def pool(p):
        def pool_one(b, carry):
            base = b * _SEQ
            acc = [sqv[p][base + k] for k in range(4)]
            for s in range(4, _SEQ):
                acc[s % 4] = acc[s % 4] + sqv[p][base + s]
            spv[p][pl.ds((b * _NF + _NS) * _D, _D)] = (
                (acc[0] + acc[1]) + (acc[2] + acc[3])) * (1.0 / _SEQ)
            return carry
        lax.fori_loop(0, _SUB, pool_one, 0)

    def store(c, p):
        base = wid * _ROWS_W + c * _SUB
        return pltpu.async_copy(spv[p],
                                out_ref.at[pl.ds(base * (_NF * _D), _SP_N)],
                                ssems[p])

    pending_idx = {0: stage(0, 0), 1: stage(1, 1)}
    store_d = [None, None]
    for c in range(_NSUB):
        p = c % 2
        if c == 0:
            for d in pending_idx[0]:
                d.wait()
            fire(0)
        drain(p)
        if c + 2 < _NSUB:
            pending_idx[p] = stage(c + 2, p)
        if c + 1 < _NSUB:
            for d in pending_idx[1 - p]:
                d.wait()
            if store_d[1 - p] is not None:
                store_d[1 - p].wait()
            fire(1 - p)
        pool(p)
        store_d[p] = store(c, p)
    store_d[0].wait()
    store_d[1].wait()


@jax.jit
def kernel(sparse_indices, seq_indices, tables):
    b = sparse_indices.shape[0]
    tab = jnp.transpose(tables, (0, 2, 1)).reshape(-1)
    t0r = tables[0]
    toff = (jnp.arange(_NS, dtype=jnp.int32) * (_D * _V))[None, :]
    isp = jnp.concatenate(
        [sparse_indices + toff, jnp.zeros((b, 1), jnp.int32)], axis=1)
    isp = isp.reshape(-1)
    isq = seq_indices.reshape(-1)

    mesh = plsc.VectorSubcoreMesh(core_axis_name="c", subcore_axis_name="s")
    out = pl.kernel(
        _emb_body,
        out_type=jax.ShapeDtypeStruct((b * _NF * _D,), jnp.float32),
        mesh=mesh,
        scratch_types=[
            pltpu.VMEM((_SP_B,), jnp.int32),
            pltpu.VMEM((_SP_B,), jnp.int32),
            pltpu.VMEM((_SQ_B,), jnp.int32),
            pltpu.VMEM((_SQ_B,), jnp.int32),
            pltpu.VMEM((_SP_N,), jnp.int32),
            pltpu.VMEM((_SP_N,), jnp.int32),
            pltpu.VMEM((_SP_N,), jnp.float32),
            pltpu.VMEM((_SP_N,), jnp.float32),
            pltpu.VMEM((_SQ_B, _D), jnp.float32),
            pltpu.VMEM((_SQ_B, _D), jnp.float32),
            pltpu.SemaphoreType.DMA,
            pltpu.SemaphoreType.DMA,
            pltpu.SemaphoreType.DMA,
            pltpu.SemaphoreType.DMA,
            pltpu.SemaphoreType.DMA,
            pltpu.SemaphoreType.DMA,
        ],
        compiler_params=pltpu.CompilerParams(use_tc_tiling_on_sc=False),
    )(tab, t0r, isp, isq)
    return out.reshape(b, _NF * _D)

# --- scband reference (transcript-rebuilt; emitter-appended) ---
"""Pipeline reference for scband-embedding-layer-44865228374329 (READ-ONLY COPY).

The authoritative reference and input builder live on the scoring server;
editing this copy changes nothing except your own understanding.
"""

import jax, jax.numpy as jnp
import numpy as np

B = 4096
N_SPARSE = 25
VOCAB = 100000
D = 16
SEQ = 50
N_TABLES = N_SPARSE + 1  # the sequence feature gets its own table in __init__, but forward uses shared_with='s0' -> tables[0]


def setup_inputs(seed: int = 0) -> dict:
    key = jax.random.key(seed)
    k1, k2, k3 = jax.random.split(key, 3)
    sparse_indices = jax.random.randint(k1, (B, N_SPARSE), 0, VOCAB, dtype=jnp.int32)
    seq_indices = jax.random.randint(k2, (B, SEQ), 0, VOCAB, dtype=jnp.int32)
    tables = jax.random.normal(k3, (N_TABLES, VOCAB, D), dtype=jnp.float32) * 0.02
    return {"sparse_indices": sparse_indices, "seq_indices": seq_indices, "tables": tables}


def reference(sparse_indices, seq_indices, tables):
    embs = []
    # SparseFeature path: per-field embedding lookup, unsqueeze(1) -> [B, 1, D]
    for i in range(N_SPARSE):
        e = jnp.take(tables[i], sparse_indices[:, i], axis=0)  # [B, D]
        embs.append(e[:, None, :])
    # SequenceFeature path: lookup in shared table (s0), mask via InputMask, AveragePooling
    seq_emb = jnp.take(tables[0], seq_indices, axis=0)  # [B, SEQ, D]
    mask = (seq_indices != -1).astype(jnp.float32)[:, None, :]  # [B, 1, SEQ]
    summed = jnp.matmul(mask, seq_emb)[:, 0, :]  # bmm(mask, x).squeeze(1) -> [B, D]
    lengths = jnp.sum(mask, axis=-1)  # [B, 1]
    pooled = summed / (lengths + 1e-16)  # [B, D]
    embs.append(pooled[:, None, :])
    out = jnp.concatenate(embs, axis=2)  # cat dim=2 -> [B, 1, 26*D]
    return out.reshape(out.shape[0], -1)  # flatten(start_dim=1) -> [B, 416]

if __name__ == "__main__":
    import jax
    _d = setup_inputs()
    print(jax.jit(kernel)(*tuple(_d.values())))

</pallas_src>

<mosaic_0001>
#map = affine_map<(d0, d1) -> (0)>
#map1 = affine_map<(d0, d1) -> (0, 0)>
module attributes {stable_mosaic.version = 14 : i64} {
  func.func @_emb_body(%arg0: i32, %arg1: i32, %arg2: memref<41600000xf32, #tpu.memory_space<hbm>>, %arg3: memref<100000x16xf32, #tpu.memory_space<hbm>>, %arg4: memref<106496xi32, #tpu.memory_space<hbm>>, %arg5: memref<204800xi32, #tpu.memory_space<hbm>>, %arg6: memref<1703936xf32, #tpu.memory_space<hbm>>, %arg7: memref<832xi32, #tpu.memory_space<vmem>>, %arg8: memref<832xi32, #tpu.memory_space<vmem>>, %arg9: memref<1600xi32, #tpu.memory_space<vmem>>, %arg10: memref<1600xi32, #tpu.memory_space<vmem>>, %arg11: memref<13312xi32, #tpu.memory_space<vmem>>, %arg12: memref<13312xi32, #tpu.memory_space<vmem>>, %arg13: memref<13312xf32, #tpu.memory_space<vmem>>, %arg14: memref<13312xf32, #tpu.memory_space<vmem>>, %arg15: memref<1600x16xf32, #tpu.memory_space<vmem>>, %arg16: memref<1600x16xf32, #tpu.memory_space<vmem>>, %arg17: memref<!tpu.dma_semaphore, #tpu.memory_space<semaphore_mem>>, %arg18: memref<!tpu.dma_semaphore, #tpu.memory_space<semaphore_mem>>, %arg19: memref<!tpu.dma_semaphore, #tpu.memory_space<semaphore_mem>>, %arg20: memref<!tpu.dma_semaphore, #tpu.memory_space<semaphore_mem>>, %arg21: memref<!tpu.dma_semaphore, #tpu.memory_space<semaphore_mem>>, %arg22: memref<!tpu.dma_semaphore, #tpu.memory_space<semaphore_mem>>) attributes {dimension_semantics = [#tpu.dimension_semantics<core_parallel>, #tpu.dimension_semantics<subcore_parallel>], iteration_bounds = array<i64: 2, 16>, scalar_prefetch = 0 : i64, scratch_operands = 16 : i64, tpu.core_type = #tpu.core_type<sc_vector_subcore>, window_params = [{transform_indices = #map}, {transform_indices = #map1}, {transform_indices = #map}, {transform_indices = #map}, {transform_indices = #map}]} {
    %mul3A = arith.constant 2 : i32
    %mul3A_0 = arith.muli %arg1, %mul3A : i32
    %add3A = arith.addi %mul3A_0, %arg0 : i32
    %iota3A = tpu.iota {dimensions = array<i32: 0>} : vector<16xi32>
    %mul3A_1 = arith.constant 100000 : i32
    %mul3A_2 = vector.broadcast %mul3A_1 : i32 to vector<16xi32>
    %mul3A_3 = arith.muli %iota3A, %mul3A_2 : vector<16xi32>
    %mul3A_4 = arith.constant 128 : i32
    %mul3A_5 = arith.muli %add3A, %mul3A_4 : i32
    %add3A_6 = arith.constant 0 : i32
    %add3A_7 = arith.addi %mul3A_5, %add3A_6 : i32
    %mul3A_8 = arith.constant 26 : i32
    %mul3A_9 = arith.muli %add3A_7, %mul3A_8 : i32
    %dma_start3A = tpu.memref_slice %arg4[%mul3A_9] : memref<106496xi32, #tpu.memory_space<hbm>> -> memref<832xi32, #tpu.memory_space<hbm>>
    %dma_start3A_10 = tpu.memref_slice %arg4[%mul3A_9] : memref<106496xi32, #tpu.memory_space<hbm>> -> memref<832xi32, #tpu.memory_space<hbm>>
    tpu.enqueue_dma source(%dma_start3A_10 : memref<832xi32, #tpu.memory_space<hbm>>) target(%arg7 : memref<832xi32, #tpu.memory_space<vmem>>) target_semaphore(%arg17 : memref<!tpu.dma_semaphore, #tpu.memory_space<semaphore_mem>>)
    %mul3A_11 = arith.constant 50 : i32
    %mul3A_12 = arith.muli %add3A_7, %mul3A_11 : i32
    %dma_start3A_13 = tpu.memref_slice %arg5[%mul3A_12] : memref<204800xi32, #tpu.memory_space<hbm>> -> memref<1600xi32, #tpu.memory_space<hbm>>
    %dma_start3A_14 = tpu.memref_slice %arg5[%mul3A_12] : memref<204800xi32, #tpu.memory_space<hbm>> -> memref<1600xi32, #tpu.memory_space<hbm>>
    tpu.enqueue_dma source(%dma_start3A_14 : memref<1600xi32, #tpu.memory_space<hbm>>) target(%arg9 : memref<1600xi32, #tpu.memory_space<vmem>>) target_semaphore(%arg17 : memref<!tpu.dma_semaphore, #tpu.memory_space<semaphore_mem>>)
    %mul3A_15 = arith.constant 128 : i32
    %mul3A_16 = arith.muli %add3A, %mul3A_15 : i32
    %add3A_17 = arith.constant 32 : i32
    %add3A_18 = arith.addi %mul3A_16, %add3A_17 : i32
    %mul3A_19 = arith.constant 26 : i32
    %mul3A_20 = arith.muli %add3A_18, %mul3A_19 : i32
    %dma_start3A_21 = tpu.memref_slice %arg4[%mul3A_20] : memref<106496xi32, #tpu.memory_space<hbm>> -> memref<832xi32, #tpu.memory_space<hbm>>
    %dma_start3A_22 = tpu.memref_slice %arg4[%mul3A_20] : memref<106496xi32, #tpu.memory_space<hbm>> -> memref<832xi32, #tpu.memory_space<hbm>>
    tpu.enqueue_dma source(%dma_start3A_22 : memref<832xi32, #tpu.memory_space<hbm>>) target(%arg8 : memref<832xi32, #tpu.memory_space<vmem>>) target_semaphore(%arg18 : memref<!tpu.dma_semaphore, #tpu.memory_space<semaphore_mem>>)
    %mul3A_23 = arith.constant 50 : i32
    %mul3A_24 = arith.muli %add3A_18, %mul3A_23 : i32
    %dma_start3A_25 = tpu.memref_slice %arg5[%mul3A_24] : memref<204800xi32, #tpu.memory_space<hbm>> -> memref<1600xi32, #tpu.memory_space<hbm>>
    %dma_start3A_26 = tpu.memref_slice %arg5[%mul3A_24] : memref<204800xi32, #tpu.memory_space<hbm>> -> memref<1600xi32, #tpu.memory_space<hbm>>
    tpu.enqueue_dma source(%dma_start3A_26 : memref<1600xi32, #tpu.memory_space<hbm>>) target(%arg10 : memref<1600xi32, #tpu.memory_space<vmem>>) target_semaphore(%arg18 : memref<!tpu.dma_semaphore, #tpu.memory_space<semaphore_mem>>)
    %dma_wait3A = tpu.memref_slice %arg4[%mul3A_9] : memref<106496xi32, #tpu.memory_space<hbm>> -> memref<832xi32, #tpu.memory_space<hbm>>
    %dma_wait3A_27 = tpu.memref_slice %arg4[%mul3A_9] : memref<106496xi32, #tpu.memory_space<hbm>> -> memref<832xi32, #tpu.memory_space<hbm>>
    tpu.wait_dma2 semaphore(%arg17 : memref<!tpu.dma_semaphore, #tpu.memory_space<semaphore_mem>>) src(%dma_wait3A_27 : memref<832xi32, #tpu.memory_space<hbm>>) dst(%arg7 : memref<832xi32, #tpu.memory_space<vmem>>)
    %dma_wait3A_28 = tpu.memref_slice %arg5[%mul3A_12] : memref<204800xi32, #tpu.memory_space<hbm>> -> memref<1600xi32, #tpu.memory_space<hbm>>
    %dma_wait3A_29 = tpu.memref_slice %arg5[%mul3A_12] : memref<204800xi32, #tpu.memory_space<hbm>> -> memref<1600xi32, #tpu.memory_space<hbm>>
    tpu.wait_dma2 semaphore(%arg17 : memref<!tpu.dma_semaphore, #tpu.memory_space<semaphore_mem>>) src(%dma_wait3A_29 : memref<1600xi32, #tpu.memory_space<hbm>>) dst(%arg9 : memref<1600xi32, #tpu.memory_space<vmem>>)
    %scan3A = arith.constant 0 : i32
    %scan3A_30 = arith.constant 0 : i32
    %scan3A_31 = arith.constant 52 : i32
    %scan3A_32 = arith.addi %scan3A_30, %scan3A_31 : i32
    %scan3A_33 = arith.constant 1 : i32
    scf.for %scan3A_633 = %scan3A_30 to %scan3A_32 step %scan3A_33  : i32 {
      %mul3A_634 = arith.constant 16 : i32
      %mul3A_635 = arith.muli %scan3A_633, %mul3A_634 : i32
      %get3A = arith.index_cast %mul3A_635 : i32 to index
      %get3A_636 = tpu.vector_load %arg7[%get3A] {strides = array<i32>} : memref<832xi32, #tpu.memory_space<vmem>>, vector<16xi32>,
      %get3A_637 = vector.shape_cast %get3A_636 : vector<16xi32> to vector<16xi32>
      %broadcast_in_dim3A = arith.constant 0 : i32
      %broadcast_in_dim3A_638 = vector.broadcast %broadcast_in_dim3A : i32 to vector<16x1xi32>
      %gather3A = vector.shape_cast %broadcast_in_dim3A_638 : vector<16x1xi32> to vector<16xi32>
      %gather3A_639 = tpu.dynamic_gather %get3A_637[%gather3A] in [0] : vector<16xi32>, vector<16xi32> -> vector<16xi32>
      %add3A_640 = arith.addi %gather3A_639, %mul3A_3 : vector<16xi32>
      %mul3A_641 = arith.constant 16 : i32
      %mul3A_642 = arith.muli %scan3A_633, %mul3A_641 : i32
      %add3A_643 = arith.constant 0 : i32
      %add3A_644 = arith.addi %mul3A_642, %add3A_643 : i32
      %mul3A_645 = arith.constant 16 : i32
      %mul3A_646 = arith.muli %add3A_644, %mul3A_645 : i32
      %swap3A = arith.index_cast %mul3A_646 : i32 to index
      %swap3A_647 = tpu.vector_load %arg11[%swap3A] {strides = array<i32>} : memref<13312xi32, #tpu.memory_space<vmem>>, vector<16xi32>,
      %swap3A_648 = vector.shape_cast %swap3A_647 : vector<16xi32> to vector<16xi32>
      %swap3A_649 = vector.shape_cast %add3A_640 : vector<16xi32> to vector<16xi32>
      tpu.vector_store %arg11[%swap3A], %swap3A_649 {strides = array<i32>} : memref<13312xi32, #tpu.memory_space<vmem>>, vector<16xi32>,
      %broadcast_in_dim3A_650 = arith.constant 1 : i32
      %broadcast_in_dim3A_651 = vector.broadcast %broadcast_in_dim3A_650 : i32 to vector<16x1xi32>
      %gather3A_652 = vector.shape_cast %broadcast_in_dim3A_651 : vector<16x1xi32> to vector<16xi32>
      %gather3A_653 = tpu.dynamic_gather %get3A_637[%gather3A_652] in [0] : vector<16xi32>, vector<16xi32> -> vector<16xi32>
      %add3A_654 = arith.addi %gather3A_653, %mul3A_3 : vector<16xi32>
      %mul3A_655 = arith.constant 16 : i32
      %mul3A_656 = arith.muli %scan3A_633, %mul3A_655 : i32
      %add3A_657 = arith.constant 1 : i32
      %add3A_658 = arith.addi %mul3A_656, %add3A_657 : i32
      %mul3A_659 = arith.constant 16 : i32
      %mul3A_660 = arith.muli %add3A_658, %mul3A_659 : i32
      %swap3A_661 = arith.index_cast %mul3A_660 : i32 to index
      %swap3A_662 = tpu.vector_load %arg11[%swap3A_661] {strides = array<i32>} : memref<13312xi32, #tpu.memory_space<vmem>>, vector<16xi32>,
      %swap3A_663 = vector.shape_cast %swap3A_662 : vector<16xi32> to vector<16xi32>
      %swap3A_664 = vector.shape_cast %add3A_654 : vector<16xi32> to vector<16xi32>
      tpu.vector_store %arg11[%swap3A_661], %swap3A_664 {strides = array<i32>} : memref<13312xi32, #tpu.memory_space<vmem>>, vector<16xi32>,
      %broadcast_in_dim3A_665 = arith.constant 2 : i32
      %broadcast_in_dim3A_666 = vector.broadcast %broadcast_in_dim3A_665 : i32 to vector<16x1xi32>
      %gather3A_667 = vector.shape_cast %broadcast_in_dim3A_666 : vector<16x1xi32> to vector<16xi32>
      %gather3A_668 = tpu.dynamic_gather %get3A_637[%gather3A_667] in [0] : vector<16xi32>, vector<16xi32> -> vector<16xi32>
      %add3A_669 = arith.addi %gather3A_668, %mul3A_3 : vector<16xi32>
      %mul3A_670 = arith.constant 16 : i32
      %mul3A_671 = arith.muli %scan3A_633, %mul3A_670 : i32
      %add3A_672 = arith.constant 2 : i32
      %add3A_673 = arith.addi %mul3A_671, %add3A_672 : i32
      %mul3A_674 = arith.constant 16 : i32
      %mul3A_675 = arith.muli %add3A_673, %mul3A_674 : i32
      %swap3A_676 = arith.index_cast %mul3A_675 : i32 to index
      %swap3A_677 = tpu.vector_load %arg11[%swap3A_676] {strides = array<i32>} : memref<13312xi32, #tpu.memory_space<vmem>>, vector<16xi32>,
      %swap3A_678 = vector.shape_cast %swap3A_677 : vector<16xi32> to vector<16xi32>
      %swap3A_679 = vector.shape_cast %add3A_669 : vector<16xi32> to vector<16xi32>
      tpu.vector_store %arg11[%swap3A_676], %swap3A_679 {strides = array<i32>} : memref<13312xi32, #tpu.memory_space<vmem>>, vector<16xi32>,
      %broadcast_in_dim3A_680 = arith.constant 3 : i32
      %broadcast_in_dim3A_681 = vector.broadcast %broadcast_in_dim3A_680 : i32 to vector<16x1xi32>
      %gather3A_682 = vector.shape_cast %broadcast_in_dim3A_681 : vector<16x1xi32> to vector<16xi32>
      %gather3A_683 = tpu.dynamic_gather %get3A_637[%gather3A_682] in [0] : vector<16xi32>, vector<16xi32> -> vector<16xi32>
      %add3A_684 = arith.addi %gather3A_683, %mul3A_3 : vector<16xi32>
      %mul3A_685 = arith.constant 16 : i32
      %mul3A_686 = arith.muli %scan3A_633, %mul3A_685 : i32
      %add3A_687 = arith.constant 3 : i32
      %add3A_688 = arith.addi %mul3A_686, %add3A_687 : i32
      %mul3A_689 = arith.constant 16 : i32
      %mul3A_690 = arith.muli %add3A_688, %mul3A_689 : i32
      %swap3A_691 = arith.index_cast %mul3A_690 : i32 to index
      %swap3A_692 = tpu.vector_load %arg11[%swap3A_691] {strides = array<i32>} : memref<13312xi32, #tpu.memory_space<vmem>>, vector<16xi32>,
      %swap3A_693 = vector.shape_cast %swap3A_692 : vector<16xi32> to vector<16xi32>
      %swap3A_694 = vector.shape_cast %add3A_684 : vector<16xi32> to vector<16xi32>
      tpu.vector_store %arg11[%swap3A_691], %swap3A_694 {strides = array<i32>} : memref<13312xi32, #tpu.memory_space<vmem>>, vector<16xi32>,
      %broadcast_in_dim3A_695 = arith.constant 4 : i32
      %broadcast_in_dim3A_696 = vector.broadcast %broadcast_in_dim3A_695 : i32 to vector<16x1xi32>
      %gather3A_697 = vector.shape_cast %broadcast_in_dim3A_696 : vector<16x1xi32> to vector<16xi32>
      %gather3A_698 = tpu.dynamic_gather %get3A_637[%gather3A_697] in [0] : vector<16xi32>, vector<16xi32> -> vector<16xi32>
      %add3A_699 = arith.addi %gather3A_698, %mul3A_3 : vector<16xi32>
      %mul3A_700 = arith.constant 16 : i32
      %mul3A_701 = arith.muli %scan3A_633, %mul3A_700 : i32
      %add3A_702 = arith.constant 4 : i32
      %add3A_703 = arith.addi %mul3A_701, %add3A_702 : i32
      %mul3A_704 = arith.constant 16 : i32
      %mul3A_705 = arith.muli %add3A_703, %mul3A_704 : i32
      %swap3A_706 = arith.index_cast %mul3A_705 : i32 to index
      %swap3A_707 = tpu.vector_load %arg11[%swap3A_706] {strides = array<i32>} : memref<13312xi32, #tpu.memory_space<vmem>>, vector<16xi32>,
      %swap3A_708 = vector.shape_cast %swap3A_707 : vector<16xi32> to vector<16xi32>
      %swap3A_709 = vector.shape_cast %add3A_699 : vector<16xi32> to vector<16xi32>
      tpu.vector_store %arg11[%swap3A_706], %swap3A_709 {strides = array<i32>} : memref<13312xi32, #tpu.memory_space<vmem>>, vector<16xi32>,
      %broadcast_in_dim3A_710 = arith.constant 5 : i32
      %broadcast_in_dim3A_711 = vector.broadcast %broadcast_in_dim3A_710 : i32 to vector<16x1xi32>
      %gather3A_712 = vector.shape_cast %broadcast_in_dim3A_711 : vector<16x1xi32> to vector<16xi32>
      %gather3A_713 = tpu.dynamic_gather %get3A_637[%gather3A_712] in [0] : vector<16xi32>, vector<16xi32> -> vector<16xi32>
      %add3A_714 = arith.addi %gather3A_713, %mul3A_3 : vector<16xi32>
      %mul3A_715 = arith.constant 16 : i32
      %mul3A_716 = arith.muli %scan3A_633, %mul3A_715 : i32
      %add3A_717 = arith.constant 5 : i32
      %add3A_718 = arith.addi %mul3A_716, %add3A_717 : i32
      %mul3A_719 = arith.constant 16 : i32
      %mul3A_720 = arith.muli %add3A_718, %mul3A_719 : i32
      %swap3A_721 = arith.index_cast %mul3A_720 : i32 to index
      %swap3A_722 = tpu.vector_load %arg11[%swap3A_721] {strides = array<i32>} : memref<13312xi32, #tpu.memory_space<vmem>>, vector<16xi32>,
      %swap3A_723 = vector.shape_cast %swap3A_722 : vector<16xi32> to vector<16xi32>
      %swap3A_724 = vector.shape_cast %add3A_714 : vector<16xi32> to vector<16xi32>
      tpu.vector_store %arg11[%swap3A_721], %swap3A_724 {strides = array<i32>} : memref<13312xi32, #tpu.memory_space<vmem>>, vector<16xi32>,
      %broadcast_in_dim3A_725 = arith.constant 6 : i32
      %broadcast_in_dim3A_726 = vector.broadcast %broadcast_in_dim3A_725 : i32 to vector<16x1xi32>
      %gather3A_727 = vector.shape_cast %broadcast_in_dim3A_726 : vector<16x1xi32> to vector<16xi32>
      %gather3A_728 = tpu.dynamic_gather %get3A_637[%gather3A_727] in [0] : vector<16xi32>, vector<16xi32> -> vector<16xi32>
      %add3A_729 = arith.addi %gather3A_728, %mul3A_3 : vector<16xi32>
      %mul3A_730 = arith.constant 16 : i32
      %mul3A_731 = arith.muli %scan3A_633, %mul3A_730 : i32
      %add3A_732 = arith.constant 6 : i32
      %add3A_733 = arith.addi %mul3A_731, %add3A_732 : i32
      %mul3A_734 = arith.constant 16 : i32
      %mul3A_735 = arith.muli %add3A_733, %mul3A_734 : i32
      %swap3A_736 = arith.index_cast %mul3A_735 : i32 to index
      %swap3A_737 = tpu.vector_load %arg11[%swap3A_736] {strides = array<i32>} : memref<13312xi32, #tpu.memory_space<vmem>>, vector<16xi32>,
      %swap3A_738 = vector.shape_cast %swap3A_737 : vector<16xi32> to vector<16xi32>
      %swap3A_739 = vector.shape_cast %add3A_729 : vector<16xi32> to vector<16xi32>
      tpu.vector_store %arg11[%swap3A_736], %swap3A_739 {strides = array<i32>} : memref<13312xi32, #tpu.memory_space<vmem>>, vector<16xi32>,
      %broadcast_in_dim3A_740 = arith.constant 7 : i32
      %broadcast_in_dim3A_741 = vector.broadcast %broadcast_in_dim3A_740 : i32 to vector<16x1xi32>
      %gather3A_742 = vector.shape_cast %broadcast_in_dim3A_741 : vector<16x1xi32> to vector<16xi32>
      %gather3A_743 = tpu.dynamic_gather %get3A_637[%gather3A_742] in [0] : vector<16xi32>, vector<16xi32> -> vector<16xi32>
      %add3A_744 = arith.addi %gather3A_743, %mul3A_3 : vector<16xi32>
      %mul3A_745 = arith.constant 16 : i32
      %mul3A_746 = arith.muli %scan3A_633, %mul3A_745 : i32
      %add3A_747 = arith.constant 7 : i32
      %add3A_748 = arith.addi %mul3A_746, %add3A_747 : i32
      %mul3A_749 = arith.constant 16 : i32
      %mul3A_750 = arith.muli %add3A_748, %mul3A_749 : i32
      %swap3A_751 = arith.index_cast %mul3A_750 : i32 to index
      %swap3A_752 = tpu.vector_load %arg11[%swap3A_751] {strides = array<i32>} : memref<13312xi32, #tpu.memory_space<vmem>>, vector<16xi32>,
      %swap3A_753 = vector.shape_cast %swap3A_752 : vector<16xi32> to vector<16xi32>
      %swap3A_754 = vector.shape_cast %add3A_744 : vector<16xi32> to vector<16xi32>
      tpu.vector_store %arg11[%swap3A_751], %swap3A_754 {strides = array<i32>} : memref<13312xi32, #tpu.memory_space<vmem>>, vector<16xi32>,
      %broadcast_in_dim3A_755 = arith.constant 8 : i32
      %broadcast_in_dim3A_756 = vector.broadcast %broadcast_in_dim3A_755 : i32 to vector<16x1xi32>
      %gather3A_757 = vector.shape_cast %broadcast_in_dim3A_756 : vector<16x1xi32> to vector<16xi32>
      %gather3A_758 = tpu.dynamic_gather %get3A_637[%gather3A_757] in [0] : vector<16xi32>, vector<16xi32> -> vector<16xi32>
      %add3A_759 = arith.addi %gather3A_758, %mul3A_3 : vector<16xi32>
      %mul3A_760 = arith.constant 16 : i32
      %mul3A_761 = arith.muli %scan3A_633, %mul3A_760 : i32
      %add3A_762 = arith.constant 8 : i32
      %add3A_763 = arith.addi %mul3A_761, %add3A_762 : i32
      %mul3A_764 = arith.constant 16 : i32
      %mul3A_765 = arith.muli %add3A_763, %mul3A_764 : i32
      %swap3A_766 = arith.index_cast %mul3A_765 : i32 to index
      %swap3A_767 = tpu.vector_load %arg11[%swap3A_766] {strides = array<i32>} : memref<13312xi32, #tpu.memory_space<vmem>>, vector<16xi32>,
      %swap3A_768 = vector.shape_cast %swap3A_767 : vector<16xi32> to vector<16xi32>
      %swap3A_769 = vector.shape_cast %add3A_759 : vector<16xi32> to vector<16xi32>
      tpu.vector_store %arg11[%swap3A_766], %swap3A_769 {strides = array<i32>} : memref<13312xi32, #tpu.memory_space<vmem>>, vector<16xi32>,
      %broadcast_in_dim3A_770 = arith.constant 9 : i32
      %broadcast_in_dim3A_771 = vector.broadcast %broadcast_in_dim3A_770 : i32 to vector<16x1xi32>
      %gather3A_772 = vector.shape_cast %broadcast_in_dim3A_771 : vector<16x1xi32> to vector<16xi32>
      %gather3A_773 = tpu.dynamic_gather %get3A_637[%gather3A_772] in [0] : vector<16xi32>, vector<16xi32> -> vector<16xi32>
      %add3A_774 = arith.addi %gather3A_773, %mul3A_3 : vector<16xi32>
      %mul3A_775 = arith.constant 16 : i32
      %mul3A_776 = arith.muli %scan3A_633, %mul3A_775 : i32
      %add3A_777 = arith.constant 9 : i32
      %add3A_778 = arith.addi %mul3A_776, %add3A_777 : i32
      %mul3A_779 = arith.constant 16 : i32
      %mul3A_780 = arith.muli %add3A_778, %mul3A_779 : i32
      %swap3A_781 = arith.index_cast %mul3A_780 : i32 to index
      %swap3A_782 = tpu.vector_load %arg11[%swap3A_781] {strides = array<i32>} : memref<13312xi32, #tpu.memory_space<vmem>>, vector<16xi32>,
      %swap3A_783 = vector.shape_cast %swap3A_782 : vector<16xi32> to vector<16xi32>
      %swap3A_784 = vector.shape_cast %add3A_774 : vector<16xi32> to vector<16xi32>
      tpu.vector_store %arg11[%swap3A_781], %swap3A_784 {strides = array<i32>} : memref<13312xi32, #tpu.memory_space<vmem>>, vector<16xi32>,
      %broadcast_in_dim3A_785 = arith.constant 10 : i32
      %broadcast_in_dim3A_786 = vector.broadcast %broadcast_in_dim3A_785 : i32 to vector<16x1xi32>
      %gather3A_787 = vector.shape_cast %broadcast_in_dim3A_786 : vector<16x1xi32> to vector<16xi32>
      %gather3A_788 = tpu.dynamic_gather %get3A_637[%gather3A_787] in [0] : vector<16xi32>, vector<16xi32> -> vector<16xi32>
      %add3A_789 = arith.addi %gather3A_788, %mul3A_3 : vector<16xi32>
      %mul3A_790 = arith.constant 16 : i32
      %mul3A_791 = arith.muli %scan3A_633, %mul3A_790 : i32
      %add3A_792 = arith.constant 10 : i32
      %add3A_793 = arith.addi %mul3A_791, %add3A_792 : i32
      %mul3A_794 = arith.constant 16 : i32
      %mul3A_795 = arith.muli %add3A_793, %mul3A_794 : i32
      %swap3A_796 = arith.index_cast %mul3A_795 : i32 to index
      %swap3A_797 = tpu.vector_load %arg11[%swap3A_796] {strides = array<i32>} : memref<13312xi32, #tpu.memory_space<vmem>>, vector<16xi32>,
      %swap3A_798 = vector.shape_cast %swap3A_797 : vector<16xi32> to vector<16xi32>
      %swap3A_799 = vector.shape_cast %add3A_789 : vector<16xi32> to vector<16xi32>
      tpu.vector_store %arg11[%swap3A_796], %swap3A_799 {strides = array<i32>} : memref<13312xi32, #tpu.memory_space<vmem>>, vector<16xi32>,
      %broadcast_in_dim3A_800 = arith.constant 11 : i32
      %broadcast_in_dim3A_801 = vector.broadcast %broadcast_in_dim3A_800 : i32 to vector<16x1xi32>
      %gather3A_802 = vector.shape_cast %broadcast_in_dim3A_801 : vector<16x1xi32> to vector<16xi32>
      %gather3A_803 = tpu.dynamic_gather %get3A_637[%gather3A_802] in [0] : vector<16xi32>, vector<16xi32> -> vector<16xi32>
      %add3A_804 = arith.addi %gather3A_803, %mul3A_3 : vector<16xi32>
      %mul3A_805 = arith.constant 16 : i32
      %mul3A_806 = arith.muli %scan3A_633, %mul3A_805 : i32
      %add3A_807 = arith.constant 11 : i32
      %add3A_808 = arith.addi %mul3A_806, %add3A_807 : i32
      %mul3A_809 = arith.constant 16 : i32
      %mul3A_810 = arith.muli %add3A_808, %mul3A_809 : i32
      %swap3A_811 = arith.index_cast %mul3A_810 : i32 to index
      %swap3A_812 = tpu.vector_load %arg11[%swap3A_811] {strides = array<i32>} : memref<13312xi32, #tpu.memory_space<vmem>>, vector<16xi32>,
      %swap3A_813 = vector.shape_cast %swap3A_812 : vector<16xi32> to vector<16xi32>
      %swap3A_814 = vector.shape_cast %add3A_804 : vector<16xi32> to vector<16xi32>
      tpu.vector_store %arg11[%swap3A_811], %swap3A_814 {strides = array<i32>} : memref<13312xi32, #tpu.memory_space<vmem>>, vector<16xi32>,
      %broadcast_in_dim3A_815 = arith.constant 12 : i32
      %broadcast_in_dim3A_816 = vector.broadcast %broadcast_in_dim3A_815 : i32 to vector<16x1xi32>
      %gather3A_817 = vector.shape_cast %broadcast_in_dim3A_816 : vector<16x1xi32> to vector<16xi32>
      %gather3A_818 = tpu.dynamic_gather %get3A_637[%gather3A_817] in [0] : vector<16xi32>, vector<16xi32> -> vector<16xi32>
      %add3A_819 = arith.addi %gather3A_818, %mul3A_3 : vector<16xi32>
      %mul3A_820 = arith.constant 16 : i32
      %mul3A_821 = arith.muli %scan3A_633, %mul3A_820 : i32
      %add3A_822 = arith.constant 12 : i32
      %add3A_823 = arith.addi %mul3A_821, %add3A_822 : i32
      %mul3A_824 = arith.constant 16 : i32
      %mul3A_825 = arith.muli %add3A_823, %mul3A_824 : i32
      %swap3A_826 = arith.index_cast %mul3A_825 : i32 to index
      %swap3A_827 = tpu.vector_load %arg11[%swap3A_826] {strides = array<i32>} : memref<13312xi32, #tpu.memory_space<vmem>>, vector<16xi32>,
      %swap3A_828 = vector.shape_cast %swap3A_827 : vector<16xi32> to vector<16xi32>
      %swap3A_829 = vector.shape_cast %add3A_819 : vector<16xi32> to vector<16xi32>
      tpu.vector_store %arg11[%swap3A_826], %swap3A_829 {strides = array<i32>} : memref<13312xi32, #tpu.memory_space<vmem>>, vector<16xi32>,
      %broadcast_in_dim3A_830 = arith.constant 13 : i32
      %broadcast_in_dim3A_831 = vector.broadcast %broadcast_in_dim3A_830 : i32 to vector<16x1xi32>
      %gather3A_832 = vector.shape_cast %broadcast_in_dim3A_831 : vector<16x1xi32> to vector<16xi32>
      %gather3A_833 = tpu.dynamic_gather %get3A_637[%gather3A_832] in [0] : vector<16xi32>, vector<16xi32> -> vector<16xi32>
      %add3A_834 = arith.addi %gather3A_833, %mul3A_3 : vector<16xi32>
      %mul3A_835 = arith.constant 16 : i32
      %mul3A_836 = arith.muli %scan3A_633, %mul3A_835 : i32
      %add3A_837 = arith.constant 13 : i32
      %add3A_838 = arith.addi %mul3A_836, %add3A_837 : i32
      %mul3A_839 = arith.constant 16 : i32
      %mul3A_840 = arith.muli %add3A_838, %mul3A_839 : i32
      %swap3A_841 = arith.index_cast %mul3A_840 : i32 to index
      %swap3A_842 = tpu.vector_load %arg11[%swap3A_841] {strides = array<i32>} : memref<13312xi32, #tpu.memory_space<vmem>>, vector<16xi32>,
      %swap3A_843 = vector.shape_cast %swap3A_842 : vector<16xi32> to vector<16xi32>
      %swap3A_844 = vector.shape_cast %add3A_834 : vector<16xi32> to vector<16xi32>
      tpu.vector_store %arg11[%swap3A_841], %swap3A_844 {strides = array<i32>} : memref<13312xi32, #tpu.memory_space<vmem>>, vector<16xi32>,
      %broadcast_in_dim3A_845 = arith.constant 14 : i32
      %broadcast_in_dim3A_846 = vector.broadcast %broadcast_in_dim3A_845 : i32 to vector<16x1xi32>
      %gather3A_847 = vector.shape_cast %broadcast_in_dim3A_846 : vector<16x1xi32> to vector<16xi32>
      %gather3A_848 = tpu.dynamic_gather %get3A_637[%gather3A_847] in [0] : vector<16xi32>, vector<16xi32> -> vector<16xi32>
      %add3A_849 = arith.addi %gather3A_848, %mul3A_3 : vector<16xi32>
      %mul3A_850 = arith.constant 16 : i32
      %mul3A_851 = arith.muli %scan3A_633, %mul3A_850 : i32
      %add3A_852 = arith.constant 14 : i32
      %add3A_853 = arith.addi %mul3A_851, %add3A_852 : i32
      %mul3A_854 = arith.constant 16 : i32
      %mul3A_855 = arith.muli %add3A_853, %mul3A_854 : i32
      %swap3A_856 = arith.index_cast %mul3A_855 : i32 to index
      %swap3A_857 = tpu.vector_load %arg11[%swap3A_856] {strides = array<i32>} : memref<13312xi32, #tpu.memory_space<vmem>>, vector<16xi32>,
      %swap3A_858 = vector.shape_cast %swap3A_857 : vector<16xi32> to vector<16xi32>
      %swap3A_859 = vector.shape_cast %add3A_849 : vector<16xi32> to vector<16xi32>
      tpu.vector_store %arg11[%swap3A_856], %swap3A_859 {strides = array<i32>} : memref<13312xi32, #tpu.memory_space<vmem>>, vector<16xi32>,
      %broadcast_in_dim3A_860 = arith.constant 15 : i32
      %broadcast_in_dim3A_861 = vector.broadcast %broadcast_in_dim3A_860 : i32 to vector<16x1xi32>
      %gather3A_862 = vector.shape_cast %broadcast_in_dim3A_861 : vector<16x1xi32> to vector<16xi32>
      %gather3A_863 = tpu.dynamic_gather %get3A_637[%gather3A_862] in [0] : vector<16xi32>, vector<16xi32> -> vector<16xi32>
      %add3A_864 = arith.addi %gather3A_863, %mul3A_3 : vector<16xi32>
      %mul3A_865 = arith.constant 16 : i32
      %mul3A_866 = arith.muli %scan3A_633, %mul3A_865 : i32
      %add3A_867 = arith.constant 15 : i32
      %add3A_868 = arith.addi %mul3A_866, %add3A_867 : i32
      %mul3A_869 = arith.constant 16 : i32
      %mul3A_870 = arith.muli %add3A_868, %mul3A_869 : i32
      %swap3A_871 = arith.index_cast %mul3A_870 : i32 to index
      %swap3A_872 = tpu.vector_load %arg11[%swap3A_871] {strides = array<i32>} : memref<13312xi32, #tpu.memory_space<vmem>>, vector<16xi32>,
      %swap3A_873 = vector.shape_cast %swap3A_872 : vector<16xi32> to vector<16xi32>
      %swap3A_874 = vector.shape_cast %add3A_864 : vector<16xi32> to vector<16xi32>
      tpu.vector_store %arg11[%swap3A_871], %swap3A_874 {strides = array<i32>} : memref<13312xi32, #tpu.memory_space<vmem>>, vector<16xi32>,
    }
    %scan3A_34 = arith.constant 52 : i32
    %scan3A_35 = arith.constant 0 : i32
    %scan3A_36 = arith.constant 0 : i32
    %scan3A_37 = arith.constant 104 : i32
    %scan3A_38 = arith.addi %scan3A_36, %scan3A_37 : i32
    %scan3A_39 = arith.constant 1 : i32
    scf.for %scan3A_633 = %scan3A_36 to %scan3A_38 step %scan3A_39  : i32 {
      %mul3A_634 = arith.constant 128 : i32
      %mul3A_635 = arith.muli %scan3A_633, %mul3A_634 : i32
      %mul3A_636 = arith.constant 128 : i32
      %mul3A_637 = arith.muli %scan3A_633, %mul3A_636 : i32
      %dma_start3A_638 = tpu.memref_slice %arg13[%mul3A_637] : memref<13312xf32, #tpu.memory_space<vmem>> -> memref<128xf32, #tpu.memory_space<vmem>>
      %dma_start3A_639 = tpu.memref_slice %arg11[%mul3A_635] : memref<13312xi32, #tpu.memory_space<vmem>> -> memref<128xi32, #tpu.memory_space<vmem>>
      %dma_start3A_640 = arith.constant 0 : i32
      %dma_start3A_641 = tpu.memref_slice %arg2[%dma_start3A_640] : memref<41600000xf32, #tpu.memory_space<hbm>> -> memref<41600000xf32, #tpu.memory_space<hbm>>
      tpu.enqueue_indirect_dma source(%dma_start3A_641 : memref<41600000xf32, #tpu.memory_space<hbm>>) target(%dma_start3A_638 : memref<128xf32, #tpu.memory_space<vmem>>) offsets(%dma_start3A_639 : memref<128xi32, #tpu.memory_space<vmem>>) semaphore(%arg19 : memref<!tpu.dma_semaphore, #tpu.memory_space<semaphore_mem>>)
    }
    %scan3A_40 = arith.constant 104 : i32
    %dma_start3A_41 = arith.constant 0 : i32
    %dma_start3A_42 = arith.constant 0 : i32
    %dma_start3A_43 = tpu.memref_slice %arg15[%dma_start3A_41, %dma_start3A_42] : memref<1600x16xf32, #tpu.memory_space<vmem>> -> memref<128x16xf32, #tpu.memory_space<vmem>>
    %dma_start3A_44 = arith.constant 0 : i32
    %dma_start3A_45 = tpu.memref_slice %arg9[%dma_start3A_44] : memref<1600xi32, #tpu.memory_space<vmem>> -> memref<128xi32, #tpu.memory_space<vmem>>
    %dma_start3A_46 = arith.constant 0 : i32
    %dma_start3A_47 = arith.constant 0 : i32
    %dma_start3A_48 = tpu.memref_slice %arg3[%dma_start3A_46, %dma_start3A_47] : memref<100000x16xf32, #tpu.memory_space<hbm>> -> memref<100000x16xf32, #tpu.memory_space<hbm>>
    tpu.enqueue_indirect_dma source(%dma_start3A_48 : memref<100000x16xf32, #tpu.memory_space<hbm>>) target(%dma_start3A_43 : memref<128x16xf32, #tpu.memory_space<vmem>>) offsets(%dma_start3A_45 : memref<128xi32, #tpu.memory_space<vmem>>) semaphore(%arg19 : memref<!tpu.dma_semaphore, #tpu.memory_space<semaphore_mem>>)
    %dma_start3A_49 = arith.constant 128 : i32
    %dma_start3A_50 = arith.constant 0 : i32
    %dma_start3A_51 = tpu.memref_slice %arg15[%dma_start3A_49, %dma_start3A_50] : memref<1600x16xf32, #tpu.memory_space<vmem>> -> memref<128x16xf32, #tpu.memory_space<vmem>>
    %dma_start3A_52 = arith.constant 128 : i32
    %dma_start3A_53 = tpu.memref_slice %arg9[%dma_start3A_52] : memref<1600xi32, #tpu.memory_space<vmem>> -> memref<128xi32, #tpu.memory_space<vmem>>
    %dma_start3A_54 = arith.constant 0 : i32
    %dma_start3A_55 = arith.constant 0 : i32
    %dma_start3A_56 = tpu.memref_slice %arg3[%dma_start3A_54, %dma_start3A_55] : memref<100000x16xf32, #tpu.memory_space<hbm>> -> memref<100000x16xf32, #tpu.memory_space<hbm>>
    tpu.enqueue_indirect_dma source(%dma_start3A_56 : memref<100000x16xf32, #tpu.memory_space<hbm>>) target(%dma_start3A_51 : memref<128x16xf32, #tpu.memory_space<vmem>>) offsets(%dma_start3A_53 : memref<128xi32, #tpu.memory_space<vmem>>) semaphore(%arg19 : memref<!tpu.dma_semaphore, #tpu.memory_space<semaphore_mem>>)
    %dma_start3A_57 = arith.constant 256 : i32
    %dma_start3A_58 = arith.constant 0 : i32
    %dma_start3A_59 = tpu.memref_slice %arg15[%dma_start3A_57, %dma_start3A_58] : memref<1600x16xf32, #tpu.memory_space<vmem>> -> memref<128x16xf32, #tpu.memory_space<vmem>>
    %dma_start3A_60 = arith.constant 256 : i32
    %dma_start3A_61 = tpu.memref_slice %arg9[%dma_start3A_60] : memref<1600xi32, #tpu.memory_space<vmem>> -> memref<128xi32, #tpu.memory_space<vmem>>
    %dma_start3A_62 = arith.constant 0 : i32
    %dma_start3A_63 = arith.constant 0 : i32
    %dma_start3A_64 = tpu.memref_slice %arg3[%dma_start3A_62, %dma_start3A_63] : memref<100000x16xf32, #tpu.memory_space<hbm>> -> memref<100000x16xf32, #tpu.memory_space<hbm>>
    tpu.enqueue_indirect_dma source(%dma_start3A_64 : memref<100000x16xf32, #tpu.memory_space<hbm>>) target(%dma_start3A_59 : memref<128x16xf32, #tpu.memory_space<vmem>>) offsets(%dma_start3A_61 : memref<128xi32, #tpu.memory_space<vmem>>) semaphore(%arg19 : memref<!tpu.dma_semaphore, #tpu.memory_space<semaphore_mem>>)
    %dma_start3A_65 = arith.constant 384 : i32
    %dma_start3A_66 = arith.constant 0 : i32
    %dma_start3A_67 = tpu.memref_slice %arg15[%dma_start3A_65, %dma_start3A_66] : memref<1600x16xf32, #tpu.memory_space<vmem>> -> memref<128x16xf32, #tpu.memory_space<vmem>>
    %dma_start3A_68 = arith.constant 384 : i32
    %dma_start3A_69 = tpu.memref_slice %arg9[%dma_start3A_68] : memref<1600xi32, #tpu.memory_space<vmem>> -> memref<128xi32, #tpu.memory_space<vmem>>
    %dma_start3A_70 = arith.constant 0 : i32
    %dma_start3A_71 = arith.constant 0 : i32
    %dma_start3A_72 = tpu.memref_slice %arg3[%dma_start3A_70, %dma_start3A_71] : memref<100000x16xf32, #tpu.memory_space<hbm>> -> memref<100000x16xf32, #tpu.memory_space<hbm>>
    tpu.enqueue_indirect_dma source(%dma_start3A_72 : memref<100000x16xf32, #tpu.memory_space<hbm>>) target(%dma_start3A_67 : memref<128x16xf32, #tpu.memory_space<vmem>>) offsets(%dma_start3A_69 : memref<128xi32, #tpu.memory_space<vmem>>) semaphore(%arg19 : memref<!tpu.dma_semaphore, #tpu.memory_space<semaphore_mem>>)
    %dma_start3A_73 = arith.constant 512 : i32
    %dma_start3A_74 = arith.constant 0 : i32
    %dma_start3A_75 = tpu.memref_slice %arg15[%dma_start3A_73, %dma_start3A_74] : memref<1600x16xf32, #tpu.memory_space<vmem>> -> memref<128x16xf32, #tpu.memory_space<vmem>>
    %dma_start3A_76 = arith.constant 512 : i32
    %dma_start3A_77 = tpu.memref_slice %arg9[%dma_start3A_76] : memref<1600xi32, #tpu.memory_space<vmem>> -> memref<128xi32, #tpu.memory_space<vmem>>
    %dma_start3A_78 = arith.constant 0 : i32
    %dma_start3A_79 = arith.constant 0 : i32
    %dma_start3A_80 = tpu.memref_slice %arg3[%dma_start3A_78, %dma_start3A_79] : memref<100000x16xf32, #tpu.memory_space<hbm>> -> memref<100000x16xf32, #tpu.memory_space<hbm>>
    tpu.enqueue_indirect_dma source(%dma_start3A_80 : memref<100000x16xf32, #tpu.memory_space<hbm>>) target(%dma_start3A_75 : memref<128x16xf32, #tpu.memory_space<vmem>>) offsets(%dma_start3A_77 : memref<128xi32, #tpu.memory_space<vmem>>) semaphore(%arg19 : memref<!tpu.dma_semaphore, #tpu.memory_space<semaphore_mem>>)
    %dma_start3A_81 = arith.constant 640 : i32
    %dma_start3A_82 = arith.constant 0 : i32
    %dma_start3A_83 = tpu.memref_slice %arg15[%dma_start3A_81, %dma_start3A_82] : memref<1600x16xf32, #tpu.memory_space<vmem>> -> memref<128x16xf32, #tpu.memory_space<vmem>>
    %dma_start3A_84 = arith.constant 640 : i32
    %dma_start3A_85 = tpu.memref_slice %arg9[%dma_start3A_84] : memref<1600xi32, #tpu.memory_space<vmem>> -> memref<128xi32, #tpu.memory_space<vmem>>
    %dma_start3A_86 = arith.constant 0 : i32
    %dma_start3A_87 = arith.constant 0 : i32
    %dma_start3A_88 = tpu.memref_slice %arg3[%dma_start3A_86, %dma_start3A_87] : memref<100000x16xf32, #tpu.memory_space<hbm>> -> memref<100000x16xf32, #tpu.memory_space<hbm>>
    tpu.enqueue_indirect_dma source(%dma_start3A_88 : memref<100000x16xf32, #tpu.memory_space<hbm>>) target(%dma_start3A_83 : memref<128x16xf32, #tpu.memory_space<vmem>>) offsets(%dma_start3A_85 : memref<128xi32, #tpu.memory_space<vmem>>) semaphore(%arg19 : memref<!tpu.dma_semaphore, #tpu.memory_space<semaphore_mem>>)
    %dma_start3A_89 = arith.constant 768 : i32
    %dma_start3A_90 = arith.constant 0 : i32
    %dma_start3A_91 = tpu.memref_slice %arg15[%dma_start3A_89, %dma_start3A_90] : memref<1600x16xf32, #tpu.memory_space<vmem>> -> memref<128x16xf32, #tpu.memory_space<vmem>>
    %dma_start3A_92 = arith.constant 768 : i32
    %dma_start3A_93 = tpu.memref_slice %arg9[%dma_start3A_92] : memref<1600xi32, #tpu.memory_space<vmem>> -> memref<128xi32, #tpu.memory_space<vmem>>
    %dma_start3A_94 = arith.constant 0 : i32
    %dma_start3A_95 = arith.constant 0 : i32
    %dma_start3A_96 = tpu.memref_slice %arg3[%dma_start3A_94, %dma_start3A_95] : memref<100000x16xf32, #tpu.memory_space<hbm>> -> memref<100000x16xf32, #tpu.memory_space<hbm>>
    tpu.enqueue_indirect_dma source(%dma_start3A_96 : memref<100000x16xf32, #tpu.memory_space<hbm>>) target(%dma_start3A_91 : memref<128x16xf32, #tpu.memory_space<vmem>>) offsets(%dma_start3A_93 : memref<128xi32, #tpu.memory_space<vmem>>) semaphore(%arg19 : memref<!tpu.dma_semaphore, #tpu.memory_space<semaphore_mem>>)
    %dma_start3A_97 = arith.constant 896 : i32
    %dma_start3A_98 = arith.constant 0 : i32
    %dma_start3A_99 = tpu.memref_slice %arg15[%dma_start3A_97, %dma_start3A_98] : memref<1600x16xf32, #tpu.memory_space<vmem>> -> memref<128x16xf32, #tpu.memory_space<vmem>>
    %dma_start3A_100 = arith.constant 896 : i32
    %dma_start3A_101 = tpu.memref_slice %arg9[%dma_start3A_100] : memref<1600xi32, #tpu.memory_space<vmem>> -> memref<128xi32, #tpu.memory_space<vmem>>
    %dma_start3A_102 = arith.constant 0 : i32
    %dma_start3A_103 = arith.constant 0 : i32
    %dma_start3A_104 = tpu.memref_slice %arg3[%dma_start3A_102, %dma_start3A_103] : memref<100000x16xf32, #tpu.memory_space<hbm>> -> memref<100000x16xf32, #tpu.memory_space<hbm>>
    tpu.enqueue_indirect_dma source(%dma_start3A_104 : memref<100000x16xf32, #tpu.memory_space<hbm>>) target(%dma_start3A_99 : memref<128x16xf32, #tpu.memory_space<vmem>>) offsets(%dma_start3A_101 : memref<128xi32, #tpu.memory_space<vmem>>) semaphore(%arg19 : memref<!tpu.dma_semaphore, #tpu.memory_space<semaphore_mem>>)
    %dma_start3A_105 = arith.constant 1024 : i32
    %dma_start3A_106 = arith.constant 0 : i32
    %dma_start3A_107 = tpu.memref_slice %arg15[%dma_start3A_105, %dma_start3A_106] : memref<1600x16xf32, #tpu.memory_space<vmem>> -> memref<128x16xf32, #tpu.memory_space<vmem>>
    %dma_start3A_108 = arith.constant 1024 : i32
    %dma_start3A_109 = tpu.memref_slice %arg9[%dma_start3A_108] : memref<1600xi32, #tpu.memory_space<vmem>> -> memref<128xi32, #tpu.memory_space<vmem>>
    %dma_start3A_110 = arith.constant 0 : i32
    %dma_start3A_111 = arith.constant 0 : i32
    %dma_start3A_112 = tpu.memref_slice %arg3[%dma_start3A_110, %dma_start3A_111] : memref<100000x16xf32, #tpu.memory_space<hbm>> -> memref<100000x16xf32, #tpu.memory_space<hbm>>
    tpu.enqueue_indirect_dma source(%dma_start3A_112 : memref<100000x16xf32, #tpu.memory_space<hbm>>) target(%dma_start3A_107 : memref<128x16xf32, #tpu.memory_space<vmem>>) offsets(%dma_start3A_109 : memref<128xi32, #tpu.memory_space<vmem>>) semaphore(%arg19 : memref<!tpu.dma_semaphore, #tpu.memory_space<semaphore_mem>>)
    %dma_start3A_113 = arith.constant 1152 : i32
    %dma_start3A_114 = arith.constant 0 : i32
    %dma_start3A_115 = tpu.memref_slice %arg15[%dma_start3A_113, %dma_start3A_114] : memref<1600x16xf32, #tpu.memory_space<vmem>> -> memref<128x16xf32, #tpu.memory_space<vmem>>
    %dma_start3A_116 = arith.constant 1152 : i32
    %dma_start3A_117 = tpu.memref_slice %arg9[%dma_start3A_116] : memref<1600xi32, #tpu.memory_space<vmem>> -> memref<128xi32, #tpu.memory_space<vmem>>
    %dma_start3A_118 = arith.constant 0 : i32
    %dma_start3A_119 = arith.constant 0 : i32
    %dma_start3A_120 = tpu.memref_slice %arg3[%dma_start3A_118, %dma_start3A_119] : memref<100000x16xf32, #tpu.memory_space<hbm>> -> memref<100000x16xf32, #tpu.memory_space<hbm>>
    tpu.enqueue_indirect_dma source(%dma_start3A_120 : memref<100000x16xf32, #tpu.memory_space<hbm>>) target(%dma_start3A_115 : memref<128x16xf32, #tpu.memory_space<vmem>>) offsets(%dma_start3A_117 : memref<128xi32, #tpu.memory_space<vmem>>) semaphore(%arg19 : memref<!tpu.dma_semaphore, #tpu.memory_space<semaphore_mem>>)
    %dma_start3A_121 = arith.constant 1280 : i32
    %dma_start3A_122 = arith.constant 0 : i32
    %dma_start3A_123 = tpu.memref_slice %arg15[%dma_start3A_121, %dma_start3A_122] : memref<1600x16xf32, #tpu.memory_space<vmem>> -> memref<128x16xf32, #tpu.memory_space<vmem>>
    %dma_start3A_124 = arith.constant 1280 : i32
    %dma_start3A_125 = tpu.memref_slice %arg9[%dma_start3A_124] : memref<1600xi32, #tpu.memory_space<vmem>> -> memref<128xi32, #tpu.memory_space<vmem>>
    %dma_start3A_126 = arith.constant 0 : i32
    %dma_start3A_127 = arith.constant 0 : i32
    %dma_start3A_128 = tpu.memref_slice %arg3[%dma_start3A_126, %dma_start3A_127] : memref<100000x16xf32, #tpu.memory_space<hbm>> -> memref<100000x16xf32, #tpu.memory_space<hbm>>
    tpu.enqueue_indirect_dma source(%dma_start3A_128 : memref<100000x16xf32, #tpu.memory_space<hbm>>) target(%dma_start3A_123 : memref<128x16xf32, #tpu.memory_space<vmem>>) offsets(%dma_start3A_125 : memref<128xi32, #tpu.memory_space<vmem>>) semaphore(%arg19 : memref<!tpu.dma_semaphore, #tpu.memory_space<semaphore_mem>>)
    %dma_start3A_129 = arith.constant 1408 : i32
    %dma_start3A_130 = arith.constant 0 : i32
    %dma_start3A_131 = tpu.memref_slice %arg15[%dma_start3A_129, %dma_start3A_130] : memref<1600x16xf32, #tpu.memory_space<vmem>> -> memref<128x16xf32, #tpu.memory_space<vmem>>
    %dma_start3A_132 = arith.constant 1408 : i32
    %dma_start3A_133 = tpu.memref_slice %arg9[%dma_start3A_132] : memref<1600xi32, #tpu.memory_space<vmem>> -> memref<128xi32, #tpu.memory_space<vmem>>
    %dma_start3A_134 = arith.constant 0 : i32
    %dma_start3A_135 = arith.constant 0 : i32
    %dma_start3A_136 = tpu.memref_slice %arg3[%dma_start3A_134, %dma_start3A_135] : memref<100000x16xf32, #tpu.memory_space<hbm>> -> memref<100000x16xf32, #tpu.memory_space<hbm>>
    tpu.enqueue_indirect_dma source(%dma_start3A_136 : memref<100000x16xf32, #tpu.memory_space<hbm>>) target(%dma_start3A_131 : memref<128x16xf32, #tpu.memory_space<vmem>>) offsets(%dma_start3A_133 : memref<128xi32, #tpu.memory_space<vmem>>) semaphore(%arg19 : memref<!tpu.dma_semaphore, #tpu.memory_space<semaphore_mem>>)
    %dma_start3A_137 = arith.constant 1536 : i32
    %dma_start3A_138 = arith.constant 0 : i32
    %dma_start3A_139 = tpu.memref_slice %arg15[%dma_start3A_137, %dma_start3A_138] : memref<1600x16xf32, #tpu.memory_space<vmem>> -> memref<64x16xf32, #tpu.memory_space<vmem>>
    %dma_start3A_140 = arith.constant 1536 : i32
    %dma_start3A_141 = tpu.memref_slice %arg9[%dma_start3A_140] : memref<1600xi32, #tpu.memory_space<vmem>> -> memref<64xi32, #tpu.memory_space<vmem>>
    %dma_start3A_142 = arith.constant 0 : i32
    %dma_start3A_143 = arith.constant 0 : i32
    %dma_start3A_144 = tpu.memref_slice %arg3[%dma_start3A_142, %dma_start3A_143] : memref<100000x16xf32, #tpu.memory_space<hbm>> -> memref<100000x16xf32, #tpu.memory_space<hbm>>
    tpu.enqueue_indirect_dma source(%dma_start3A_144 : memref<100000x16xf32, #tpu.memory_space<hbm>>) target(%dma_start3A_139 : memref<64x16xf32, #tpu.memory_space<vmem>>) offsets(%dma_start3A_141 : memref<64xi32, #tpu.memory_space<vmem>>) semaphore(%arg19 : memref<!tpu.dma_semaphore, #tpu.memory_space<semaphore_mem>>)
    %dma_wait3A_145 = arith.constant 0 : i32
    %dma_wait3A_146 = tpu.memref_slice %arg2[%dma_wait3A_145] : memref<41600000xf32, #tpu.memory_space<hbm>> -> memref<13312xf32, #tpu.memory_space<hbm>>
    %dma_wait3A_147 = arith.constant 0 : i32
    %dma_wait3A_148 = tpu.memref_slice %arg2[%dma_wait3A_147] : memref<41600000xf32, #tpu.memory_space<hbm>> -> memref<13312xf32, #tpu.memory_space<hbm>>
    tpu.wait_dma2 semaphore(%arg19 : memref<!tpu.dma_semaphore, #tpu.memory_space<semaphore_mem>>) src(%dma_wait3A_148 : memref<13312xf32, #tpu.memory_space<hbm>>) dst(%arg13 : memref<13312xf32, #tpu.memory_space<vmem>>)
    %dma_wait3A_149 = arith.constant 0 : i32
    %dma_wait3A_150 = arith.constant 0 : i32
    %dma_wait3A_151 = tpu.memref_slice %arg3[%dma_wait3A_149, %dma_wait3A_150] : memref<100000x16xf32, #tpu.memory_space<hbm>> -> memref<1600x16xf32, #tpu.memory_space<hbm>>
    %dma_wait3A_152 = arith.constant 0 : i32
    %dma_wait3A_153 = arith.constant 0 : i32
    %dma_wait3A_154 = tpu.memref_slice %arg3[%dma_wait3A_152, %dma_wait3A_153] : memref<100000x16xf32, #tpu.memory_space<hbm>> -> memref<1600x16xf32, #tpu.memory_space<hbm>>
    tpu.wait_dma2 semaphore(%arg19 : memref<!tpu.dma_semaphore, #tpu.memory_space<semaphore_mem>>) src(%dma_wait3A_154 : memref<1600x16xf32, #tpu.memory_space<hbm>>) dst(%arg15 : memref<1600x16xf32, #tpu.memory_space<vmem>>)
    %mul3A_155 = arith.constant 128 : i32
    %mul3A_156 = arith.muli %add3A, %mul3A_155 : i32
    %add3A_157 = arith.constant 64 : i32
    %add3A_158 = arith.addi %mul3A_156, %add3A_157 : i32
    %mul3A_159 = arith.constant 26 : i32
    %mul3A_160 = arith.muli %add3A_158, %mul3A_159 : i32
    %dma_start3A_161 = tpu.memref_slice %arg4[%mul3A_160] : memref<106496xi32, #tpu.memory_space<hbm>> -> memref<832xi32, #tpu.memory_space<hbm>>
    %dma_start3A_162 = tpu.memref_slice %arg4[%mul3A_160] : memref<106496xi32, #tpu.memory_space<hbm>> -> memref<832xi32, #tpu.memory_space<hbm>>
    tpu.enqueue_dma source(%dma_start3A_162 : memref<832xi32, #tpu.memory_space<hbm>>) target(%arg7 : memref<832xi32, #tpu.memory_space<vmem>>) target_semaphore(%arg17 : memref<!tpu.dma_semaphore, #tpu.memory_space<semaphore_mem>>)
    %mul3A_163 = arith.constant 50 : i32
    %mul3A_164 = arith.muli %add3A_158, %mul3A_163 : i32
    %dma_start3A_165 = tpu.memref_slice %arg5[%mul3A_164] : memref<204800xi32, #tpu.memory_space<hbm>> -> memref<1600xi32, #tpu.memory_space<hbm>>
    %dma_start3A_166 = tpu.memref_slice %arg5[%mul3A_164] : memref<204800xi32, #tpu.memory_space<hbm>> -> memref<1600xi32, #tpu.memory_space<hbm>>
    tpu.enqueue_dma source(%dma_start3A_166 : memref<1600xi32, #tpu.memory_space<hbm>>) target(%arg9 : memref<1600xi32, #tpu.memory_space<vmem>>) target_semaphore(%arg17 : memref<!tpu.dma_semaphore, #tpu.memory_space<semaphore_mem>>)
    %dma_wait3A_167 = tpu.memref_slice %arg4[%mul3A_20] : memref<106496xi32, #tpu.memory_space<hbm>> -> memref<832xi32, #tpu.memory_space<hbm>>
    %dma_wait3A_168 = tpu.memref_slice %arg4[%mul3A_20] : memref<106496xi32, #tpu.memory_space<hbm>> -> memref<832xi32, #tpu.memory_space<hbm>>
    tpu.wait_dma2 semaphore(%arg18 : memref<!tpu.dma_semaphore, #tpu.memory_space<semaphore_mem>>) src(%dma_wait3A_168 : memref<832xi32, #tpu.memory_space<hbm>>) dst(%arg8 : memref<832xi32, #tpu.memory_space<vmem>>)
    %dma_wait3A_169 = tpu.memref_slice %arg5[%mul3A_24] : memref<204800xi32, #tpu.memory_space<hbm>> -> memref<1600xi32, #tpu.memory_space<hbm>>
    %dma_wait3A_170 = tpu.memref_slice %arg5[%mul3A_24] : memref<204800xi32, #tpu.memory_space<hbm>> -> memref<1600xi32, #tpu.memory_space<hbm>>
    tpu.wait_dma2 semaphore(%arg18 : memref<!tpu.dma_semaphore, #tpu.memory_space<semaphore_mem>>) src(%dma_wait3A_170 : memref<1600xi32, #tpu.memory_space<hbm>>) dst(%arg10 : memref<1600xi32, #tpu.memory_space<vmem>>)
    %scan3A_171 = arith.constant 0 : i32
    %scan3A_172 = arith.constant 0 : i32
    %scan3A_173 = arith.constant 52 : i32
    %scan3A_174 = arith.addi %scan3A_172, %scan3A_173 : i32
    %scan3A_175 = arith.constant 1 : i32
    scf.for %scan3A_633 = %scan3A_172 to %scan3A_174 step %scan3A_175  : i32 {
      %mul3A_634 = arith.constant 16 : i32
      %mul3A_635 = arith.muli %scan3A_633, %mul3A_634 : i32
      %get3A = arith.index_cast %mul3A_635 : i32 to index
      %get3A_636 = tpu.vector_load %arg8[%get3A] {strides = array<i32>} : memref<832xi32, #tpu.memory_space<vmem>>, vector<16xi32>,
      %get3A_637 = vector.shape_cast %get3A_636 : vector<16xi32> to vector<16xi32>
      %broadcast_in_dim3A = arith.constant 0 : i32
      %broadcast_in_dim3A_638 = vector.broadcast %broadcast_in_dim3A : i32 to vector<16x1xi32>
      %gather3A = vector.shape_cast %broadcast_in_dim3A_638 : vector<16x1xi32> to vector<16xi32>
      %gather3A_639 = tpu.dynamic_gather %get3A_637[%gather3A] in [0] : vector<16xi32>, vector<16xi32> -> vector<16xi32>
      %add3A_640 = arith.addi %gather3A_639, %mul3A_3 : vector<16xi32>
      %mul3A_641 = arith.constant 16 : i32
      %mul3A_642 = arith.muli %scan3A_633, %mul3A_641 : i32
      %add3A_643 = arith.constant 0 : i32
      %add3A_644 = arith.addi %mul3A_642, %add3A_643 : i32
      %mul3A_645 = arith.constant 16 : i32
      %mul3A_646 = arith.muli %add3A_644, %mul3A_645 : i32
      %swap3A = arith.index_cast %mul3A_646 : i32 to index
      %swap3A_647 = tpu.vector_load %arg12[%swap3A] {strides = array<i32>} : memref<13312xi32, #tpu.memory_space<vmem>>, vector<16xi32>,
      %swap3A_648 = vector.shape_cast %swap3A_647 : vector<16xi32> to vector<16xi32>
      %swap3A_649 = vector.shape_cast %add3A_640 : vector<16xi32> to vector<16xi32>
      tpu.vector_store %arg12[%swap3A], %swap3A_649 {strides = array<i32>} : memref<13312xi32, #tpu.memory_space<vmem>>, vector<16xi32>,
      %broadcast_in_dim3A_650 = arith.constant 1 : i32
      %broadcast_in_dim3A_651 = vector.broadcast %broadcast_in_dim3A_650 : i32 to vector<16x1xi32>
      %gather3A_652 = vector.shape_cast %broadcast_in_dim3A_651 : vector<16x1xi32> to vector<16xi32>
      %gather3A_653 = tpu.dynamic_gather %get3A_637[%gather3A_652] in [0] : vector<16xi32>, vector<16xi32> -> vector<16xi32>
      %add3A_654 = arith.addi %gather3A_653, %mul3A_3 : vector<16xi32>
      %mul3A_655 = arith.constant 16 : i32
      %mul3A_656 = arith.muli %scan3A_633, %mul3A_655 : i32
      %add3A_657 = arith.constant 1 : i32
      %add3A_658 = arith.addi %mul3A_656, %add3A_657 : i32
      %mul3A_659 = arith.constant 16 : i32
      %mul3A_660 = arith.muli %add3A_658, %mul3A_659 : i32
      %swap3A_661 = arith.index_cast %mul3A_660 : i32 to index
      %swap3A_662 = tpu.vector_load %arg12[%swap3A_661] {strides = array<i32>} : memref<13312xi32, #tpu.memory_space<vmem>>, vector<16xi32>,
      %swap3A_663 = vector.shape_cast %swap3A_662 : vector<16xi32> to vector<16xi32>
      %swap3A_664 = vector.shape_cast %add3A_654 : vector<16xi32> to vector<16xi32>
      tpu.vector_store %arg12[%swap3A_661], %swap3A_664 {strides = array<i32>} : memref<13312xi32, #tpu.memory_space<vmem>>, vector<16xi32>,
      %broadcast_in_dim3A_665 = arith.constant 2 : i32
      %broadcast_in_dim3A_666 = vector.broadcast %broadcast_in_dim3A_665 : i32 to vector<16x1xi32>
      %gather3A_667 = vector.shape_cast %broadcast_in_dim3A_666 : vector<16x1xi32> to vector<16xi32>
      %gather3A_668 = tpu.dynamic_gather %get3A_637[%gather3A_667] in [0] : vector<16xi32>, vector<16xi32> -> vector<16xi32>
      %add3A_669 = arith.addi %gather3A_668, %mul3A_3 : vector<16xi32>
      %mul3A_670 = arith.constant 16 : i32
      %mul3A_671 = arith.muli %scan3A_633, %mul3A_670 : i32
      %add3A_672 = arith.constant 2 : i32
      %add3A_673 = arith.addi %mul3A_671, %add3A_672 : i32
      %mul3A_674 = arith.constant 16 : i32
      %mul3A_675 = arith.muli %add3A_673, %mul3A_674 : i32
      %swap3A_676 = arith.index_cast %mul3A_675 : i32 to index
      %swap3A_677 = tpu.vector_load %arg12[%swap3A_676] {strides = array<i32>} : memref<13312xi32, #tpu.memory_space<vmem>>, vector<16xi32>,
      %swap3A_678 = vector.shape_cast %swap3A_677 : vector<16xi32> to vector<16xi32>
      %swap3A_679 = vector.shape_cast %add3A_669 : vector<16xi32> to vector<16xi32>
      tpu.vector_store %arg12[%swap3A_676], %swap3A_679 {strides = array<i32>} : memref<13312xi32, #tpu.memory_space<vmem>>, vector<16xi32>,
      %broadcast_in_dim3A_680 = arith.constant 3 : i32
      %broadcast_in_dim3A_681 = vector.broadcast %broadcast_in_dim3A_680 : i32 to vector<16x1xi32>
      %gather3A_682 = vector.shape_cast %broadcast_in_dim3A_681 : vector<16x1xi32> to vector<16xi32>
      %gather3A_683 = tpu.dynamic_gather %get3A_637[%gather3A_682] in [0] : vector<16xi32>, vector<16xi32> -> vector<16xi32>
      %add3A_684 = arith.addi %gather3A_683, %mul3A_3 : vector<16xi32>
      %mul3A_685 = arith.constant 16 : i32
      %mul3A_686 = arith.muli %scan3A_633, %mul3A_685 : i32
      %add3A_687 = arith.constant 3 : i32
      %add3A_688 = arith.addi %mul3A_686, %add3A_687 : i32
      %mul3A_689 = arith.constant 16 : i32
      %mul3A_690 = arith.muli %add3A_688, %mul3A_689 : i32
      %swap3A_691 = arith.index_cast %mul3A_690 : i32 to index
      %swap3A_692 = tpu.vector_load %arg12[%swap3A_691] {strides = array<i32>} : memref<13312xi32, #tpu.memory_space<vmem>>, vector<16xi32>,
      %swap3A_693 = vector.shape_cast %swap3A_692 : vector<16xi32> to vector<16xi32>
      %swap3A_694 = vector.shape_cast %add3A_684 : vector<16xi32> to vector<16xi32>
      tpu.vector_store %arg12[%swap3A_691], %swap3A_694 {strides = array<i32>} : memref<13312xi32, #tpu.memory_space<vmem>>, vector<16xi32>,
      %broadcast_in_dim3A_695 = arith.constant 4 : i32
      %broadcast_in_dim3A_696 = vector.broadcast %broadcast_in_dim3A_695 : i32 to vector<16x1xi32>
      %gather3A_697 = vector.shape_cast %broadcast_in_dim3A_696 : vector<16x1xi32> to vector<16xi32>
      %gather3A_698 = tpu.dynamic_gather %get3A_637[%gather3A_697] in [0] : vector<16xi32>, vector<16xi32> -> vector<16xi32>
      %add3A_699 = arith.addi %gather3A_698, %mul3A_3 : vector<16xi32>
      %mul3A_700 = arith.constant 16 : i32
      %mul3A_701 = arith.muli %scan3A_633, %mul3A_700 : i32
      %add3A_702 = arith.constant 4 : i32
      %add3A_703 = arith.addi %mul3A_701, %add3A_702 : i32
      %mul3A_704 = arith.constant 16 : i32
      %mul3A_705 = arith.muli %add3A_703, %mul3A_704 : i32
      %swap3A_706 = arith.index_cast %mul3A_705 : i32 to index
      %swap3A_707 = tpu.vector_load %arg12[%swap3A_706] {strides = array<i32>} : memref<13312xi32, #tpu.memory_space<vmem>>, vector<16xi32>,
      %swap3A_708 = vector.shape_cast %swap3A_707 : vector<16xi32> to vector<16xi32>
      %swap3A_709 = vector.shape_cast %add3A_699 : vector<16xi32> to vector<16xi32>
      tpu.vector_store %arg12[%swap3A_706], %swap3A_709 {strides = array<i32>} : memref<13312xi32, #tpu.memory_space<vmem>>, vector<16xi32>,
      %broadcast_in_dim3A_710 = arith.constant 5 : i32
      %broadcast_in_dim3A_711 = vector.broadcast %broadcast_in_dim3A_710 : i32 to vector<16x1xi32>
      %gather3A_712 = vector.shape_cast %broadcast_in_dim3A_711 : vector<16x1xi32> to vector<16xi32>
      %gather3A_713 = tpu.dynamic_gather %get3A_637[%gather3A_712] in [0] : vector<16xi32>, vector<16xi32> -> vector<16xi32>
      %add3A_714 = arith.addi %gather3A_713, %mul3A_3 : vector<16xi32>
      %mul3A_715 = arith.constant 16 : i32
      %mul3A_716 = arith.muli %scan3A_633, %mul3A_715 : i32
      %add3A_717 = arith.constant 5 : i32
      %add3A_718 = arith.addi %mul3A_716, %add3A_717 : i32
      %mul3A_719 = arith.constant 16 : i32
      %mul3A_720 = arith.muli %add3A_718, %mul3A_719 : i32
      %swap3A_721 = arith.index_cast %mul3A_720 : i32 to index
      %swap3A_722 = tpu.vector_load %arg12[%swap3A_721] {strides = array<i32>} : memref<13312xi32, #tpu.memory_space<vmem>>, vector<16xi32>,
      %swap3A_723 = vector.shape_cast %swap3A_722 : vector<16xi32> to vector<16xi32>
      %swap3A_724 = vector.shape_cast %add3A_714 : vector<16xi32> to vector<16xi32>
      tpu.vector_store %arg12[%swap3A_721], %swap3A_724 {strides = array<i32>} : memref<13312xi32, #tpu.memory_space<vmem>>, vector<16xi32>,
      %broadcast_in_dim3A_725 = arith.constant 6 : i32
      %broadcast_in_dim3A_726 = vector.broadcast %broadcast_in_dim3A_725 : i32 to vector<16x1xi32>
      %gather3A_727 = vector.shape_cast %broadcast_in_dim3A_726 : vector<16x1xi32> to vector<16xi32>
      %gather3A_728 = tpu.dynamic_gather %get3A_637[%gather3A_727] in [0] : vector<16xi32>, vector<16xi32> -> vector<16xi32>
      %add3A_729 = arith.addi %gather3A_728, %mul3A_3 : vector<16xi32>
      %mul3A_730 = arith.constant 16 : i32
      %mul3A_731 = arith.muli %scan3A_633, %mul3A_730 : i32
      %add3A_732 = arith.constant 6 : i32
      %add3A_733 = arith.addi %mul3A_731, %add3A_732 : i32
      %mul3A_734 = arith.constant 16 : i32
      %mul3A_735 = arith.muli %add3A_733, %mul3A_734 : i32
      %swap3A_736 = arith.index_cast %mul3A_735 : i32 to index
      %swap3A_737 = tpu.vector_load %arg12[%swap3A_736] {strides = array<i32>} : memref<13312xi32, #tpu.memory_space<vmem>>, vector<16xi32>,
      %swap3A_738 = vector.shape_cast %swap3A_737 : vector<16xi32> to vector<16xi32>
      %swap3A_739 = vector.shape_cast %add3A_729 : vector<16xi32> to vector<16xi32>
      tpu.vector_store %arg12[%swap3A_736], %swap3A_739 {strides = array<i32>} : memref<13312xi32, #tpu.memory_space<vmem>>, vector<16xi32>,
      %broadcast_in_dim3A_740 = arith.constant 7 : i32
      %broadcast_in_dim3A_741 = vector.broadcast %broadcast_in_dim3A_740 : i32 to vector<16x1xi32>
      %gather3A_742 = vector.shape_cast %broadcast_in_dim3A_741 : vector<16x1xi32> to vector<16xi32>
      %gather3A_743 = tpu.dynamic_gather %get3A_637[%gather3A_742] in [0] : vector<16xi32>, vector<16xi32> -> vector<16xi32>
      %add3A_744 = arith.addi %gather3A_743, %mul3A_3 : vector<16xi32>
      %mul3A_745 = arith.constant 16 : i32
      %mul3A_746 = arith.muli %scan3A_633, %mul3A_745 : i32
      %add3A_747 = arith.constant 7 : i32
      %add3A_748 = arith.addi %mul3A_746, %add3A_747 : i32
      %mul3A_749 = arith.constant 16 : i32
      %mul3A_750 = arith.muli %add3A_748, %mul3A_749 : i32
      %swap3A_751 = arith.index_cast %mul3A_750 : i32 to index
      %swap3A_752 = tpu.vector_load %arg12[%swap3A_751] {strides = array<i32>} : memref<13312xi32, #tpu.memory_space<vmem>>, vector<16xi32>,
      %swap3A_753 = vector.shape_cast %swap3A_752 : vector<16xi32> to vector<16xi32>
      %swap3A_754 = vector.shape_cast %add3A_744 : vector<16xi32> to vector<16xi32>
      tpu.vector_store %arg12[%swap3A_751], %swap3A_754 {strides = array<i32>} : memref<13312xi32, #tpu.memory_space<vmem>>, vector<16xi32>,
      %broadcast_in_dim3A_755 = arith.constant 8 : i32
      %broadcast_in_dim3A_756 = vector.broadcast %broadcast_in_dim3A_755 : i32 to vector<16x1xi32>
      %gather3A_757 = vector.shape_cast %broadcast_in_dim3A_756 : vector<16x1xi32> to vector<16xi32>
      %gather3A_758 = tpu.dynamic_gather %get3A_637[%gather3A_757] in [0] : vector<16xi32>, vector<16xi32> -> vector<16xi32>
      %add3A_759 = arith.addi %gather3A_758, %mul3A_3 : vector<16xi32>
      %mul3A_760 = arith.constant 16 : i32
      %mul3A_761 = arith.muli %scan3A_633, %mul3A_760 : i32
      %add3A_762 = arith.constant 8 : i32
      %add3A_763 = arith.addi %mul3A_761, %add3A_762 : i32
      %mul3A_764 = arith.constant 16 : i32
      %mul3A_765 = arith.muli %add3A_763, %mul3A_764 : i32
      %swap3A_766 = arith.index_cast %mul3A_765 : i32 to index
      %swap3A_767 = tpu.vector_load %arg12[%swap3A_766] {strides = array<i32>} : memref<13312xi32, #tpu.memory_space<vmem>>, vector<16xi32>,
      %swap3A_768 = vector.shape_cast %swap3A_767 : vector<16xi32> to vector<16xi32>
      %swap3A_769 = vector.shape_cast %add3A_759 : vector<16xi32> to vector<16xi32>
      tpu.vector_store %arg12[%swap3A_766], %swap3A_769 {strides = array<i32>} : memref<13312xi32, #tpu.memory_space<vmem>>, vector<16xi32>,
      %broadcast_in_dim3A_770 = arith.constant 9 : i32
      %broadcast_in_dim3A_771 = vector.broadcast %broadcast_in_dim3A_770 : i32 to vector<16x1xi32>
      %gather3A_772 = vector.shape_cast %broadcast_in_dim3A_771 : vector<16x1xi32> to vector<16xi32>
      %gather3A_773 = tpu.dynamic_gather %get3A_637[%gather3A_772] in [0] : vector<16xi32>, vector<16xi32> -> vector<16xi32>
      %add3A_774 = arith.addi %gather3A_773, %mul3A_3 : vector<16xi32>
      %mul3A_775 = arith.constant 16 : i32
      %mul3A_776 = arith.muli %scan3A_633, %mul3A_775 : i32
      %add3A_777 = arith.constant 9 : i32
      %add3A_778 = arith.addi %mul3A_776, %add3A_777 : i32
      %mul3A_779 = arith.constant 16 : i32
      %mul3A_780 = arith.muli %add3A_778, %mul3A_779 : i32
      %swap3A_781 = arith.index_cast %mul3A_780 : i32 to index
      %swap3A_782 = tpu.vector_load %arg12[%swap3A_781] {strides = array<i32>} : memref<13312xi32, #tpu.memory_space<vmem>>, vector<16xi32>,
      %swap3A_783 = vector.shape_cast %swap3A_782 : vector<16xi32> to vector<16xi32>
      %swap3A_784 = vector.shape_cast %add3A_774 : vector<16xi32> to vector<16xi32>
      tpu.vector_store %arg12[%swap3A_781], %swap3A_784 {strides = array<i32>} : memref<13312xi32, #tpu.memory_space<vmem>>, vector<16xi32>,
      %broadcast_in_dim3A_785 = arith.constant 10 : i32
      %broadcast_in_dim3A_786 = vector.broadcast %broadcast_in_dim3A_785 : i32 to vector<16x1xi32>
      %gather3A_787 = vector.shape_cast %broadcast_in_dim3A_786 : vector<16x1xi32> to vector<16xi32>
      %gather3A_788 = tpu.dynamic_gather %get3A_637[%gather3A_787] in [0] : vector<16xi32>, vector<16xi32> -> vector<16xi32>
      %add3A_789 = arith.addi %gather3A_788, %mul3A_3 : vector<16xi32>
      %mul3A_790 = arith.constant 16 : i32
      %mul3A_791 = arith.muli %scan3A_633, %mul3A_790 : i32
      %add3A_792 = arith.constant 10 : i32
      %add3A_793 = arith.addi %mul3A_791, %add3A_792 : i32
      %mul3A_794 = arith.constant 16 : i32
      %mul3A_795 = arith.muli %add3A_793, %mul3A_794 : i32
      %swap3A_796 = arith.index_cast %mul3A_795 : i32 to index
      %swap3A_797 = tpu.vector_load %arg12[%swap3A_796] {strides = array<i32>} : memref<13312xi32, #tpu.memory_space<vmem>>, vector<16xi32>,
      %swap3A_798 = vector.shape_cast %swap3A_797 : vector<16xi32> to vector<16xi32>
      %swap3A_799 = vector.shape_cast %add3A_789 : vector<16xi32> to vector<16xi32>
      tpu.vector_store %arg12[%swap3A_796], %swap3A_799 {strides = array<i32>} : memref<13312xi32, #tpu.memory_space<vmem>>, vector<16xi32>,
      %broadcast_in_dim3A_800 = arith.constant 11 : i32
      %broadcast_in_dim3A_801 = vector.broadcast %broadcast_in_dim3A_800 : i32 to vector<16x1xi32>
      %gather3A_802 = vector.shape_cast %broadcast_in_dim3A_801 : vector<16x1xi32> to vector<16xi32>
      %gather3A_803 = tpu.dynamic_gather %get3A_637[%gather3A_802] in [0] : vector<16xi32>, vector<16xi32> -> vector<16xi32>
      %add3A_804 = arith.addi %gather3A_803, %mul3A_3 : vector<16xi32>
      %mul3A_805 = arith.constant 16 : i32
      %mul3A_806 = arith.muli %scan3A_633, %mul3A_805 : i32
      %add3A_807 = arith.constant 11 : i32
      %add3A_808 = arith.addi %mul3A_806, %add3A_807 : i32
      %mul3A_809 = arith.constant 16 : i32
      %mul3A_810 = arith.muli %add3A_808, %mul3A_809 : i32
      %swap3A_811 = arith.index_cast %mul3A_810 : i32 to index
      %swap3A_812 = tpu.vector_load %arg12[%swap3A_811] {strides = array<i32>} : memref<13312xi32, #tpu.memory_space<vmem>>, vector<16xi32>,
      %swap3A_813 = vector.shape_cast %swap3A_812 : vector<16xi32> to vector<16xi32>
      %swap3A_814 = vector.shape_cast %add3A_804 : vector<16xi32> to vector<16xi32>
      tpu.vector_store %arg12[%swap3A_811], %swap3A_814 {strides = array<i32>} : memref<13312xi32, #tpu.memory_space<vmem>>, vector<16xi32>,
      %broadcast_in_dim3A_815 = arith.constant 12 : i32
      %broadcast_in_dim3A_816 = vector.broadcast %broadcast_in_dim3A_815 : i32 to vector<16x1xi32>
      %gather3A_817 = vector.shape_cast %broadcast_in_dim3A_816 : vector<16x1xi32> to vector<16xi32>
      %gather3A_818 = tpu.dynamic_gather %get3A_637[%gather3A_817] in [0] : vector<16xi32>, vector<16xi32> -> vector<16xi32>
      %add3A_819 = arith.addi %gather3A_818, %mul3A_3 : vector<16xi32>
      %mul3A_820 = arith.constant 16 : i32
      %mul3A_821 = arith.muli %scan3A_633, %mul3A_820 : i32
      %add3A_822 = arith.constant 12 : i32
      %add3A_823 = arith.addi %mul3A_821, %add3A_822 : i32
      %mul3A_824 = arith.constant 16 : i32
      %mul3A_825 = arith.muli %add3A_823, %mul3A_824 : i32
      %swap3A_826 = arith.index_cast %mul3A_825 : i32 to index
      %swap3A_827 = tpu.vector_load %arg12[%swap3A_826] {strides = array<i32>} : memref<13312xi32, #tpu.memory_space<vmem>>, vector<16xi32>,
      %swap3A_828 = vector.shape_cast %swap3A_827 : vector<16xi32> to vector<16xi32>
      %swap3A_829 = vector.shape_cast %add3A_819 : vector<16xi32> to vector<16xi32>
      tpu.vector_store %arg12[%swap3A_826], %swap3A_829 {strides = array<i32>} : memref<13312xi32, #tpu.memory_space<vmem>>, vector<16xi32>,
      %broadcast_in_dim3A_830 = arith.constant 13 : i32
      %broadcast_in_dim3A_831 = vector.broadcast %broadcast_in_dim3A_830 : i32 to vector<16x1xi32>
      %gather3A_832 = vector.shape_cast %broadcast_in_dim3A_831 : vector<16x1xi32> to vector<16xi32>
      %gather3A_833 = tpu.dynamic_gather %get3A_637[%gather3A_832] in [0] : vector<16xi32>, vector<16xi32> -> vector<16xi32>
      %add3A_834 = arith.addi %gather3A_833, %mul3A_3 : vector<16xi32>
      %mul3A_835 = arith.constant 16 : i32
      %mul3A_836 = arith.muli %scan3A_633, %mul3A_835 : i32
      %add3A_837 = arith.constant 13 : i32
      %add3A_838 = arith.addi %mul3A_836, %add3A_837 : i32
      %mul3A_839 = arith.constant 16 : i32
      %mul3A_840 = arith.muli %add3A_838, %mul3A_839 : i32
      %swap3A_841 = arith.index_cast %mul3A_840 : i32 to index
      %swap3A_842 = tpu.vector_load %arg12[%swap3A_841] {strides = array<i32>} : memref<13312xi32, #tpu.memory_space<vmem>>, vector<16xi32>,
      %swap3A_843 = vector.shape_cast %swap3A_842 : vector<16xi32> to vector<16xi32>
      %swap3A_844 = vector.shape_cast %add3A_834 : vector<16xi32> to vector<16xi32>
      tpu.vector_store %arg12[%swap3A_841], %swap3A_844 {strides = array<i32>} : memref<13312xi32, #tpu.memory_space<vmem>>, vector<16xi32>,
      %broadcast_in_dim3A_845 = arith.constant 14 : i32
      %broadcast_in_dim3A_846 = vector.broadcast %broadcast_in_dim3A_845 : i32 to vector<16x1xi32>
      %gather3A_847 = vector.shape_cast %broadcast_in_dim3A_846 : vector<16x1xi32> to vector<16xi32>
      %gather3A_848 = tpu.dynamic_gather %get3A_637[%gather3A_847] in [0] : vector<16xi32>, vector<16xi32> -> vector<16xi32>
      %add3A_849 = arith.addi %gather3A_848, %mul3A_3 : vector<16xi32>
      %mul3A_850 = arith.constant 16 : i32
      %mul3A_851 = arith.muli %scan3A_633, %mul3A_850 : i32
      %add3A_852 = arith.constant 14 : i32
      %add3A_853 = arith.addi %mul3A_851, %add3A_852 : i32
      %mul3A_854 = arith.constant 16 : i32
      %mul3A_855 = arith.muli %add3A_853, %mul3A_854 : i32
      %swap3A_856 = arith.index_cast %mul3A_855 : i32 to index
      %swap3A_857 = tpu.vector_load %arg12[%swap3A_856] {strides = array<i32>} : memref<13312xi32, #tpu.memory_space<vmem>>, vector<16xi32>,
      %swap3A_858 = vector.shape_cast %swap3A_857 : vector<16xi32> to vector<16xi32>
      %swap3A_859 = vector.shape_cast %add3A_849 : vector<16xi32> to vector<16xi32>
      tpu.vector_store %arg12[%swap3A_856], %swap3A_859 {strides = array<i32>} : memref<13312xi32, #tpu.memory_space<vmem>>, vector<16xi32>,
      %broadcast_in_dim3A_860 = arith.constant 15 : i32
      %broadcast_in_dim3A_861 = vector.broadcast %broadcast_in_dim3A_860 : i32 to vector<16x1xi32>
      %gather3A_862 = vector.shape_cast %broadcast_in_dim3A_861 : vector<16x1xi32> to vector<16xi32>
      %gather3A_863 = tpu.dynamic_gather %get3A_637[%gather3A_862] in [0] : vector<16xi32>, vector<16xi32> -> vector<16xi32>
      %add3A_864 = arith.addi %gather3A_863, %mul3A_3 : vector<16xi32>
      %mul3A_865 = arith.constant 16 : i32
      %mul3A_866 = arith.muli %scan3A_633, %mul3A_865 : i32
      %add3A_867 = arith.constant 15 : i32
      %add3A_868 = arith.addi %mul3A_866, %add3A_867 : i32
      %mul3A_869 = arith.constant 16 : i32
      %mul3A_870 = arith.muli %add3A_868, %mul3A_869 : i32
      %swap3A_871 = arith.index_cast %mul3A_870 : i32 to index
      %swap3A_872 = tpu.vector_load %arg12[%swap3A_871] {strides = array<i32>} : memref<13312xi32, #tpu.memory_space<vmem>>, vector<16xi32>,
      %swap3A_873 = vector.shape_cast %swap3A_872 : vector<16xi32> to vector<16xi32>
      %swap3A_874 = vector.shape_cast %add3A_864 : vector<16xi32> to vector<16xi32>
      tpu.vector_store %arg12[%swap3A_871], %swap3A_874 {strides = array<i32>} : memref<13312xi32, #tpu.memory_space<vmem>>, vector<16xi32>,
    }
    %scan3A_176 = arith.constant 52 : i32
    %scan3A_177 = arith.constant 0 : i32
    %scan3A_178 = arith.constant 0 : i32
    %scan3A_179 = arith.constant 104 : i32
    %scan3A_180 = arith.addi %scan3A_178, %scan3A_179 : i32
    %scan3A_181 = arith.constant 1 : i32
    scf.for %scan3A_633 = %scan3A_178 to %scan3A_180 step %scan3A_181  : i32 {
      %mul3A_634 = arith.constant 128 : i32
      %mul3A_635 = arith.muli %scan3A_633, %mul3A_634 : i32
      %mul3A_636 = arith.constant 128 : i32
      %mul3A_637 = arith.muli %scan3A_633, %mul3A_636 : i32
      %dma_start3A_638 = tpu.memref_slice %arg14[%mul3A_637] : memref<13312xf32, #tpu.memory_space<vmem>> -> memref<128xf32, #tpu.memory_space<vmem>>
      %dma_start3A_639 = tpu.memref_slice %arg12[%mul3A_635] : memref<13312xi32, #tpu.memory_space<vmem>> -> memref<128xi32, #tpu.memory_space<vmem>>
      %dma_start3A_640 = arith.constant 0 : i32
      %dma_start3A_641 = tpu.memref_slice %arg2[%dma_start3A_640] : memref<41600000xf32, #tpu.memory_space<hbm>> -> memref<41600000xf32, #tpu.memory_space<hbm>>
      tpu.enqueue_indirect_dma source(%dma_start3A_641 : memref<41600000xf32, #tpu.memory_space<hbm>>) target(%dma_start3A_638 : memref<128xf32, #tpu.memory_space<vmem>>) offsets(%dma_start3A_639 : memref<128xi32, #tpu.memory_space<vmem>>) semaphore(%arg20 : memref<!tpu.dma_semaphore, #tpu.memory_space<semaphore_mem>>)
    }
    %scan3A_182 = arith.constant 104 : i32
    %dma_start3A_183 = arith.constant 0 : i32
    %dma_start3A_184 = arith.constant 0 : i32
    %dma_start3A_185 = tpu.memref_slice %arg16[%dma_start3A_183, %dma_start3A_184] : memref<1600x16xf32, #tpu.memory_space<vmem>> -> memref<128x16xf32, #tpu.memory_space<vmem>>
    %dma_start3A_186 = arith.constant 0 : i32
    %dma_start3A_187 = tpu.memref_slice %arg10[%dma_start3A_186] : memref<1600xi32, #tpu.memory_space<vmem>> -> memref<128xi32, #tpu.memory_space<vmem>>
    %dma_start3A_188 = arith.constant 0 : i32
    %dma_start3A_189 = arith.constant 0 : i32
    %dma_start3A_190 = tpu.memref_slice %arg3[%dma_start3A_188, %dma_start3A_189] : memref<100000x16xf32, #tpu.memory_space<hbm>> -> memref<100000x16xf32, #tpu.memory_space<hbm>>
    tpu.enqueue_indirect_dma source(%dma_start3A_190 : memref<100000x16xf32, #tpu.memory_space<hbm>>) target(%dma_start3A_185 : memref<128x16xf32, #tpu.memory_space<vmem>>) offsets(%dma_start3A_187 : memref<128xi32, #tpu.memory_space<vmem>>) semaphore(%arg20 : memref<!tpu.dma_semaphore, #tpu.memory_space<semaphore_mem>>)
    %dma_start3A_191 = arith.constant 128 : i32
    %dma_start3A_192 = arith.constant 0 : i32
    %dma_start3A_193 = tpu.memref_slice %arg16[%dma_start3A_191, %dma_start3A_192] : memref<1600x16xf32, #tpu.memory_space<vmem>> -> memref<128x16xf32, #tpu.memory_space<vmem>>
    %dma_start3A_194 = arith.constant 128 : i32
    %dma_start3A_195 = tpu.memref_slice %arg10[%dma_start3A_194] : memref<1600xi32, #tpu.memory_space<vmem>> -> memref<128xi32, #tpu.memory_space<vmem>>
    %dma_start3A_196 = arith.constant 0 : i32
    %dma_start3A_197 = arith.constant 0 : i32
    %dma_start3A_198 = tpu.memref_slice %arg3[%dma_start3A_196, %dma_start3A_197] : memref<100000x16xf32, #tpu.memory_space<hbm>> -> memref<100000x16xf32, #tpu.memory_space<hbm>>
    tpu.enqueue_indirect_dma source(%dma_start3A_198 : memref<100000x16xf32, #tpu.memory_space<hbm>>) target(%dma_start3A_193 : memref<128x16xf32, #tpu.memory_space<vmem>>) offsets(%dma_start3A_195 : memref<128xi32, #tpu.memory_space<vmem>>) semaphore(%arg20 : memref<!tpu.dma_semaphore, #tpu.memory_space<semaphore_mem>>)
    %dma_start3A_199 = arith.constant 256 : i32
    %dma_start3A_200 = arith.constant 0 : i32
    %dma_start3A_201 = tpu.memref_slice %arg16[%dma_start3A_199, %dma_start3A_200] : memref<1600x16xf32, #tpu.memory_space<vmem>> -> memref<128x16xf32, #tpu.memory_space<vmem>>
    %dma_start3A_202 = arith.constant 256 : i32
    %dma_start3A_203 = tpu.memref_slice %arg10[%dma_start3A_202] : memref<1600xi32, #tpu.memory_space<vmem>> -> memref<128xi32, #tpu.memory_space<vmem>>
    %dma_start3A_204 = arith.constant 0 : i32
    %dma_start3A_205 = arith.constant 0 : i32
    %dma_start3A_206 = tpu.memref_slice %arg3[%dma_start3A_204, %dma_start3A_205] : memref<100000x16xf32, #tpu.memory_space<hbm>> -> memref<100000x16xf32, #tpu.memory_space<hbm>>
    tpu.enqueue_indirect_dma source(%dma_start3A_206 : memref<100000x16xf32, #tpu.memory_space<hbm>>) target(%dma_start3A_201 : memref<128x16xf32, #tpu.memory_space<vmem>>) offsets(%dma_start3A_203 : memref<128xi32, #tpu.memory_space<vmem>>) semaphore(%arg20 : memref<!tpu.dma_semaphore, #tpu.memory_space<semaphore_mem>>)
    %dma_start3A_207 = arith.constant 384 : i32
    %dma_start3A_208 = arith.constant 0 : i32
    %dma_start3A_209 = tpu.memref_slice %arg16[%dma_start3A_207, %dma_start3A_208] : memref<1600x16xf32, #tpu.memory_space<vmem>> -> memref<128x16xf32, #tpu.memory_space<vmem>>
    %dma_start3A_210 = arith.constant 384 : i32
    %dma_start3A_211 = tpu.memref_slice %arg10[%dma_start3A_210] : memref<1600xi32, #tpu.memory_space<vmem>> -> memref<128xi32, #tpu.memory_space<vmem>>
    %dma_start3A_212 = arith.constant 0 : i32
    %dma_start3A_213 = arith.constant 0 : i32
    %dma_start3A_214 = tpu.memref_slice %arg3[%dma_start3A_212, %dma_start3A_213] : memref<100000x16xf32, #tpu.memory_space<hbm>> -> memref<100000x16xf32, #tpu.memory_space<hbm>>
    tpu.enqueue_indirect_dma source(%dma_start3A_214 : memref<100000x16xf32, #tpu.memory_space<hbm>>) target(%dma_start3A_209 : memref<128x16xf32, #tpu.memory_space<vmem>>) offsets(%dma_start3A_211 : memref<128xi32, #tpu.memory_space<vmem>>) semaphore(%arg20 : memref<!tpu.dma_semaphore, #tpu.memory_space<semaphore_mem>>)
    %dma_start3A_215 = arith.constant 512 : i32
    %dma_start3A_216 = arith.constant 0 : i32
    %dma_start3A_217 = tpu.memref_slice %arg16[%dma_start3A_215, %dma_start3A_216] : memref<1600x16xf32, #tpu.memory_space<vmem>> -> memref<128x16xf32, #tpu.memory_space<vmem>>
    %dma_start3A_218 = arith.constant 512 : i32
    %dma_start3A_219 = tpu.memref_slice %arg10[%dma_start3A_218] : memref<1600xi32, #tpu.memory_space<vmem>> -> memref<128xi32, #tpu.memory_space<vmem>>
    %dma_start3A_220 = arith.constant 0 : i32
    %dma_start3A_221 = arith.constant 0 : i32
    %dma_start3A_222 = tpu.memref_slice %arg3[%dma_start3A_220, %dma_start3A_221] : memref<100000x16xf32, #tpu.memory_space<hbm>> -> memref<100000x16xf32, #tpu.memory_space<hbm>>
    tpu.enqueue_indirect_dma source(%dma_start3A_222 : memref<100000x16xf32, #tpu.memory_space<hbm>>) target(%dma_start3A_217 : memref<128x16xf32, #tpu.memory_space<vmem>>) offsets(%dma_start3A_219 : memref<128xi32, #tpu.memory_space<vmem>>) semaphore(%arg20 : memref<!tpu.dma_semaphore, #tpu.memory_space<semaphore_mem>>)
    %dma_start3A_223 = arith.constant 640 : i32
    %dma_start3A_224 = arith.constant 0 : i32
    %dma_start3A_225 = tpu.memref_slice %arg16[%dma_start3A_223, %dma_start3A_224] : memref<1600x16xf32, #tpu.memory_space<vmem>> -> memref<128x16xf32, #tpu.memory_space<vmem>>
    %dma_start3A_226 = arith.constant 640 : i32
    %dma_start3A_227 = tpu.memref_slice %arg10[%dma_start3A_226] : memref<1600xi32, #tpu.memory_space<vmem>> -> memref<128xi32, #tpu.memory_space<vmem>>
    %dma_start3A_228 = arith.constant 0 : i32
    %dma_start3A_229 = arith.constant 0 : i32
    %dma_start3A_230 = tpu.memref_slice %arg3[%dma_start3A_228, %dma_start3A_229] : memref<100000x16xf32, #tpu.memory_space<hbm>> -> memref<100000x16xf32, #tpu.memory_space<hbm>>
    tpu.enqueue_indirect_dma source(%dma_start3A_230 : memref<100000x16xf32, #tpu.memory_space<hbm>>) target(%dma_start3A_225 : memref<128x16xf32, #tpu.memory_space<vmem>>) offsets(%dma_start3A_227 : memref<128xi32, #tpu.memory_space<vmem>>) semaphore(%arg20 : memref<!tpu.dma_semaphore, #tpu.memory_space<semaphore_mem>>)
    %dma_start3A_231 = arith.constant 768 : i32
    %dma_start3A_232 = arith.constant 0 : i32
    %dma_start3A_233 = tpu.memref_slice %arg16[%dma_start3A_231, %dma_start3A_232] : memref<1600x16xf32, #tpu.memory_space<vmem>> -> memref<128x16xf32, #tpu.memory_space<vmem>>
    %dma_start3A_234 = arith.constant 768 : i32
    %dma_start3A_235 = tpu.memref_slice %arg10[%dma_start3A_234] : memref<1600xi32, #tpu.memory_space<vmem>> -> memref<128xi32, #tpu.memory_space<vmem>>
    %dma_start3A_236 = arith.constant 0 : i32
    %dma_start3A_237 = arith.constant 0 : i32
    %dma_start3A_238 = tpu.memref_slice %arg3[%dma_start3A_236, %dma_start3A_237] : memref<100000x16xf32, #tpu.memory_space<hbm>> -> memref<100000x16xf32, #tpu.memory_space<hbm>>
    tpu.enqueue_indirect_dma source(%dma_start3A_238 : memref<100000x16xf32, #tpu.memory_space<hbm>>) target(%dma_start3A_233 : memref<128x16xf32, #tpu.memory_space<vmem>>) offsets(%dma_start3A_235 : memref<128xi32, #tpu.memory_space<vmem>>) semaphore(%arg20 : memref<!tpu.dma_semaphore, #tpu.memory_space<semaphore_mem>>)
    %dma_start3A_239 = arith.constant 896 : i32
    %dma_start3A_240 = arith.constant 0 : i32
    %dma_start3A_241 = tpu.memref_slice %arg16[%dma_start3A_239, %dma_start3A_240] : memref<1600x16xf32, #tpu.memory_space<vmem>> -> memref<128x16xf32, #tpu.memory_space<vmem>>
    %dma_start3A_242 = arith.constant 896 : i32
    %dma_start3A_243 = tpu.memref_slice %arg10[%dma_start3A_242] : memref<1600xi32, #tpu.memory_space<vmem>> -> memref<128xi32, #tpu.memory_space<vmem>>
    %dma_start3A_244 = arith.constant 0 : i32
    %dma_start3A_245 = arith.constant 0 : i32
    %dma_start3A_246 = tpu.memref_slice %arg3[%dma_start3A_244, %dma_start3A_245] : memref<100000x16xf32, #tpu.memory_space<hbm>> -> memref<100000x16xf32, #tpu.memory_space<hbm>>
    tpu.enqueue_indirect_dma source(%dma_start3A_246 : memref<100000x16xf32, #tpu.memory_space<hbm>>) target(%dma_start3A_241 : memref<128x16xf32, #tpu.memory_space<vmem>>) offsets(%dma_start3A_243 : memref<128xi32, #tpu.memory_space<vmem>>) semaphore(%arg20 : memref<!tpu.dma_semaphore, #tpu.memory_space<semaphore_mem>>)
    %dma_start3A_247 = arith.constant 1024 : i32
    %dma_start3A_248 = arith.constant 0 : i32
    %dma_start3A_249 = tpu.memref_slice %arg16[%dma_start3A_247, %dma_start3A_248] : memref<1600x16xf32, #tpu.memory_space<vmem>> -> memref<128x16xf32, #tpu.memory_space<vmem>>
    %dma_start3A_250 = arith.constant 1024 : i32
    %dma_start3A_251 = tpu.memref_slice %arg10[%dma_start3A_250] : memref<1600xi32, #tpu.memory_space<vmem>> -> memref<128xi32, #tpu.memory_space<vmem>>
    %dma_start3A_252 = arith.constant 0 : i32
    %dma_start3A_253 = arith.constant 0 : i32
    %dma_start3A_254 = tpu.memref_slice %arg3[%dma_start3A_252, %dma_start3A_253] : memref<100000x16xf32, #tpu.memory_space<hbm>> -> memref<100000x16xf32, #tpu.memory_space<hbm>>
    tpu.enqueue_indirect_dma source(%dma_start3A_254 : memref<100000x16xf32, #tpu.memory_space<hbm>>) target(%dma_start3A_249 : memref<128x16xf32, #tpu.memory_space<vmem>>) offsets(%dma_start3A_251 : memref<128xi32, #tpu.memory_space<vmem>>) semaphore(%arg20 : memref<!tpu.dma_semaphore, #tpu.memory_space<semaphore_mem>>)
    %dma_start3A_255 = arith.constant 1152 : i32
    %dma_start3A_256 = arith.constant 0 : i32
    %dma_start3A_257 = tpu.memref_slice %arg16[%dma_start3A_255, %dma_start3A_256] : memref<1600x16xf32, #tpu.memory_space<vmem>> -> memref<128x16xf32, #tpu.memory_space<vmem>>
    %dma_start3A_258 = arith.constant 1152 : i32
    %dma_start3A_259 = tpu.memref_slice %arg10[%dma_start3A_258] : memref<1600xi32, #tpu.memory_space<vmem>> -> memref<128xi32, #tpu.memory_space<vmem>>
    %dma_start3A_260 = arith.constant 0 : i32
    %dma_start3A_261 = arith.constant 0 : i32
    %dma_start3A_262 = tpu.memref_slice %arg3[%dma_start3A_260, %dma_start3A_261] : memref<100000x16xf32, #tpu.memory_space<hbm>> -> memref<100000x16xf32, #tpu.memory_space<hbm>>
    tpu.enqueue_indirect_dma source(%dma_start3A_262 : memref<100000x16xf32, #tpu.memory_space<hbm>>) target(%dma_start3A_257 : memref<128x16xf32, #tpu.memory_space<vmem>>) offsets(%dma_start3A_259 : memref<128xi32, #tpu.memory_space<vmem>>) semaphore(%arg20 : memref<!tpu.dma_semaphore, #tpu.memory_space<semaphore_mem>>)
    %dma_start3A_263 = arith.constant 1280 : i32
    %dma_start3A_264 = arith.constant 0 : i32
    %dma_start3A_265 = tpu.memref_slice %arg16[%dma_start3A_263, %dma_start3A_264] : memref<1600x16xf32, #tpu.memory_space<vmem>> -> memref<128x16xf32, #tpu.memory_space<vmem>>
    %dma_start3A_266 = arith.constant 1280 : i32
    %dma_start3A_267 = tpu.memref_slice %arg10[%dma_start3A_266] : memref<1600xi32, #tpu.memory_space<vmem>> -> memref<128xi32, #tpu.memory_space<vmem>>
    %dma_start3A_268 = arith.constant 0 : i32
    %dma_start3A_269 = arith.constant 0 : i32
    %dma_start3A_270 = tpu.memref_slice %arg3[%dma_start3A_268, %dma_start3A_269] : memref<100000x16xf32, #tpu.memory_space<hbm>> -> memref<100000x16xf32, #tpu.memory_space<hbm>>
    tpu.enqueue_indirect_dma source(%dma_start3A_270 : memref<100000x16xf32, #tpu.memory_space<hbm>>) target(%dma_start3A_265 : memref<128x16xf32, #tpu.memory_space<vmem>>) offsets(%dma_start3A_267 : memref<128xi32, #tpu.memory_space<vmem>>) semaphore(%arg20 : memref<!tpu.dma_semaphore, #tpu.memory_space<semaphore_mem>>)
    %dma_start3A_271 = arith.constant 1408 : i32
    %dma_start3A_272 = arith.constant 0 : i32
    %dma_start3A_273 = tpu.memref_slice %arg16[%dma_start3A_271, %dma_start3A_272] : memref<1600x16xf32, #tpu.memory_space<vmem>> -> memref<128x16xf32, #tpu.memory_space<vmem>>
    %dma_start3A_274 = arith.constant 1408 : i32
    %dma_start3A_275 = tpu.memref_slice %arg10[%dma_start3A_274] : memref<1600xi32, #tpu.memory_space<vmem>> -> memref<128xi32, #tpu.memory_space<vmem>>
    %dma_start3A_276 = arith.constant 0 : i32
    %dma_start3A_277 = arith.constant 0 : i32
    %dma_start3A_278 = tpu.memref_slice %arg3[%dma_start3A_276, %dma_start3A_277] : memref<100000x16xf32, #tpu.memory_space<hbm>> -> memref<100000x16xf32, #tpu.memory_space<hbm>>
    tpu.enqueue_indirect_dma source(%dma_start3A_278 : memref<100000x16xf32, #tpu.memory_space<hbm>>) target(%dma_start3A_273 : memref<128x16xf32, #tpu.memory_space<vmem>>) offsets(%dma_start3A_275 : memref<128xi32, #tpu.memory_space<vmem>>) semaphore(%arg20 : memref<!tpu.dma_semaphore, #tpu.memory_space<semaphore_mem>>)
    %dma_start3A_279 = arith.constant 1536 : i32
    %dma_start3A_280 = arith.constant 0 : i32
    %dma_start3A_281 = tpu.memref_slice %arg16[%dma_start3A_279, %dma_start3A_280] : memref<1600x16xf32, #tpu.memory_space<vmem>> -> memref<64x16xf32, #tpu.memory_space<vmem>>
    %dma_start3A_282 = arith.constant 1536 : i32
    %dma_start3A_283 = tpu.memref_slice %arg10[%dma_start3A_282] : memref<1600xi32, #tpu.memory_space<vmem>> -> memref<64xi32, #tpu.memory_space<vmem>>
    %dma_start3A_284 = arith.constant 0 : i32
    %dma_start3A_285 = arith.constant 0 : i32
    %dma_start3A_286 = tpu.memref_slice %arg3[%dma_start3A_284, %dma_start3A_285] : memref<100000x16xf32, #tpu.memory_space<hbm>> -> memref<100000x16xf32, #tpu.memory_space<hbm>>
    tpu.enqueue_indirect_dma source(%dma_start3A_286 : memref<100000x16xf32, #tpu.memory_space<hbm>>) target(%dma_start3A_281 : memref<64x16xf32, #tpu.memory_space<vmem>>) offsets(%dma_start3A_283 : memref<64xi32, #tpu.memory_space<vmem>>) semaphore(%arg20 : memref<!tpu.dma_semaphore, #tpu.memory_space<semaphore_mem>>)
    %scan3A_287 = arith.constant 0 : i32
    %scan3A_288 = arith.constant 0 : i32
    %scan3A_289 = arith.constant 32 : i32
    %scan3A_290 = arith.addi %scan3A_288, %scan3A_289 : i32
    %scan3A_291 = arith.constant 1 : i32
    scf.for %scan3A_633 = %scan3A_288 to %scan3A_290 step %scan3A_291  : i32 {
      %mul3A_634 = arith.constant 50 : i32
      %mul3A_635 = arith.muli %scan3A_633, %mul3A_634 : i32
      %add3A_636 = arith.constant 0 : i32
      %add3A_637 = arith.addi %mul3A_635, %add3A_636 : i32
      %get3A = arith.index_cast %add3A_637 : i32 to index
      %get3A_638 = arith.constant 0 : index
      %get3A_639 = tpu.vector_load %arg15[%get3A, %get3A_638] {strides = array<i32>} : memref<1600x16xf32, #tpu.memory_space<vmem>>, vector<1x16xf32>,
      %get3A_640 = vector.shape_cast %get3A_639 : vector<1x16xf32> to vector<16xf32>
      %add3A_641 = arith.constant 1 : i32
      %add3A_642 = arith.addi %mul3A_635, %add3A_641 : i32
      %get3A_643 = arith.index_cast %add3A_642 : i32 to index
      %get3A_644 = arith.constant 0 : index
      %get3A_645 = tpu.vector_load %arg15[%get3A_643, %get3A_644] {strides = array<i32>} : memref<1600x16xf32, #tpu.memory_space<vmem>>, vector<1x16xf32>,
      %get3A_646 = vector.shape_cast %get3A_645 : vector<1x16xf32> to vector<16xf32>
      %add3A_647 = arith.constant 2 : i32
      %add3A_648 = arith.addi %mul3A_635, %add3A_647 : i32
      %get3A_649 = arith.index_cast %add3A_648 : i32 to index
      %get3A_650 = arith.constant 0 : index
      %get3A_651 = tpu.vector_load %arg15[%get3A_649, %get3A_650] {strides = array<i32>} : memref<1600x16xf32, #tpu.memory_space<vmem>>, vector<1x16xf32>,
      %get3A_652 = vector.shape_cast %get3A_651 : vector<1x16xf32> to vector<16xf32>
      %add3A_653 = arith.constant 3 : i32
      %add3A_654 = arith.addi %mul3A_635, %add3A_653 : i32
      %get3A_655 = arith.index_cast %add3A_654 : i32 to index
      %get3A_656 = arith.constant 0 : index
      %get3A_657 = tpu.vector_load %arg15[%get3A_655, %get3A_656] {strides = array<i32>} : memref<1600x16xf32, #tpu.memory_space<vmem>>, vector<1x16xf32>,
      %get3A_658 = vector.shape_cast %get3A_657 : vector<1x16xf32> to vector<16xf32>
      %add3A_659 = arith.constant 4 : i32
      %add3A_660 = arith.addi %mul3A_635, %add3A_659 : i32
      %get3A_661 = arith.index_cast %add3A_660 : i32 to index
      %get3A_662 = arith.constant 0 : index
      %get3A_663 = tpu.vector_load %arg15[%get3A_661, %get3A_662] {strides = array<i32>} : memref<1600x16xf32, #tpu.memory_space<vmem>>, vector<1x16xf32>,
      %get3A_664 = vector.shape_cast %get3A_663 : vector<1x16xf32> to vector<16xf32>
      %add3A_665 = arith.addf %get3A_640, %get3A_664 : vector<16xf32>
      %add3A_666 = arith.constant 5 : i32
      %add3A_667 = arith.addi %mul3A_635, %add3A_666 : i32
      %get3A_668 = arith.index_cast %add3A_667 : i32 to index
      %get3A_669 = arith.constant 0 : index
      %get3A_670 = tpu.vector_load %arg15[%get3A_668, %get3A_669] {strides = array<i32>} : memref<1600x16xf32, #tpu.memory_space<vmem>>, vector<1x16xf32>,
      %get3A_671 = vector.shape_cast %get3A_670 : vector<1x16xf32> to vector<16xf32>
      %add3A_672 = arith.addf %get3A_646, %get3A_671 : vector<16xf32>
      %add3A_673 = arith.constant 6 : i32
      %add3A_674 = arith.addi %mul3A_635, %add3A_673 : i32
      %get3A_675 = arith.index_cast %add3A_674 : i32 to index
      %get3A_676 = arith.constant 0 : index
      %get3A_677 = tpu.vector_load %arg15[%get3A_675, %get3A_676] {strides = array<i32>} : memref<1600x16xf32, #tpu.memory_space<vmem>>, vector<1x16xf32>,
      %get3A_678 = vector.shape_cast %get3A_677 : vector<1x16xf32> to vector<16xf32>
      %add3A_679 = arith.addf %get3A_652, %get3A_678 : vector<16xf32>
      %add3A_680 = arith.constant 7 : i32
      %add3A_681 = arith.addi %mul3A_635, %add3A_680 : i32
      %get3A_682 = arith.index_cast %add3A_681 : i32 to index
      %get3A_683 = arith.constant 0 : index
      %get3A_684 = tpu.vector_load %arg15[%get3A_682, %get3A_683] {strides = array<i32>} : memref<1600x16xf32, #tpu.memory_space<vmem>>, vector<1x16xf32>,
      %get3A_685 = vector.shape_cast %get3A_684 : vector<1x16xf32> to vector<16xf32>
      %add3A_686 = arith.addf %get3A_658, %get3A_685 : vector<16xf32>
      %add3A_687 = arith.constant 8 : i32
      %add3A_688 = arith.addi %mul3A_635, %add3A_687 : i32
      %get3A_689 = arith.index_cast %add3A_688 : i32 to index
      %get3A_690 = arith.constant 0 : index
      %get3A_691 = tpu.vector_load %arg15[%get3A_689, %get3A_690] {strides = array<i32>} : memref<1600x16xf32, #tpu.memory_space<vmem>>, vector<1x16xf32>,
      %get3A_692 = vector.shape_cast %get3A_691 : vector<1x16xf32> to vector<16xf32>
      %add3A_693 = arith.addf %add3A_665, %get3A_692 : vector<16xf32>
      %add3A_694 = arith.constant 9 : i32
      %add3A_695 = arith.addi %mul3A_635, %add3A_694 : i32
      %get3A_696 = arith.index_cast %add3A_695 : i32 to index
      %get3A_697 = arith.constant 0 : index
      %get3A_698 = tpu.vector_load %arg15[%get3A_696, %get3A_697] {strides = array<i32>} : memref<1600x16xf32, #tpu.memory_space<vmem>>, vector<1x16xf32>,
      %get3A_699 = vector.shape_cast %get3A_698 : vector<1x16xf32> to vector<16xf32>
      %add3A_700 = arith.addf %add3A_672, %get3A_699 : vector<16xf32>
      %add3A_701 = arith.constant 10 : i32
      %add3A_702 = arith.addi %mul3A_635, %add3A_701 : i32
      %get3A_703 = arith.index_cast %add3A_702 : i32 to index
      %get3A_704 = arith.constant 0 : index
      %get3A_705 = tpu.vector_load %arg15[%get3A_703, %get3A_704] {strides = array<i32>} : memref<1600x16xf32, #tpu.memory_space<vmem>>, vector<1x16xf32>,
      %get3A_706 = vector.shape_cast %get3A_705 : vector<1x16xf32> to vector<16xf32>
      %add3A_707 = arith.addf %add3A_679, %get3A_706 : vector<16xf32>
      %add3A_708 = arith.constant 11 : i32
      %add3A_709 = arith.addi %mul3A_635, %add3A_708 : i32
      %get3A_710 = arith.index_cast %add3A_709 : i32 to index
      %get3A_711 = arith.constant 0 : index
      %get3A_712 = tpu.vector_load %arg15[%get3A_710, %get3A_711] {strides = array<i32>} : memref<1600x16xf32, #tpu.memory_space<vmem>>, vector<1x16xf32>,
      %get3A_713 = vector.shape_cast %get3A_712 : vector<1x16xf32> to vector<16xf32>
      %add3A_714 = arith.addf %add3A_686, %get3A_713 : vector<16xf32>
      %add3A_715 = arith.constant 12 : i32
      %add3A_716 = arith.addi %mul3A_635, %add3A_715 : i32
      %get3A_717 = arith.index_cast %add3A_716 : i32 to index
      %get3A_718 = arith.constant 0 : index
      %get3A_719 = tpu.vector_load %arg15[%get3A_717, %get3A_718] {strides = array<i32>} : memref<1600x16xf32, #tpu.memory_space<vmem>>, vector<1x16xf32>,
      %get3A_720 = vector.shape_cast %get3A_719 : vector<1x16xf32> to vector<16xf32>
      %add3A_721 = arith.addf %add3A_693, %get3A_720 : vector<16xf32>
      %add3A_722 = arith.constant 13 : i32
      %add3A_723 = arith.addi %mul3A_635, %add3A_722 : i32
      %get3A_724 = arith.index_cast %add3A_723 : i32 to index
      %get3A_725 = arith.constant 0 : index
      %get3A_726 = tpu.vector_load %arg15[%get3A_724, %get3A_725] {strides = array<i32>} : memref<1600x16xf32, #tpu.memory_space<vmem>>, vector<1x16xf32>,
      %get3A_727 = vector.shape_cast %get3A_726 : vector<1x16xf32> to vector<16xf32>
      %add3A_728 = arith.addf %add3A_700, %get3A_727 : vector<16xf32>
      %add3A_729 = arith.constant 14 : i32
      %add3A_730 = arith.addi %mul3A_635, %add3A_729 : i32
      %get3A_731 = arith.index_cast %add3A_730 : i32 to index
      %get3A_732 = arith.constant 0 : index
      %get3A_733 = tpu.vector_load %arg15[%get3A_731, %get3A_732] {strides = array<i32>} : memref<1600x16xf32, #tpu.memory_space<vmem>>, vector<1x16xf32>,
      %get3A_734 = vector.shape_cast %get3A_733 : vector<1x16xf32> to vector<16xf32>
      %add3A_735 = arith.addf %add3A_707, %get3A_734 : vector<16xf32>
      %add3A_736 = arith.constant 15 : i32
      %add3A_737 = arith.addi %mul3A_635, %add3A_736 : i32
      %get3A_738 = arith.index_cast %add3A_737 : i32 to index
      %get3A_739 = arith.constant 0 : index
      %get3A_740 = tpu.vector_load %arg15[%get3A_738, %get3A_739] {strides = array<i32>} : memref<1600x16xf32, #tpu.memory_space<vmem>>, vector<1x16xf32>,
      %get3A_741 = vector.shape_cast %get3A_740 : vector<1x16xf32> to vector<16xf32>
      %add3A_742 = arith.addf %add3A_714, %get3A_741 : vector<16xf32>
      %add3A_743 = arith.constant 16 : i32
      %add3A_744 = arith.addi %mul3A_635, %add3A_743 : i32
      %get3A_745 = arith.index_cast %add3A_744 : i32 to index
      %get3A_746 = arith.constant 0 : index
      %get3A_747 = tpu.vector_load %arg15[%get3A_745, %get3A_746] {strides = array<i32>} : memref<1600x16xf32, #tpu.memory_space<vmem>>, vector<1x16xf32>,
      %get3A_748 = vector.shape_cast %get3A_747 : vector<1x16xf32> to vector<16xf32>
      %add3A_749 = arith.addf %add3A_721, %get3A_748 : vector<16xf32>
      %add3A_750 = arith.constant 17 : i32
      %add3A_751 = arith.addi %mul3A_635, %add3A_750 : i32
      %get3A_752 = arith.index_cast %add3A_751 : i32 to index
      %get3A_753 = arith.constant 0 : index
      %get3A_754 = tpu.vector_load %arg15[%get3A_752, %get3A_753] {strides = array<i32>} : memref<1600x16xf32, #tpu.memory_space<vmem>>, vector<1x16xf32>,
      %get3A_755 = vector.shape_cast %get3A_754 : vector<1x16xf32> to vector<16xf32>
      %add3A_756 = arith.addf %add3A_728, %get3A_755 : vector<16xf32>
      %add3A_757 = arith.constant 18 : i32
      %add3A_758 = arith.addi %mul3A_635, %add3A_757 : i32
      %get3A_759 = arith.index_cast %add3A_758 : i32 to index
      %get3A_760 = arith.constant 0 : index
      %get3A_761 = tpu.vector_load %arg15[%get3A_759, %get3A_760] {strides = array<i32>} : memref<1600x16xf32, #tpu.memory_space<vmem>>, vector<1x16xf32>,
      %get3A_762 = vector.shape_cast %get3A_761 : vector<1x16xf32> to vector<16xf32>
      %add3A_763 = arith.addf %add3A_735, %get3A_762 : vector<16xf32>
      %add3A_764 = arith.constant 19 : i32
      %add3A_765 = arith.addi %mul3A_635, %add3A_764 : i32
      %get3A_766 = arith.index_cast %add3A_765 : i32 to index
      %get3A_767 = arith.constant 0 : index
      %get3A_768 = tpu.vector_load %arg15[%get3A_766, %get3A_767] {strides = array<i32>} : memref<1600x16xf32, #tpu.memory_space<vmem>>, vector<1x16xf32>,
      %get3A_769 = vector.shape_cast %get3A_768 : vector<1x16xf32> to vector<16xf32>
      %add3A_770 = arith.addf %add3A_742, %get3A_769 : vector<16xf32>
      %add3A_771 = arith.constant 20 : i32
      %add3A_772 = arith.addi %mul3A_635, %add3A_771 : i32
      %get3A_773 = arith.index_cast %add3A_772 : i32 to index
      %get3A_774 = arith.constant 0 : index
      %get3A_775 = tpu.vector_load %arg15[%get3A_773, %get3A_774] {strides = array<i32>} : memref<1600x16xf32, #tpu.memory_space<vmem>>, vector<1x16xf32>,
      %get3A_776 = vector.shape_cast %get3A_775 : vector<1x16xf32> to vector<16xf32>
      %add3A_777 = arith.addf %add3A_749, %get3A_776 : vector<16xf32>
      %add3A_778 = arith.constant 21 : i32
      %add3A_779 = arith.addi %mul3A_635, %add3A_778 : i32
      %get3A_780 = arith.index_cast %add3A_779 : i32 to index
      %get3A_781 = arith.constant 0 : index
      %get3A_782 = tpu.vector_load %arg15[%get3A_780, %get3A_781] {strides = array<i32>} : memref<1600x16xf32, #tpu.memory_space<vmem>>, vector<1x16xf32>,
      %get3A_783 = vector.shape_cast %get3A_782 : vector<1x16xf32> to vector<16xf32>
      %add3A_784 = arith.addf %add3A_756, %get3A_783 : vector<16xf32>
      %add3A_785 = arith.constant 22 : i32
      %add3A_786 = arith.addi %mul3A_635, %add3A_785 : i32
      %get3A_787 = arith.index_cast %add3A_786 : i32 to index
      %get3A_788 = arith.constant 0 : index
      %get3A_789 = tpu.vector_load %arg15[%get3A_787, %get3A_788] {strides = array<i32>} : memref<1600x16xf32, #tpu.memory_space<vmem>>, vector<1x16xf32>,
      %get3A_790 = vector.shape_cast %get3A_789 : vector<1x16xf32> to vector<16xf32>
      %add3A_791 = arith.addf %add3A_763, %get3A_790 : vector<16xf32>
      %add3A_792 = arith.constant 23 : i32
      %add3A_793 = arith.addi %mul3A_635, %add3A_792 : i32
      %get3A_794 = arith.index_cast %add3A_793 : i32 to index
      %get3A_795 = arith.constant 0 : index
      %get3A_796 = tpu.vector_load %arg15[%get3A_794, %get3A_795] {strides = array<i32>} : memref<1600x16xf32, #tpu.memory_space<vmem>>, vector<1x16xf32>,
      %get3A_797 = vector.shape_cast %get3A_796 : vector<1x16xf32> to vector<16xf32>
      %add3A_798 = arith.addf %add3A_770, %get3A_797 : vector<16xf32>
      %add3A_799 = arith.constant 24 : i32
      %add3A_800 = arith.addi %mul3A_635, %add3A_799 : i32
      %get3A_801 = arith.index_cast %add3A_800 : i32 to index
      %get3A_802 = arith.constant 0 : index
      %get3A_803 = tpu.vector_load %arg15[%get3A_801, %get3A_802] {strides = array<i32>} : memref<1600x16xf32, #tpu.memory_space<vmem>>, vector<1x16xf32>,
      %get3A_804 = vector.shape_cast %get3A_803 : vector<1x16xf32> to vector<16xf32>
      %add3A_805 = arith.addf %add3A_777, %get3A_804 : vector<16xf32>
      %add3A_806 = arith.constant 25 : i32
      %add3A_807 = arith.addi %mul3A_635, %add3A_806 : i32
      %get3A_808 = arith.index_cast %add3A_807 : i32 to index
      %get3A_809 = arith.constant 0 : index
      %get3A_810 = tpu.vector_load %arg15[%get3A_808, %get3A_809] {strides = array<i32>} : memref<1600x16xf32, #tpu.memory_space<vmem>>, vector<1x16xf32>,
      %get3A_811 = vector.shape_cast %get3A_810 : vector<1x16xf32> to vector<16xf32>
      %add3A_812 = arith.addf %add3A_784, %get3A_811 : vector<16xf32>
      %add3A_813 = arith.constant 26 : i32
      %add3A_814 = arith.addi %mul3A_635, %add3A_813 : i32
      %get3A_815 = arith.index_cast %add3A_814 : i32 to index
      %get3A_816 = arith.constant 0 : index
      %get3A_817 = tpu.vector_load %arg15[%get3A_815, %get3A_816] {strides = array<i32>} : memref<1600x16xf32, #tpu.memory_space<vmem>>, vector<1x16xf32>,
      %get3A_818 = vector.shape_cast %get3A_817 : vector<1x16xf32> to vector<16xf32>
      %add3A_819 = arith.addf %add3A_791, %get3A_818 : vector<16xf32>
      %add3A_820 = arith.constant 27 : i32
      %add3A_821 = arith.addi %mul3A_635, %add3A_820 : i32
      %get3A_822 = arith.index_cast %add3A_821 : i32 to index
      %get3A_823 = arith.constant 0 : index
      %get3A_824 = tpu.vector_load %arg15[%get3A_822, %get3A_823] {strides = array<i32>} : memref<1600x16xf32, #tpu.memory_space<vmem>>, vector<1x16xf32>,
      %get3A_825 = vector.shape_cast %get3A_824 : vector<1x16xf32> to vector<16xf32>
      %add3A_826 = arith.addf %add3A_798, %get3A_825 : vector<16xf32>
      %add3A_827 = arith.constant 28 : i32
      %add3A_828 = arith.addi %mul3A_635, %add3A_827 : i32
      %get3A_829 = arith.index_cast %add3A_828 : i32 to index
      %get3A_830 = arith.constant 0 : index
      %get3A_831 = tpu.vector_load %arg15[%get3A_829, %get3A_830] {strides = array<i32>} : memref<1600x16xf32, #tpu.memory_space<vmem>>, vector<1x16xf32>,
      %get3A_832 = vector.shape_cast %get3A_831 : vector<1x16xf32> to vector<16xf32>
      %add3A_833 = arith.addf %add3A_805, %get3A_832 : vector<16xf32>
      %add3A_834 = arith.constant 29 : i32
      %add3A_835 = arith.addi %mul3A_635, %add3A_834 : i32
      %get3A_836 = arith.index_cast %add3A_835 : i32 to index
      %get3A_837 = arith.constant 0 : index
      %get3A_838 = tpu.vector_load %arg15[%get3A_836, %get3A_837] {strides = array<i32>} : memref<1600x16xf32, #tpu.memory_space<vmem>>, vector<1x16xf32>,
      %get3A_839 = vector.shape_cast %get3A_838 : vector<1x16xf32> to vector<16xf32>
      %add3A_840 = arith.addf %add3A_812, %get3A_839 : vector<16xf32>
      %add3A_841 = arith.constant 30 : i32
      %add3A_842 = arith.addi %mul3A_635, %add3A_841 : i32
      %get3A_843 = arith.index_cast %add3A_842 : i32 to index
      %get3A_844 = arith.constant 0 : index
      %get3A_845 = tpu.vector_load %arg15[%get3A_843, %get3A_844] {strides = array<i32>} : memref<1600x16xf32, #tpu.memory_space<vmem>>, vector<1x16xf32>,
      %get3A_846 = vector.shape_cast %get3A_845 : vector<1x16xf32> to vector<16xf32>
      %add3A_847 = arith.addf %add3A_819, %get3A_846 : vector<16xf32>
      %add3A_848 = arith.constant 31 : i32
      %add3A_849 = arith.addi %mul3A_635, %add3A_848 : i32
      %get3A_850 = arith.index_cast %add3A_849 : i32 to index
      %get3A_851 = arith.constant 0 : index
      %get3A_852 = tpu.vector_load %arg15[%get3A_850, %get3A_851] {strides = array<i32>} : memref<1600x16xf32, #tpu.memory_space<vmem>>, vector<1x16xf32>,
      %get3A_853 = vector.shape_cast %get3A_852 : vector<1x16xf32> to vector<16xf32>
      %add3A_854 = arith.addf %add3A_826, %get3A_853 : vector<16xf32>
      %add3A_855 = arith.constant 32 : i32
      %add3A_856 = arith.addi %mul3A_635, %add3A_855 : i32
      %get3A_857 = arith.index_cast %add3A_856 : i32 to index
      %get3A_858 = arith.constant 0 : index
      %get3A_859 = tpu.vector_load %arg15[%get3A_857, %get3A_858] {strides = array<i32>} : memref<1600x16xf32, #tpu.memory_space<vmem>>, vector<1x16xf32>,
      %get3A_860 = vector.shape_cast %get3A_859 : vector<1x16xf32> to vector<16xf32>
      %add3A_861 = arith.addf %add3A_833, %get3A_860 : vector<16xf32>
      %add3A_862 = arith.constant 33 : i32
      %add3A_863 = arith.addi %mul3A_635, %add3A_862 : i32
      %get3A_864 = arith.index_cast %add3A_863 : i32 to index
      %get3A_865 = arith.constant 0 : index
      %get3A_866 = tpu.vector_load %arg15[%get3A_864, %get3A_865] {strides = array<i32>} : memref<1600x16xf32, #tpu.memory_space<vmem>>, vector<1x16xf32>,
      %get3A_867 = vector.shape_cast %get3A_866 : vector<1x16xf32> to vector<16xf32>
      %add3A_868 = arith.addf %add3A_840, %get3A_867 : vector<16xf32>
      %add3A_869 = arith.constant 34 : i32
      %add3A_870 = arith.addi %mul3A_635, %add3A_869 : i32
      %get3A_871 = arith.index_cast %add3A_870 : i32 to index
      %get3A_872 = arith.constant 0 : index
      %get3A_873 = tpu.vector_load %arg15[%get3A_871, %get3A_872] {strides = array<i32>} : memref<1600x16xf32, #tpu.memory_space<vmem>>, vector<1x16xf32>,
      %get3A_874 = vector.shape_cast %get3A_873 : vector<1x16xf32> to vector<16xf32>
      %add3A_875 = arith.addf %add3A_847, %get3A_874 : vector<16xf32>
      %add3A_876 = arith.constant 35 : i32
      %add3A_877 = arith.addi %mul3A_635, %add3A_876 : i32
      %get3A_878 = arith.index_cast %add3A_877 : i32 to index
      %get3A_879 = arith.constant 0 : index
      %get3A_880 = tpu.vector_load %arg15[%get3A_878, %get3A_879] {strides = array<i32>} : memref<1600x16xf32, #tpu.memory_space<vmem>>, vector<1x16xf32>,
      %get3A_881 = vector.shape_cast %get3A_880 : vector<1x16xf32> to vector<16xf32>
      %add3A_882 = arith.addf %add3A_854, %get3A_881 : vector<16xf32>
      %add3A_883 = arith.constant 36 : i32
      %add3A_884 = arith.addi %mul3A_635, %add3A_883 : i32
      %get3A_885 = arith.index_cast %add3A_884 : i32 to index
      %get3A_886 = arith.constant 0 : index
      %get3A_887 = tpu.vector_load %arg15[%get3A_885, %get3A_886] {strides = array<i32>} : memref<1600x16xf32, #tpu.memory_space<vmem>>, vector<1x16xf32>,
      %get3A_888 = vector.shape_cast %get3A_887 : vector<1x16xf32> to vector<16xf32>
      %add3A_889 = arith.addf %add3A_861, %get3A_888 : vector<16xf32>
      %add3A_890 = arith.constant 37 : i32
      %add3A_891 = arith.addi %mul3A_635, %add3A_890 : i32
      %get3A_892 = arith.index_cast %add3A_891 : i32 to index
      %get3A_893 = arith.constant 0 : index
      %get3A_894 = tpu.vector_load %arg15[%get3A_892, %get3A_893] {strides = array<i32>} : memref<1600x16xf32, #tpu.memory_space<vmem>>, vector<1x16xf32>,
      %get3A_895 = vector.shape_cast %get3A_894 : vector<1x16xf32> to vector<16xf32>
      %add3A_896 = arith.addf %add3A_868, %get3A_895 : vector<16xf32>
      %add3A_897 = arith.constant 38 : i32
      %add3A_898 = arith.addi %mul3A_635, %add3A_897 : i32
      %get3A_899 = arith.index_cast %add3A_898 : i32 to index
      %get3A_900 = arith.constant 0 : index
      %get3A_901 = tpu.vector_load %arg15[%get3A_899, %get3A_900] {strides = array<i32>} : memref<1600x16xf32, #tpu.memory_space<vmem>>, vector<1x16xf32>,
      %get3A_902 = vector.shape_cast %get3A_901 : vector<1x16xf32> to vector<16xf32>
      %add3A_903 = arith.addf %add3A_875, %get3A_902 : vector<16xf32>
      %add3A_904 = arith.constant 39 : i32
      %add3A_905 = arith.addi %mul3A_635, %add3A_904 : i32
      %get3A_906 = arith.index_cast %add3A_905 : i32 to index
      %get3A_907 = arith.constant 0 : index
      %get3A_908 = tpu.vector_load %arg15[%get3A_906, %get3A_907] {strides = array<i32>} : memref<1600x16xf32, #tpu.memory_space<vmem>>, vector<1x16xf32>,
      %get3A_909 = vector.shape_cast %get3A_908 : vector<1x16xf32> to vector<16xf32>
      %add3A_910 = arith.addf %add3A_882, %get3A_909 : vector<16xf32>
      %add3A_911 = arith.constant 40 : i32
      %add3A_912 = arith.addi %mul3A_635, %add3A_911 : i32
      %get3A_913 = arith.index_cast %add3A_912 : i32 to index
      %get3A_914 = arith.constant 0 : index
      %get3A_915 = tpu.vector_load %arg15[%get3A_913, %get3A_914] {strides = array<i32>} : memref<1600x16xf32, #tpu.memory_space<vmem>>, vector<1x16xf32>,
      %get3A_916 = vector.shape_cast %get3A_915 : vector<1x16xf32> to vector<16xf32>
      %add3A_917 = arith.addf %add3A_889, %get3A_916 : vector<16xf32>
      %add3A_918 = arith.constant 41 : i32
      %add3A_919 = arith.addi %mul3A_635, %add3A_918 : i32
      %get3A_920 = arith.index_cast %add3A_919 : i32 to index
      %get3A_921 = arith.constant 0 : index
      %get3A_922 = tpu.vector_load %arg15[%get3A_920, %get3A_921] {strides = array<i32>} : memref<1600x16xf32, #tpu.memory_space<vmem>>, vector<1x16xf32>,
      %get3A_923 = vector.shape_cast %get3A_922 : vector<1x16xf32> to vector<16xf32>
      %add3A_924 = arith.addf %add3A_896, %get3A_923 : vector<16xf32>
      %add3A_925 = arith.constant 42 : i32
      %add3A_926 = arith.addi %mul3A_635, %add3A_925 : i32
      %get3A_927 = arith.index_cast %add3A_926 : i32 to index
      %get3A_928 = arith.constant 0 : index
      %get3A_929 = tpu.vector_load %arg15[%get3A_927, %get3A_928] {strides = array<i32>} : memref<1600x16xf32, #tpu.memory_space<vmem>>, vector<1x16xf32>,
      %get3A_930 = vector.shape_cast %get3A_929 : vector<1x16xf32> to vector<16xf32>
      %add3A_931 = arith.addf %add3A_903, %get3A_930 : vector<16xf32>
      %add3A_932 = arith.constant 43 : i32
      %add3A_933 = arith.addi %mul3A_635, %add3A_932 : i32
      %get3A_934 = arith.index_cast %add3A_933 : i32 to index
      %get3A_935 = arith.constant 0 : index
      %get3A_936 = tpu.vector_load %arg15[%get3A_934, %get3A_935] {strides = array<i32>} : memref<1600x16xf32, #tpu.memory_space<vmem>>, vector<1x16xf32>,
      %get3A_937 = vector.shape_cast %get3A_936 : vector<1x16xf32> to vector<16xf32>
      %add3A_938 = arith.addf %add3A_910, %get3A_937 : vector<16xf32>
      %add3A_939 = arith.constant 44 : i32
      %add3A_940 = arith.addi %mul3A_635, %add3A_939 : i32
      %get3A_941 = arith.index_cast %add3A_940 : i32 to index
      %get3A_942 = arith.constant 0 : index
      %get3A_943 = tpu.vector_load %arg15[%get3A_941, %get3A_942] {strides = array<i32>} : memref<1600x16xf32, #tpu.memory_space<vmem>>, vector<1x16xf32>,
      %get3A_944 = vector.shape_cast %get3A_943 : vector<1x16xf32> to vector<16xf32>
      %add3A_945 = arith.addf %add3A_917, %get3A_944 : vector<16xf32>
      %add3A_946 = arith.constant 45 : i32
      %add3A_947 = arith.addi %mul3A_635, %add3A_946 : i32
      %get3A_948 = arith.index_cast %add3A_947 : i32 to index
      %get3A_949 = arith.constant 0 : index
      %get3A_950 = tpu.vector_load %arg15[%get3A_948, %get3A_949] {strides = array<i32>} : memref<1600x16xf32, #tpu.memory_space<vmem>>, vector<1x16xf32>,
      %get3A_951 = vector.shape_cast %get3A_950 : vector<1x16xf32> to vector<16xf32>
      %add3A_952 = arith.addf %add3A_924, %get3A_951 : vector<16xf32>
      %add3A_953 = arith.constant 46 : i32
      %add3A_954 = arith.addi %mul3A_635, %add3A_953 : i32
      %get3A_955 = arith.index_cast %add3A_954 : i32 to index
      %get3A_956 = arith.constant 0 : index
      %get3A_957 = tpu.vector_load %arg15[%get3A_955, %get3A_956] {strides = array<i32>} : memref<1600x16xf32, #tpu.memory_space<vmem>>, vector<1x16xf32>,
      %get3A_958 = vector.shape_cast %get3A_957 : vector<1x16xf32> to vector<16xf32>
      %add3A_959 = arith.addf %add3A_931, %get3A_958 : vector<16xf32>
      %add3A_960 = arith.constant 47 : i32
      %add3A_961 = arith.addi %mul3A_635, %add3A_960 : i32
      %get3A_962 = arith.index_cast %add3A_961 : i32 to index
      %get3A_963 = arith.constant 0 : index
      %get3A_964 = tpu.vector_load %arg15[%get3A_962, %get3A_963] {strides = array<i32>} : memref<1600x16xf32, #tpu.memory_space<vmem>>, vector<1x16xf32>,
      %get3A_965 = vector.shape_cast %get3A_964 : vector<1x16xf32> to vector<16xf32>
      %add3A_966 = arith.addf %add3A_938, %get3A_965 : vector<16xf32>
      %add3A_967 = arith.constant 48 : i32
      %add3A_968 = arith.addi %mul3A_635, %add3A_967 : i32
      %get3A_969 = arith.index_cast %add3A_968 : i32 to index
      %get3A_970 = arith.constant 0 : index
      %get3A_971 = tpu.vector_load %arg15[%get3A_969, %get3A_970] {strides = array<i32>} : memref<1600x16xf32, #tpu.memory_space<vmem>>, vector<1x16xf32>,
      %get3A_972 = vector.shape_cast %get3A_971 : vector<1x16xf32> to vector<16xf32>
      %add3A_973 = arith.addf %add3A_945, %get3A_972 : vector<16xf32>
      %add3A_974 = arith.constant 49 : i32
      %add3A_975 = arith.addi %mul3A_635, %add3A_974 : i32
      %get3A_976 = arith.index_cast %add3A_975 : i32 to index
      %get3A_977 = arith.constant 0 : index
      %get3A_978 = tpu.vector_load %arg15[%get3A_976, %get3A_977] {strides = array<i32>} : memref<1600x16xf32, #tpu.memory_space<vmem>>, vector<1x16xf32>,
      %get3A_979 = vector.shape_cast %get3A_978 : vector<1x16xf32> to vector<16xf32>
      %add3A_980 = arith.addf %add3A_952, %get3A_979 : vector<16xf32>
      %add3A_981 = arith.addf %add3A_973, %add3A_980 : vector<16xf32>
      %add3A_982 = arith.addf %add3A_959, %add3A_966 : vector<16xf32>
      %add3A_983 = arith.addf %add3A_981, %add3A_982 : vector<16xf32>
      %mul3A_984 = arith.constant 2.000000e-02 : f32
      %mul3A_985 = vector.broadcast %mul3A_984 : f32 to vector<16xf32>
      %mul3A_986 = arith.mulf %add3A_983, %mul3A_985 : vector<16xf32>
      %mul3A_987 = arith.constant 26 : i32
      %mul3A_988 = arith.muli %scan3A_633, %mul3A_987 : i32
      %add3A_989 = arith.constant 25 : i32
      %add3A_990 = arith.addi %mul3A_988, %add3A_989 : i32
      %mul3A_991 = arith.constant 16 : i32
      %mul3A_992 = arith.muli %add3A_990, %mul3A_991 : i32
      %swap3A = arith.index_cast %mul3A_992 : i32 to index
      %swap3A_993 = tpu.vector_load %arg13[%swap3A] {strides = array<i32>} : memref<13312xf32, #tpu.memory_space<vmem>>, vector<16xf32>,
      %swap3A_994 = vector.shape_cast %swap3A_993 : vector<16xf32> to vector<16xf32>
      %swap3A_995 = vector.shape_cast %mul3A_986 : vector<16xf32> to vector<16xf32>
      tpu.vector_store %arg13[%swap3A], %swap3A_995 {strides = array<i32>} : memref<13312xf32, #tpu.memory_space<vmem>>, vector<16xf32>,
    }
    %scan3A_292 = arith.constant 32 : i32
    %mul3A_293 = arith.constant 128 : i32
    %mul3A_294 = arith.muli %add3A, %mul3A_293 : i32
    %add3A_295 = arith.constant 0 : i32
    %add3A_296 = arith.addi %mul3A_294, %add3A_295 : i32
    %mul3A_297 = arith.constant 416 : i32
    %mul3A_298 = arith.muli %add3A_296, %mul3A_297 : i32
    %dma_start3A_299 = tpu.memref_slice %arg6[%mul3A_298] : memref<1703936xf32, #tpu.memory_space<hbm>> -> memref<13312xf32, #tpu.memory_space<hbm>>
    %dma_start3A_300 = tpu.memref_slice %arg6[%mul3A_298] : memref<1703936xf32, #tpu.memory_space<hbm>> -> memref<13312xf32, #tpu.memory_space<hbm>>
    tpu.enqueue_dma source(%arg13 : memref<13312xf32, #tpu.memory_space<vmem>>) target(%dma_start3A_300 : memref<13312xf32, #tpu.memory_space<hbm>>) target_semaphore(%arg21 : memref<!tpu.dma_semaphore, #tpu.memory_space<semaphore_mem>>)
    %dma_wait3A_301 = arith.constant 0 : i32
    %dma_wait3A_302 = tpu.memref_slice %arg2[%dma_wait3A_301] : memref<41600000xf32, #tpu.memory_space<hbm>> -> memref<13312xf32, #tpu.memory_space<hbm>>
    %dma_wait3A_303 = arith.constant 0 : i32
    %dma_wait3A_304 = tpu.memref_slice %arg2[%dma_wait3A_303] : memref<41600000xf32, #tpu.memory_space<hbm>> -> memref<13312xf32, #tpu.memory_space<hbm>>
    tpu.wait_dma2 semaphore(%arg20 : memref<!tpu.dma_semaphore, #tpu.memory_space<semaphore_mem>>) src(%dma_wait3A_304 : memref<13312xf32, #tpu.memory_space<hbm>>) dst(%arg14 : memref<13312xf32, #tpu.memory_space<vmem>>)
    %dma_wait3A_305 = arith.constant 0 : i32
    %dma_wait3A_306 = arith.constant 0 : i32
    %dma_wait3A_307 = tpu.memref_slice %arg3[%dma_wait3A_305, %dma_wait3A_306] : memref<100000x16xf32, #tpu.memory_space<hbm>> -> memref<1600x16xf32, #tpu.memory_space<hbm>>
    %dma_wait3A_308 = arith.constant 0 : i32
    %dma_wait3A_309 = arith.constant 0 : i32
    %dma_wait3A_310 = tpu.memref_slice %arg3[%dma_wait3A_308, %dma_wait3A_309] : memref<100000x16xf32, #tpu.memory_space<hbm>> -> memref<1600x16xf32, #tpu.memory_space<hbm>>
    tpu.wait_dma2 semaphore(%arg20 : memref<!tpu.dma_semaphore, #tpu.memory_space<semaphore_mem>>) src(%dma_wait3A_310 : memref<1600x16xf32, #tpu.memory_space<hbm>>) dst(%arg16 : memref<1600x16xf32, #tpu.memory_space<vmem>>)
    %mul3A_311 = arith.constant 128 : i32
    %mul3A_312 = arith.muli %add3A, %mul3A_311 : i32
    %add3A_313 = arith.constant 96 : i32
    %add3A_314 = arith.addi %mul3A_312, %add3A_313 : i32
    %mul3A_315 = arith.constant 26 : i32
    %mul3A_316 = arith.muli %add3A_314, %mul3A_315 : i32
    %dma_start3A_317 = tpu.memref_slice %arg4[%mul3A_316] : memref<106496xi32, #tpu.memory_space<hbm>> -> memref<832xi32, #tpu.memory_space<hbm>>
    %dma_start3A_318 = tpu.memref_slice %arg4[%mul3A_316] : memref<106496xi32, #tpu.memory_space<hbm>> -> memref<832xi32, #tpu.memory_space<hbm>>
    tpu.enqueue_dma source(%dma_start3A_318 : memref<832xi32, #tpu.memory_space<hbm>>) target(%arg8 : memref<832xi32, #tpu.memory_space<vmem>>) target_semaphore(%arg18 : memref<!tpu.dma_semaphore, #tpu.memory_space<semaphore_mem>>)
    %mul3A_319 = arith.constant 50 : i32
    %mul3A_320 = arith.muli %add3A_314, %mul3A_319 : i32
    %dma_start3A_321 = tpu.memref_slice %arg5[%mul3A_320] : memref<204800xi32, #tpu.memory_space<hbm>> -> memref<1600xi32, #tpu.memory_space<hbm>>
    %dma_start3A_322 = tpu.memref_slice %arg5[%mul3A_320] : memref<204800xi32, #tpu.memory_space<hbm>> -> memref<1600xi32, #tpu.memory_space<hbm>>
    tpu.enqueue_dma source(%dma_start3A_322 : memref<1600xi32, #tpu.memory_space<hbm>>) target(%arg10 : memref<1600xi32, #tpu.memory_space<vmem>>) target_semaphore(%arg18 : memref<!tpu.dma_semaphore, #tpu.memory_space<semaphore_mem>>)
    %dma_wait3A_323 = tpu.memref_slice %arg4[%mul3A_160] : memref<106496xi32, #tpu.memory_space<hbm>> -> memref<832xi32, #tpu.memory_space<hbm>>
    %dma_wait3A_324 = tpu.memref_slice %arg4[%mul3A_160] : memref<106496xi32, #tpu.memory_space<hbm>> -> memref<832xi32, #tpu.memory_space<hbm>>
    tpu.wait_dma2 semaphore(%arg17 : memref<!tpu.dma_semaphore, #tpu.memory_space<semaphore_mem>>) src(%dma_wait3A_324 : memref<832xi32, #tpu.memory_space<hbm>>) dst(%arg7 : memref<832xi32, #tpu.memory_space<vmem>>)
    %dma_wait3A_325 = tpu.memref_slice %arg5[%mul3A_164] : memref<204800xi32, #tpu.memory_space<hbm>> -> memref<1600xi32, #tpu.memory_space<hbm>>
    %dma_wait3A_326 = tpu.memref_slice %arg5[%mul3A_164] : memref<204800xi32, #tpu.memory_space<hbm>> -> memref<1600xi32, #tpu.memory_space<hbm>>
    tpu.wait_dma2 semaphore(%arg17 : memref<!tpu.dma_semaphore, #tpu.memory_space<semaphore_mem>>) src(%dma_wait3A_326 : memref<1600xi32, #tpu.memory_space<hbm>>) dst(%arg9 : memref<1600xi32, #tpu.memory_space<vmem>>)
    %dma_wait3A_327 = tpu.memref_slice %arg6[%mul3A_298] : memref<1703936xf32, #tpu.memory_space<hbm>> -> memref<13312xf32, #tpu.memory_space<hbm>>
    %dma_wait3A_328 = tpu.memref_slice %arg6[%mul3A_298] : memref<1703936xf32, #tpu.memory_space<hbm>> -> memref<13312xf32, #tpu.memory_space<hbm>>
    tpu.wait_dma2 semaphore(%arg21 : memref<!tpu.dma_semaphore, #tpu.memory_space<semaphore_mem>>) src(%arg13 : memref<13312xf32, #tpu.memory_space<vmem>>) dst(%dma_wait3A_328 : memref<13312xf32, #tpu.memory_space<hbm>>)
    %scan3A_329 = arith.constant 0 : i32
    %scan3A_330 = arith.constant 0 : i32
    %scan3A_331 = arith.constant 52 : i32
    %scan3A_332 = arith.addi %scan3A_330, %scan3A_331 : i32
    %scan3A_333 = arith.constant 1 : i32
    scf.for %scan3A_633 = %scan3A_330 to %scan3A_332 step %scan3A_333  : i32 {
      %mul3A_634 = arith.constant 16 : i32
      %mul3A_635 = arith.muli %scan3A_633, %mul3A_634 : i32
      %get3A = arith.index_cast %mul3A_635 : i32 to index
      %get3A_636 = tpu.vector_load %arg7[%get3A] {strides = array<i32>} : memref<832xi32, #tpu.memory_space<vmem>>, vector<16xi32>,
      %get3A_637 = vector.shape_cast %get3A_636 : vector<16xi32> to vector<16xi32>
      %broadcast_in_dim3A = arith.constant 0 : i32
      %broadcast_in_dim3A_638 = vector.broadcast %broadcast_in_dim3A : i32 to vector<16x1xi32>
      %gather3A = vector.shape_cast %broadcast_in_dim3A_638 : vector<16x1xi32> to vector<16xi32>
      %gather3A_639 = tpu.dynamic_gather %get3A_637[%gather3A] in [0] : vector<16xi32>, vector<16xi32> -> vector<16xi32>
      %add3A_640 = arith.addi %gather3A_639, %mul3A_3 : vector<16xi32>
      %mul3A_641 = arith.constant 16 : i32
      %mul3A_642 = arith.muli %scan3A_633, %mul3A_641 : i32
      %add3A_643 = arith.constant 0 : i32
      %add3A_644 = arith.addi %mul3A_642, %add3A_643 : i32
      %mul3A_645 = arith.constant 16 : i32
      %mul3A_646 = arith.muli %add3A_644, %mul3A_645 : i32
      %swap3A = arith.index_cast %mul3A_646 : i32 to index
      %swap3A_647 = tpu.vector_load %arg11[%swap3A] {strides = array<i32>} : memref<13312xi32, #tpu.memory_space<vmem>>, vector<16xi32>,
      %swap3A_648 = vector.shape_cast %swap3A_647 : vector<16xi32> to vector<16xi32>
      %swap3A_649 = vector.shape_cast %add3A_640 : vector<16xi32> to vector<16xi32>
      tpu.vector_store %arg11[%swap3A], %swap3A_649 {strides = array<i32>} : memref<13312xi32, #tpu.memory_space<vmem>>, vector<16xi32>,
      %broadcast_in_dim3A_650 = arith.constant 1 : i32
      %broadcast_in_dim3A_651 = vector.broadcast %broadcast_in_dim3A_650 : i32 to vector<16x1xi32>
      %gather3A_652 = vector.shape_cast %broadcast_in_dim3A_651 : vector<16x1xi32> to vector<16xi32>
      %gather3A_653 = tpu.dynamic_gather %get3A_637[%gather3A_652] in [0] : vector<16xi32>, vector<16xi32> -> vector<16xi32>
      %add3A_654 = arith.addi %gather3A_653, %mul3A_3 : vector<16xi32>
      %mul3A_655 = arith.constant 16 : i32
      %mul3A_656 = arith.muli %scan3A_633, %mul3A_655 : i32
      %add3A_657 = arith.constant 1 : i32
      %add3A_658 = arith.addi %mul3A_656, %add3A_657 : i32
      %mul3A_659 = arith.constant 16 : i32
      %mul3A_660 = arith.muli %add3A_658, %mul3A_659 : i32
      %swap3A_661 = arith.index_cast %mul3A_660 : i32 to index
      %swap3A_662 = tpu.vector_load %arg11[%swap3A_661] {strides = array<i32>} : memref<13312xi32, #tpu.memory_space<vmem>>, vector<16xi32>,
      %swap3A_663 = vector.shape_cast %swap3A_662 : vector<16xi32> to vector<16xi32>
      %swap3A_664 = vector.shape_cast %add3A_654 : vector<16xi32> to vector<16xi32>
      tpu.vector_store %arg11[%swap3A_661], %swap3A_664 {strides = array<i32>} : memref<13312xi32, #tpu.memory_space<vmem>>, vector<16xi32>,
      %broadcast_in_dim3A_665 = arith.constant 2 : i32
      %broadcast_in_dim3A_666 = vector.broadcast %broadcast_in_dim3A_665 : i32 to vector<16x1xi32>
      %gather3A_667 = vector.shape_cast %broadcast_in_dim3A_666 : vector<16x1xi32> to vector<16xi32>
      %gather3A_668 = tpu.dynamic_gather %get3A_637[%gather3A_667] in [0] : vector<16xi32>, vector<16xi32> -> vector<16xi32>
      %add3A_669 = arith.addi %gather3A_668, %mul3A_3 : vector<16xi32>
      %mul3A_670 = arith.constant 16 : i32
      %mul3A_671 = arith.muli %scan3A_633, %mul3A_670 : i32
      %add3A_672 = arith.constant 2 : i32
      %add3A_673 = arith.addi %mul3A_671, %add3A_672 : i32
      %mul3A_674 = arith.constant 16 : i32
      %mul3A_675 = arith.muli %add3A_673, %mul3A_674 : i32
      %swap3A_676 = arith.index_cast %mul3A_675 : i32 to index
      %swap3A_677 = tpu.vector_load %arg11[%swap3A_676] {strides = array<i32>} : memref<13312xi32, #tpu.memory_space<vmem>>, vector<16xi32>,
      %swap3A_678 = vector.shape_cast %swap3A_677 : vector<16xi32> to vector<16xi32>
      %swap3A_679 = vector.shape_cast %add3A_669 : vector<16xi32> to vector<16xi32>
      tpu.vector_store %arg11[%swap3A_676], %swap3A_679 {strides = array<i32>} : memref<13312xi32, #tpu.memory_space<vmem>>, vector<16xi32>,
      %broadcast_in_dim3A_680 = arith.constant 3 : i32
      %broadcast_in_dim3A_681 = vector.broadcast %broadcast_in_dim3A_680 : i32 to vector<16x1xi32>
      %gather3A_682 = vector.shape_cast %broadcast_in_dim3A_681 : vector<16x1xi32> to vector<16xi32>
      %gather3A_683 = tpu.dynamic_gather %get3A_637[%gather3A_682] in [0] : vector<16xi32>, vector<16xi32> -> vector<16xi32>
      %add3A_684 = arith.addi %gather3A_683, %mul3A_3 : vector<16xi32>
      %mul3A_685 = arith.constant 16 : i32
      %mul3A_686 = arith.muli %scan3A_633, %mul3A_685 : i32
      %add3A_687 = arith.constant 3 : i32
      %add3A_688 = arith.addi %mul3A_686, %add3A_687 : i32
      %mul3A_689 = arith.constant 16 : i32
      %mul3A_690 = arith.muli %add3A_688, %mul3A_689 : i32
      %swap3A_691 = arith.index_cast %mul3A_690 : i32 to index
      %swap3A_692 = tpu.vector_load %arg11[%swap3A_691] {strides = array<i32>} : memref<13312xi32, #tpu.memory_space<vmem>>, vector<16xi32>,
      %swap3A_693 = vector.shape_cast %swap3A_692 : vector<16xi32> to vector<16xi32>
      %swap3A_694 = vector.shape_cast %add3A_684 : vector<16xi32> to vector<16xi32>
      tpu.vector_store %arg11[%swap3A_691], %swap3A_694 {strides = array<i32>} : memref<13312xi32, #tpu.memory_space<vmem>>, vector<16xi32>,
      %broadcast_in_dim3A_695 = arith.constant 4 : i32
      %broadcast_in_dim3A_696 = vector.broadcast %broadcast_in_dim3A_695 : i32 to vector<16x1xi32>
      %gather3A_697 = vector.shape_cast %broadcast_in_dim3A_696 : vector<16x1xi32> to vector<16xi32>
      %gather3A_698 = tpu.dynamic_gather %get3A_637[%gather3A_697] in [0] : vector<16xi32>, vector<16xi32> -> vector<16xi32>
      %add3A_699 = arith.addi %gather3A_698, %mul3A_3 : vector<16xi32>
      %mul3A_700 = arith.constant 16 : i32
      %mul3A_701 = arith.muli %scan3A_633, %mul3A_700 : i32
      %add3A_702 = arith.constant 4 : i32
      %add3A_703 = arith.addi %mul3A_701, %add3A_702 : i32
      %mul3A_704 = arith.constant 16 : i32
      %mul3A_705 = arith.muli %add3A_703, %mul3A_704 : i32
      %swap3A_706 = arith.index_cast %mul3A_705 : i32 to index
      %swap3A_707 = tpu.vector_load %arg11[%swap3A_706] {strides = array<i32>} : memref<13312xi32, #tpu.memory_space<vmem>>, vector<16xi32>,
      %swap3A_708 = vector.shape_cast %swap3A_707 : vector<16xi32> to vector<16xi32>
      %swap3A_709 = vector.shape_cast %add3A_699 : vector<16xi32> to vector<16xi32>
      tpu.vector_store %arg11[%swap3A_706], %swap3A_709 {strides = array<i32>} : memref<13312xi32, #tpu.memory_space<vmem>>, vector<16xi32>,
      %broadcast_in_dim3A_710 = arith.constant 5 : i32
      %broadcast_in_dim3A_711 = vector.broadcast %broadcast_in_dim3A_710 : i32 to vector<16x1xi32>
      %gather3A_712 = vector.shape_cast %broadcast_in_dim3A_711 : vector<16x1xi32> to vector<16xi32>
      %gather3A_713 = tpu.dynamic_gather %get3A_637[%gather3A_712] in [0] : vector<16xi32>, vector<16xi32> -> vector<16xi32>
      %add3A_714 = arith.addi %gather3A_713, %mul3A_3 : vector<16xi32>
      %mul3A_715 = arith.constant 16 : i32
      %mul3A_716 = arith.muli %scan3A_633, %mul3A_715 : i32
      %add3A_717 = arith.constant 5 : i32
      %add3A_718 = arith.addi %mul3A_716, %add3A_717 : i32
      %mul3A_719 = arith.constant 16 : i32
      %mul3A_720 = arith.muli %add3A_718, %mul3A_719 : i32
      %swap3A_721 = arith.index_cast %mul3A_720 : i32 to index
      %swap3A_722 = tpu.vector_load %arg11[%swap3A_721] {strides = array<i32>} : memref<13312xi32, #tpu.memory_space<vmem>>, vector<16xi32>,
      %swap3A_723 = vector.shape_cast %swap3A_722 : vector<16xi32> to vector<16xi32>
      %swap3A_724 = vector.shape_cast %add3A_714 : vector<16xi32> to vector<16xi32>
      tpu.vector_store %arg11[%swap3A_721], %swap3A_724 {strides = array<i32>} : memref<13312xi32, #tpu.memory_space<vmem>>, vector<16xi32>,
      %broadcast_in_dim3A_725 = arith.constant 6 : i32
      %broadcast_in_dim3A_726 = vector.broadcast %broadcast_in_dim3A_725 : i32 to vector<16x1xi32>
      %gather3A_727 = vector.shape_cast %broadcast_in_dim3A_726 : vector<16x1xi32> to vector<16xi32>
      %gather3A_728 = tpu.dynamic_gather %get3A_637[%gather3A_727] in [0] : vector<16xi32>, vector<16xi32> -> vector<16xi32>
      %add3A_729 = arith.addi %gather3A_728, %mul3A_3 : vector<16xi32>
      %mul3A_730 = arith.constant 16 : i32
      %mul3A_731 = arith.muli %scan3A_633, %mul3A_730 : i32
      %add3A_732 = arith.constant 6 : i32
      %add3A_733 = arith.addi %mul3A_731, %add3A_732 : i32
      %mul3A_734 = arith.constant 16 : i32
      %mul3A_735 = arith.muli %add3A_733, %mul3A_734 : i32
      %swap3A_736 = arith.index_cast %mul3A_735 : i32 to index
      %swap3A_737 = tpu.vector_load %arg11[%swap3A_736] {strides = array<i32>} : memref<13312xi32, #tpu.memory_space<vmem>>, vector<16xi32>,
      %swap3A_738 = vector.shape_cast %swap3A_737 : vector<16xi32> to vector<16xi32>
      %swap3A_739 = vector.shape_cast %add3A_729 : vector<16xi32> to vector<16xi32>
      tpu.vector_store %arg11[%swap3A_736], %swap3A_739 {strides = array<i32>} : memref<13312xi32, #tpu.memory_space<vmem>>, vector<16xi32>,
      %broadcast_in_dim3A_740 = arith.constant 7 : i32
      %broadcast_in_dim3A_741 = vector.broadcast %broadcast_in_dim3A_740 : i32 to vector<16x1xi32>
      %gather3A_742 = vector.shape_cast %broadcast_in_dim3A_741 : vector<16x1xi32> to vector<16xi32>
      %gather3A_743 = tpu.dynamic_gather %get3A_637[%gather3A_742] in [0] : vector<16xi32>, vector<16xi32> -> vector<16xi32>
      %add3A_744 = arith.addi %gather3A_743, %mul3A_3 : vector<16xi32>
      %mul3A_745 = arith.constant 16 : i32
      %mul3A_746 = arith.muli %scan3A_633, %mul3A_745 : i32
      %add3A_747 = arith.constant 7 : i32
      %add3A_748 = arith.addi %mul3A_746, %add3A_747 : i32
      %mul3A_749 = arith.constant 16 : i32
      %mul3A_750 = arith.muli %add3A_748, %mul3A_749 : i32
      %swap3A_751 = arith.index_cast %mul3A_750 : i32 to index
      %swap3A_752 = tpu.vector_load %arg11[%swap3A_751] {strides = array<i32>} : memref<13312xi32, #tpu.memory_space<vmem>>, vector<16xi32>,
      %swap3A_753 = vector.shape_cast %swap3A_752 : vector<16xi32> to vector<16xi32>
      %swap3A_754 = vector.shape_cast %add3A_744 : vector<16xi32> to vector<16xi32>
      tpu.vector_store %arg11[%swap3A_751], %swap3A_754 {strides = array<i32>} : memref<13312xi32, #tpu.memory_space<vmem>>, vector<16xi32>,
      %broadcast_in_dim3A_755 = arith.constant 8 : i32
      %broadcast_in_dim3A_756 = vector.broadcast %broadcast_in_dim3A_755 : i32 to vector<16x1xi32>
      %gather3A_757 = vector.shape_cast %broadcast_in_dim3A_756 : vector<16x1xi32> to vector<16xi32>
      %gather3A_758 = tpu.dynamic_gather %get3A_637[%gather3A_757] in [0] : vector<16xi32>, vector<16xi32> -> vector<16xi32>
      %add3A_759 = arith.addi %gather3A_758, %mul3A_3 : vector<16xi32>
      %mul3A_760 = arith.constant 16 : i32
      %mul3A_761 = arith.muli %scan3A_633, %mul3A_760 : i32
      %add3A_762 = arith.constant 8 : i32
      %add3A_763 = arith.addi %mul3A_761, %add3A_762 : i32
      %mul3A_764 = arith.constant 16 : i32
      %mul3A_765 = arith.muli %add3A_763, %mul3A_764 : i32
      %swap3A_766 = arith.index_cast %mul3A_765 : i32 to index
      %swap3A_767 = tpu.vector_load %arg11[%swap3A_766] {strides = array<i32>} : memref<13312xi32, #tpu.memory_space<vmem>>, vector<16xi32>,
      %swap3A_768 = vector.shape_cast %swap3A_767 : vector<16xi32> to vector<16xi32>
      %swap3A_769 = vector.shape_cast %add3A_759 : vector<16xi32> to vector<16xi32>
      tpu.vector_store %arg11[%swap3A_766], %swap3A_769 {strides = array<i32>} : memref<13312xi32, #tpu.memory_space<vmem>>, vector<16xi32>,
      %broadcast_in_dim3A_770 = arith.constant 9 : i32
      %broadcast_in_dim3A_771 = vector.broadcast %broadcast_in_dim3A_770 : i32 to vector<16x1xi32>
      %gather3A_772 = vector.shape_cast %broadcast_in_dim3A_771 : vector<16x1xi32> to vector<16xi32>
      %gather3A_773 = tpu.dynamic_gather %get3A_637[%gather3A_772] in [0] : vector<16xi32>, vector<16xi32> -> vector<16xi32>
      %add3A_774 = arith.addi %gather3A_773, %mul3A_3 : vector<16xi32>
      %mul3A_775 = arith.constant 16 : i32
      %mul3A_776 = arith.muli %scan3A_633, %mul3A_775 : i32
      %add3A_777 = arith.constant 9 : i32
      %add3A_778 = arith.addi %mul3A_776, %add3A_777 : i32
      %mul3A_779 = arith.constant 16 : i32
      %mul3A_780 = arith.muli %add3A_778, %mul3A_779 : i32
      %swap3A_781 = arith.index_cast %mul3A_780 : i32 to index
      %swap3A_782 = tpu.vector_load %arg11[%swap3A_781] {strides = array<i32>} : memref<13312xi32, #tpu.memory_space<vmem>>, vector<16xi32>,
      %swap3A_783 = vector.shape_cast %swap3A_782 : vector<16xi32> to vector<16xi32>
      %swap3A_784 = vector.shape_cast %add3A_774 : vector<16xi32> to vector<16xi32>
      tpu.vector_store %arg11[%swap3A_781], %swap3A_784 {strides = array<i32>} : memref<13312xi32, #tpu.memory_space<vmem>>, vector<16xi32>,
      %broadcast_in_dim3A_785 = arith.constant 10 : i32
      %broadcast_in_dim3A_786 = vector.broadcast %broadcast_in_dim3A_785 : i32 to vector<16x1xi32>
      %gather3A_787 = vector.shape_cast %broadcast_in_dim3A_786 : vector<16x1xi32> to vector<16xi32>
      %gather3A_788 = tpu.dynamic_gather %get3A_637[%gather3A_787] in [0] : vector<16xi32>, vector<16xi32> -> vector<16xi32>
      %add3A_789 = arith.addi %gather3A_788, %mul3A_3 : vector<16xi32>
      %mul3A_790 = arith.constant 16 : i32
      %mul3A_791 = arith.muli %scan3A_633, %mul3A_790 : i32
      %add3A_792 = arith.constant 10 : i32
      %add3A_793 = arith.addi %mul3A_791, %add3A_792 : i32
      %mul3A_794 = arith.constant 16 : i32
      %mul3A_795 = arith.muli %add3A_793, %mul3A_794 : i32
      %swap3A_796 = arith.index_cast %mul3A_795 : i32 to index
      %swap3A_797 = tpu.vector_load %arg11[%swap3A_796] {strides = array<i32>} : memref<13312xi32, #tpu.memory_space<vmem>>, vector<16xi32>,
      %swap3A_798 = vector.shape_cast %swap3A_797 : vector<16xi32> to vector<16xi32>
      %swap3A_799 = vector.shape_cast %add3A_789 : vector<16xi32> to vector<16xi32>
      tpu.vector_store %arg11[%swap3A_796], %swap3A_799 {strides = array<i32>} : memref<13312xi32, #tpu.memory_space<vmem>>, vector<16xi32>,
      %broadcast_in_dim3A_800 = arith.constant 11 : i32
      %broadcast_in_dim3A_801 = vector.broadcast %broadcast_in_dim3A_800 : i32 to vector<16x1xi32>
      %gather3A_802 = vector.shape_cast %broadcast_in_dim3A_801 : vector<16x1xi32> to vector<16xi32>
      %gather3A_803 = tpu.dynamic_gather %get3A_637[%gather3A_802] in [0] : vector<16xi32>, vector<16xi32> -> vector<16xi32>
      %add3A_804 = arith.addi %gather3A_803, %mul3A_3 : vector<16xi32>
      %mul3A_805 = arith.constant 16 : i32
      %mul3A_806 = arith.muli %scan3A_633, %mul3A_805 : i32
      %add3A_807 = arith.constant 11 : i32
      %add3A_808 = arith.addi %mul3A_806, %add3A_807 : i32
      %mul3A_809 = arith.constant 16 : i32
      %mul3A_810 = arith.muli %add3A_808, %mul3A_809 : i32
      %swap3A_811 = arith.index_cast %mul3A_810 : i32 to index
      %swap3A_812 = tpu.vector_load %arg11[%swap3A_811] {strides = array<i32>} : memref<13312xi32, #tpu.memory_space<vmem>>, vector<16xi32>,
      %swap3A_813 = vector.shape_cast %swap3A_812 : vector<16xi32> to vector<16xi32>
      %swap3A_814 = vector.shape_cast %add3A_804 : vector<16xi32> to vector<16xi32>
      tpu.vector_store %arg11[%swap3A_811], %swap3A_814 {strides = array<i32>} : memref<13312xi32, #tpu.memory_space<vmem>>, vector<16xi32>,
      %broadcast_in_dim3A_815 = arith.constant 12 : i32
      %broadcast_in_dim3A_816 = vector.broadcast %broadcast_in_dim3A_815 : i32 to vector<16x1xi32>
      %gather3A_817 = vector.shape_cast %broadcast_in_dim3A_816 : vector<16x1xi32> to vector<16xi32>
      %gather3A_818 = tpu.dynamic_gather %get3A_637[%gather3A_817] in [0] : vector<16xi32>, vector<16xi32> -> vector<16xi32>
      %add3A_819 = arith.addi %gather3A_818, %mul3A_3 : vector<16xi32>
      %mul3A_820 = arith.constant 16 : i32
      %mul3A_821 = arith.muli %scan3A_633, %mul3A_820 : i32
      %add3A_822 = arith.constant 12 : i32
      %add3A_823 = arith.addi %mul3A_821, %add3A_822 : i32
      %mul3A_824 = arith.constant 16 : i32
      %mul3A_825 = arith.muli %add3A_823, %mul3A_824 : i32
      %swap3A_826 = arith.index_cast %mul3A_825 : i32 to index
      %swap3A_827 = tpu.vector_load %arg11[%swap3A_826] {strides = array<i32>} : memref<13312xi32, #tpu.memory_space<vmem>>, vector<16xi32>,
      %swap3A_828 = vector.shape_cast %swap3A_827 : vector<16xi32> to vector<16xi32>
      %swap3A_829 = vector.shape_cast %add3A_819 : vector<16xi32> to vector<16xi32>
      tpu.vector_store %arg11[%swap3A_826], %swap3A_829 {strides = array<i32>} : memref<13312xi32, #tpu.memory_space<vmem>>, vector<16xi32>,
      %broadcast_in_dim3A_830 = arith.constant 13 : i32
      %broadcast_in_dim3A_831 = vector.broadcast %broadcast_in_dim3A_830 : i32 to vector<16x1xi32>
      %gather3A_832 = vector.shape_cast %broadcast_in_dim3A_831 : vector<16x1xi32> to vector<16xi32>
      %gather3A_833 = tpu.dynamic_gather %get3A_637[%gather3A_832] in [0] : vector<16xi32>, vector<16xi32> -> vector<16xi32>
      %add3A_834 = arith.addi %gather3A_833, %mul3A_3 : vector<16xi32>
      %mul3A_835 = arith.constant 16 : i32
      %mul3A_836 = arith.muli %scan3A_633, %mul3A_835 : i32
      %add3A_837 = arith.constant 13 : i32
      %add3A_838 = arith.addi %mul3A_836, %add3A_837 : i32
      %mul3A_839 = arith.constant 16 : i32
      %mul3A_840 = arith.muli %add3A_838, %mul3A_839 : i32
      %swap3A_841 = arith.index_cast %mul3A_840 : i32 to index
      %swap3A_842 = tpu.vector_load %arg11[%swap3A_841] {strides = array<i32>} : memref<13312xi32, #tpu.memory_space<vmem>>, vector<16xi32>,
      %swap3A_843 = vector.shape_cast %swap3A_842 : vector<16xi32> to vector<16xi32>
      %swap3A_844 = vector.shape_cast %add3A_834 : vector<16xi32> to vector<16xi32>
      tpu.vector_store %arg11[%swap3A_841], %swap3A_844 {strides = array<i32>} : memref<13312xi32, #tpu.memory_space<vmem>>, vector<16xi32>,
      %broadcast_in_dim3A_845 = arith.constant 14 : i32
      %broadcast_in_dim3A_846 = vector.broadcast %broadcast_in_dim3A_845 : i32 to vector<16x1xi32>
      %gather3A_847 = vector.shape_cast %broadcast_in_dim3A_846 : vector<16x1xi32> to vector<16xi32>
      %gather3A_848 = tpu.dynamic_gather %get3A_637[%gather3A_847] in [0] : vector<16xi32>, vector<16xi32> -> vector<16xi32>
      %add3A_849 = arith.addi %gather3A_848, %mul3A_3 : vector<16xi32>
      %mul3A_850 = arith.constant 16 : i32
      %mul3A_851 = arith.muli %scan3A_633, %mul3A_850 : i32
      %add3A_852 = arith.constant 14 : i32
      %add3A_853 = arith.addi %mul3A_851, %add3A_852 : i32
      %mul3A_854 = arith.constant 16 : i32
      %mul3A_855 = arith.muli %add3A_853, %mul3A_854 : i32
      %swap3A_856 = arith.index_cast %mul3A_855 : i32 to index
      %swap3A_857 = tpu.vector_load %arg11[%swap3A_856] {strides = array<i32>} : memref<13312xi32, #tpu.memory_space<vmem>>, vector<16xi32>,
      %swap3A_858 = vector.shape_cast %swap3A_857 : vector<16xi32> to vector<16xi32>
      %swap3A_859 = vector.shape_cast %add3A_849 : vector<16xi32> to vector<16xi32>
      tpu.vector_store %arg11[%swap3A_856], %swap3A_859 {strides = array<i32>} : memref<13312xi32, #tpu.memory_space<vmem>>, vector<16xi32>,
      %broadcast_in_dim3A_860 = arith.constant 15 : i32
      %broadcast_in_dim3A_861 = vector.broadcast %broadcast_in_dim3A_860 : i32 to vector<16x1xi32>
      %gather3A_862 = vector.shape_cast %broadcast_in_dim3A_861 : vector<16x1xi32> to vector<16xi32>
      %gather3A_863 = tpu.dynamic_gather %get3A_637[%gather3A_862] in [0] : vector<16xi32>, vector<16xi32> -> vector<16xi32>
      %add3A_864 = arith.addi %gather3A_863, %mul3A_3 : vector<16xi32>
      %mul3A_865 = arith.constant 16 : i32
      %mul3A_866 = arith.muli %scan3A_633, %mul3A_865 : i32
      %add3A_867 = arith.constant 15 : i32
      %add3A_868 = arith.addi %mul3A_866, %add3A_867 : i32
      %mul3A_869 = arith.constant 16 : i32
      %mul3A_870 = arith.muli %add3A_868, %mul3A_869 : i32
      %swap3A_871 = arith.index_cast %mul3A_870 : i32 to index
      %swap3A_872 = tpu.vector_load %arg11[%swap3A_871] {strides = array<i32>} : memref<13312xi32, #tpu.memory_space<vmem>>, vector<16xi32>,
      %swap3A_873 = vector.shape_cast %swap3A_872 : vector<16xi32> to vector<16xi32>
      %swap3A_874 = vector.shape_cast %add3A_864 : vector<16xi32> to vector<16xi32>
      tpu.vector_store %arg11[%swap3A_871], %swap3A_874 {strides = array<i32>} : memref<13312xi32, #tpu.memory_space<vmem>>, vector<16xi32>,
    }
    %scan3A_334 = arith.constant 52 : i32
    %scan3A_335 = arith.constant 0 : i32
    %scan3A_336 = arith.constant 0 : i32
    %scan3A_337 = arith.constant 104 : i32
    %scan3A_338 = arith.addi %scan3A_336, %scan3A_337 : i32
    %scan3A_339 = arith.constant 1 : i32
    scf.for %scan3A_633 = %scan3A_336 to %scan3A_338 step %scan3A_339  : i32 {
      %mul3A_634 = arith.constant 128 : i32
      %mul3A_635 = arith.muli %scan3A_633, %mul3A_634 : i32
      %mul3A_636 = arith.constant 128 : i32
      %mul3A_637 = arith.muli %scan3A_633, %mul3A_636 : i32
      %dma_start3A_638 = tpu.memref_slice %arg13[%mul3A_637] : memref<13312xf32, #tpu.memory_space<vmem>> -> memref<128xf32, #tpu.memory_space<vmem>>
      %dma_start3A_639 = tpu.memref_slice %arg11[%mul3A_635] : memref<13312xi32, #tpu.memory_space<vmem>> -> memref<128xi32, #tpu.memory_space<vmem>>
      %dma_start3A_640 = arith.constant 0 : i32
      %dma_start3A_641 = tpu.memref_slice %arg2[%dma_start3A_640] : memref<41600000xf32, #tpu.memory_space<hbm>> -> memref<41600000xf32, #tpu.memory_space<hbm>>
      tpu.enqueue_indirect_dma source(%dma_start3A_641 : memref<41600000xf32, #tpu.memory_space<hbm>>) target(%dma_start3A_638 : memref<128xf32, #tpu.memory_space<vmem>>) offsets(%dma_start3A_639 : memref<128xi32, #tpu.memory_space<vmem>>) semaphore(%arg19 : memref<!tpu.dma_semaphore, #tpu.memory_space<semaphore_mem>>)
    }
    %scan3A_340 = arith.constant 104 : i32
    %dma_start3A_341 = arith.constant 0 : i32
    %dma_start3A_342 = arith.constant 0 : i32
    %dma_start3A_343 = tpu.memref_slice %arg15[%dma_start3A_341, %dma_start3A_342] : memref<1600x16xf32, #tpu.memory_space<vmem>> -> memref<128x16xf32, #tpu.memory_space<vmem>>
    %dma_start3A_344 = arith.constant 0 : i32
    %dma_start3A_345 = tpu.memref_slice %arg9[%dma_start3A_344] : memref<1600xi32, #tpu.memory_space<vmem>> -> memref<128xi32, #tpu.memory_space<vmem>>
    %dma_start3A_346 = arith.constant 0 : i32
    %dma_start3A_347 = arith.constant 0 : i32
    %dma_start3A_348 = tpu.memref_slice %arg3[%dma_start3A_346, %dma_start3A_347] : memref<100000x16xf32, #tpu.memory_space<hbm>> -> memref<100000x16xf32, #tpu.memory_space<hbm>>
    tpu.enqueue_indirect_dma source(%dma_start3A_348 : memref<100000x16xf32, #tpu.memory_space<hbm>>) target(%dma_start3A_343 : memref<128x16xf32, #tpu.memory_space<vmem>>) offsets(%dma_start3A_345 : memref<128xi32, #tpu.memory_space<vmem>>) semaphore(%arg19 : memref<!tpu.dma_semaphore, #tpu.memory_space<semaphore_mem>>)
    %dma_start3A_349 = arith.constant 128 : i32
    %dma_start3A_350 = arith.constant 0 : i32
    %dma_start3A_351 = tpu.memref_slice %arg15[%dma_start3A_349, %dma_start3A_350] : memref<1600x16xf32, #tpu.memory_space<vmem>> -> memref<128x16xf32, #tpu.memory_space<vmem>>
    %dma_start3A_352 = arith.constant 128 : i32
    %dma_start3A_353 = tpu.memref_slice %arg9[%dma_start3A_352] : memref<1600xi32, #tpu.memory_space<vmem>> -> memref<128xi32, #tpu.memory_space<vmem>>
    %dma_start3A_354 = arith.constant 0 : i32
    %dma_start3A_355 = arith.constant 0 : i32
    %dma_start3A_356 = tpu.memref_slice %arg3[%dma_start3A_354, %dma_start3A_355] : memref<100000x16xf32, #tpu.memory_space<hbm>> -> memref<100000x16xf32, #tpu.memory_space<hbm>>
    tpu.enqueue_indirect_dma source(%dma_start3A_356 : memref<100000x16xf32, #tpu.memory_space<hbm>>) target(%dma_start3A_351 : memref<128x16xf32, #tpu.memory_space<vmem>>) offsets(%dma_start3A_353 : memref<128xi32, #tpu.memory_space<vmem>>) semaphore(%arg19 : memref<!tpu.dma_semaphore, #tpu.memory_space<semaphore_mem>>)
    %dma_start3A_357 = arith.constant 256 : i32
    %dma_start3A_358 = arith.constant 0 : i32
    %dma_start3A_359 = tpu.memref_slice %arg15[%dma_start3A_357, %dma_start3A_358] : memref<1600x16xf32, #tpu.memory_space<vmem>> -> memref<128x16xf32, #tpu.memory_space<vmem>>
    %dma_start3A_360 = arith.constant 256 : i32
    %dma_start3A_361 = tpu.memref_slice %arg9[%dma_start3A_360] : memref<1600xi32, #tpu.memory_space<vmem>> -> memref<128xi32, #tpu.memory_space<vmem>>
    %dma_start3A_362 = arith.constant 0 : i32
    %dma_start3A_363 = arith.constant 0 : i32
    %dma_start3A_364 = tpu.memref_slice %arg3[%dma_start3A_362, %dma_start3A_363] : memref<100000x16xf32, #tpu.memory_space<hbm>> -> memref<100000x16xf32, #tpu.memory_space<hbm>>
    tpu.enqueue_indirect_dma source(%dma_start3A_364 : memref<100000x16xf32, #tpu.memory_space<hbm>>) target(%dma_start3A_359 : memref<128x16xf32, #tpu.memory_space<vmem>>) offsets(%dma_start3A_361 : memref<128xi32, #tpu.memory_space<vmem>>) semaphore(%arg19 : memref<!tpu.dma_semaphore, #tpu.memory_space<semaphore_mem>>)
    %dma_start3A_365 = arith.constant 384 : i32
    %dma_start3A_366 = arith.constant 0 : i32
    %dma_start3A_367 = tpu.memref_slice %arg15[%dma_start3A_365, %dma_start3A_366] : memref<1600x16xf32, #tpu.memory_space<vmem>> -> memref<128x16xf32, #tpu.memory_space<vmem>>
    %dma_start3A_368 = arith.constant 384 : i32
    %dma_start3A_369 = tpu.memref_slice %arg9[%dma_start3A_368] : memref<1600xi32, #tpu.memory_space<vmem>> -> memref<128xi32, #tpu.memory_space<vmem>>
    %dma_start3A_370 = arith.constant 0 : i32
    %dma_start3A_371 = arith.constant 0 : i32
    %dma_start3A_372 = tpu.memref_slice %arg3[%dma_start3A_370, %dma_start3A_371] : memref<100000x16xf32, #tpu.memory_space<hbm>> -> memref<100000x16xf32, #tpu.memory_space<hbm>>
    tpu.enqueue_indirect_dma source(%dma_start3A_372 : memref<100000x16xf32, #tpu.memory_space<hbm>>) target(%dma_start3A_367 : memref<128x16xf32, #tpu.memory_space<vmem>>) offsets(%dma_start3A_369 : memref<128xi32, #tpu.memory_space<vmem>>) semaphore(%arg19 : memref<!tpu.dma_semaphore, #tpu.memory_space<semaphore_mem>>)
    %dma_start3A_373 = arith.constant 512 : i32
    %dma_start3A_374 = arith.constant 0 : i32
    %dma_start3A_375 = tpu.memref_slice %arg15[%dma_start3A_373, %dma_start3A_374] : memref<1600x16xf32, #tpu.memory_space<vmem>> -> memref<128x16xf32, #tpu.memory_space<vmem>>
    %dma_start3A_376 = arith.constant 512 : i32
    %dma_start3A_377 = tpu.memref_slice %arg9[%dma_start3A_376] : memref<1600xi32, #tpu.memory_space<vmem>> -> memref<128xi32, #tpu.memory_space<vmem>>
    %dma_start3A_378 = arith.constant 0 : i32
    %dma_start3A_379 = arith.constant 0 : i32
    %dma_start3A_380 = tpu.memref_slice %arg3[%dma_start3A_378, %dma_start3A_379] : memref<100000x16xf32, #tpu.memory_space<hbm>> -> memref<100000x16xf32, #tpu.memory_space<hbm>>
    tpu.enqueue_indirect_dma source(%dma_start3A_380 : memref<100000x16xf32, #tpu.memory_space<hbm>>) target(%dma_start3A_375 : memref<128x16xf32, #tpu.memory_space<vmem>>) offsets(%dma_start3A_377 : memref<128xi32, #tpu.memory_space<vmem>>) semaphore(%arg19 : memref<!tpu.dma_semaphore, #tpu.memory_space<semaphore_mem>>)
    %dma_start3A_381 = arith.constant 640 : i32
    %dma_start3A_382 = arith.constant 0 : i32
    %dma_start3A_383 = tpu.memref_slice %arg15[%dma_start3A_381, %dma_start3A_382] : memref<1600x16xf32, #tpu.memory_space<vmem>> -> memref<128x16xf32, #tpu.memory_space<vmem>>
    %dma_start3A_384 = arith.constant 640 : i32
    %dma_start3A_385 = tpu.memref_slice %arg9[%dma_start3A_384] : memref<1600xi32, #tpu.memory_space<vmem>> -> memref<128xi32, #tpu.memory_space<vmem>>
    %dma_start3A_386 = arith.constant 0 : i32
    %dma_start3A_387 = arith.constant 0 : i32
    %dma_start3A_388 = tpu.memref_slice %arg3[%dma_start3A_386, %dma_start3A_387] : memref<100000x16xf32, #tpu.memory_space<hbm>> -> memref<100000x16xf32, #tpu.memory_space<hbm>>
    tpu.enqueue_indirect_dma source(%dma_start3A_388 : memref<100000x16xf32, #tpu.memory_space<hbm>>) target(%dma_start3A_383 : memref<128x16xf32, #tpu.memory_space<vmem>>) offsets(%dma_start3A_385 : memref<128xi32, #tpu.memory_space<vmem>>) semaphore(%arg19 : memref<!tpu.dma_semaphore, #tpu.memory_space<semaphore_mem>>)
    %dma_start3A_389 = arith.constant 768 : i32
    %dma_start3A_390 = arith.constant 0 : i32
    %dma_start3A_391 = tpu.memref_slice %arg15[%dma_start3A_389, %dma_start3A_390] : memref<1600x16xf32, #tpu.memory_space<vmem>> -> memref<128x16xf32, #tpu.memory_space<vmem>>
    %dma_start3A_392 = arith.constant 768 : i32
    %dma_start3A_393 = tpu.memref_slice %arg9[%dma_start3A_392] : memref<1600xi32, #tpu.memory_space<vmem>> -> memref<128xi32, #tpu.memory_space<vmem>>
    %dma_start3A_394 = arith.constant 0 : i32
    %dma_start3A_395 = arith.constant 0 : i32
    %dma_start3A_396 = tpu.memref_slice %arg3[%dma_start3A_394, %dma_start3A_395] : memref<100000x16xf32, #tpu.memory_space<hbm>> -> memref<100000x16xf32, #tpu.memory_space<hbm>>
    tpu.enqueue_indirect_dma source(%dma_start3A_396 : memref<100000x16xf32, #tpu.memory_space<hbm>>) target(%dma_start3A_391 : memref<128x16xf32, #tpu.memory_space<vmem>>) offsets(%dma_start3A_393 : memref<128xi32, #tpu.memory_space<vmem>>) semaphore(%arg19 : memref<!tpu.dma_semaphore, #tpu.memory_space<semaphore_mem>>)
    %dma_start3A_397 = arith.constant 896 : i32
    %dma_start3A_398 = arith.constant 0 : i32
    %dma_start3A_399 = tpu.memref_slice %arg15[%dma_start3A_397, %dma_start3A_398] : memref<1600x16xf32, #tpu.memory_space<vmem>> -> memref<128x16xf32, #tpu.memory_space<vmem>>
    %dma_start3A_400 = arith.constant 896 : i32
    %dma_start3A_401 = tpu.memref_slice %arg9[%dma_start3A_400] : memref<1600xi32, #tpu.memory_space<vmem>> -> memref<128xi32, #tpu.memory_space<vmem>>
    %dma_start3A_402 = arith.constant 0 : i32
    %dma_start3A_403 = arith.constant 0 : i32
    %dma_start3A_404 = tpu.memref_slice %arg3[%dma_start3A_402, %dma_start3A_403] : memref<100000x16xf32, #tpu.memory_space<hbm>> -> memref<100000x16xf32, #tpu.memory_space<hbm>>
    tpu.enqueue_indirect_dma source(%dma_start3A_404 : memref<100000x16xf32, #tpu.memory_space<hbm>>) target(%dma_start3A_399 : memref<128x16xf32, #tpu.memory_space<vmem>>) offsets(%dma_start3A_401 : memref<128xi32, #tpu.memory_space<vmem>>) semaphore(%arg19 : memref<!tpu.dma_semaphore, #tpu.memory_space<semaphore_mem>>)
    %dma_start3A_405 = arith.constant 1024 : i32
    %dma_start3A_406 = arith.constant 0 : i32
    %dma_start3A_407 = tpu.memref_slice %arg15[%dma_start3A_405, %dma_start3A_406] : memref<1600x16xf32, #tpu.memory_space<vmem>> -> memref<128x16xf32, #tpu.memory_space<vmem>>
    %dma_start3A_408 = arith.constant 1024 : i32
    %dma_start3A_409 = tpu.memref_slice %arg9[%dma_start3A_408] : memref<1600xi32, #tpu.memory_space<vmem>> -> memref<128xi32, #tpu.memory_space<vmem>>
    %dma_start3A_410 = arith.constant 0 : i32
    %dma_start3A_411 = arith.constant 0 : i32
    %dma_start3A_412 = tpu.memref_slice %arg3[%dma_start3A_410, %dma_start3A_411] : memref<100000x16xf32, #tpu.memory_space<hbm>> -> memref<100000x16xf32, #tpu.memory_space<hbm>>
    tpu.enqueue_indirect_dma source(%dma_start3A_412 : memref<100000x16xf32, #tpu.memory_space<hbm>>) target(%dma_start3A_407 : memref<128x16xf32, #tpu.memory_space<vmem>>) offsets(%dma_start3A_409 : memref<128xi32, #tpu.memory_space<vmem>>) semaphore(%arg19 : memref<!tpu.dma_semaphore, #tpu.memory_space<semaphore_mem>>)
    %dma_start3A_413 = arith.constant 1152 : i32
    %dma_start3A_414 = arith.constant 0 : i32
    %dma_start3A_415 = tpu.memref_slice %arg15[%dma_start3A_413, %dma_start3A_414] : memref<1600x16xf32, #tpu.memory_space<vmem>> -> memref<128x16xf32, #tpu.memory_space<vmem>>
    %dma_start3A_416 = arith.constant 1152 : i32
    %dma_start3A_417 = tpu.memref_slice %arg9[%dma_start3A_416] : memref<1600xi32, #tpu.memory_space<vmem>> -> memref<128xi32, #tpu.memory_space<vmem>>
    %dma_start3A_418 = arith.constant 0 : i32
    %dma_start3A_419 = arith.constant 0 : i32
    %dma_start3A_420 = tpu.memref_slice %arg3[%dma_start3A_418, %dma_start3A_419] : memref<100000x16xf32, #tpu.memory_space<hbm>> -> memref<100000x16xf32, #tpu.memory_space<hbm>>
    tpu.enqueue_indirect_dma source(%dma_start3A_420 : memref<100000x16xf32, #tpu.memory_space<hbm>>) target(%dma_start3A_415 : memref<128x16xf32, #tpu.memory_space<vmem>>) offsets(%dma_start3A_417 : memref<128xi32, #tpu.memory_space<vmem>>) semaphore(%arg19 : memref<!tpu.dma_semaphore, #tpu.memory_space<semaphore_mem>>)
    %dma_start3A_421 = arith.constant 1280 : i32
    %dma_start3A_422 = arith.constant 0 : i32
    %dma_start3A_423 = tpu.memref_slice %arg15[%dma_start3A_421, %dma_start3A_422] : memref<1600x16xf32, #tpu.memory_space<vmem>> -> memref<128x16xf32, #tpu.memory_space<vmem>>
    %dma_start3A_424 = arith.constant 1280 : i32
    %dma_start3A_425 = tpu.memref_slice %arg9[%dma_start3A_424] : memref<1600xi32, #tpu.memory_space<vmem>> -> memref<128xi32, #tpu.memory_space<vmem>>
    %dma_start3A_426 = arith.constant 0 : i32
    %dma_start3A_427 = arith.constant 0 : i32
    %dma_start3A_428 = tpu.memref_slice %arg3[%dma_start3A_426, %dma_start3A_427] : memref<100000x16xf32, #tpu.memory_space<hbm>> -> memref<100000x16xf32, #tpu.memory_space<hbm>>
    tpu.enqueue_indirect_dma source(%dma_start3A_428 : memref<100000x16xf32, #tpu.memory_space<hbm>>) target(%dma_start3A_423 : memref<128x16xf32, #tpu.memory_space<vmem>>) offsets(%dma_start3A_425 : memref<128xi32, #tpu.memory_space<vmem>>) semaphore(%arg19 : memref<!tpu.dma_semaphore, #tpu.memory_space<semaphore_mem>>)
    %dma_start3A_429 = arith.constant 1408 : i32
    %dma_start3A_430 = arith.constant 0 : i32
    %dma_start3A_431 = tpu.memref_slice %arg15[%dma_start3A_429, %dma_start3A_430] : memref<1600x16xf32, #tpu.memory_space<vmem>> -> memref<128x16xf32, #tpu.memory_space<vmem>>
    %dma_start3A_432 = arith.constant 1408 : i32
    %dma_start3A_433 = tpu.memref_slice %arg9[%dma_start3A_432] : memref<1600xi32, #tpu.memory_space<vmem>> -> memref<128xi32, #tpu.memory_space<vmem>>
    %dma_start3A_434 = arith.constant 0 : i32
    %dma_start3A_435 = arith.constant 0 : i32
    %dma_start3A_436 = tpu.memref_slice %arg3[%dma_start3A_434, %dma_start3A_435] : memref<100000x16xf32, #tpu.memory_space<hbm>> -> memref<100000x16xf32, #tpu.memory_space<hbm>>
    tpu.enqueue_indirect_dma source(%dma_start3A_436 : memref<100000x16xf32, #tpu.memory_space<hbm>>) target(%dma_start3A_431 : memref<128x16xf32, #tpu.memory_space<vmem>>) offsets(%dma_start3A_433 : memref<128xi32, #tpu.memory_space<vmem>>) semaphore(%arg19 : memref<!tpu.dma_semaphore, #tpu.memory_space<semaphore_mem>>)
    %dma_start3A_437 = arith.constant 1536 : i32
    %dma_start3A_438 = arith.constant 0 : i32
    %dma_start3A_439 = tpu.memref_slice %arg15[%dma_start3A_437, %dma_start3A_438] : memref<1600x16xf32, #tpu.memory_space<vmem>> -> memref<64x16xf32, #tpu.memory_space<vmem>>
    %dma_start3A_440 = arith.constant 1536 : i32
    %dma_start3A_441 = tpu.memref_slice %arg9[%dma_start3A_440] : memref<1600xi32, #tpu.memory_space<vmem>> -> memref<64xi32, #tpu.memory_space<vmem>>
    %dma_start3A_442 = arith.constant 0 : i32
    %dma_start3A_443 = arith.constant 0 : i32
    %dma_start3A_444 = tpu.memref_slice %arg3[%dma_start3A_442, %dma_start3A_443] : memref<100000x16xf32, #tpu.memory_space<hbm>> -> memref<100000x16xf32, #tpu.memory_space<hbm>>
    tpu.enqueue_indirect_dma source(%dma_start3A_444 : memref<100000x16xf32, #tpu.memory_space<hbm>>) target(%dma_start3A_439 : memref<64x16xf32, #tpu.memory_space<vmem>>) offsets(%dma_start3A_441 : memref<64xi32, #tpu.memory_space<vmem>>) semaphore(%arg19 : memref<!tpu.dma_semaphore, #tpu.memory_space<semaphore_mem>>)
    %scan3A_445 = arith.constant 0 : i32
    %scan3A_446 = arith.constant 0 : i32
    %scan3A_447 = arith.constant 32 : i32
    %scan3A_448 = arith.addi %scan3A_446, %scan3A_447 : i32
    %scan3A_449 = arith.constant 1 : i32
    scf.for %scan3A_633 = %scan3A_446 to %scan3A_448 step %scan3A_449  : i32 {
      %mul3A_634 = arith.constant 50 : i32
      %mul3A_635 = arith.muli %scan3A_633, %mul3A_634 : i32
      %add3A_636 = arith.constant 0 : i32
      %add3A_637 = arith.addi %mul3A_635, %add3A_636 : i32
      %get3A = arith.index_cast %add3A_637 : i32 to index
      %get3A_638 = arith.constant 0 : index
      %get3A_639 = tpu.vector_load %arg16[%get3A, %get3A_638] {strides = array<i32>} : memref<1600x16xf32, #tpu.memory_space<vmem>>, vector<1x16xf32>,
      %get3A_640 = vector.shape_cast %get3A_639 : vector<1x16xf32> to vector<16xf32>
      %add3A_641 = arith.constant 1 : i32
      %add3A_642 = arith.addi %mul3A_635, %add3A_641 : i32
      %get3A_643 = arith.index_cast %add3A_642 : i32 to index
      %get3A_644 = arith.constant 0 : index
      %get3A_645 = tpu.vector_load %arg16[%get3A_643, %get3A_644] {strides = array<i32>} : memref<1600x16xf32, #tpu.memory_space<vmem>>, vector<1x16xf32>,
      %get3A_646 = vector.shape_cast %get3A_645 : vector<1x16xf32> to vector<16xf32>
      %add3A_647 = arith.constant 2 : i32
      %add3A_648 = arith.addi %mul3A_635, %add3A_647 : i32
      %get3A_649 = arith.index_cast %add3A_648 : i32 to index
      %get3A_650 = arith.constant 0 : index
      %get3A_651 = tpu.vector_load %arg16[%get3A_649, %get3A_650] {strides = array<i32>} : memref<1600x16xf32, #tpu.memory_space<vmem>>, vector<1x16xf32>,
      %get3A_652 = vector.shape_cast %get3A_651 : vector<1x16xf32> to vector<16xf32>
      %add3A_653 = arith.constant 3 : i32
      %add3A_654 = arith.addi %mul3A_635, %add3A_653 : i32
      %get3A_655 = arith.index_cast %add3A_654 : i32 to index
      %get3A_656 = arith.constant 0 : index
      %get3A_657 = tpu.vector_load %arg16[%get3A_655, %get3A_656] {strides = array<i32>} : memref<1600x16xf32, #tpu.memory_space<vmem>>, vector<1x16xf32>,
      %get3A_658 = vector.shape_cast %get3A_657 : vector<1x16xf32> to vector<16xf32>
      %add3A_659 = arith.constant 4 : i32
      %add3A_660 = arith.addi %mul3A_635, %add3A_659 : i32
      %get3A_661 = arith.index_cast %add3A_660 : i32 to index
      %get3A_662 = arith.constant 0 : index
      %get3A_663 = tpu.vector_load %arg16[%get3A_661, %get3A_662] {strides = array<i32>} : memref<1600x16xf32, #tpu.memory_space<vmem>>, vector<1x16xf32>,
      %get3A_664 = vector.shape_cast %get3A_663 : vector<1x16xf32> to vector<16xf32>
      %add3A_665 = arith.addf %get3A_640, %get3A_664 : vector<16xf32>
      %add3A_666 = arith.constant 5 : i32
      %add3A_667 = arith.addi %mul3A_635, %add3A_666 : i32
      %get3A_668 = arith.index_cast %add3A_667 : i32 to index
      %get3A_669 = arith.constant 0 : index
      %get3A_670 = tpu.vector_load %arg16[%get3A_668, %get3A_669] {strides = array<i32>} : memref<1600x16xf32, #tpu.memory_space<vmem>>, vector<1x16xf32>,
      %get3A_671 = vector.shape_cast %get3A_670 : vector<1x16xf32> to vector<16xf32>
      %add3A_672 = arith.addf %get3A_646, %get3A_671 : vector<16xf32>
      %add3A_673 = arith.constant 6 : i32
      %add3A_674 = arith.addi %mul3A_635, %add3A_673 : i32
      %get3A_675 = arith.index_cast %add3A_674 : i32 to index
      %get3A_676 = arith.constant 0 : index
      %get3A_677 = tpu.vector_load %arg16[%get3A_675, %get3A_676] {strides = array<i32>} : memref<1600x16xf32, #tpu.memory_space<vmem>>, vector<1x16xf32>,
      %get3A_678 = vector.shape_cast %get3A_677 : vector<1x16xf32> to vector<16xf32>
      %add3A_679 = arith.addf %get3A_652, %get3A_678 : vector<16xf32>
      %add3A_680 = arith.constant 7 : i32
      %add3A_681 = arith.addi %mul3A_635, %add3A_680 : i32
      %get3A_682 = arith.index_cast %add3A_681 : i32 to index
      %get3A_683 = arith.constant 0 : index
      %get3A_684 = tpu.vector_load %arg16[%get3A_682, %get3A_683] {strides = array<i32>} : memref<1600x16xf32, #tpu.memory_space<vmem>>, vector<1x16xf32>,
      %get3A_685 = vector.shape_cast %get3A_684 : vector<1x16xf32> to vector<16xf32>
      %add3A_686 = arith.addf %get3A_658, %get3A_685 : vector<16xf32>
      %add3A_687 = arith.constant 8 : i32
      %add3A_688 = arith.addi %mul3A_635, %add3A_687 : i32
      %get3A_689 = arith.index_cast %add3A_688 : i32 to index
      %get3A_690 = arith.constant 0 : index
      %get3A_691 = tpu.vector_load %arg16[%get3A_689, %get3A_690] {strides = array<i32>} : memref<1600x16xf32, #tpu.memory_space<vmem>>, vector<1x16xf32>,
      %get3A_692 = vector.shape_cast %get3A_691 : vector<1x16xf32> to vector<16xf32>
      %add3A_693 = arith.addf %add3A_665, %get3A_692 : vector<16xf32>
      %add3A_694 = arith.constant 9 : i32
      %add3A_695 = arith.addi %mul3A_635, %add3A_694 : i32
      %get3A_696 = arith.index_cast %add3A_695 : i32 to index
      %get3A_697 = arith.constant 0 : index
      %get3A_698 = tpu.vector_load %arg16[%get3A_696, %get3A_697] {strides = array<i32>} : memref<1600x16xf32, #tpu.memory_space<vmem>>, vector<1x16xf32>,
      %get3A_699 = vector.shape_cast %get3A_698 : vector<1x16xf32> to vector<16xf32>
      %add3A_700 = arith.addf %add3A_672, %get3A_699 : vector<16xf32>
      %add3A_701 = arith.constant 10 : i32
      %add3A_702 = arith.addi %mul3A_635, %add3A_701 : i32
      %get3A_703 = arith.index_cast %add3A_702 : i32 to index
      %get3A_704 = arith.constant 0 : index
      %get3A_705 = tpu.vector_load %arg16[%get3A_703, %get3A_704] {strides = array<i32>} : memref<1600x16xf32, #tpu.memory_space<vmem>>, vector<1x16xf32>,
      %get3A_706 = vector.shape_cast %get3A_705 : vector<1x16xf32> to vector<16xf32>
      %add3A_707 = arith.addf %add3A_679, %get3A_706 : vector<16xf32>
      %add3A_708 = arith.constant 11 : i32
      %add3A_709 = arith.addi %mul3A_635, %add3A_708 : i32
      %get3A_710 = arith.index_cast %add3A_709 : i32 to index
      %get3A_711 = arith.constant 0 : index
      %get3A_712 = tpu.vector_load %arg16[%get3A_710, %get3A_711] {strides = array<i32>} : memref<1600x16xf32, #tpu.memory_space<vmem>>, vector<1x16xf32>,
      %get3A_713 = vector.shape_cast %get3A_712 : vector<1x16xf32> to vector<16xf32>
      %add3A_714 = arith.addf %add3A_686, %get3A_713 : vector<16xf32>
      %add3A_715 = arith.constant 12 : i32
      %add3A_716 = arith.addi %mul3A_635, %add3A_715 : i32
      %get3A_717 = arith.index_cast %add3A_716 : i32 to index
      %get3A_718 = arith.constant 0 : index
      %get3A_719 = tpu.vector_load %arg16[%get3A_717, %get3A_718] {strides = array<i32>} : memref<1600x16xf32, #tpu.memory_space<vmem>>, vector<1x16xf32>,
      %get3A_720 = vector.shape_cast %get3A_719 : vector<1x16xf32> to vector<16xf32>
      %add3A_721 = arith.addf %add3A_693, %get3A_720 : vector<16xf32>
      %add3A_722 = arith.constant 13 : i32
      %add3A_723 = arith.addi %mul3A_635, %add3A_722 : i32
      %get3A_724 = arith.index_cast %add3A_723 : i32 to index
      %get3A_725 = arith.constant 0 : index
      %get3A_726 = tpu.vector_load %arg16[%get3A_724, %get3A_725] {strides = array<i32>} : memref<1600x16xf32, #tpu.memory_space<vmem>>, vector<1x16xf32>,
      %get3A_727 = vector.shape_cast %get3A_726 : vector<1x16xf32> to vector<16xf32>
      %add3A_728 = arith.addf %add3A_700, %get3A_727 : vector<16xf32>
      %add3A_729 = arith.constant 14 : i32
      %add3A_730 = arith.addi %mul3A_635, %add3A_729 : i32
      %get3A_731 = arith.index_cast %add3A_730 : i32 to index
      %get3A_732 = arith.constant 0 : index
      %get3A_733 = tpu.vector_load %arg16[%get3A_731, %get3A_732] {strides = array<i32>} : memref<1600x16xf32, #tpu.memory_space<vmem>>, vector<1x16xf32>,
      %get3A_734 = vector.shape_cast %get3A_733 : vector<1x16xf32> to vector<16xf32>
      %add3A_735 = arith.addf %add3A_707, %get3A_734 : vector<16xf32>
      %add3A_736 = arith.constant 15 : i32
      %add3A_737 = arith.addi %mul3A_635, %add3A_736 : i32
      %get3A_738 = arith.index_cast %add3A_737 : i32 to index
      %get3A_739 = arith.constant 0 : index
      %get3A_740 = tpu.vector_load %arg16[%get3A_738, %get3A_739] {strides = array<i32>} : memref<1600x16xf32, #tpu.memory_space<vmem>>, vector<1x16xf32>,
      %get3A_741 = vector.shape_cast %get3A_740 : vector<1x16xf32> to vector<16xf32>
      %add3A_742 = arith.addf %add3A_714, %get3A_741 : vector<16xf32>
      %add3A_743 = arith.constant 16 : i32
      %add3A_744 = arith.addi %mul3A_635, %add3A_743 : i32
      %get3A_745 = arith.index_cast %add3A_744 : i32 to index
      %get3A_746 = arith.constant 0 : index
      %get3A_747 = tpu.vector_load %arg16[%get3A_745, %get3A_746] {strides = array<i32>} : memref<1600x16xf32, #tpu.memory_space<vmem>>, vector<1x16xf32>,
      %get3A_748 = vector.shape_cast %get3A_747 : vector<1x16xf32> to vector<16xf32>
      %add3A_749 = arith.addf %add3A_721, %get3A_748 : vector<16xf32>
      %add3A_750 = arith.constant 17 : i32
      %add3A_751 = arith.addi %mul3A_635, %add3A_750 : i32
      %get3A_752 = arith.index_cast %add3A_751 : i32 to index
      %get3A_753 = arith.constant 0 : index
      %get3A_754 = tpu.vector_load %arg16[%get3A_752, %get3A_753] {strides = array<i32>} : memref<1600x16xf32, #tpu.memory_space<vmem>>, vector<1x16xf32>,
      %get3A_755 = vector.shape_cast %get3A_754 : vector<1x16xf32> to vector<16xf32>
      %add3A_756 = arith.addf %add3A_728, %get3A_755 : vector<16xf32>
      %add3A_757 = arith.constant 18 : i32
      %add3A_758 = arith.addi %mul3A_635, %add3A_757 : i32
      %get3A_759 = arith.index_cast %add3A_758 : i32 to index
      %get3A_760 = arith.constant 0 : index
      %get3A_761 = tpu.vector_load %arg16[%get3A_759, %get3A_760] {strides = array<i32>} : memref<1600x16xf32, #tpu.memory_space<vmem>>, vector<1x16xf32>,
      %get3A_762 = vector.shape_cast %get3A_761 : vector<1x16xf32> to vector<16xf32>
      %add3A_763 = arith.addf %add3A_735, %get3A_762 : vector<16xf32>
      %add3A_764 = arith.constant 19 : i32
      %add3A_765 = arith.addi %mul3A_635, %add3A_764 : i32
      %get3A_766 = arith.index_cast %add3A_765 : i32 to index
      %get3A_767 = arith.constant 0 : index
      %get3A_768 = tpu.vector_load %arg16[%get3A_766, %get3A_767] {strides = array<i32>} : memref<1600x16xf32, #tpu.memory_space<vmem>>, vector<1x16xf32>,
      %get3A_769 = vector.shape_cast %get3A_768 : vector<1x16xf32> to vector<16xf32>
      %add3A_770 = arith.addf %add3A_742, %get3A_769 : vector<16xf32>
      %add3A_771 = arith.constant 20 : i32
      %add3A_772 = arith.addi %mul3A_635, %add3A_771 : i32
      %get3A_773 = arith.index_cast %add3A_772 : i32 to index
      %get3A_774 = arith.constant 0 : index
      %get3A_775 = tpu.vector_load %arg16[%get3A_773, %get3A_774] {strides = array<i32>} : memref<1600x16xf32, #tpu.memory_space<vmem>>, vector<1x16xf32>,
      %get3A_776 = vector.shape_cast %get3A_775 : vector<1x16xf32> to vector<16xf32>
      %add3A_777 = arith.addf %add3A_749, %get3A_776 : vector<16xf32>
      %add3A_778 = arith.constant 21 : i32
      %add3A_779 = arith.addi %mul3A_635, %add3A_778 : i32
      %get3A_780 = arith.index_cast %add3A_779 : i32 to index
      %get3A_781 = arith.constant 0 : index
      %get3A_782 = tpu.vector_load %arg16[%get3A_780, %get3A_781] {strides = array<i32>} : memref<1600x16xf32, #tpu.memory_space<vmem>>, vector<1x16xf32>,
      %get3A_783 = vector.shape_cast %get3A_782 : vector<1x16xf32> to vector<16xf32>
      %add3A_784 = arith.addf %add3A_756, %get3A_783 : vector<16xf32>
      %add3A_785 = arith.constant 22 : i32
      %add3A_786 = arith.addi %mul3A_635, %add3A_785 : i32
      %get3A_787 = arith.index_cast %add3A_786 : i32 to index
      %get3A_788 = arith.constant 0 : index
      %get3A_789 = tpu.vector_load %arg16[%get3A_787, %get3A_788] {strides = array<i32>} : memref<1600x16xf32, #tpu.memory_space<vmem>>, vector<1x16xf32>,
      %get3A_790 = vector.shape_cast %get3A_789 : vector<1x16xf32> to vector<16xf32>
      %add3A_791 = arith.addf %add3A_763, %get3A_790 : vector<16xf32>
      %add3A_792 = arith.constant 23 : i32
      %add3A_793 = arith.addi %mul3A_635, %add3A_792 : i32
      %get3A_794 = arith.index_cast %add3A_793 : i32 to index
      %get3A_795 = arith.constant 0 : index
      %get3A_796 = tpu.vector_load %arg16[%get3A_794, %get3A_795] {strides = array<i32>} : memref<1600x16xf32, #tpu.memory_space<vmem>>, vector<1x16xf32>,
      %get3A_797 = vector.shape_cast %get3A_796 : vector<1x16xf32> to vector<16xf32>
      %add3A_798 = arith.addf %add3A_770, %get3A_797 : vector<16xf32>
      %add3A_799 = arith.constant 24 : i32
      %add3A_800 = arith.addi %mul3A_635, %add3A_799 : i32
      %get3A_801 = arith.index_cast %add3A_800 : i32 to index
      %get3A_802 = arith.constant 0 : index
      %get3A_803 = tpu.vector_load %arg16[%get3A_801, %get3A_802] {strides = array<i32>} : memref<1600x16xf32, #tpu.memory_space<vmem>>, vector<1x16xf32>,
      %get3A_804 = vector.shape_cast %get3A_803 : vector<1x16xf32> to vector<16xf32>
      %add3A_805 = arith.addf %add3A_777, %get3A_804 : vector<16xf32>
      %add3A_806 = arith.constant 25 : i32
      %add3A_807 = arith.addi %mul3A_635, %add3A_806 : i32
      %get3A_808 = arith.index_cast %add3A_807 : i32 to index
      %get3A_809 = arith.constant 0 : index
      %get3A_810 = tpu.vector_load %arg16[%get3A_808, %get3A_809] {strides = array<i32>} : memref<1600x16xf32, #tpu.memory_space<vmem>>, vector<1x16xf32>,
      %get3A_811 = vector.shape_cast %get3A_810 : vector<1x16xf32> to vector<16xf32>
      %add3A_812 = arith.addf %add3A_784, %get3A_811 : vector<16xf32>
      %add3A_813 = arith.constant 26 : i32
      %add3A_814 = arith.addi %mul3A_635, %add3A_813 : i32
      %get3A_815 = arith.index_cast %add3A_814 : i32 to index
      %get3A_816 = arith.constant 0 : index
      %get3A_817 = tpu.vector_load %arg16[%get3A_815, %get3A_816] {strides = array<i32>} : memref<1600x16xf32, #tpu.memory_space<vmem>>, vector<1x16xf32>,
      %get3A_818 = vector.shape_cast %get3A_817 : vector<1x16xf32> to vector<16xf32>
      %add3A_819 = arith.addf %add3A_791, %get3A_818 : vector<16xf32>
      %add3A_820 = arith.constant 27 : i32
      %add3A_821 = arith.addi %mul3A_635, %add3A_820 : i32
      %get3A_822 = arith.index_cast %add3A_821 : i32 to index
      %get3A_823 = arith.constant 0 : index
      %get3A_824 = tpu.vector_load %arg16[%get3A_822, %get3A_823] {strides = array<i32>} : memref<1600x16xf32, #tpu.memory_space<vmem>>, vector<1x16xf32>,
      %get3A_825 = vector.shape_cast %get3A_824 : vector<1x16xf32> to vector<16xf32>
      %add3A_826 = arith.addf %add3A_798, %get3A_825 : vector<16xf32>
      %add3A_827 = arith.constant 28 : i32
      %add3A_828 = arith.addi %mul3A_635, %add3A_827 : i32
      %get3A_829 = arith.index_cast %add3A_828 : i32 to index
      %get3A_830 = arith.constant 0 : index
      %get3A_831 = tpu.vector_load %arg16[%get3A_829, %get3A_830] {strides = array<i32>} : memref<1600x16xf32, #tpu.memory_space<vmem>>, vector<1x16xf32>,
      %get3A_832 = vector.shape_cast %get3A_831 : vector<1x16xf32> to vector<16xf32>
      %add3A_833 = arith.addf %add3A_805, %get3A_832 : vector<16xf32>
      %add3A_834 = arith.constant 29 : i32
      %add3A_835 = arith.addi %mul3A_635, %add3A_834 : i32
      %get3A_836 = arith.index_cast %add3A_835 : i32 to index
      %get3A_837 = arith.constant 0 : index
      %get3A_838 = tpu.vector_load %arg16[%get3A_836, %get3A_837] {strides = array<i32>} : memref<1600x16xf32, #tpu.memory_space<vmem>>, vector<1x16xf32>,
      %get3A_839 = vector.shape_cast %get3A_838 : vector<1x16xf32> to vector<16xf32>
      %add3A_840 = arith.addf %add3A_812, %get3A_839 : vector<16xf32>
      %add3A_841 = arith.constant 30 : i32
      %add3A_842 = arith.addi %mul3A_635, %add3A_841 : i32
      %get3A_843 = arith.index_cast %add3A_842 : i32 to index
      %get3A_844 = arith.constant 0 : index
      %get3A_845 = tpu.vector_load %arg16[%get3A_843, %get3A_844] {strides = array<i32>} : memref<1600x16xf32, #tpu.memory_space<vmem>>, vector<1x16xf32>,
      %get3A_846 = vector.shape_cast %get3A_845 : vector<1x16xf32> to vector<16xf32>
      %add3A_847 = arith.addf %add3A_819, %get3A_846 : vector<16xf32>
      %add3A_848 = arith.constant 31 : i32
      %add3A_849 = arith.addi %mul3A_635, %add3A_848 : i32
      %get3A_850 = arith.index_cast %add3A_849 : i32 to index
      %get3A_851 = arith.constant 0 : index
      %get3A_852 = tpu.vector_load %arg16[%get3A_850, %get3A_851] {strides = array<i32>} : memref<1600x16xf32, #tpu.memory_space<vmem>>, vector<1x16xf32>,
      %get3A_853 = vector.shape_cast %get3A_852 : vector<1x16xf32> to vector<16xf32>
      %add3A_854 = arith.addf %add3A_826, %get3A_853 : vector<16xf32>
      %add3A_855 = arith.constant 32 : i32
      %add3A_856 = arith.addi %mul3A_635, %add3A_855 : i32
      %get3A_857 = arith.index_cast %add3A_856 : i32 to index
      %get3A_858 = arith.constant 0 : index
      %get3A_859 = tpu.vector_load %arg16[%get3A_857, %get3A_858] {strides = array<i32>} : memref<1600x16xf32, #tpu.memory_space<vmem>>, vector<1x16xf32>,
      %get3A_860 = vector.shape_cast %get3A_859 : vector<1x16xf32> to vector<16xf32>
      %add3A_861 = arith.addf %add3A_833, %get3A_860 : vector<16xf32>
      %add3A_862 = arith.constant 33 : i32
      %add3A_863 = arith.addi %mul3A_635, %add3A_862 : i32
      %get3A_864 = arith.index_cast %add3A_863 : i32 to index
      %get3A_865 = arith.constant 0 : index
      %get3A_866 = tpu.vector_load %arg16[%get3A_864, %get3A_865] {strides = array<i32>} : memref<1600x16xf32, #tpu.memory_space<vmem>>, vector<1x16xf32>,
      %get3A_867 = vector.shape_cast %get3A_866 : vector<1x16xf32> to vector<16xf32>
      %add3A_868 = arith.addf %add3A_840, %get3A_867 : vector<16xf32>
      %add3A_869 = arith.constant 34 : i32
      %add3A_870 = arith.addi %mul3A_635, %add3A_869 : i32
      %get3A_871 = arith.index_cast %add3A_870 : i32 to index
      %get3A_872 = arith.constant 0 : index
      %get3A_873 = tpu.vector_load %arg16[%get3A_871, %get3A_872] {strides = array<i32>} : memref<1600x16xf32, #tpu.memory_space<vmem>>, vector<1x16xf32>,
      %get3A_874 = vector.shape_cast %get3A_873 : vector<1x16xf32> to vector<16xf32>
      %add3A_875 = arith.addf %add3A_847, %get3A_874 : vector<16xf32>
      %add3A_876 = arith.constant 35 : i32
      %add3A_877 = arith.addi %mul3A_635, %add3A_876 : i32
      %get3A_878 = arith.index_cast %add3A_877 : i32 to index
      %get3A_879 = arith.constant 0 : index
      %get3A_880 = tpu.vector_load %arg16[%get3A_878, %get3A_879] {strides = array<i32>} : memref<1600x16xf32, #tpu.memory_space<vmem>>, vector<1x16xf32>,
      %get3A_881 = vector.shape_cast %get3A_880 : vector<1x16xf32> to vector<16xf32>
      %add3A_882 = arith.addf %add3A_854, %get3A_881 : vector<16xf32>
      %add3A_883 = arith.constant 36 : i32
      %add3A_884 = arith.addi %mul3A_635, %add3A_883 : i32
      %get3A_885 = arith.index_cast %add3A_884 : i32 to index
      %get3A_886 = arith.constant 0 : index
      %get3A_887 = tpu.vector_load %arg16[%get3A_885, %get3A_886] {strides = array<i32>} : memref<1600x16xf32, #tpu.memory_space<vmem>>, vector<1x16xf32>,
      %get3A_888 = vector.shape_cast %get3A_887 : vector<1x16xf32> to vector<16xf32>
      %add3A_889 = arith.addf %add3A_861, %get3A_888 : vector<16xf32>
      %add3A_890 = arith.constant 37 : i32
      %add3A_891 = arith.addi %mul3A_635, %add3A_890 : i32
      %get3A_892 = arith.index_cast %add3A_891 : i32 to index
      %get3A_893 = arith.constant 0 : index
      %get3A_894 = tpu.vector_load %arg16[%get3A_892, %get3A_893] {strides = array<i32>} : memref<1600x16xf32, #tpu.memory_space<vmem>>, vector<1x16xf32>,
      %get3A_895 = vector.shape_cast %get3A_894 : vector<1x16xf32> to vector<16xf32>
      %add3A_896 = arith.addf %add3A_868, %get3A_895 : vector<16xf32>
      %add3A_897 = arith.constant 38 : i32
      %add3A_898 = arith.addi %mul3A_635, %add3A_897 : i32
      %get3A_899 = arith.index_cast %add3A_898 : i32 to index
      %get3A_900 = arith.constant 0 : index
      %get3A_901 = tpu.vector_load %arg16[%get3A_899, %get3A_900] {strides = array<i32>} : memref<1600x16xf32, #tpu.memory_space<vmem>>, vector<1x16xf32>,
      %get3A_902 = vector.shape_cast %get3A_901 : vector<1x16xf32> to vector<16xf32>
      %add3A_903 = arith.addf %add3A_875, %get3A_902 : vector<16xf32>
      %add3A_904 = arith.constant 39 : i32
      %add3A_905 = arith.addi %mul3A_635, %add3A_904 : i32
      %get3A_906 = arith.index_cast %add3A_905 : i32 to index
      %get3A_907 = arith.constant 0 : index
      %get3A_908 = tpu.vector_load %arg16[%get3A_906, %get3A_907] {strides = array<i32>} : memref<1600x16xf32, #tpu.memory_space<vmem>>, vector<1x16xf32>,
      %get3A_909 = vector.shape_cast %get3A_908 : vector<1x16xf32> to vector<16xf32>
      %add3A_910 = arith.addf %add3A_882, %get3A_909 : vector<16xf32>
      %add3A_911 = arith.constant 40 : i32
      %add3A_912 = arith.addi %mul3A_635, %add3A_911 : i32
      %get3A_913 = arith.index_cast %add3A_912 : i32 to index
      %get3A_914 = arith.constant 0 : index
      %get3A_915 = tpu.vector_load %arg16[%get3A_913, %get3A_914] {strides = array<i32>} : memref<1600x16xf32, #tpu.memory_space<vmem>>, vector<1x16xf32>,
      %get3A_916 = vector.shape_cast %get3A_915 : vector<1x16xf32> to vector<16xf32>
      %add3A_917 = arith.addf %add3A_889, %get3A_916 : vector<16xf32>
      %add3A_918 = arith.constant 41 : i32
      %add3A_919 = arith.addi %mul3A_635, %add3A_918 : i32
      %get3A_920 = arith.index_cast %add3A_919 : i32 to index
      %get3A_921 = arith.constant 0 : index
      %get3A_922 = tpu.vector_load %arg16[%get3A_920, %get3A_921] {strides = array<i32>} : memref<1600x16xf32, #tpu.memory_space<vmem>>, vector<1x16xf32>,
      %get3A_923 = vector.shape_cast %get3A_922 : vector<1x16xf32> to vector<16xf32>
      %add3A_924 = arith.addf %add3A_896, %get3A_923 : vector<16xf32>
      %add3A_925 = arith.constant 42 : i32
      %add3A_926 = arith.addi %mul3A_635, %add3A_925 : i32
      %get3A_927 = arith.index_cast %add3A_926 : i32 to index
      %get3A_928 = arith.constant 0 : index
      %get3A_929 = tpu.vector_load %arg16[%get3A_927, %get3A_928] {strides = array<i32>} : memref<1600x16xf32, #tpu.memory_space<vmem>>, vector<1x16xf32>,
      %get3A_930 = vector.shape_cast %get3A_929 : vector<1x16xf32> to vector<16xf32>
      %add3A_931 = arith.addf %add3A_903, %get3A_930 : vector<16xf32>
      %add3A_932 = arith.constant 43 : i32
      %add3A_933 = arith.addi %mul3A_635, %add3A_932 : i32
      %get3A_934 = arith.index_cast %add3A_933 : i32 to index
      %get3A_935 = arith.constant 0 : index
      %get3A_936 = tpu.vector_load %arg16[%get3A_934, %get3A_935] {strides = array<i32>} : memref<1600x16xf32, #tpu.memory_space<vmem>>, vector<1x16xf32>,
      %get3A_937 = vector.shape_cast %get3A_936 : vector<1x16xf32> to vector<16xf32>
      %add3A_938 = arith.addf %add3A_910, %get3A_937 : vector<16xf32>
      %add3A_939 = arith.constant 44 : i32
      %add3A_940 = arith.addi %mul3A_635, %add3A_939 : i32
      %get3A_941 = arith.index_cast %add3A_940 : i32 to index
      %get3A_942 = arith.constant 0 : index
      %get3A_943 = tpu.vector_load %arg16[%get3A_941, %get3A_942] {strides = array<i32>} : memref<1600x16xf32, #tpu.memory_space<vmem>>, vector<1x16xf32>,
      %get3A_944 = vector.shape_cast %get3A_943 : vector<1x16xf32> to vector<16xf32>
      %add3A_945 = arith.addf %add3A_917, %get3A_944 : vector<16xf32>
      %add3A_946 = arith.constant 45 : i32
      %add3A_947 = arith.addi %mul3A_635, %add3A_946 : i32
      %get3A_948 = arith.index_cast %add3A_947 : i32 to index
      %get3A_949 = arith.constant 0 : index
      %get3A_950 = tpu.vector_load %arg16[%get3A_948, %get3A_949] {strides = array<i32>} : memref<1600x16xf32, #tpu.memory_space<vmem>>, vector<1x16xf32>,
      %get3A_951 = vector.shape_cast %get3A_950 : vector<1x16xf32> to vector<16xf32>
      %add3A_952 = arith.addf %add3A_924, %get3A_951 : vector<16xf32>
      %add3A_953 = arith.constant 46 : i32
      %add3A_954 = arith.addi %mul3A_635, %add3A_953 : i32
      %get3A_955 = arith.index_cast %add3A_954 : i32 to index
      %get3A_956 = arith.constant 0 : index
      %get3A_957 = tpu.vector_load %arg16[%get3A_955, %get3A_956] {strides = array<i32>} : memref<1600x16xf32, #tpu.memory_space<vmem>>, vector<1x16xf32>,
      %get3A_958 = vector.shape_cast %get3A_957 : vector<1x16xf32> to vector<16xf32>
      %add3A_959 = arith.addf %add3A_931, %get3A_958 : vector<16xf32>
      %add3A_960 = arith.constant 47 : i32
      %add3A_961 = arith.addi %mul3A_635, %add3A_960 : i32
      %get3A_962 = arith.index_cast %add3A_961 : i32 to index
      %get3A_963 = arith.constant 0 : index
      %get3A_964 = tpu.vector_load %arg16[%get3A_962, %get3A_963] {strides = array<i32>} : memref<1600x16xf32, #tpu.memory_space<vmem>>, vector<1x16xf32>,
      %get3A_965 = vector.shape_cast %get3A_964 : vector<1x16xf32> to vector<16xf32>
      %add3A_966 = arith.addf %add3A_938, %get3A_965 : vector<16xf32>
      %add3A_967 = arith.constant 48 : i32
      %add3A_968 = arith.addi %mul3A_635, %add3A_967 : i32
      %get3A_969 = arith.index_cast %add3A_968 : i32 to index
      %get3A_970 = arith.constant 0 : index
      %get3A_971 = tpu.vector_load %arg16[%get3A_969, %get3A_970] {strides = array<i32>} : memref<1600x16xf32, #tpu.memory_space<vmem>>, vector<1x16xf32>,
      %get3A_972 = vector.shape_cast %get3A_971 : vector<1x16xf32> to vector<16xf32>
      %add3A_973 = arith.addf %add3A_945, %get3A_972 : vector<16xf32>
      %add3A_974 = arith.constant 49 : i32
      %add3A_975 = arith.addi %mul3A_635, %add3A_974 : i32
      %get3A_976 = arith.index_cast %add3A_975 : i32 to index
      %get3A_977 = arith.constant 0 : index
      %get3A_978 = tpu.vector_load %arg16[%get3A_976, %get3A_977] {strides = array<i32>} : memref<1600x16xf32, #tpu.memory_space<vmem>>, vector<1x16xf32>,
      %get3A_979 = vector.shape_cast %get3A_978 : vector<1x16xf32> to vector<16xf32>
      %add3A_980 = arith.addf %add3A_952, %get3A_979 : vector<16xf32>
      %add3A_981 = arith.addf %add3A_973, %add3A_980 : vector<16xf32>
      %add3A_982 = arith.addf %add3A_959, %add3A_966 : vector<16xf32>
      %add3A_983 = arith.addf %add3A_981, %add3A_982 : vector<16xf32>
      %mul3A_984 = arith.constant 2.000000e-02 : f32
      %mul3A_985 = vector.broadcast %mul3A_984 : f32 to vector<16xf32>
      %mul3A_986 = arith.mulf %add3A_983, %mul3A_985 : vector<16xf32>
      %mul3A_987 = arith.constant 26 : i32
      %mul3A_988 = arith.muli %scan3A_633, %mul3A_987 : i32
      %add3A_989 = arith.constant 25 : i32
      %add3A_990 = arith.addi %mul3A_988, %add3A_989 : i32
      %mul3A_991 = arith.constant 16 : i32
      %mul3A_992 = arith.muli %add3A_990, %mul3A_991 : i32
      %swap3A = arith.index_cast %mul3A_992 : i32 to index
      %swap3A_993 = tpu.vector_load %arg14[%swap3A] {strides = array<i32>} : memref<13312xf32, #tpu.memory_space<vmem>>, vector<16xf32>,
      %swap3A_994 = vector.shape_cast %swap3A_993 : vector<16xf32> to vector<16xf32>
      %swap3A_995 = vector.shape_cast %mul3A_986 : vector<16xf32> to vector<16xf32>
      tpu.vector_store %arg14[%swap3A], %swap3A_995 {strides = array<i32>} : memref<13312xf32, #tpu.memory_space<vmem>>, vector<16xf32>,
    }
    %scan3A_450 = arith.constant 32 : i32
    %mul3A_451 = arith.constant 128 : i32
    %mul3A_452 = arith.muli %add3A, %mul3A_451 : i32
    %add3A_453 = arith.constant 32 : i32
    %add3A_454 = arith.addi %mul3A_452, %add3A_453 : i32
    %mul3A_455 = arith.constant 416 : i32
    %mul3A_456 = arith.muli %add3A_454, %mul3A_455 : i32
    %dma_start3A_457 = tpu.memref_slice %arg6[%mul3A_456] : memref<1703936xf32, #tpu.memory_space<hbm>> -> memref<13312xf32, #tpu.memory_space<hbm>>
    %dma_start3A_458 = tpu.memref_slice %arg6[%mul3A_456] : memref<1703936xf32, #tpu.memory_space<hbm>> -> memref<13312xf32, #tpu.memory_space<hbm>>
    tpu.enqueue_dma source(%arg14 : memref<13312xf32, #tpu.memory_space<vmem>>) target(%dma_start3A_458 : memref<13312xf32, #tpu.memory_space<hbm>>) target_semaphore(%arg22 : memref<!tpu.dma_semaphore, #tpu.memory_space<semaphore_mem>>)
    %dma_wait3A_459 = arith.constant 0 : i32
    %dma_wait3A_460 = tpu.memref_slice %arg2[%dma_wait3A_459] : memref<41600000xf32, #tpu.memory_space<hbm>> -> memref<13312xf32, #tpu.memory_space<hbm>>
    %dma_wait3A_461 = arith.constant 0 : i32
    %dma_wait3A_462 = tpu.memref_slice %arg2[%dma_wait3A_461] : memref<41600000xf32, #tpu.memory_space<hbm>> -> memref<13312xf32, #tpu.memory_space<hbm>>
    tpu.wait_dma2 semaphore(%arg19 : memref<!tpu.dma_semaphore, #tpu.memory_space<semaphore_mem>>) src(%dma_wait3A_462 : memref<13312xf32, #tpu.memory_space<hbm>>) dst(%arg13 : memref<13312xf32, #tpu.memory_space<vmem>>)
    %dma_wait3A_463 = arith.constant 0 : i32
    %dma_wait3A_464 = arith.constant 0 : i32
    %dma_wait3A_465 = tpu.memref_slice %arg3[%dma_wait3A_463, %dma_wait3A_464] : memref<100000x16xf32, #tpu.memory_space<hbm>> -> memref<1600x16xf32, #tpu.memory_space<hbm>>
    %dma_wait3A_466 = arith.constant 0 : i32
    %dma_wait3A_467 = arith.constant 0 : i32
    %dma_wait3A_468 = tpu.memref_slice %arg3[%dma_wait3A_466, %dma_wait3A_467] : memref<100000x16xf32, #tpu.memory_space<hbm>> -> memref<1600x16xf32, #tpu.memory_space<hbm>>
    tpu.wait_dma2 semaphore(%arg19 : memref<!tpu.dma_semaphore, #tpu.memory_space<semaphore_mem>>) src(%dma_wait3A_468 : memref<1600x16xf32, #tpu.memory_space<hbm>>) dst(%arg15 : memref<1600x16xf32, #tpu.memory_space<vmem>>)
    %dma_wait3A_469 = tpu.memref_slice %arg4[%mul3A_316] : memref<106496xi32, #tpu.memory_space<hbm>> -> memref<832xi32, #tpu.memory_space<hbm>>
    %dma_wait3A_470 = tpu.memref_slice %arg4[%mul3A_316] : memref<106496xi32, #tpu.memory_space<hbm>> -> memref<832xi32, #tpu.memory_space<hbm>>
    tpu.wait_dma2 semaphore(%arg18 : memref<!tpu.dma_semaphore, #tpu.memory_space<semaphore_mem>>) src(%dma_wait3A_470 : memref<832xi32, #tpu.memory_space<hbm>>) dst(%arg8 : memref<832xi32, #tpu.memory_space<vmem>>)
    %dma_wait3A_471 = tpu.memref_slice %arg5[%mul3A_320] : memref<204800xi32, #tpu.memory_space<hbm>> -> memref<1600xi32, #tpu.memory_space<hbm>>
    %dma_wait3A_472 = tpu.memref_slice %arg5[%mul3A_320] : memref<204800xi32, #tpu.memory_space<hbm>> -> memref<1600xi32, #tpu.memory_space<hbm>>
    tpu.wait_dma2 semaphore(%arg18 : memref<!tpu.dma_semaphore, #tpu.memory_space<semaphore_mem>>) src(%dma_wait3A_472 : memref<1600xi32, #tpu.memory_space<hbm>>) dst(%arg10 : memref<1600xi32, #tpu.memory_space<vmem>>)
    %dma_wait3A_473 = tpu.memref_slice %arg6[%mul3A_456] : memref<1703936xf32, #tpu.memory_space<hbm>> -> memref<13312xf32, #tpu.memory_space<hbm>>
    %dma_wait3A_474 = tpu.memref_slice %arg6[%mul3A_456] : memref<1703936xf32, #tpu.memory_space<hbm>> -> memref<13312xf32, #tpu.memory_space<hbm>>
    tpu.wait_dma2 semaphore(%arg22 : memref<!tpu.dma_semaphore, #tpu.memory_space<semaphore_mem>>) src(%arg14 : memref<13312xf32, #tpu.memory_space<vmem>>) dst(%dma_wait3A_474 : memref<13312xf32, #tpu.memory_space<hbm>>)
    %scan3A_475 = arith.constant 0 : i32
    %scan3A_476 = arith.constant 0 : i32
    %scan3A_477 = arith.constant 52 : i32
    %scan3A_478 = arith.addi %scan3A_476, %scan3A_477 : i32
    %scan3A_479 = arith.constant 1 : i32
    scf.for %scan3A_633 = %scan3A_476 to %scan3A_478 step %scan3A_479  : i32 {
      %mul3A_634 = arith.constant 16 : i32
      %mul3A_635 = arith.muli %scan3A_633, %mul3A_634 : i32
      %get3A = arith.index_cast %mul3A_635 : i32 to index
      %get3A_636 = tpu.vector_load %arg8[%get3A] {strides = array<i32>} : memref<832xi32, #tpu.memory_space<vmem>>, vector<16xi32>,
      %get3A_637 = vector.shape_cast %get3A_636 : vector<16xi32> to vector<16xi32>
      %broadcast_in_dim3A = arith.constant 0 : i32
      %broadcast_in_dim3A_638 = vector.broadcast %broadcast_in_dim3A : i32 to vector<16x1xi32>
      %gather3A = vector.shape_cast %broadcast_in_dim3A_638 : vector<16x1xi32> to vector<16xi32>
      %gather3A_639 = tpu.dynamic_gather %get3A_637[%gather3A] in [0] : vector<16xi32>, vector<16xi32> -> vector<16xi32>
      %add3A_640 = arith.addi %gather3A_639, %mul3A_3 : vector<16xi32>
      %mul3A_641 = arith.constant 16 : i32
      %mul3A_642 = arith.muli %scan3A_633, %mul3A_641 : i32
      %add3A_643 = arith.constant 0 : i32
      %add3A_644 = arith.addi %mul3A_642, %add3A_643 : i32
      %mul3A_645 = arith.constant 16 : i32
      %mul3A_646 = arith.muli %add3A_644, %mul3A_645 : i32
      %swap3A = arith.index_cast %mul3A_646 : i32 to index
      %swap3A_647 = tpu.vector_load %arg12[%swap3A] {strides = array<i32>} : memref<13312xi32, #tpu.memory_space<vmem>>, vector<16xi32>,
      %swap3A_648 = vector.shape_cast %swap3A_647 : vector<16xi32> to vector<16xi32>
      %swap3A_649 = vector.shape_cast %add3A_640 : vector<16xi32> to vector<16xi32>
      tpu.vector_store %arg12[%swap3A], %swap3A_649 {strides = array<i32>} : memref<13312xi32, #tpu.memory_space<vmem>>, vector<16xi32>,
      %broadcast_in_dim3A_650 = arith.constant 1 : i32
      %broadcast_in_dim3A_651 = vector.broadcast %broadcast_in_dim3A_650 : i32 to vector<16x1xi32>
      %gather3A_652 = vector.shape_cast %broadcast_in_dim3A_651 : vector<16x1xi32> to vector<16xi32>
      %gather3A_653 = tpu.dynamic_gather %get3A_637[%gather3A_652] in [0] : vector<16xi32>, vector<16xi32> -> vector<16xi32>
      %add3A_654 = arith.addi %gather3A_653, %mul3A_3 : vector<16xi32>
      %mul3A_655 = arith.constant 16 : i32
      %mul3A_656 = arith.muli %scan3A_633, %mul3A_655 : i32
      %add3A_657 = arith.constant 1 : i32
      %add3A_658 = arith.addi %mul3A_656, %add3A_657 : i32
      %mul3A_659 = arith.constant 16 : i32
      %mul3A_660 = arith.muli %add3A_658, %mul3A_659 : i32
      %swap3A_661 = arith.index_cast %mul3A_660 : i32 to index
      %swap3A_662 = tpu.vector_load %arg12[%swap3A_661] {strides = array<i32>} : memref<13312xi32, #tpu.memory_space<vmem>>, vector<16xi32>,
      %swap3A_663 = vector.shape_cast %swap3A_662 : vector<16xi32> to vector<16xi32>
      %swap3A_664 = vector.shape_cast %add3A_654 : vector<16xi32> to vector<16xi32>
      tpu.vector_store %arg12[%swap3A_661], %swap3A_664 {strides = array<i32>} : memref<13312xi32, #tpu.memory_space<vmem>>, vector<16xi32>,
      %broadcast_in_dim3A_665 = arith.constant 2 : i32
      %broadcast_in_dim3A_666 = vector.broadcast %broadcast_in_dim3A_665 : i32 to vector<16x1xi32>
      %gather3A_667 = vector.shape_cast %broadcast_in_dim3A_666 : vector<16x1xi32> to vector<16xi32>
      %gather3A_668 = tpu.dynamic_gather %get3A_637[%gather3A_667] in [0] : vector<16xi32>, vector<16xi32> -> vector<16xi32>
      %add3A_669 = arith.addi %gather3A_668, %mul3A_3 : vector<16xi32>
      %mul3A_670 = arith.constant 16 : i32
      %mul3A_671 = arith.muli %scan3A_633, %mul3A_670 : i32
      %add3A_672 = arith.constant 2 : i32
      %add3A_673 = arith.addi %mul3A_671, %add3A_672 : i32
      %mul3A_674 = arith.constant 16 : i32
      %mul3A_675 = arith.muli %add3A_673, %mul3A_674 : i32
      %swap3A_676 = arith.index_cast %mul3A_675 : i32 to index
      %swap3A_677 = tpu.vector_load %arg12[%swap3A_676] {strides = array<i32>} : memref<13312xi32, #tpu.memory_space<vmem>>, vector<16xi32>,
      %swap3A_678 = vector.shape_cast %swap3A_677 : vector<16xi32> to vector<16xi32>
      %swap3A_679 = vector.shape_cast %add3A_669 : vector<16xi32> to vector<16xi32>
      tpu.vector_store %arg12[%swap3A_676], %swap3A_679 {strides = array<i32>} : memref<13312xi32, #tpu.memory_space<vmem>>, vector<16xi32>,
      %broadcast_in_dim3A_680 = arith.constant 3 : i32
      %broadcast_in_dim3A_681 = vector.broadcast %broadcast_in_dim3A_680 : i32 to vector<16x1xi32>
      %gather3A_682 = vector.shape_cast %broadcast_in_dim3A_681 : vector<16x1xi32> to vector<16xi32>
      %gather3A_683 = tpu.dynamic_gather %get3A_637[%gather3A_682] in [0] : vector<16xi32>, vector<16xi32> -> vector<16xi32>
      %add3A_684 = arith.addi %gather3A_683, %mul3A_3 : vector<16xi32>
      %mul3A_685 = arith.constant 16 : i32
      %mul3A_686 = arith.muli %scan3A_633, %mul3A_685 : i32
      %add3A_687 = arith.constant 3 : i32
      %add3A_688 = arith.addi %mul3A_686, %add3A_687 : i32
      %mul3A_689 = arith.constant 16 : i32
      %mul3A_690 = arith.muli %add3A_688, %mul3A_689 : i32
      %swap3A_691 = arith.index_cast %mul3A_690 : i32 to index
      %swap3A_692 = tpu.vector_load %arg12[%swap3A_691] {strides = array<i32>} : memref<13312xi32, #tpu.memory_space<vmem>>, vector<16xi32>,
      %swap3A_693 = vector.shape_cast %swap3A_692 : vector<16xi32> to vector<16xi32>
      %swap3A_694 = vector.shape_cast %add3A_684 : vector<16xi32> to vector<16xi32>
      tpu.vector_store %arg12[%swap3A_691], %swap3A_694 {strides = array<i32>} : memref<13312xi32, #tpu.memory_space<vmem>>, vector<16xi32>,
      %broadcast_in_dim3A_695 = arith.constant 4 : i32
      %broadcast_in_dim3A_696 = vector.broadcast %broadcast_in_dim3A_695 : i32 to vector<16x1xi32>
      %gather3A_697 = vector.shape_cast %broadcast_in_dim3A_696 : vector<16x1xi32> to vector<16xi32>
      %gather3A_698 = tpu.dynamic_gather %get3A_637[%gather3A_697] in [0] : vector<16xi32>, vector<16xi32> -> vector<16xi32>
      %add3A_699 = arith.addi %gather3A_698, %mul3A_3 : vector<16xi32>
      %mul3A_700 = arith.constant 16 : i32
      %mul3A_701 = arith.muli %scan3A_633, %mul3A_700 : i32
      %add3A_702 = arith.constant 4 : i32
      %add3A_703 = arith.addi %mul3A_701, %add3A_702 : i32
      %mul3A_704 = arith.constant 16 : i32
      %mul3A_705 = arith.muli %add3A_703, %mul3A_704 : i32
      %swap3A_706 = arith.index_cast %mul3A_705 : i32 to index
      %swap3A_707 = tpu.vector_load %arg12[%swap3A_706] {strides = array<i32>} : memref<13312xi32, #tpu.memory_space<vmem>>, vector<16xi32>,
      %swap3A_708 = vector.shape_cast %swap3A_707 : vector<16xi32> to vector<16xi32>
      %swap3A_709 = vector.shape_cast %add3A_699 : vector<16xi32> to vector<16xi32>
      tpu.vector_store %arg12[%swap3A_706], %swap3A_709 {strides = array<i32>} : memref<13312xi32, #tpu.memory_space<vmem>>, vector<16xi32>,
      %broadcast_in_dim3A_710 = arith.constant 5 : i32
      %broadcast_in_dim3A_711 = vector.broadcast %broadcast_in_dim3A_710 : i32 to vector<16x1xi32>
      %gather3A_712 = vector.shape_cast %broadcast_in_dim3A_711 : vector<16x1xi32> to vector<16xi32>
      %gather3A_713 = tpu.dynamic_gather %get3A_637[%gather3A_712] in [0] : vector<16xi32>, vector<16xi32> -> vector<16xi32>
      %add3A_714 = arith.addi %gather3A_713, %mul3A_3 : vector<16xi32>
      %mul3A_715 = arith.constant 16 : i32
      %mul3A_716 = arith.muli %scan3A_633, %mul3A_715 : i32
      %add3A_717 = arith.constant 5 : i32
      %add3A_718 = arith.addi %mul3A_716, %add3A_717 : i32
      %mul3A_719 = arith.constant 16 : i32
      %mul3A_720 = arith.muli %add3A_718, %mul3A_719 : i32
      %swap3A_721 = arith.index_cast %mul3A_720 : i32 to index
      %swap3A_722 = tpu.vector_load %arg12[%swap3A_721] {strides = array<i32>} : memref<13312xi32, #tpu.memory_space<vmem>>, vector<16xi32>,
      %swap3A_723 = vector.shape_cast %swap3A_722 : vector<16xi32> to vector<16xi32>
      %swap3A_724 = vector.shape_cast %add3A_714 : vector<16xi32> to vector<16xi32>
      tpu.vector_store %arg12[%swap3A_721], %swap3A_724 {strides = array<i32>} : memref<13312xi32, #tpu.memory_space<vmem>>, vector<16xi32>,
      %broadcast_in_dim3A_725 = arith.constant 6 : i32
      %broadcast_in_dim3A_726 = vector.broadcast %broadcast_in_dim3A_725 : i32 to vector<16x1xi32>
      %gather3A_727 = vector.shape_cast %broadcast_in_dim3A_726 : vector<16x1xi32> to vector<16xi32>
      %gather3A_728 = tpu.dynamic_gather %get3A_637[%gather3A_727] in [0] : vector<16xi32>, vector<16xi32> -> vector<16xi32>
      %add3A_729 = arith.addi %gather3A_728, %mul3A_3 : vector<16xi32>
      %mul3A_730 = arith.constant 16 : i32
      %mul3A_731 = arith.muli %scan3A_633, %mul3A_730 : i32
      %add3A_732 = arith.constant 6 : i32
      %add3A_733 = arith.addi %mul3A_731, %add3A_732 : i32
      %mul3A_734 = arith.constant 16 : i32
      %mul3A_735 = arith.muli %add3A_733, %mul3A_734 : i32
      %swap3A_736 = arith.index_cast %mul3A_735 : i32 to index
      %swap3A_737 = tpu.vector_load %arg12[%swap3A_736] {strides = array<i32>} : memref<13312xi32, #tpu.memory_space<vmem>>, vector<16xi32>,
      %swap3A_738 = vector.shape_cast %swap3A_737 : vector<16xi32> to vector<16xi32>
      %swap3A_739 = vector.shape_cast %add3A_729 : vector<16xi32> to vector<16xi32>
      tpu.vector_store %arg12[%swap3A_736], %swap3A_739 {strides = array<i32>} : memref<13312xi32, #tpu.memory_space<vmem>>, vector<16xi32>,
      %broadcast_in_dim3A_740 = arith.constant 7 : i32
      %broadcast_in_dim3A_741 = vector.broadcast %broadcast_in_dim3A_740 : i32 to vector<16x1xi32>
      %gather3A_742 = vector.shape_cast %broadcast_in_dim3A_741 : vector<16x1xi32> to vector<16xi32>
      %gather3A_743 = tpu.dynamic_gather %get3A_637[%gather3A_742] in [0] : vector<16xi32>, vector<16xi32> -> vector<16xi32>
      %add3A_744 = arith.addi %gather3A_743, %mul3A_3 : vector<16xi32>
      %mul3A_745 = arith.constant 16 : i32
      %mul3A_746 = arith.muli %scan3A_633, %mul3A_745 : i32
      %add3A_747 = arith.constant 7 : i32
      %add3A_748 = arith.addi %mul3A_746, %add3A_747 : i32
      %mul3A_749 = arith.constant 16 : i32
      %mul3A_750 = arith.muli %add3A_748, %mul3A_749 : i32
      %swap3A_751 = arith.index_cast %mul3A_750 : i32 to index
      %swap3A_752 = tpu.vector_load %arg12[%swap3A_751] {strides = array<i32>} : memref<13312xi32, #tpu.memory_space<vmem>>, vector<16xi32>,
      %swap3A_753 = vector.shape_cast %swap3A_752 : vector<16xi32> to vector<16xi32>
      %swap3A_754 = vector.shape_cast %add3A_744 : vector<16xi32> to vector<16xi32>
      tpu.vector_store %arg12[%swap3A_751], %swap3A_754 {strides = array<i32>} : memref<13312xi32, #tpu.memory_space<vmem>>, vector<16xi32>,
      %broadcast_in_dim3A_755 = arith.constant 8 : i32
      %broadcast_in_dim3A_756 = vector.broadcast %broadcast_in_dim3A_755 : i32 to vector<16x1xi32>
      %gather3A_757 = vector.shape_cast %broadcast_in_dim3A_756 : vector<16x1xi32> to vector<16xi32>
      %gather3A_758 = tpu.dynamic_gather %get3A_637[%gather3A_757] in [0] : vector<16xi32>, vector<16xi32> -> vector<16xi32>
      %add3A_759 = arith.addi %gather3A_758, %mul3A_3 : vector<16xi32>
      %mul3A_760 = arith.constant 16 : i32
      %mul3A_761 = arith.muli %scan3A_633, %mul3A_760 : i32
      %add3A_762 = arith.constant 8 : i32
      %add3A_763 = arith.addi %mul3A_761, %add3A_762 : i32
      %mul3A_764 = arith.constant 16 : i32
      %mul3A_765 = arith.muli %add3A_763, %mul3A_764 : i32
      %swap3A_766 = arith.index_cast %mul3A_765 : i32 to index
      %swap3A_767 = tpu.vector_load %arg12[%swap3A_766] {strides = array<i32>} : memref<13312xi32, #tpu.memory_space<vmem>>, vector<16xi32>,
      %swap3A_768 = vector.shape_cast %swap3A_767 : vector<16xi32> to vector<16xi32>
      %swap3A_769 = vector.shape_cast %add3A_759 : vector<16xi32> to vector<16xi32>
      tpu.vector_store %arg12[%swap3A_766], %swap3A_769 {strides = array<i32>} : memref<13312xi32, #tpu.memory_space<vmem>>, vector<16xi32>,
      %broadcast_in_dim3A_770 = arith.constant 9 : i32
      %broadcast_in_dim3A_771 = vector.broadcast %broadcast_in_dim3A_770 : i32 to vector<16x1xi32>
      %gather3A_772 = vector.shape_cast %broadcast_in_dim3A_771 : vector<16x1xi32> to vector<16xi32>
      %gather3A_773 = tpu.dynamic_gather %get3A_637[%gather3A_772] in [0] : vector<16xi32>, vector<16xi32> -> vector<16xi32>
      %add3A_774 = arith.addi %gather3A_773, %mul3A_3 : vector<16xi32>
      %mul3A_775 = arith.constant 16 : i32
      %mul3A_776 = arith.muli %scan3A_633, %mul3A_775 : i32
      %add3A_777 = arith.constant 9 : i32
      %add3A_778 = arith.addi %mul3A_776, %add3A_777 : i32
      %mul3A_779 = arith.constant 16 : i32
      %mul3A_780 = arith.muli %add3A_778, %mul3A_779 : i32
      %swap3A_781 = arith.index_cast %mul3A_780 : i32 to index
      %swap3A_782 = tpu.vector_load %arg12[%swap3A_781] {strides = array<i32>} : memref<13312xi32, #tpu.memory_space<vmem>>, vector<16xi32>,
      %swap3A_783 = vector.shape_cast %swap3A_782 : vector<16xi32> to vector<16xi32>
      %swap3A_784 = vector.shape_cast %add3A_774 : vector<16xi32> to vector<16xi32>
      tpu.vector_store %arg12[%swap3A_781], %swap3A_784 {strides = array<i32>} : memref<13312xi32, #tpu.memory_space<vmem>>, vector<16xi32>,
      %broadcast_in_dim3A_785 = arith.constant 10 : i32
      %broadcast_in_dim3A_786 = vector.broadcast %broadcast_in_dim3A_785 : i32 to vector<16x1xi32>
      %gather3A_787 = vector.shape_cast %broadcast_in_dim3A_786 : vector<16x1xi32> to vector<16xi32>
      %gather3A_788 = tpu.dynamic_gather %get3A_637[%gather3A_787] in [0] : vector<16xi32>, vector<16xi32> -> vector<16xi32>
      %add3A_789 = arith.addi %gather3A_788, %mul3A_3 : vector<16xi32>
      %mul3A_790 = arith.constant 16 : i32
      %mul3A_791 = arith.muli %scan3A_633, %mul3A_790 : i32
      %add3A_792 = arith.constant 10 : i32
      %add3A_793 = arith.addi %mul3A_791, %add3A_792 : i32
      %mul3A_794 = arith.constant 16 : i32
      %mul3A_795 = arith.muli %add3A_793, %mul3A_794 : i32
      %swap3A_796 = arith.index_cast %mul3A_795 : i32 to index
      %swap3A_797 = tpu.vector_load %arg12[%swap3A_796] {strides = array<i32>} : memref<13312xi32, #tpu.memory_space<vmem>>, vector<16xi32>,
      %swap3A_798 = vector.shape_cast %swap3A_797 : vector<16xi32> to vector<16xi32>
      %swap3A_799 = vector.shape_cast %add3A_789 : vector<16xi32> to vector<16xi32>
      tpu.vector_store %arg12[%swap3A_796], %swap3A_799 {strides = array<i32>} : memref<13312xi32, #tpu.memory_space<vmem>>, vector<16xi32>,
      %broadcast_in_dim3A_800 = arith.constant 11 : i32
      %broadcast_in_dim3A_801 = vector.broadcast %broadcast_in_dim3A_800 : i32 to vector<16x1xi32>
      %gather3A_802 = vector.shape_cast %broadcast_in_dim3A_801 : vector<16x1xi32> to vector<16xi32>
      %gather3A_803 = tpu.dynamic_gather %get3A_637[%gather3A_802] in [0] : vector<16xi32>, vector<16xi32> -> vector<16xi32>
      %add3A_804 = arith.addi %gather3A_803, %mul3A_3 : vector<16xi32>
      %mul3A_805 = arith.constant 16 : i32
      %mul3A_806 = arith.muli %scan3A_633, %mul3A_805 : i32
      %add3A_807 = arith.constant 11 : i32
      %add3A_808 = arith.addi %mul3A_806, %add3A_807 : i32
      %mul3A_809 = arith.constant 16 : i32
      %mul3A_810 = arith.muli %add3A_808, %mul3A_809 : i32
      %swap3A_811 = arith.index_cast %mul3A_810 : i32 to index
      %swap3A_812 = tpu.vector_load %arg12[%swap3A_811] {strides = array<i32>} : memref<13312xi32, #tpu.memory_space<vmem>>, vector<16xi32>,
      %swap3A_813 = vector.shape_cast %swap3A_812 : vector<16xi32> to vector<16xi32>
      %swap3A_814 = vector.shape_cast %add3A_804 : vector<16xi32> to vector<16xi32>
      tpu.vector_store %arg12[%swap3A_811], %swap3A_814 {strides = array<i32>} : memref<13312xi32, #tpu.memory_space<vmem>>, vector<16xi32>,
      %broadcast_in_dim3A_815 = arith.constant 12 : i32
      %broadcast_in_dim3A_816 = vector.broadcast %broadcast_in_dim3A_815 : i32 to vector<16x1xi32>
      %gather3A_817 = vector.shape_cast %broadcast_in_dim3A_816 : vector<16x1xi32> to vector<16xi32>
      %gather3A_818 = tpu.dynamic_gather %get3A_637[%gather3A_817] in [0] : vector<16xi32>, vector<16xi32> -> vector<16xi32>
      %add3A_819 = arith.addi %gather3A_818, %mul3A_3 : vector<16xi32>
      %mul3A_820 = arith.constant 16 : i32
      %mul3A_821 = arith.muli %scan3A_633, %mul3A_820 : i32
      %add3A_822 = arith.constant 12 : i32
      %add3A_823 = arith.addi %mul3A_821, %add3A_822 : i32
      %mul3A_824 = arith.constant 16 : i32
      %mul3A_825 = arith.muli %add3A_823, %mul3A_824 : i32
      %swap3A_826 = arith.index_cast %mul3A_825 : i32 to index
      %swap3A_827 = tpu.vector_load %arg12[%swap3A_826] {strides = array<i32>} : memref<13312xi32, #tpu.memory_space<vmem>>, vector<16xi32>,
      %swap3A_828 = vector.shape_cast %swap3A_827 : vector<16xi32> to vector<16xi32>
      %swap3A_829 = vector.shape_cast %add3A_819 : vector<16xi32> to vector<16xi32>
      tpu.vector_store %arg12[%swap3A_826], %swap3A_829 {strides = array<i32>} : memref<13312xi32, #tpu.memory_space<vmem>>, vector<16xi32>,
      %broadcast_in_dim3A_830 = arith.constant 13 : i32
      %broadcast_in_dim3A_831 = vector.broadcast %broadcast_in_dim3A_830 : i32 to vector<16x1xi32>
      %gather3A_832 = vector.shape_cast %broadcast_in_dim3A_831 : vector<16x1xi32> to vector<16xi32>
      %gather3A_833 = tpu.dynamic_gather %get3A_637[%gather3A_832] in [0] : vector<16xi32>, vector<16xi32> -> vector<16xi32>
      %add3A_834 = arith.addi %gather3A_833, %mul3A_3 : vector<16xi32>
      %mul3A_835 = arith.constant 16 : i32
      %mul3A_836 = arith.muli %scan3A_633, %mul3A_835 : i32
      %add3A_837 = arith.constant 13 : i32
      %add3A_838 = arith.addi %mul3A_836, %add3A_837 : i32
      %mul3A_839 = arith.constant 16 : i32
      %mul3A_840 = arith.muli %add3A_838, %mul3A_839 : i32
      %swap3A_841 = arith.index_cast %mul3A_840 : i32 to index
      %swap3A_842 = tpu.vector_load %arg12[%swap3A_841] {strides = array<i32>} : memref<13312xi32, #tpu.memory_space<vmem>>, vector<16xi32>,
      %swap3A_843 = vector.shape_cast %swap3A_842 : vector<16xi32> to vector<16xi32>
      %swap3A_844 = vector.shape_cast %add3A_834 : vector<16xi32> to vector<16xi32>
      tpu.vector_store %arg12[%swap3A_841], %swap3A_844 {strides = array<i32>} : memref<13312xi32, #tpu.memory_space<vmem>>, vector<16xi32>,
      %broadcast_in_dim3A_845 = arith.constant 14 : i32
      %broadcast_in_dim3A_846 = vector.broadcast %broadcast_in_dim3A_845 : i32 to vector<16x1xi32>
      %gather3A_847 = vector.shape_cast %broadcast_in_dim3A_846 : vector<16x1xi32> to vector<16xi32>
      %gather3A_848 = tpu.dynamic_gather %get3A_637[%gather3A_847] in [0] : vector<16xi32>, vector<16xi32> -> vector<16xi32>
      %add3A_849 = arith.addi %gather3A_848, %mul3A_3 : vector<16xi32>
      %mul3A_850 = arith.constant 16 : i32
      %mul3A_851 = arith.muli %scan3A_633, %mul3A_850 : i32
      %add3A_852 = arith.constant 14 : i32
      %add3A_853 = arith.addi %mul3A_851, %add3A_852 : i32
      %mul3A_854 = arith.constant 16 : i32
      %mul3A_855 = arith.muli %add3A_853, %mul3A_854 : i32
      %swap3A_856 = arith.index_cast %mul3A_855 : i32 to index
      %swap3A_857 = tpu.vector_load %arg12[%swap3A_856] {strides = array<i32>} : memref<13312xi32, #tpu.memory_space<vmem>>, vector<16xi32>,
      %swap3A_858 = vector.shape_cast %swap3A_857 : vector<16xi32> to vector<16xi32>
      %swap3A_859 = vector.shape_cast %add3A_849 : vector<16xi32> to vector<16xi32>
      tpu.vector_store %arg12[%swap3A_856], %swap3A_859 {strides = array<i32>} : memref<13312xi32, #tpu.memory_space<vmem>>, vector<16xi32>,
      %broadcast_in_dim3A_860 = arith.constant 15 : i32
      %broadcast_in_dim3A_861 = vector.broadcast %broadcast_in_dim3A_860 : i32 to vector<16x1xi32>
      %gather3A_862 = vector.shape_cast %broadcast_in_dim3A_861 : vector<16x1xi32> to vector<16xi32>
      %gather3A_863 = tpu.dynamic_gather %get3A_637[%gather3A_862] in [0] : vector<16xi32>, vector<16xi32> -> vector<16xi32>
      %add3A_864 = arith.addi %gather3A_863, %mul3A_3 : vector<16xi32>
      %mul3A_865 = arith.constant 16 : i32
      %mul3A_866 = arith.muli %scan3A_633, %mul3A_865 : i32
      %add3A_867 = arith.constant 15 : i32
      %add3A_868 = arith.addi %mul3A_866, %add3A_867 : i32
      %mul3A_869 = arith.constant 16 : i32
      %mul3A_870 = arith.muli %add3A_868, %mul3A_869 : i32
      %swap3A_871 = arith.index_cast %mul3A_870 : i32 to index
      %swap3A_872 = tpu.vector_load %arg12[%swap3A_871] {strides = array<i32>} : memref<13312xi32, #tpu.memory_space<vmem>>, vector<16xi32>,
      %swap3A_873 = vector.shape_cast %swap3A_872 : vector<16xi32> to vector<16xi32>
      %swap3A_874 = vector.shape_cast %add3A_864 : vector<16xi32> to vector<16xi32>
      tpu.vector_store %arg12[%swap3A_871], %swap3A_874 {strides = array<i32>} : memref<13312xi32, #tpu.memory_space<vmem>>, vector<16xi32>,
    }
    %scan3A_480 = arith.constant 52 : i32
    %scan3A_481 = arith.constant 0 : i32
    %scan3A_482 = arith.constant 0 : i32
    %scan3A_483 = arith.constant 104 : i32
    %scan3A_484 = arith.addi %scan3A_482, %scan3A_483 : i32
    %scan3A_485 = arith.constant 1 : i32
    scf.for %scan3A_633 = %scan3A_482 to %scan3A_484 step %scan3A_485  : i32 {
      %mul3A_634 = arith.constant 128 : i32
      %mul3A_635 = arith.muli %scan3A_633, %mul3A_634 : i32
      %mul3A_636 = arith.constant 128 : i32
      %mul3A_637 = arith.muli %scan3A_633, %mul3A_636 : i32
      %dma_start3A_638 = tpu.memref_slice %arg14[%mul3A_637] : memref<13312xf32, #tpu.memory_space<vmem>> -> memref<128xf32, #tpu.memory_space<vmem>>
      %dma_start3A_639 = tpu.memref_slice %arg12[%mul3A_635] : memref<13312xi32, #tpu.memory_space<vmem>> -> memref<128xi32, #tpu.memory_space<vmem>>
      %dma_start3A_640 = arith.constant 0 : i32
      %dma_start3A_641 = tpu.memref_slice %arg2[%dma_start3A_640] : memref<41600000xf32, #tpu.memory_space<hbm>> -> memref<41600000xf32, #tpu.memory_space<hbm>>
      tpu.enqueue_indirect_dma source(%dma_start3A_641 : memref<41600000xf32, #tpu.memory_space<hbm>>) target(%dma_start3A_638 : memref<128xf32, #tpu.memory_space<vmem>>) offsets(%dma_start3A_639 : memref<128xi32, #tpu.memory_space<vmem>>) semaphore(%arg20 : memref<!tpu.dma_semaphore, #tpu.memory_space<semaphore_mem>>)
    }
    %scan3A_486 = arith.constant 104 : i32
    %dma_start3A_487 = arith.constant 0 : i32
    %dma_start3A_488 = arith.constant 0 : i32
    %dma_start3A_489 = tpu.memref_slice %arg16[%dma_start3A_487, %dma_start3A_488] : memref<1600x16xf32, #tpu.memory_space<vmem>> -> memref<128x16xf32, #tpu.memory_space<vmem>>
    %dma_start3A_490 = arith.constant 0 : i32
    %dma_start3A_491 = tpu.memref_slice %arg10[%dma_start3A_490] : memref<1600xi32, #tpu.memory_space<vmem>> -> memref<128xi32, #tpu.memory_space<vmem>>
    %dma_start3A_492 = arith.constant 0 : i32
    %dma_start3A_493 = arith.constant 0 : i32
    %dma_start3A_494 = tpu.memref_slice %arg3[%dma_start3A_492, %dma_start3A_493] : memref<100000x16xf32, #tpu.memory_space<hbm>> -> memref<100000x16xf32, #tpu.memory_space<hbm>>
    tpu.enqueue_indirect_dma source(%dma_start3A_494 : memref<100000x16xf32, #tpu.memory_space<hbm>>) target(%dma_start3A_489 : memref<128x16xf32, #tpu.memory_space<vmem>>) offsets(%dma_start3A_491 : memref<128xi32, #tpu.memory_space<vmem>>) semaphore(%arg20 : memref<!tpu.dma_semaphore, #tpu.memory_space<semaphore_mem>>)
    %dma_start3A_495 = arith.constant 128 : i32
    %dma_start3A_496 = arith.constant 0 : i32
    %dma_start3A_497 = tpu.memref_slice %arg16[%dma_start3A_495, %dma_start3A_496] : memref<1600x16xf32, #tpu.memory_space<vmem>> -> memref<128x16xf32, #tpu.memory_space<vmem>>
    %dma_start3A_498 = arith.constant 128 : i32
    %dma_start3A_499 = tpu.memref_slice %arg10[%dma_start3A_498] : memref<1600xi32, #tpu.memory_space<vmem>> -> memref<128xi32, #tpu.memory_space<vmem>>
    %dma_start3A_500 = arith.constant 0 : i32
    %dma_start3A_501 = arith.constant 0 : i32
    %dma_start3A_502 = tpu.memref_slice %arg3[%dma_start3A_500, %dma_start3A_501] : memref<100000x16xf32, #tpu.memory_space<hbm>> -> memref<100000x16xf32, #tpu.memory_space<hbm>>
    tpu.enqueue_indirect_dma source(%dma_start3A_502 : memref<100000x16xf32, #tpu.memory_space<hbm>>) target(%dma_start3A_497 : memref<128x16xf32, #tpu.memory_space<vmem>>) offsets(%dma_start3A_499 : memref<128xi32, #tpu.memory_space<vmem>>) semaphore(%arg20 : memref<!tpu.dma_semaphore, #tpu.memory_space<semaphore_mem>>)
    %dma_start3A_503 = arith.constant 256 : i32
    %dma_start3A_504 = arith.constant 0 : i32
    %dma_start3A_505 = tpu.memref_slice %arg16[%dma_start3A_503, %dma_start3A_504] : memref<1600x16xf32, #tpu.memory_space<vmem>> -> memref<128x16xf32, #tpu.memory_space<vmem>>
    %dma_start3A_506 = arith.constant 256 : i32
    %dma_start3A_507 = tpu.memref_slice %arg10[%dma_start3A_506] : memref<1600xi32, #tpu.memory_space<vmem>> -> memref<128xi32, #tpu.memory_space<vmem>>
    %dma_start3A_508 = arith.constant 0 : i32
    %dma_start3A_509 = arith.constant 0 : i32
    %dma_start3A_510 = tpu.memref_slice %arg3[%dma_start3A_508, %dma_start3A_509] : memref<100000x16xf32, #tpu.memory_space<hbm>> -> memref<100000x16xf32, #tpu.memory_space<hbm>>
    tpu.enqueue_indirect_dma source(%dma_start3A_510 : memref<100000x16xf32, #tpu.memory_space<hbm>>) target(%dma_start3A_505 : memref<128x16xf32, #tpu.memory_space<vmem>>) offsets(%dma_start3A_507 : memref<128xi32, #tpu.memory_space<vmem>>) semaphore(%arg20 : memref<!tpu.dma_semaphore, #tpu.memory_space<semaphore_mem>>)
    %dma_start3A_511 = arith.constant 384 : i32
    %dma_start3A_512 = arith.constant 0 : i32
    %dma_start3A_513 = tpu.memref_slice %arg16[%dma_start3A_511, %dma_start3A_512] : memref<1600x16xf32, #tpu.memory_space<vmem>> -> memref<128x16xf32, #tpu.memory_space<vmem>>
    %dma_start3A_514 = arith.constant 384 : i32
    %dma_start3A_515 = tpu.memref_slice %arg10[%dma_start3A_514] : memref<1600xi32, #tpu.memory_space<vmem>> -> memref<128xi32, #tpu.memory_space<vmem>>
    %dma_start3A_516 = arith.constant 0 : i32
    %dma_start3A_517 = arith.constant 0 : i32
    %dma_start3A_518 = tpu.memref_slice %arg3[%dma_start3A_516, %dma_start3A_517] : memref<100000x16xf32, #tpu.memory_space<hbm>> -> memref<100000x16xf32, #tpu.memory_space<hbm>>
    tpu.enqueue_indirect_dma source(%dma_start3A_518 : memref<100000x16xf32, #tpu.memory_space<hbm>>) target(%dma_start3A_513 : memref<128x16xf32, #tpu.memory_space<vmem>>) offsets(%dma_start3A_515 : memref<128xi32, #tpu.memory_space<vmem>>) semaphore(%arg20 : memref<!tpu.dma_semaphore, #tpu.memory_space<semaphore_mem>>)
    %dma_start3A_519 = arith.constant 512 : i32
    %dma_start3A_520 = arith.constant 0 : i32
    %dma_start3A_521 = tpu.memref_slice %arg16[%dma_start3A_519, %dma_start3A_520] : memref<1600x16xf32, #tpu.memory_space<vmem>> -> memref<128x16xf32, #tpu.memory_space<vmem>>
    %dma_start3A_522 = arith.constant 512 : i32
    %dma_start3A_523 = tpu.memref_slice %arg10[%dma_start3A_522] : memref<1600xi32, #tpu.memory_space<vmem>> -> memref<128xi32, #tpu.memory_space<vmem>>
    %dma_start3A_524 = arith.constant 0 : i32
    %dma_start3A_525 = arith.constant 0 : i32
    %dma_start3A_526 = tpu.memref_slice %arg3[%dma_start3A_524, %dma_start3A_525] : memref<100000x16xf32, #tpu.memory_space<hbm>> -> memref<100000x16xf32, #tpu.memory_space<hbm>>
    tpu.enqueue_indirect_dma source(%dma_start3A_526 : memref<100000x16xf32, #tpu.memory_space<hbm>>) target(%dma_start3A_521 : memref<128x16xf32, #tpu.memory_space<vmem>>) offsets(%dma_start3A_523 : memref<128xi32, #tpu.memory_space<vmem>>) semaphore(%arg20 : memref<!tpu.dma_semaphore, #tpu.memory_space<semaphore_mem>>)
    %dma_start3A_527 = arith.constant 640 : i32
    %dma_start3A_528 = arith.constant 0 : i32
    %dma_start3A_529 = tpu.memref_slice %arg16[%dma_start3A_527, %dma_start3A_528] : memref<1600x16xf32, #tpu.memory_space<vmem>> -> memref<128x16xf32, #tpu.memory_space<vmem>>
    %dma_start3A_530 = arith.constant 640 : i32
    %dma_start3A_531 = tpu.memref_slice %arg10[%dma_start3A_530] : memref<1600xi32, #tpu.memory_space<vmem>> -> memref<128xi32, #tpu.memory_space<vmem>>
    %dma_start3A_532 = arith.constant 0 : i32
    %dma_start3A_533 = arith.constant 0 : i32
    %dma_start3A_534 = tpu.memref_slice %arg3[%dma_start3A_532, %dma_start3A_533] : memref<100000x16xf32, #tpu.memory_space<hbm>> -> memref<100000x16xf32, #tpu.memory_space<hbm>>
    tpu.enqueue_indirect_dma source(%dma_start3A_534 : memref<100000x16xf32, #tpu.memory_space<hbm>>) target(%dma_start3A_529 : memref<128x16xf32, #tpu.memory_space<vmem>>) offsets(%dma_start3A_531 : memref<128xi32, #tpu.memory_space<vmem>>) semaphore(%arg20 : memref<!tpu.dma_semaphore, #tpu.memory_space<semaphore_mem>>)
    %dma_start3A_535 = arith.constant 768 : i32
    %dma_start3A_536 = arith.constant 0 : i32
    %dma_start3A_537 = tpu.memref_slice %arg16[%dma_start3A_535, %dma_start3A_536] : memref<1600x16xf32, #tpu.memory_space<vmem>> -> memref<128x16xf32, #tpu.memory_space<vmem>>
    %dma_start3A_538 = arith.constant 768 : i32
    %dma_start3A_539 = tpu.memref_slice %arg10[%dma_start3A_538] : memref<1600xi32, #tpu.memory_space<vmem>> -> memref<128xi32, #tpu.memory_space<vmem>>
    %dma_start3A_540 = arith.constant 0 : i32
    %dma_start3A_541 = arith.constant 0 : i32
    %dma_start3A_542 = tpu.memref_slice %arg3[%dma_start3A_540, %dma_start3A_541] : memref<100000x16xf32, #tpu.memory_space<hbm>> -> memref<100000x16xf32, #tpu.memory_space<hbm>>
    tpu.enqueue_indirect_dma source(%dma_start3A_542 : memref<100000x16xf32, #tpu.memory_space<hbm>>) target(%dma_start3A_537 : memref<128x16xf32, #tpu.memory_space<vmem>>) offsets(%dma_start3A_539 : memref<128xi32, #tpu.memory_space<vmem>>) semaphore(%arg20 : memref<!tpu.dma_semaphore, #tpu.memory_space<semaphore_mem>>)
    %dma_start3A_543 = arith.constant 896 : i32
    %dma_start3A_544 = arith.constant 0 : i32
    %dma_start3A_545 = tpu.memref_slice %arg16[%dma_start3A_543, %dma_start3A_544] : memref<1600x16xf32, #tpu.memory_space<vmem>> -> memref<128x16xf32, #tpu.memory_space<vmem>>
    %dma_start3A_546 = arith.constant 896 : i32
    %dma_start3A_547 = tpu.memref_slice %arg10[%dma_start3A_546] : memref<1600xi32, #tpu.memory_space<vmem>> -> memref<128xi32, #tpu.memory_space<vmem>>
    %dma_start3A_548 = arith.constant 0 : i32
    %dma_start3A_549 = arith.constant 0 : i32
    %dma_start3A_550 = tpu.memref_slice %arg3[%dma_start3A_548, %dma_start3A_549] : memref<100000x16xf32, #tpu.memory_space<hbm>> -> memref<100000x16xf32, #tpu.memory_space<hbm>>
    tpu.enqueue_indirect_dma source(%dma_start3A_550 : memref<100000x16xf32, #tpu.memory_space<hbm>>) target(%dma_start3A_545 : memref<128x16xf32, #tpu.memory_space<vmem>>) offsets(%dma_start3A_547 : memref<128xi32, #tpu.memory_space<vmem>>) semaphore(%arg20 : memref<!tpu.dma_semaphore, #tpu.memory_space<semaphore_mem>>)
    %dma_start3A_551 = arith.constant 1024 : i32
    %dma_start3A_552 = arith.constant 0 : i32
    %dma_start3A_553 = tpu.memref_slice %arg16[%dma_start3A_551, %dma_start3A_552] : memref<1600x16xf32, #tpu.memory_space<vmem>> -> memref<128x16xf32, #tpu.memory_space<vmem>>
    %dma_start3A_554 = arith.constant 1024 : i32
    %dma_start3A_555 = tpu.memref_slice %arg10[%dma_start3A_554] : memref<1600xi32, #tpu.memory_space<vmem>> -> memref<128xi32, #tpu.memory_space<vmem>>
    %dma_start3A_556 = arith.constant 0 : i32
    %dma_start3A_557 = arith.constant 0 : i32
    %dma_start3A_558 = tpu.memref_slice %arg3[%dma_start3A_556, %dma_start3A_557] : memref<100000x16xf32, #tpu.memory_space<hbm>> -> memref<100000x16xf32, #tpu.memory_space<hbm>>
    tpu.enqueue_indirect_dma source(%dma_start3A_558 : memref<100000x16xf32, #tpu.memory_space<hbm>>) target(%dma_start3A_553 : memref<128x16xf32, #tpu.memory_space<vmem>>) offsets(%dma_start3A_555 : memref<128xi32, #tpu.memory_space<vmem>>) semaphore(%arg20 : memref<!tpu.dma_semaphore, #tpu.memory_space<semaphore_mem>>)
    %dma_start3A_559 = arith.constant 1152 : i32
    %dma_start3A_560 = arith.constant 0 : i32
    %dma_start3A_561 = tpu.memref_slice %arg16[%dma_start3A_559, %dma_start3A_560] : memref<1600x16xf32, #tpu.memory_space<vmem>> -> memref<128x16xf32, #tpu.memory_space<vmem>>
    %dma_start3A_562 = arith.constant 1152 : i32
    %dma_start3A_563 = tpu.memref_slice %arg10[%dma_start3A_562] : memref<1600xi32, #tpu.memory_space<vmem>> -> memref<128xi32, #tpu.memory_space<vmem>>
    %dma_start3A_564 = arith.constant 0 : i32
    %dma_start3A_565 = arith.constant 0 : i32
    %dma_start3A_566 = tpu.memref_slice %arg3[%dma_start3A_564, %dma_start3A_565] : memref<100000x16xf32, #tpu.memory_space<hbm>> -> memref<100000x16xf32, #tpu.memory_space<hbm>>
    tpu.enqueue_indirect_dma source(%dma_start3A_566 : memref<100000x16xf32, #tpu.memory_space<hbm>>) target(%dma_start3A_561 : memref<128x16xf32, #tpu.memory_space<vmem>>) offsets(%dma_start3A_563 : memref<128xi32, #tpu.memory_space<vmem>>) semaphore(%arg20 : memref<!tpu.dma_semaphore, #tpu.memory_space<semaphore_mem>>)
    %dma_start3A_567 = arith.constant 1280 : i32
    %dma_start3A_568 = arith.constant 0 : i32
    %dma_start3A_569 = tpu.memref_slice %arg16[%dma_start3A_567, %dma_start3A_568] : memref<1600x16xf32, #tpu.memory_space<vmem>> -> memref<128x16xf32, #tpu.memory_space<vmem>>
    %dma_start3A_570 = arith.constant 1280 : i32
    %dma_start3A_571 = tpu.memref_slice %arg10[%dma_start3A_570] : memref<1600xi32, #tpu.memory_space<vmem>> -> memref<128xi32, #tpu.memory_space<vmem>>
    %dma_start3A_572 = arith.constant 0 : i32
    %dma_start3A_573 = arith.constant 0 : i32
    %dma_start3A_574 = tpu.memref_slice %arg3[%dma_start3A_572, %dma_start3A_573] : memref<100000x16xf32, #tpu.memory_space<hbm>> -> memref<100000x16xf32, #tpu.memory_space<hbm>>
    tpu.enqueue_indirect_dma source(%dma_start3A_574 : memref<100000x16xf32, #tpu.memory_space<hbm>>) target(%dma_start3A_569 : memref<128x16xf32, #tpu.memory_space<vmem>>) offsets(%dma_start3A_571 : memref<128xi32, #tpu.memory_space<vmem>>) semaphore(%arg20 : memref<!tpu.dma_semaphore, #tpu.memory_space<semaphore_mem>>)
    %dma_start3A_575 = arith.constant 1408 : i32
    %dma_start3A_576 = arith.constant 0 : i32
    %dma_start3A_577 = tpu.memref_slice %arg16[%dma_start3A_575, %dma_start3A_576] : memref<1600x16xf32, #tpu.memory_space<vmem>> -> memref<128x16xf32, #tpu.memory_space<vmem>>
    %dma_start3A_578 = arith.constant 1408 : i32
    %dma_start3A_579 = tpu.memref_slice %arg10[%dma_start3A_578] : memref<1600xi32, #tpu.memory_space<vmem>> -> memref<128xi32, #tpu.memory_space<vmem>>
    %dma_start3A_580 = arith.constant 0 : i32
    %dma_start3A_581 = arith.constant 0 : i32
    %dma_start3A_582 = tpu.memref_slice %arg3[%dma_start3A_580, %dma_start3A_581] : memref<100000x16xf32, #tpu.memory_space<hbm>> -> memref<100000x16xf32, #tpu.memory_space<hbm>>
    tpu.enqueue_indirect_dma source(%dma_start3A_582 : memref<100000x16xf32, #tpu.memory_space<hbm>>) target(%dma_start3A_577 : memref<128x16xf32, #tpu.memory_space<vmem>>) offsets(%dma_start3A_579 : memref<128xi32, #tpu.memory_space<vmem>>) semaphore(%arg20 : memref<!tpu.dma_semaphore, #tpu.memory_space<semaphore_mem>>)
    %dma_start3A_583 = arith.constant 1536 : i32
    %dma_start3A_584 = arith.constant 0 : i32
    %dma_start3A_585 = tpu.memref_slice %arg16[%dma_start3A_583, %dma_start3A_584] : memref<1600x16xf32, #tpu.memory_space<vmem>> -> memref<64x16xf32, #tpu.memory_space<vmem>>
    %dma_start3A_586 = arith.constant 1536 : i32
    %dma_start3A_587 = tpu.memref_slice %arg10[%dma_start3A_586] : memref<1600xi32, #tpu.memory_space<vmem>> -> memref<64xi32, #tpu.memory_space<vmem>>
    %dma_start3A_588 = arith.constant 0 : i32
    %dma_start3A_589 = arith.constant 0 : i32
    %dma_start3A_590 = tpu.memref_slice %arg3[%dma_start3A_588, %dma_start3A_589] : memref<100000x16xf32, #tpu.memory_space<hbm>> -> memref<100000x16xf32, #tpu.memory_space<hbm>>
    tpu.enqueue_indirect_dma source(%dma_start3A_590 : memref<100000x16xf32, #tpu.memory_space<hbm>>) target(%dma_start3A_585 : memref<64x16xf32, #tpu.memory_space<vmem>>) offsets(%dma_start3A_587 : memref<64xi32, #tpu.memory_space<vmem>>) semaphore(%arg20 : memref<!tpu.dma_semaphore, #tpu.memory_space<semaphore_mem>>)
    %scan3A_591 = arith.constant 0 : i32
    %scan3A_592 = arith.constant 0 : i32
    %scan3A_593 = arith.constant 32 : i32
    %scan3A_594 = arith.addi %scan3A_592, %scan3A_593 : i32
    %scan3A_595 = arith.constant 1 : i32
    scf.for %scan3A_633 = %scan3A_592 to %scan3A_594 step %scan3A_595  : i32 {
      %mul3A_634 = arith.constant 50 : i32
      %mul3A_635 = arith.muli %scan3A_633, %mul3A_634 : i32
      %add3A_636 = arith.constant 0 : i32
      %add3A_637 = arith.addi %mul3A_635, %add3A_636 : i32
      %get3A = arith.index_cast %add3A_637 : i32 to index
      %get3A_638 = arith.constant 0 : index
      %get3A_639 = tpu.vector_load %arg15[%get3A, %get3A_638] {strides = array<i32>} : memref<1600x16xf32, #tpu.memory_space<vmem>>, vector<1x16xf32>,
      %get3A_640 = vector.shape_cast %get3A_639 : vector<1x16xf32> to vector<16xf32>
      %add3A_641 = arith.constant 1 : i32
      %add3A_642 = arith.addi %mul3A_635, %add3A_641 : i32
      %get3A_643 = arith.index_cast %add3A_642 : i32 to index
      %get3A_644 = arith.constant 0 : index
      %get3A_645 = tpu.vector_load %arg15[%get3A_643, %get3A_644] {strides = array<i32>} : memref<1600x16xf32, #tpu.memory_space<vmem>>, vector<1x16xf32>,
      %get3A_646 = vector.shape_cast %get3A_645 : vector<1x16xf32> to vector<16xf32>
      %add3A_647 = arith.constant 2 : i32
      %add3A_648 = arith.addi %mul3A_635, %add3A_647 : i32
      %get3A_649 = arith.index_cast %add3A_648 : i32 to index
      %get3A_650 = arith.constant 0 : index
      %get3A_651 = tpu.vector_load %arg15[%get3A_649, %get3A_650] {strides = array<i32>} : memref<1600x16xf32, #tpu.memory_space<vmem>>, vector<1x16xf32>,
      %get3A_652 = vector.shape_cast %get3A_651 : vector<1x16xf32> to vector<16xf32>
      %add3A_653 = arith.constant 3 : i32
      %add3A_654 = arith.addi %mul3A_635, %add3A_653 : i32
      %get3A_655 = arith.index_cast %add3A_654 : i32 to index
      %get3A_656 = arith.constant 0 : index
      %get3A_657 = tpu.vector_load %arg15[%get3A_655, %get3A_656] {strides = array<i32>} : memref<1600x16xf32, #tpu.memory_space<vmem>>, vector<1x16xf32>,
      %get3A_658 = vector.shape_cast %get3A_657 : vector<1x16xf32> to vector<16xf32>
      %add3A_659 = arith.constant 4 : i32
      %add3A_660 = arith.addi %mul3A_635, %add3A_659 : i32
      %get3A_661 = arith.index_cast %add3A_660 : i32 to index
      %get3A_662 = arith.constant 0 : index
      %get3A_663 = tpu.vector_load %arg15[%get3A_661, %get3A_662] {strides = array<i32>} : memref<1600x16xf32, #tpu.memory_space<vmem>>, vector<1x16xf32>,
      %get3A_664 = vector.shape_cast %get3A_663 : vector<1x16xf32> to vector<16xf32>
      %add3A_665 = arith.addf %get3A_640, %get3A_664 : vector<16xf32>
      %add3A_666 = arith.constant 5 : i32
      %add3A_667 = arith.addi %mul3A_635, %add3A_666 : i32
      %get3A_668 = arith.index_cast %add3A_667 : i32 to index
      %get3A_669 = arith.constant 0 : index
      %get3A_670 = tpu.vector_load %arg15[%get3A_668, %get3A_669] {strides = array<i32>} : memref<1600x16xf32, #tpu.memory_space<vmem>>, vector<1x16xf32>,
      %get3A_671 = vector.shape_cast %get3A_670 : vector<1x16xf32> to vector<16xf32>
      %add3A_672 = arith.addf %get3A_646, %get3A_671 : vector<16xf32>
      %add3A_673 = arith.constant 6 : i32
      %add3A_674 = arith.addi %mul3A_635, %add3A_673 : i32
      %get3A_675 = arith.index_cast %add3A_674 : i32 to index
      %get3A_676 = arith.constant 0 : index
      %get3A_677 = tpu.vector_load %arg15[%get3A_675, %get3A_676] {strides = array<i32>} : memref<1600x16xf32, #tpu.memory_space<vmem>>, vector<1x16xf32>,
      %get3A_678 = vector.shape_cast %get3A_677 : vector<1x16xf32> to vector<16xf32>
      %add3A_679 = arith.addf %get3A_652, %get3A_678 : vector<16xf32>
      %add3A_680 = arith.constant 7 : i32
      %add3A_681 = arith.addi %mul3A_635, %add3A_680 : i32
      %get3A_682 = arith.index_cast %add3A_681 : i32 to index
      %get3A_683 = arith.constant 0 : index
      %get3A_684 = tpu.vector_load %arg15[%get3A_682, %get3A_683] {strides = array<i32>} : memref<1600x16xf32, #tpu.memory_space<vmem>>, vector<1x16xf32>,
      %get3A_685 = vector.shape_cast %get3A_684 : vector<1x16xf32> to vector<16xf32>
      %add3A_686 = arith.addf %get3A_658, %get3A_685 : vector<16xf32>
      %add3A_687 = arith.constant 8 : i32
      %add3A_688 = arith.addi %mul3A_635, %add3A_687 : i32
      %get3A_689 = arith.index_cast %add3A_688 : i32 to index
      %get3A_690 = arith.constant 0 : index
      %get3A_691 = tpu.vector_load %arg15[%get3A_689, %get3A_690] {strides = array<i32>} : memref<1600x16xf32, #tpu.memory_space<vmem>>, vector<1x16xf32>,
      %get3A_692 = vector.shape_cast %get3A_691 : vector<1x16xf32> to vector<16xf32>
      %add3A_693 = arith.addf %add3A_665, %get3A_692 : vector<16xf32>
      %add3A_694 = arith.constant 9 : i32
      %add3A_695 = arith.addi %mul3A_635, %add3A_694 : i32
      %get3A_696 = arith.index_cast %add3A_695 : i32 to index
      %get3A_697 = arith.constant 0 : index
      %get3A_698 = tpu.vector_load %arg15[%get3A_696, %get3A_697] {strides = array<i32>} : memref<1600x16xf32, #tpu.memory_space<vmem>>, vector<1x16xf32>,
      %get3A_699 = vector.shape_cast %get3A_698 : vector<1x16xf32> to vector<16xf32>
      %add3A_700 = arith.addf %add3A_672, %get3A_699 : vector<16xf32>
      %add3A_701 = arith.constant 10 : i32
      %add3A_702 = arith.addi %mul3A_635, %add3A_701 : i32
      %get3A_703 = arith.index_cast %add3A_702 : i32 to index
      %get3A_704 = arith.constant 0 : index
      %get3A_705 = tpu.vector_load %arg15[%get3A_703, %get3A_704] {strides = array<i32>} : memref<1600x16xf32, #tpu.memory_space<vmem>>, vector<1x16xf32>,
      %get3A_706 = vector.shape_cast %get3A_705 : vector<1x16xf32> to vector<16xf32>
      %add3A_707 = arith.addf %add3A_679, %get3A_706 : vector<16xf32>
      %add3A_708 = arith.constant 11 : i32
      %add3A_709 = arith.addi %mul3A_635, %add3A_708 : i32
      %get3A_710 = arith.index_cast %add3A_709 : i32 to index
      %get3A_711 = arith.constant 0 : index
      %get3A_712 = tpu.vector_load %arg15[%get3A_710, %get3A_711] {strides = array<i32>} : memref<1600x16xf32, #tpu.memory_space<vmem>>, vector<1x16xf32>,
      %get3A_713 = vector.shape_cast %get3A_712 : vector<1x16xf32> to vector<16xf32>
      %add3A_714 = arith.addf %add3A_686, %get3A_713 : vector<16xf32>
      %add3A_715 = arith.constant 12 : i32
      %add3A_716 = arith.addi %mul3A_635, %add3A_715 : i32
      %get3A_717 = arith.index_cast %add3A_716 : i32 to index
      %get3A_718 = arith.constant 0 : index
      %get3A_719 = tpu.vector_load %arg15[%get3A_717, %get3A_718] {strides = array<i32>} : memref<1600x16xf32, #tpu.memory_space<vmem>>, vector<1x16xf32>,
      %get3A_720 = vector.shape_cast %get3A_719 : vector<1x16xf32> to vector<16xf32>
      %add3A_721 = arith.addf %add3A_693, %get3A_720 : vector<16xf32>
      %add3A_722 = arith.constant 13 : i32
      %add3A_723 = arith.addi %mul3A_635, %add3A_722 : i32
      %get3A_724 = arith.index_cast %add3A_723 : i32 to index
      %get3A_725 = arith.constant 0 : index
      %get3A_726 = tpu.vector_load %arg15[%get3A_724, %get3A_725] {strides = array<i32>} : memref<1600x16xf32, #tpu.memory_space<vmem>>, vector<1x16xf32>,
      %get3A_727 = vector.shape_cast %get3A_726 : vector<1x16xf32> to vector<16xf32>
      %add3A_728 = arith.addf %add3A_700, %get3A_727 : vector<16xf32>
      %add3A_729 = arith.constant 14 : i32
      %add3A_730 = arith.addi %mul3A_635, %add3A_729 : i32
      %get3A_731 = arith.index_cast %add3A_730 : i32 to index
      %get3A_732 = arith.constant 0 : index
      %get3A_733 = tpu.vector_load %arg15[%get3A_731, %get3A_732] {strides = array<i32>} : memref<1600x16xf32, #tpu.memory_space<vmem>>, vector<1x16xf32>,
      %get3A_734 = vector.shape_cast %get3A_733 : vector<1x16xf32> to vector<16xf32>
      %add3A_735 = arith.addf %add3A_707, %get3A_734 : vector<16xf32>
      %add3A_736 = arith.constant 15 : i32
      %add3A_737 = arith.addi %mul3A_635, %add3A_736 : i32
      %get3A_738 = arith.index_cast %add3A_737 : i32 to index
      %get3A_739 = arith.constant 0 : index
      %get3A_740 = tpu.vector_load %arg15[%get3A_738, %get3A_739] {strides = array<i32>} : memref<1600x16xf32, #tpu.memory_space<vmem>>, vector<1x16xf32>,
      %get3A_741 = vector.shape_cast %get3A_740 : vector<1x16xf32> to vector<16xf32>
      %add3A_742 = arith.addf %add3A_714, %get3A_741 : vector<16xf32>
      %add3A_743 = arith.constant 16 : i32
      %add3A_744 = arith.addi %mul3A_635, %add3A_743 : i32
      %get3A_745 = arith.index_cast %add3A_744 : i32 to index
      %get3A_746 = arith.constant 0 : index
      %get3A_747 = tpu.vector_load %arg15[%get3A_745, %get3A_746] {strides = array<i32>} : memref<1600x16xf32, #tpu.memory_space<vmem>>, vector<1x16xf32>,
      %get3A_748 = vector.shape_cast %get3A_747 : vector<1x16xf32> to vector<16xf32>
      %add3A_749 = arith.addf %add3A_721, %get3A_748 : vector<16xf32>
      %add3A_750 = arith.constant 17 : i32
      %add3A_751 = arith.addi %mul3A_635, %add3A_750 : i32
      %get3A_752 = arith.index_cast %add3A_751 : i32 to index
      %get3A_753 = arith.constant 0 : index
      %get3A_754 = tpu.vector_load %arg15[%get3A_752, %get3A_753] {strides = array<i32>} : memref<1600x16xf32, #tpu.memory_space<vmem>>, vector<1x16xf32>,
      %get3A_755 = vector.shape_cast %get3A_754 : vector<1x16xf32> to vector<16xf32>
      %add3A_756 = arith.addf %add3A_728, %get3A_755 : vector<16xf32>
      %add3A_757 = arith.constant 18 : i32
      %add3A_758 = arith.addi %mul3A_635, %add3A_757 : i32
      %get3A_759 = arith.index_cast %add3A_758 : i32 to index
      %get3A_760 = arith.constant 0 : index
      %get3A_761 = tpu.vector_load %arg15[%get3A_759, %get3A_760] {strides = array<i32>} : memref<1600x16xf32, #tpu.memory_space<vmem>>, vector<1x16xf32>,
      %get3A_762 = vector.shape_cast %get3A_761 : vector<1x16xf32> to vector<16xf32>
      %add3A_763 = arith.addf %add3A_735, %get3A_762 : vector<16xf32>
      %add3A_764 = arith.constant 19 : i32
      %add3A_765 = arith.addi %mul3A_635, %add3A_764 : i32
      %get3A_766 = arith.index_cast %add3A_765 : i32 to index
      %get3A_767 = arith.constant 0 : index
      %get3A_768 = tpu.vector_load %arg15[%get3A_766, %get3A_767] {strides = array<i32>} : memref<1600x16xf32, #tpu.memory_space<vmem>>, vector<1x16xf32>,
      %get3A_769 = vector.shape_cast %get3A_768 : vector<1x16xf32> to vector<16xf32>
      %add3A_770 = arith.addf %add3A_742, %get3A_769 : vector<16xf32>
      %add3A_771 = arith.constant 20 : i32
      %add3A_772 = arith.addi %mul3A_635, %add3A_771 : i32
      %get3A_773 = arith.index_cast %add3A_772 : i32 to index
      %get3A_774 = arith.constant 0 : index
      %get3A_775 = tpu.vector_load %arg15[%get3A_773, %get3A_774] {strides = array<i32>} : memref<1600x16xf32, #tpu.memory_space<vmem>>, vector<1x16xf32>,
      %get3A_776 = vector.shape_cast %get3A_775 : vector<1x16xf32> to vector<16xf32>
      %add3A_777 = arith.addf %add3A_749, %get3A_776 : vector<16xf32>
      %add3A_778 = arith.constant 21 : i32
      %add3A_779 = arith.addi %mul3A_635, %add3A_778 : i32
      %get3A_780 = arith.index_cast %add3A_779 : i32 to index
      %get3A_781 = arith.constant 0 : index
      %get3A_782 = tpu.vector_load %arg15[%get3A_780, %get3A_781] {strides = array<i32>} : memref<1600x16xf32, #tpu.memory_space<vmem>>, vector<1x16xf32>,
      %get3A_783 = vector.shape_cast %get3A_782 : vector<1x16xf32> to vector<16xf32>
      %add3A_784 = arith.addf %add3A_756, %get3A_783 : vector<16xf32>
      %add3A_785 = arith.constant 22 : i32
      %add3A_786 = arith.addi %mul3A_635, %add3A_785 : i32
      %get3A_787 = arith.index_cast %add3A_786 : i32 to index
      %get3A_788 = arith.constant 0 : index
      %get3A_789 = tpu.vector_load %arg15[%get3A_787, %get3A_788] {strides = array<i32>} : memref<1600x16xf32, #tpu.memory_space<vmem>>, vector<1x16xf32>,
      %get3A_790 = vector.shape_cast %get3A_789 : vector<1x16xf32> to vector<16xf32>
      %add3A_791 = arith.addf %add3A_763, %get3A_790 : vector<16xf32>
      %add3A_792 = arith.constant 23 : i32
      %add3A_793 = arith.addi %mul3A_635, %add3A_792 : i32
      %get3A_794 = arith.index_cast %add3A_793 : i32 to index
      %get3A_795 = arith.constant 0 : index
      %get3A_796 = tpu.vector_load %arg15[%get3A_794, %get3A_795] {strides = array<i32>} : memref<1600x16xf32, #tpu.memory_space<vmem>>, vector<1x16xf32>,
      %get3A_797 = vector.shape_cast %get3A_796 : vector<1x16xf32> to vector<16xf32>
      %add3A_798 = arith.addf %add3A_770, %get3A_797 : vector<16xf32>
      %add3A_799 = arith.constant 24 : i32
      %add3A_800 = arith.addi %mul3A_635, %add3A_799 : i32
      %get3A_801 = arith.index_cast %add3A_800 : i32 to index
      %get3A_802 = arith.constant 0 : index
      %get3A_803 = tpu.vector_load %arg15[%get3A_801, %get3A_802] {strides = array<i32>} : memref<1600x16xf32, #tpu.memory_space<vmem>>, vector<1x16xf32>,
      %get3A_804 = vector.shape_cast %get3A_803 : vector<1x16xf32> to vector<16xf32>
      %add3A_805 = arith.addf %add3A_777, %get3A_804 : vector<16xf32>
      %add3A_806 = arith.constant 25 : i32
      %add3A_807 = arith.addi %mul3A_635, %add3A_806 : i32
      %get3A_808 = arith.index_cast %add3A_807 : i32 to index
      %get3A_809 = arith.constant 0 : index
      %get3A_810 = tpu.vector_load %arg15[%get3A_808, %get3A_809] {strides = array<i32>} : memref<1600x16xf32, #tpu.memory_space<vmem>>, vector<1x16xf32>,
      %get3A_811 = vector.shape_cast %get3A_810 : vector<1x16xf32> to vector<16xf32>
      %add3A_812 = arith.addf %add3A_784, %get3A_811 : vector<16xf32>
      %add3A_813 = arith.constant 26 : i32
      %add3A_814 = arith.addi %mul3A_635, %add3A_813 : i32
      %get3A_815 = arith.index_cast %add3A_814 : i32 to index
      %get3A_816 = arith.constant 0 : index
      %get3A_817 = tpu.vector_load %arg15[%get3A_815, %get3A_816] {strides = array<i32>} : memref<1600x16xf32, #tpu.memory_space<vmem>>, vector<1x16xf32>,
      %get3A_818 = vector.shape_cast %get3A_817 : vector<1x16xf32> to vector<16xf32>
      %add3A_819 = arith.addf %add3A_791, %get3A_818 : vector<16xf32>
      %add3A_820 = arith.constant 27 : i32
      %add3A_821 = arith.addi %mul3A_635, %add3A_820 : i32
      %get3A_822 = arith.index_cast %add3A_821 : i32 to index
      %get3A_823 = arith.constant 0 : index
      %get3A_824 = tpu.vector_load %arg15[%get3A_822, %get3A_823] {strides = array<i32>} : memref<1600x16xf32, #tpu.memory_space<vmem>>, vector<1x16xf32>,
      %get3A_825 = vector.shape_cast %get3A_824 : vector<1x16xf32> to vector<16xf32>
      %add3A_826 = arith.addf %add3A_798, %get3A_825 : vector<16xf32>
      %add3A_827 = arith.constant 28 : i32
      %add3A_828 = arith.addi %mul3A_635, %add3A_827 : i32
      %get3A_829 = arith.index_cast %add3A_828 : i32 to index
      %get3A_830 = arith.constant 0 : index
      %get3A_831 = tpu.vector_load %arg15[%get3A_829, %get3A_830] {strides = array<i32>} : memref<1600x16xf32, #tpu.memory_space<vmem>>, vector<1x16xf32>,
      %get3A_832 = vector.shape_cast %get3A_831 : vector<1x16xf32> to vector<16xf32>
      %add3A_833 = arith.addf %add3A_805, %get3A_832 : vector<16xf32>
      %add3A_834 = arith.constant 29 : i32
      %add3A_835 = arith.addi %mul3A_635, %add3A_834 : i32
      %get3A_836 = arith.index_cast %add3A_835 : i32 to index
      %get3A_837 = arith.constant 0 : index
      %get3A_838 = tpu.vector_load %arg15[%get3A_836, %get3A_837] {strides = array<i32>} : memref<1600x16xf32, #tpu.memory_space<vmem>>, vector<1x16xf32>,
      %get3A_839 = vector.shape_cast %get3A_838 : vector<1x16xf32> to vector<16xf32>
      %add3A_840 = arith.addf %add3A_812, %get3A_839 : vector<16xf32>
      %add3A_841 = arith.constant 30 : i32
      %add3A_842 = arith.addi %mul3A_635, %add3A_841 : i32
      %get3A_843 = arith.index_cast %add3A_842 : i32 to index
      %get3A_844 = arith.constant 0 : index
      %get3A_845 = tpu.vector_load %arg15[%get3A_843, %get3A_844] {strides = array<i32>} : memref<1600x16xf32, #tpu.memory_space<vmem>>, vector<1x16xf32>,
      %get3A_846 = vector.shape_cast %get3A_845 : vector<1x16xf32> to vector<16xf32>
      %add3A_847 = arith.addf %add3A_819, %get3A_846 : vector<16xf32>
      %add3A_848 = arith.constant 31 : i32
      %add3A_849 = arith.addi %mul3A_635, %add3A_848 : i32
      %get3A_850 = arith.index_cast %add3A_849 : i32 to index
      %get3A_851 = arith.constant 0 : index
      %get3A_852 = tpu.vector_load %arg15[%get3A_850, %get3A_851] {strides = array<i32>} : memref<1600x16xf32, #tpu.memory_space<vmem>>, vector<1x16xf32>,
      %get3A_853 = vector.shape_cast %get3A_852 : vector<1x16xf32> to vector<16xf32>
      %add3A_854 = arith.addf %add3A_826, %get3A_853 : vector<16xf32>
      %add3A_855 = arith.constant 32 : i32
      %add3A_856 = arith.addi %mul3A_635, %add3A_855 : i32
      %get3A_857 = arith.index_cast %add3A_856 : i32 to index
      %get3A_858 = arith.constant 0 : index
      %get3A_859 = tpu.vector_load %arg15[%get3A_857, %get3A_858] {strides = array<i32>} : memref<1600x16xf32, #tpu.memory_space<vmem>>, vector<1x16xf32>,
      %get3A_860 = vector.shape_cast %get3A_859 : vector<1x16xf32> to vector<16xf32>
      %add3A_861 = arith.addf %add3A_833, %get3A_860 : vector<16xf32>
      %add3A_862 = arith.constant 33 : i32
      %add3A_863 = arith.addi %mul3A_635, %add3A_862 : i32
      %get3A_864 = arith.index_cast %add3A_863 : i32 to index
      %get3A_865 = arith.constant 0 : index
      %get3A_866 = tpu.vector_load %arg15[%get3A_864, %get3A_865] {strides = array<i32>} : memref<1600x16xf32, #tpu.memory_space<vmem>>, vector<1x16xf32>,
      %get3A_867 = vector.shape_cast %get3A_866 : vector<1x16xf32> to vector<16xf32>
      %add3A_868 = arith.addf %add3A_840, %get3A_867 : vector<16xf32>
      %add3A_869 = arith.constant 34 : i32
      %add3A_870 = arith.addi %mul3A_635, %add3A_869 : i32
      %get3A_871 = arith.index_cast %add3A_870 : i32 to index
      %get3A_872 = arith.constant 0 : index
      %get3A_873 = tpu.vector_load %arg15[%get3A_871, %get3A_872] {strides = array<i32>} : memref<1600x16xf32, #tpu.memory_space<vmem>>, vector<1x16xf32>,
      %get3A_874 = vector.shape_cast %get3A_873 : vector<1x16xf32> to vector<16xf32>
      %add3A_875 = arith.addf %add3A_847, %get3A_874 : vector<16xf32>
      %add3A_876 = arith.constant 35 : i32
      %add3A_877 = arith.addi %mul3A_635, %add3A_876 : i32
      %get3A_878 = arith.index_cast %add3A_877 : i32 to index
      %get3A_879 = arith.constant 0 : index
      %get3A_880 = tpu.vector_load %arg15[%get3A_878, %get3A_879] {strides = array<i32>} : memref<1600x16xf32, #tpu.memory_space<vmem>>, vector<1x16xf32>,
      %get3A_881 = vector.shape_cast %get3A_880 : vector<1x16xf32> to vector<16xf32>
      %add3A_882 = arith.addf %add3A_854, %get3A_881 : vector<16xf32>
      %add3A_883 = arith.constant 36 : i32
      %add3A_884 = arith.addi %mul3A_635, %add3A_883 : i32
      %get3A_885 = arith.index_cast %add3A_884 : i32 to index
      %get3A_886 = arith.constant 0 : index
      %get3A_887 = tpu.vector_load %arg15[%get3A_885, %get3A_886] {strides = array<i32>} : memref<1600x16xf32, #tpu.memory_space<vmem>>, vector<1x16xf32>,
      %get3A_888 = vector.shape_cast %get3A_887 : vector<1x16xf32> to vector<16xf32>
      %add3A_889 = arith.addf %add3A_861, %get3A_888 : vector<16xf32>
      %add3A_890 = arith.constant 37 : i32
      %add3A_891 = arith.addi %mul3A_635, %add3A_890 : i32
      %get3A_892 = arith.index_cast %add3A_891 : i32 to index
      %get3A_893 = arith.constant 0 : index
      %get3A_894 = tpu.vector_load %arg15[%get3A_892, %get3A_893] {strides = array<i32>} : memref<1600x16xf32, #tpu.memory_space<vmem>>, vector<1x16xf32>,
      %get3A_895 = vector.shape_cast %get3A_894 : vector<1x16xf32> to vector<16xf32>
      %add3A_896 = arith.addf %add3A_868, %get3A_895 : vector<16xf32>
      %add3A_897 = arith.constant 38 : i32
      %add3A_898 = arith.addi %mul3A_635, %add3A_897 : i32
      %get3A_899 = arith.index_cast %add3A_898 : i32 to index
      %get3A_900 = arith.constant 0 : index
      %get3A_901 = tpu.vector_load %arg15[%get3A_899, %get3A_900] {strides = array<i32>} : memref<1600x16xf32, #tpu.memory_space<vmem>>, vector<1x16xf32>,
      %get3A_902 = vector.shape_cast %get3A_901 : vector<1x16xf32> to vector<16xf32>
      %add3A_903 = arith.addf %add3A_875, %get3A_902 : vector<16xf32>
      %add3A_904 = arith.constant 39 : i32
      %add3A_905 = arith.addi %mul3A_635, %add3A_904 : i32
      %get3A_906 = arith.index_cast %add3A_905 : i32 to index
      %get3A_907 = arith.constant 0 : index
      %get3A_908 = tpu.vector_load %arg15[%get3A_906, %get3A_907] {strides = array<i32>} : memref<1600x16xf32, #tpu.memory_space<vmem>>, vector<1x16xf32>,
      %get3A_909 = vector.shape_cast %get3A_908 : vector<1x16xf32> to vector<16xf32>
      %add3A_910 = arith.addf %add3A_882, %get3A_909 : vector<16xf32>
      %add3A_911 = arith.constant 40 : i32
      %add3A_912 = arith.addi %mul3A_635, %add3A_911 : i32
      %get3A_913 = arith.index_cast %add3A_912 : i32 to index
      %get3A_914 = arith.constant 0 : index
      %get3A_915 = tpu.vector_load %arg15[%get3A_913, %get3A_914] {strides = array<i32>} : memref<1600x16xf32, #tpu.memory_space<vmem>>, vector<1x16xf32>,
      %get3A_916 = vector.shape_cast %get3A_915 : vector<1x16xf32> to vector<16xf32>
      %add3A_917 = arith.addf %add3A_889, %get3A_916 : vector<16xf32>
      %add3A_918 = arith.constant 41 : i32
      %add3A_919 = arith.addi %mul3A_635, %add3A_918 : i32
      %get3A_920 = arith.index_cast %add3A_919 : i32 to index
      %get3A_921 = arith.constant 0 : index
      %get3A_922 = tpu.vector_load %arg15[%get3A_920, %get3A_921] {strides = array<i32>} : memref<1600x16xf32, #tpu.memory_space<vmem>>, vector<1x16xf32>,
      %get3A_923 = vector.shape_cast %get3A_922 : vector<1x16xf32> to vector<16xf32>
      %add3A_924 = arith.addf %add3A_896, %get3A_923 : vector<16xf32>
      %add3A_925 = arith.constant 42 : i32
      %add3A_926 = arith.addi %mul3A_635, %add3A_925 : i32
      %get3A_927 = arith.index_cast %add3A_926 : i32 to index
      %get3A_928 = arith.constant 0 : index
      %get3A_929 = tpu.vector_load %arg15[%get3A_927, %get3A_928] {strides = array<i32>} : memref<1600x16xf32, #tpu.memory_space<vmem>>, vector<1x16xf32>,
      %get3A_930 = vector.shape_cast %get3A_929 : vector<1x16xf32> to vector<16xf32>
      %add3A_931 = arith.addf %add3A_903, %get3A_930 : vector<16xf32>
      %add3A_932 = arith.constant 43 : i32
      %add3A_933 = arith.addi %mul3A_635, %add3A_932 : i32
      %get3A_934 = arith.index_cast %add3A_933 : i32 to index
      %get3A_935 = arith.constant 0 : index
      %get3A_936 = tpu.vector_load %arg15[%get3A_934, %get3A_935] {strides = array<i32>} : memref<1600x16xf32, #tpu.memory_space<vmem>>, vector<1x16xf32>,
      %get3A_937 = vector.shape_cast %get3A_936 : vector<1x16xf32> to vector<16xf32>
      %add3A_938 = arith.addf %add3A_910, %get3A_937 : vector<16xf32>
      %add3A_939 = arith.constant 44 : i32
      %add3A_940 = arith.addi %mul3A_635, %add3A_939 : i32
      %get3A_941 = arith.index_cast %add3A_940 : i32 to index
      %get3A_942 = arith.constant 0 : index
      %get3A_943 = tpu.vector_load %arg15[%get3A_941, %get3A_942] {strides = array<i32>} : memref<1600x16xf32, #tpu.memory_space<vmem>>, vector<1x16xf32>,
      %get3A_944 = vector.shape_cast %get3A_943 : vector<1x16xf32> to vector<16xf32>
      %add3A_945 = arith.addf %add3A_917, %get3A_944 : vector<16xf32>
      %add3A_946 = arith.constant 45 : i32
      %add3A_947 = arith.addi %mul3A_635, %add3A_946 : i32
      %get3A_948 = arith.index_cast %add3A_947 : i32 to index
      %get3A_949 = arith.constant 0 : index
      %get3A_950 = tpu.vector_load %arg15[%get3A_948, %get3A_949] {strides = array<i32>} : memref<1600x16xf32, #tpu.memory_space<vmem>>, vector<1x16xf32>,
      %get3A_951 = vector.shape_cast %get3A_950 : vector<1x16xf32> to vector<16xf32>
      %add3A_952 = arith.addf %add3A_924, %get3A_951 : vector<16xf32>
      %add3A_953 = arith.constant 46 : i32
      %add3A_954 = arith.addi %mul3A_635, %add3A_953 : i32
      %get3A_955 = arith.index_cast %add3A_954 : i32 to index
      %get3A_956 = arith.constant 0 : index
      %get3A_957 = tpu.vector_load %arg15[%get3A_955, %get3A_956] {strides = array<i32>} : memref<1600x16xf32, #tpu.memory_space<vmem>>, vector<1x16xf32>,
      %get3A_958 = vector.shape_cast %get3A_957 : vector<1x16xf32> to vector<16xf32>
      %add3A_959 = arith.addf %add3A_931, %get3A_958 : vector<16xf32>
      %add3A_960 = arith.constant 47 : i32
      %add3A_961 = arith.addi %mul3A_635, %add3A_960 : i32
      %get3A_962 = arith.index_cast %add3A_961 : i32 to index
      %get3A_963 = arith.constant 0 : index
      %get3A_964 = tpu.vector_load %arg15[%get3A_962, %get3A_963] {strides = array<i32>} : memref<1600x16xf32, #tpu.memory_space<vmem>>, vector<1x16xf32>,
      %get3A_965 = vector.shape_cast %get3A_964 : vector<1x16xf32> to vector<16xf32>
      %add3A_966 = arith.addf %add3A_938, %get3A_965 : vector<16xf32>
      %add3A_967 = arith.constant 48 : i32
      %add3A_968 = arith.addi %mul3A_635, %add3A_967 : i32
      %get3A_969 = arith.index_cast %add3A_968 : i32 to index
      %get3A_970 = arith.constant 0 : index
      %get3A_971 = tpu.vector_load %arg15[%get3A_969, %get3A_970] {strides = array<i32>} : memref<1600x16xf32, #tpu.memory_space<vmem>>, vector<1x16xf32>,
      %get3A_972 = vector.shape_cast %get3A_971 : vector<1x16xf32> to vector<16xf32>
      %add3A_973 = arith.addf %add3A_945, %get3A_972 : vector<16xf32>
      %add3A_974 = arith.constant 49 : i32
      %add3A_975 = arith.addi %mul3A_635, %add3A_974 : i32
      %get3A_976 = arith.index_cast %add3A_975 : i32 to index
      %get3A_977 = arith.constant 0 : index
      %get3A_978 = tpu.vector_load %arg15[%get3A_976, %get3A_977] {strides = array<i32>} : memref<1600x16xf32, #tpu.memory_space<vmem>>, vector<1x16xf32>,
      %get3A_979 = vector.shape_cast %get3A_978 : vector<1x16xf32> to vector<16xf32>
      %add3A_980 = arith.addf %add3A_952, %get3A_979 : vector<16xf32>
      %add3A_981 = arith.addf %add3A_973, %add3A_980 : vector<16xf32>
      %add3A_982 = arith.addf %add3A_959, %add3A_966 : vector<16xf32>
      %add3A_983 = arith.addf %add3A_981, %add3A_982 : vector<16xf32>
      %mul3A_984 = arith.constant 2.000000e-02 : f32
      %mul3A_985 = vector.broadcast %mul3A_984 : f32 to vector<16xf32>
      %mul3A_986 = arith.mulf %add3A_983, %mul3A_985 : vector<16xf32>
      %mul3A_987 = arith.constant 26 : i32
      %mul3A_988 = arith.muli %scan3A_633, %mul3A_987 : i32
      %add3A_989 = arith.constant 25 : i32
      %add3A_990 = arith.addi %mul3A_988, %add3A_989 : i32
      %mul3A_991 = arith.constant 16 : i32
      %mul3A_992 = arith.muli %add3A_990, %mul3A_991 : i32
      %swap3A = arith.index_cast %mul3A_992 : i32 to index
      %swap3A_993 = tpu.vector_load %arg13[%swap3A] {strides = array<i32>} : memref<13312xf32, #tpu.memory_space<vmem>>, vector<16xf32>,
      %swap3A_994 = vector.shape_cast %swap3A_993 : vector<16xf32> to vector<16xf32>
      %swap3A_995 = vector.shape_cast %mul3A_986 : vector<16xf32> to vector<16xf32>
      tpu.vector_store %arg13[%swap3A], %swap3A_995 {strides = array<i32>} : memref<13312xf32, #tpu.memory_space<vmem>>, vector<16xf32>,
    }
    %scan3A_596 = arith.constant 32 : i32
    %mul3A_597 = arith.constant 128 : i32
    %mul3A_598 = arith.muli %add3A, %mul3A_597 : i32
    %add3A_599 = arith.constant 64 : i32
    %add3A_600 = arith.addi %mul3A_598, %add3A_599 : i32
    %mul3A_601 = arith.constant 416 : i32
    %mul3A_602 = arith.muli %add3A_600, %mul3A_601 : i32
    %dma_start3A_603 = tpu.memref_slice %arg6[%mul3A_602] : memref<1703936xf32, #tpu.memory_space<hbm>> -> memref<13312xf32, #tpu.memory_space<hbm>>
    %dma_start3A_604 = tpu.memref_slice %arg6[%mul3A_602] : memref<1703936xf32, #tpu.memory_space<hbm>> -> memref<13312xf32, #tpu.memory_space<hbm>>
    tpu.enqueue_dma source(%arg13 : memref<13312xf32, #tpu.memory_space<vmem>>) target(%dma_start3A_604 : memref<13312xf32, #tpu.memory_space<hbm>>) target_semaphore(%arg21 : memref<!tpu.dma_semaphore, #tpu.memory_space<semaphore_mem>>)
    %dma_wait3A_605 = arith.constant 0 : i32
    %dma_wait3A_606 = tpu.memref_slice %arg2[%dma_wait3A_605] : memref<41600000xf32, #tpu.memory_space<hbm>> -> memref<13312xf32, #tpu.memory_space<hbm>>
    %dma_wait3A_607 = arith.constant 0 : i32
    %dma_wait3A_608 = tpu.memref_slice %arg2[%dma_wait3A_607] : memref<41600000xf32, #tpu.memory_space<hbm>> -> memref<13312xf32, #tpu.memory_space<hbm>>
    tpu.wait_dma2 semaphore(%arg20 : memref<!tpu.dma_semaphore, #tpu.memory_space<semaphore_mem>>) src(%dma_wait3A_608 : memref<13312xf32, #tpu.memory_space<hbm>>) dst(%arg14 : memref<13312xf32, #tpu.memory_space<vmem>>)
    %dma_wait3A_609 = arith.constant 0 : i32
    %dma_wait3A_610 = arith.constant 0 : i32
    %dma_wait3A_611 = tpu.memref_slice %arg3[%dma_wait3A_609, %dma_wait3A_610] : memref<100000x16xf32, #tpu.memory_space<hbm>> -> memref<1600x16xf32, #tpu.memory_space<hbm>>
    %dma_wait3A_612 = arith.constant 0 : i32
    %dma_wait3A_613 = arith.constant 0 : i32
    %dma_wait3A_614 = tpu.memref_slice %arg3[%dma_wait3A_612, %dma_wait3A_613] : memref<100000x16xf32, #tpu.memory_space<hbm>> -> memref<1600x16xf32, #tpu.memory_space<hbm>>
    tpu.wait_dma2 semaphore(%arg20 : memref<!tpu.dma_semaphore, #tpu.memory_space<semaphore_mem>>) src(%dma_wait3A_614 : memref<1600x16xf32, #tpu.memory_space<hbm>>) dst(%arg16 : memref<1600x16xf32, #tpu.memory_space<vmem>>)
    %scan3A_615 = arith.constant 0 : i32
    %scan3A_616 = arith.constant 0 : i32
    %scan3A_617 = arith.constant 32 : i32
    %scan3A_618 = arith.addi %scan3A_616, %scan3A_617 : i32
    %scan3A_619 = arith.constant 1 : i32
    scf.for %scan3A_633 = %scan3A_616 to %scan3A_618 step %scan3A_619  : i32 {
      %mul3A_634 = arith.constant 50 : i32
      %mul3A_635 = arith.muli %scan3A_633, %mul3A_634 : i32
      %add3A_636 = arith.constant 0 : i32
      %add3A_637 = arith.addi %mul3A_635, %add3A_636 : i32
      %get3A = arith.index_cast %add3A_637 : i32 to index
      %get3A_638 = arith.constant 0 : index
      %get3A_639 = tpu.vector_load %arg16[%get3A, %get3A_638] {strides = array<i32>} : memref<1600x16xf32, #tpu.memory_space<vmem>>, vector<1x16xf32>,
      %get3A_640 = vector.shape_cast %get3A_639 : vector<1x16xf32> to vector<16xf32>
      %add3A_641 = arith.constant 1 : i32
      %add3A_642 = arith.addi %mul3A_635, %add3A_641 : i32
      %get3A_643 = arith.index_cast %add3A_642 : i32 to index
      %get3A_644 = arith.constant 0 : index
      %get3A_645 = tpu.vector_load %arg16[%get3A_643, %get3A_644] {strides = array<i32>} : memref<1600x16xf32, #tpu.memory_space<vmem>>, vector<1x16xf32>,
      %get3A_646 = vector.shape_cast %get3A_645 : vector<1x16xf32> to vector<16xf32>
      %add3A_647 = arith.constant 2 : i32
      %add3A_648 = arith.addi %mul3A_635, %add3A_647 : i32
      %get3A_649 = arith.index_cast %add3A_648 : i32 to index
      %get3A_650 = arith.constant 0 : index
      %get3A_651 = tpu.vector_load %arg16[%get3A_649, %get3A_650] {strides = array<i32>} : memref<1600x16xf32, #tpu.memory_space<vmem>>, vector<1x16xf32>,
      %get3A_652 = vector.shape_cast %get3A_651 : vector<1x16xf32> to vector<16xf32>
      %add3A_653 = arith.constant 3 : i32
      %add3A_654 = arith.addi %mul3A_635, %add3A_653 : i32
      %get3A_655 = arith.index_cast %add3A_654 : i32 to index
      %get3A_656 = arith.constant 0 : index
      %get3A_657 = tpu.vector_load %arg16[%get3A_655, %get3A_656] {strides = array<i32>} : memref<1600x16xf32, #tpu.memory_space<vmem>>, vector<1x16xf32>,
      %get3A_658 = vector.shape_cast %get3A_657 : vector<1x16xf32> to vector<16xf32>
      %add3A_659 = arith.constant 4 : i32
      %add3A_660 = arith.addi %mul3A_635, %add3A_659 : i32
      %get3A_661 = arith.index_cast %add3A_660 : i32 to index
      %get3A_662 = arith.constant 0 : index
      %get3A_663 = tpu.vector_load %arg16[%get3A_661, %get3A_662] {strides = array<i32>} : memref<1600x16xf32, #tpu.memory_space<vmem>>, vector<1x16xf32>,
      %get3A_664 = vector.shape_cast %get3A_663 : vector<1x16xf32> to vector<16xf32>
      %add3A_665 = arith.addf %get3A_640, %get3A_664 : vector<16xf32>
      %add3A_666 = arith.constant 5 : i32
      %add3A_667 = arith.addi %mul3A_635, %add3A_666 : i32
      %get3A_668 = arith.index_cast %add3A_667 : i32 to index
      %get3A_669 = arith.constant 0 : index
      %get3A_670 = tpu.vector_load %arg16[%get3A_668, %get3A_669] {strides = array<i32>} : memref<1600x16xf32, #tpu.memory_space<vmem>>, vector<1x16xf32>,
      %get3A_671 = vector.shape_cast %get3A_670 : vector<1x16xf32> to vector<16xf32>
      %add3A_672 = arith.addf %get3A_646, %get3A_671 : vector<16xf32>
      %add3A_673 = arith.constant 6 : i32
      %add3A_674 = arith.addi %mul3A_635, %add3A_673 : i32
      %get3A_675 = arith.index_cast %add3A_674 : i32 to index
      %get3A_676 = arith.constant 0 : index
      %get3A_677 = tpu.vector_load %arg16[%get3A_675, %get3A_676] {strides = array<i32>} : memref<1600x16xf32, #tpu.memory_space<vmem>>, vector<1x16xf32>,
      %get3A_678 = vector.shape_cast %get3A_677 : vector<1x16xf32> to vector<16xf32>
      %add3A_679 = arith.addf %get3A_652, %get3A_678 : vector<16xf32>
      %add3A_680 = arith.constant 7 : i32
      %add3A_681 = arith.addi %mul3A_635, %add3A_680 : i32
      %get3A_682 = arith.index_cast %add3A_681 : i32 to index
      %get3A_683 = arith.constant 0 : index
      %get3A_684 = tpu.vector_load %arg16[%get3A_682, %get3A_683] {strides = array<i32>} : memref<1600x16xf32, #tpu.memory_space<vmem>>, vector<1x16xf32>,
      %get3A_685 = vector.shape_cast %get3A_684 : vector<1x16xf32> to vector<16xf32>
      %add3A_686 = arith.addf %get3A_658, %get3A_685 : vector<16xf32>
      %add3A_687 = arith.constant 8 : i32
      %add3A_688 = arith.addi %mul3A_635, %add3A_687 : i32
      %get3A_689 = arith.index_cast %add3A_688 : i32 to index
      %get3A_690 = arith.constant 0 : index
      %get3A_691 = tpu.vector_load %arg16[%get3A_689, %get3A_690] {strides = array<i32>} : memref<1600x16xf32, #tpu.memory_space<vmem>>, vector<1x16xf32>,
      %get3A_692 = vector.shape_cast %get3A_691 : vector<1x16xf32> to vector<16xf32>
      %add3A_693 = arith.addf %add3A_665, %get3A_692 : vector<16xf32>
      %add3A_694 = arith.constant 9 : i32
      %add3A_695 = arith.addi %mul3A_635, %add3A_694 : i32
      %get3A_696 = arith.index_cast %add3A_695 : i32 to index
      %get3A_697 = arith.constant 0 : index
      %get3A_698 = tpu.vector_load %arg16[%get3A_696, %get3A_697] {strides = array<i32>} : memref<1600x16xf32, #tpu.memory_space<vmem>>, vector<1x16xf32>,
      %get3A_699 = vector.shape_cast %get3A_698 : vector<1x16xf32> to vector<16xf32>
      %add3A_700 = arith.addf %add3A_672, %get3A_699 : vector<16xf32>
      %add3A_701 = arith.constant 10 : i32
      %add3A_702 = arith.addi %mul3A_635, %add3A_701 : i32
      %get3A_703 = arith.index_cast %add3A_702 : i32 to index
      %get3A_704 = arith.constant 0 : index
      %get3A_705 = tpu.vector_load %arg16[%get3A_703, %get3A_704] {strides = array<i32>} : memref<1600x16xf32, #tpu.memory_space<vmem>>, vector<1x16xf32>,
      %get3A_706 = vector.shape_cast %get3A_705 : vector<1x16xf32> to vector<16xf32>
      %add3A_707 = arith.addf %add3A_679, %get3A_706 : vector<16xf32>
      %add3A_708 = arith.constant 11 : i32
      %add3A_709 = arith.addi %mul3A_635, %add3A_708 : i32
      %get3A_710 = arith.index_cast %add3A_709 : i32 to index
      %get3A_711 = arith.constant 0 : index
      %get3A_712 = tpu.vector_load %arg16[%get3A_710, %get3A_711] {strides = array<i32>} : memref<1600x16xf32, #tpu.memory_space<vmem>>, vector<1x16xf32>,
      %get3A_713 = vector.shape_cast %get3A_712 : vector<1x16xf32> to vector<16xf32>
      %add3A_714 = arith.addf %add3A_686, %get3A_713 : vector<16xf32>
      %add3A_715 = arith.constant 12 : i32
      %add3A_716 = arith.addi %mul3A_635, %add3A_715 : i32
      %get3A_717 = arith.index_cast %add3A_716 : i32 to index
      %get3A_718 = arith.constant 0 : index
      %get3A_719 = tpu.vector_load %arg16[%get3A_717, %get3A_718] {strides = array<i32>} : memref<1600x16xf32, #tpu.memory_space<vmem>>, vector<1x16xf32>,
      %get3A_720 = vector.shape_cast %get3A_719 : vector<1x16xf32> to vector<16xf32>
      %add3A_721 = arith.addf %add3A_693, %get3A_720 : vector<16xf32>
      %add3A_722 = arith.constant 13 : i32
      %add3A_723 = arith.addi %mul3A_635, %add3A_722 : i32
      %get3A_724 = arith.index_cast %add3A_723 : i32 to index
      %get3A_725 = arith.constant 0 : index
      %get3A_726 = tpu.vector_load %arg16[%get3A_724, %get3A_725] {strides = array<i32>} : memref<1600x16xf32, #tpu.memory_space<vmem>>, vector<1x16xf32>,
      %get3A_727 = vector.shape_cast %get3A_726 : vector<1x16xf32> to vector<16xf32>
      %add3A_728 = arith.addf %add3A_700, %get3A_727 : vector<16xf32>
      %add3A_729 = arith.constant 14 : i32
      %add3A_730 = arith.addi %mul3A_635, %add3A_729 : i32
      %get3A_731 = arith.index_cast %add3A_730 : i32 to index
      %get3A_732 = arith.constant 0 : index
      %get3A_733 = tpu.vector_load %arg16[%get3A_731, %get3A_732] {strides = array<i32>} : memref<1600x16xf32, #tpu.memory_space<vmem>>, vector<1x16xf32>,
      %get3A_734 = vector.shape_cast %get3A_733 : vector<1x16xf32> to vector<16xf32>
      %add3A_735 = arith.addf %add3A_707, %get3A_734 : vector<16xf32>
      %add3A_736 = arith.constant 15 : i32
      %add3A_737 = arith.addi %mul3A_635, %add3A_736 : i32
      %get3A_738 = arith.index_cast %add3A_737 : i32 to index
      %get3A_739 = arith.constant 0 : index
      %get3A_740 = tpu.vector_load %arg16[%get3A_738, %get3A_739] {strides = array<i32>} : memref<1600x16xf32, #tpu.memory_space<vmem>>, vector<1x16xf32>,
      %get3A_741 = vector.shape_cast %get3A_740 : vector<1x16xf32> to vector<16xf32>
      %add3A_742 = arith.addf %add3A_714, %get3A_741 : vector<16xf32>
      %add3A_743 = arith.constant 16 : i32
      %add3A_744 = arith.addi %mul3A_635, %add3A_743 : i32
      %get3A_745 = arith.index_cast %add3A_744 : i32 to index
      %get3A_746 = arith.constant 0 : index
      %get3A_747 = tpu.vector_load %arg16[%get3A_745, %get3A_746] {strides = array<i32>} : memref<1600x16xf32, #tpu.memory_space<vmem>>, vector<1x16xf32>,
      %get3A_748 = vector.shape_cast %get3A_747 : vector<1x16xf32> to vector<16xf32>
      %add3A_749 = arith.addf %add3A_721, %get3A_748 : vector<16xf32>
      %add3A_750 = arith.constant 17 : i32
      %add3A_751 = arith.addi %mul3A_635, %add3A_750 : i32
      %get3A_752 = arith.index_cast %add3A_751 : i32 to index
      %get3A_753 = arith.constant 0 : index
      %get3A_754 = tpu.vector_load %arg16[%get3A_752, %get3A_753] {strides = array<i32>} : memref<1600x16xf32, #tpu.memory_space<vmem>>, vector<1x16xf32>,
      %get3A_755 = vector.shape_cast %get3A_754 : vector<1x16xf32> to vector<16xf32>
      %add3A_756 = arith.addf %add3A_728, %get3A_755 : vector<16xf32>
      %add3A_757 = arith.constant 18 : i32
      %add3A_758 = arith.addi %mul3A_635, %add3A_757 : i32
      %get3A_759 = arith.index_cast %add3A_758 : i32 to index
      %get3A_760 = arith.constant 0 : index
      %get3A_761 = tpu.vector_load %arg16[%get3A_759, %get3A_760] {strides = array<i32>} : memref<1600x16xf32, #tpu.memory_space<vmem>>, vector<1x16xf32>,
      %get3A_762 = vector.shape_cast %get3A_761 : vector<1x16xf32> to vector<16xf32>
      %add3A_763 = arith.addf %add3A_735, %get3A_762 : vector<16xf32>
      %add3A_764 = arith.constant 19 : i32
      %add3A_765 = arith.addi %mul3A_635, %add3A_764 : i32
      %get3A_766 = arith.index_cast %add3A_765 : i32 to index
      %get3A_767 = arith.constant 0 : index
      %get3A_768 = tpu.vector_load %arg16[%get3A_766, %get3A_767] {strides = array<i32>} : memref<1600x16xf32, #tpu.memory_space<vmem>>, vector<1x16xf32>,
      %get3A_769 = vector.shape_cast %get3A_768 : vector<1x16xf32> to vector<16xf32>
      %add3A_770 = arith.addf %add3A_742, %get3A_769 : vector<16xf32>
      %add3A_771 = arith.constant 20 : i32
      %add3A_772 = arith.addi %mul3A_635, %add3A_771 : i32
      %get3A_773 = arith.index_cast %add3A_772 : i32 to index
      %get3A_774 = arith.constant 0 : index
      %get3A_775 = tpu.vector_load %arg16[%get3A_773, %get3A_774] {strides = array<i32>} : memref<1600x16xf32, #tpu.memory_space<vmem>>, vector<1x16xf32>,
      %get3A_776 = vector.shape_cast %get3A_775 : vector<1x16xf32> to vector<16xf32>
      %add3A_777 = arith.addf %add3A_749, %get3A_776 : vector<16xf32>
      %add3A_778 = arith.constant 21 : i32
      %add3A_779 = arith.addi %mul3A_635, %add3A_778 : i32
      %get3A_780 = arith.index_cast %add3A_779 : i32 to index
      %get3A_781 = arith.constant 0 : index
      %get3A_782 = tpu.vector_load %arg16[%get3A_780, %get3A_781] {strides = array<i32>} : memref<1600x16xf32, #tpu.memory_space<vmem>>, vector<1x16xf32>,
      %get3A_783 = vector.shape_cast %get3A_782 : vector<1x16xf32> to vector<16xf32>
      %add3A_784 = arith.addf %add3A_756, %get3A_783 : vector<16xf32>
      %add3A_785 = arith.constant 22 : i32
      %add3A_786 = arith.addi %mul3A_635, %add3A_785 : i32
      %get3A_787 = arith.index_cast %add3A_786 : i32 to index
      %get3A_788 = arith.constant 0 : index
      %get3A_789 = tpu.vector_load %arg16[%get3A_787, %get3A_788] {strides = array<i32>} : memref<1600x16xf32, #tpu.memory_space<vmem>>, vector<1x16xf32>,
      %get3A_790 = vector.shape_cast %get3A_789 : vector<1x16xf32> to vector<16xf32>
      %add3A_791 = arith.addf %add3A_763, %get3A_790 : vector<16xf32>
      %add3A_792 = arith.constant 23 : i32
      %add3A_793 = arith.addi %mul3A_635, %add3A_792 : i32
      %get3A_794 = arith.index_cast %add3A_793 : i32 to index
      %get3A_795 = arith.constant 0 : index
      %get3A_796 = tpu.vector_load %arg16[%get3A_794, %get3A_795] {strides = array<i32>} : memref<1600x16xf32, #tpu.memory_space<vmem>>, vector<1x16xf32>,
      %get3A_797 = vector.shape_cast %get3A_796 : vector<1x16xf32> to vector<16xf32>
      %add3A_798 = arith.addf %add3A_770, %get3A_797 : vector<16xf32>
      %add3A_799 = arith.constant 24 : i32
      %add3A_800 = arith.addi %mul3A_635, %add3A_799 : i32
      %get3A_801 = arith.index_cast %add3A_800 : i32 to index
      %get3A_802 = arith.constant 0 : index
      %get3A_803 = tpu.vector_load %arg16[%get3A_801, %get3A_802] {strides = array<i32>} : memref<1600x16xf32, #tpu.memory_space<vmem>>, vector<1x16xf32>,
      %get3A_804 = vector.shape_cast %get3A_803 : vector<1x16xf32> to vector<16xf32>
      %add3A_805 = arith.addf %add3A_777, %get3A_804 : vector<16xf32>
      %add3A_806 = arith.constant 25 : i32
      %add3A_807 = arith.addi %mul3A_635, %add3A_806 : i32
      %get3A_808 = arith.index_cast %add3A_807 : i32 to index
      %get3A_809 = arith.constant 0 : index
      %get3A_810 = tpu.vector_load %arg16[%get3A_808, %get3A_809] {strides = array<i32>} : memref<1600x16xf32, #tpu.memory_space<vmem>>, vector<1x16xf32>,
      %get3A_811 = vector.shape_cast %get3A_810 : vector<1x16xf32> to vector<16xf32>
      %add3A_812 = arith.addf %add3A_784, %get3A_811 : vector<16xf32>
      %add3A_813 = arith.constant 26 : i32
      %add3A_814 = arith.addi %mul3A_635, %add3A_813 : i32
      %get3A_815 = arith.index_cast %add3A_814 : i32 to index
      %get3A_816 = arith.constant 0 : index
      %get3A_817 = tpu.vector_load %arg16[%get3A_815, %get3A_816] {strides = array<i32>} : memref<1600x16xf32, #tpu.memory_space<vmem>>, vector<1x16xf32>,
      %get3A_818 = vector.shape_cast %get3A_817 : vector<1x16xf32> to vector<16xf32>
      %add3A_819 = arith.addf %add3A_791, %get3A_818 : vector<16xf32>
      %add3A_820 = arith.constant 27 : i32
      %add3A_821 = arith.addi %mul3A_635, %add3A_820 : i32
      %get3A_822 = arith.index_cast %add3A_821 : i32 to index
      %get3A_823 = arith.constant 0 : index
      %get3A_824 = tpu.vector_load %arg16[%get3A_822, %get3A_823] {strides = array<i32>} : memref<1600x16xf32, #tpu.memory_space<vmem>>, vector<1x16xf32>,
      %get3A_825 = vector.shape_cast %get3A_824 : vector<1x16xf32> to vector<16xf32>
      %add3A_826 = arith.addf %add3A_798, %get3A_825 : vector<16xf32>
      %add3A_827 = arith.constant 28 : i32
      %add3A_828 = arith.addi %mul3A_635, %add3A_827 : i32
      %get3A_829 = arith.index_cast %add3A_828 : i32 to index
      %get3A_830 = arith.constant 0 : index
      %get3A_831 = tpu.vector_load %arg16[%get3A_829, %get3A_830] {strides = array<i32>} : memref<1600x16xf32, #tpu.memory_space<vmem>>, vector<1x16xf32>,
      %get3A_832 = vector.shape_cast %get3A_831 : vector<1x16xf32> to vector<16xf32>
      %add3A_833 = arith.addf %add3A_805, %get3A_832 : vector<16xf32>
      %add3A_834 = arith.constant 29 : i32
      %add3A_835 = arith.addi %mul3A_635, %add3A_834 : i32
      %get3A_836 = arith.index_cast %add3A_835 : i32 to index
      %get3A_837 = arith.constant 0 : index
      %get3A_838 = tpu.vector_load %arg16[%get3A_836, %get3A_837] {strides = array<i32>} : memref<1600x16xf32, #tpu.memory_space<vmem>>, vector<1x16xf32>,
      %get3A_839 = vector.shape_cast %get3A_838 : vector<1x16xf32> to vector<16xf32>
      %add3A_840 = arith.addf %add3A_812, %get3A_839 : vector<16xf32>
      %add3A_841 = arith.constant 30 : i32
      %add3A_842 = arith.addi %mul3A_635, %add3A_841 : i32
      %get3A_843 = arith.index_cast %add3A_842 : i32 to index
      %get3A_844 = arith.constant 0 : index
      %get3A_845 = tpu.vector_load %arg16[%get3A_843, %get3A_844] {strides = array<i32>} : memref<1600x16xf32, #tpu.memory_space<vmem>>, vector<1x16xf32>,
      %get3A_846 = vector.shape_cast %get3A_845 : vector<1x16xf32> to vector<16xf32>
      %add3A_847 = arith.addf %add3A_819, %get3A_846 : vector<16xf32>
      %add3A_848 = arith.constant 31 : i32
      %add3A_849 = arith.addi %mul3A_635, %add3A_848 : i32
      %get3A_850 = arith.index_cast %add3A_849 : i32 to index
      %get3A_851 = arith.constant 0 : index
      %get3A_852 = tpu.vector_load %arg16[%get3A_850, %get3A_851] {strides = array<i32>} : memref<1600x16xf32, #tpu.memory_space<vmem>>, vector<1x16xf32>,
      %get3A_853 = vector.shape_cast %get3A_852 : vector<1x16xf32> to vector<16xf32>
      %add3A_854 = arith.addf %add3A_826, %get3A_853 : vector<16xf32>
      %add3A_855 = arith.constant 32 : i32
      %add3A_856 = arith.addi %mul3A_635, %add3A_855 : i32
      %get3A_857 = arith.index_cast %add3A_856 : i32 to index
      %get3A_858 = arith.constant 0 : index
      %get3A_859 = tpu.vector_load %arg16[%get3A_857, %get3A_858] {strides = array<i32>} : memref<1600x16xf32, #tpu.memory_space<vmem>>, vector<1x16xf32>,
      %get3A_860 = vector.shape_cast %get3A_859 : vector<1x16xf32> to vector<16xf32>
      %add3A_861 = arith.addf %add3A_833, %get3A_860 : vector<16xf32>
      %add3A_862 = arith.constant 33 : i32
      %add3A_863 = arith.addi %mul3A_635, %add3A_862 : i32
      %get3A_864 = arith.index_cast %add3A_863 : i32 to index
      %get3A_865 = arith.constant 0 : index
      %get3A_866 = tpu.vector_load %arg16[%get3A_864, %get3A_865] {strides = array<i32>} : memref<1600x16xf32, #tpu.memory_space<vmem>>, vector<1x16xf32>,
      %get3A_867 = vector.shape_cast %get3A_866 : vector<1x16xf32> to vector<16xf32>
      %add3A_868 = arith.addf %add3A_840, %get3A_867 : vector<16xf32>
      %add3A_869 = arith.constant 34 : i32
      %add3A_870 = arith.addi %mul3A_635, %add3A_869 : i32
      %get3A_871 = arith.index_cast %add3A_870 : i32 to index
      %get3A_872 = arith.constant 0 : index
      %get3A_873 = tpu.vector_load %arg16[%get3A_871, %get3A_872] {strides = array<i32>} : memref<1600x16xf32, #tpu.memory_space<vmem>>, vector<1x16xf32>,
      %get3A_874 = vector.shape_cast %get3A_873 : vector<1x16xf32> to vector<16xf32>
      %add3A_875 = arith.addf %add3A_847, %get3A_874 : vector<16xf32>
      %add3A_876 = arith.constant 35 : i32
      %add3A_877 = arith.addi %mul3A_635, %add3A_876 : i32
      %get3A_878 = arith.index_cast %add3A_877 : i32 to index
      %get3A_879 = arith.constant 0 : index
      %get3A_880 = tpu.vector_load %arg16[%get3A_878, %get3A_879] {strides = array<i32>} : memref<1600x16xf32, #tpu.memory_space<vmem>>, vector<1x16xf32>,
      %get3A_881 = vector.shape_cast %get3A_880 : vector<1x16xf32> to vector<16xf32>
      %add3A_882 = arith.addf %add3A_854, %get3A_881 : vector<16xf32>
      %add3A_883 = arith.constant 36 : i32
      %add3A_884 = arith.addi %mul3A_635, %add3A_883 : i32
      %get3A_885 = arith.index_cast %add3A_884 : i32 to index
      %get3A_886 = arith.constant 0 : index
      %get3A_887 = tpu.vector_load %arg16[%get3A_885, %get3A_886] {strides = array<i32>} : memref<1600x16xf32, #tpu.memory_space<vmem>>, vector<1x16xf32>,
      %get3A_888 = vector.shape_cast %get3A_887 : vector<1x16xf32> to vector<16xf32>
      %add3A_889 = arith.addf %add3A_861, %get3A_888 : vector<16xf32>
      %add3A_890 = arith.constant 37 : i32
      %add3A_891 = arith.addi %mul3A_635, %add3A_890 : i32
      %get3A_892 = arith.index_cast %add3A_891 : i32 to index
      %get3A_893 = arith.constant 0 : index
      %get3A_894 = tpu.vector_load %arg16[%get3A_892, %get3A_893] {strides = array<i32>} : memref<1600x16xf32, #tpu.memory_space<vmem>>, vector<1x16xf32>,
      %get3A_895 = vector.shape_cast %get3A_894 : vector<1x16xf32> to vector<16xf32>
      %add3A_896 = arith.addf %add3A_868, %get3A_895 : vector<16xf32>
      %add3A_897 = arith.constant 38 : i32
      %add3A_898 = arith.addi %mul3A_635, %add3A_897 : i32
      %get3A_899 = arith.index_cast %add3A_898 : i32 to index
      %get3A_900 = arith.constant 0 : index
      %get3A_901 = tpu.vector_load %arg16[%get3A_899, %get3A_900] {strides = array<i32>} : memref<1600x16xf32, #tpu.memory_space<vmem>>, vector<1x16xf32>,
      %get3A_902 = vector.shape_cast %get3A_901 : vector<1x16xf32> to vector<16xf32>
      %add3A_903 = arith.addf %add3A_875, %get3A_902 : vector<16xf32>
      %add3A_904 = arith.constant 39 : i32
      %add3A_905 = arith.addi %mul3A_635, %add3A_904 : i32
      %get3A_906 = arith.index_cast %add3A_905 : i32 to index
      %get3A_907 = arith.constant 0 : index
      %get3A_908 = tpu.vector_load %arg16[%get3A_906, %get3A_907] {strides = array<i32>} : memref<1600x16xf32, #tpu.memory_space<vmem>>, vector<1x16xf32>,
      %get3A_909 = vector.shape_cast %get3A_908 : vector<1x16xf32> to vector<16xf32>
      %add3A_910 = arith.addf %add3A_882, %get3A_909 : vector<16xf32>
      %add3A_911 = arith.constant 40 : i32
      %add3A_912 = arith.addi %mul3A_635, %add3A_911 : i32
      %get3A_913 = arith.index_cast %add3A_912 : i32 to index
      %get3A_914 = arith.constant 0 : index
      %get3A_915 = tpu.vector_load %arg16[%get3A_913, %get3A_914] {strides = array<i32>} : memref<1600x16xf32, #tpu.memory_space<vmem>>, vector<1x16xf32>,
      %get3A_916 = vector.shape_cast %get3A_915 : vector<1x16xf32> to vector<16xf32>
      %add3A_917 = arith.addf %add3A_889, %get3A_916 : vector<16xf32>
      %add3A_918 = arith.constant 41 : i32
      %add3A_919 = arith.addi %mul3A_635, %add3A_918 : i32
      %get3A_920 = arith.index_cast %add3A_919 : i32 to index
      %get3A_921 = arith.constant 0 : index
      %get3A_922 = tpu.vector_load %arg16[%get3A_920, %get3A_921] {strides = array<i32>} : memref<1600x16xf32, #tpu.memory_space<vmem>>, vector<1x16xf32>,
      %get3A_923 = vector.shape_cast %get3A_922 : vector<1x16xf32> to vector<16xf32>
      %add3A_924 = arith.addf %add3A_896, %get3A_923 : vector<16xf32>
      %add3A_925 = arith.constant 42 : i32
      %add3A_926 = arith.addi %mul3A_635, %add3A_925 : i32
      %get3A_927 = arith.index_cast %add3A_926 : i32 to index
      %get3A_928 = arith.constant 0 : index
      %get3A_929 = tpu.vector_load %arg16[%get3A_927, %get3A_928] {strides = array<i32>} : memref<1600x16xf32, #tpu.memory_space<vmem>>, vector<1x16xf32>,
      %get3A_930 = vector.shape_cast %get3A_929 : vector<1x16xf32> to vector<16xf32>
      %add3A_931 = arith.addf %add3A_903, %get3A_930 : vector<16xf32>
      %add3A_932 = arith.constant 43 : i32
      %add3A_933 = arith.addi %mul3A_635, %add3A_932 : i32
      %get3A_934 = arith.index_cast %add3A_933 : i32 to index
      %get3A_935 = arith.constant 0 : index
      %get3A_936 = tpu.vector_load %arg16[%get3A_934, %get3A_935] {strides = array<i32>} : memref<1600x16xf32, #tpu.memory_space<vmem>>, vector<1x16xf32>,
      %get3A_937 = vector.shape_cast %get3A_936 : vector<1x16xf32> to vector<16xf32>
      %add3A_938 = arith.addf %add3A_910, %get3A_937 : vector<16xf32>
      %add3A_939 = arith.constant 44 : i32
      %add3A_940 = arith.addi %mul3A_635, %add3A_939 : i32
      %get3A_941 = arith.index_cast %add3A_940 : i32 to index
      %get3A_942 = arith.constant 0 : index
      %get3A_943 = tpu.vector_load %arg16[%get3A_941, %get3A_942] {strides = array<i32>} : memref<1600x16xf32, #tpu.memory_space<vmem>>, vector<1x16xf32>,
      %get3A_944 = vector.shape_cast %get3A_943 : vector<1x16xf32> to vector<16xf32>
      %add3A_945 = arith.addf %add3A_917, %get3A_944 : vector<16xf32>
      %add3A_946 = arith.constant 45 : i32
      %add3A_947 = arith.addi %mul3A_635, %add3A_946 : i32
      %get3A_948 = arith.index_cast %add3A_947 : i32 to index
      %get3A_949 = arith.constant 0 : index
      %get3A_950 = tpu.vector_load %arg16[%get3A_948, %get3A_949] {strides = array<i32>} : memref<1600x16xf32, #tpu.memory_space<vmem>>, vector<1x16xf32>,
      %get3A_951 = vector.shape_cast %get3A_950 : vector<1x16xf32> to vector<16xf32>
      %add3A_952 = arith.addf %add3A_924, %get3A_951 : vector<16xf32>
      %add3A_953 = arith.constant 46 : i32
      %add3A_954 = arith.addi %mul3A_635, %add3A_953 : i32
      %get3A_955 = arith.index_cast %add3A_954 : i32 to index
      %get3A_956 = arith.constant 0 : index
      %get3A_957 = tpu.vector_load %arg16[%get3A_955, %get3A_956] {strides = array<i32>} : memref<1600x16xf32, #tpu.memory_space<vmem>>, vector<1x16xf32>,
      %get3A_958 = vector.shape_cast %get3A_957 : vector<1x16xf32> to vector<16xf32>
      %add3A_959 = arith.addf %add3A_931, %get3A_958 : vector<16xf32>
      %add3A_960 = arith.constant 47 : i32
      %add3A_961 = arith.addi %mul3A_635, %add3A_960 : i32
      %get3A_962 = arith.index_cast %add3A_961 : i32 to index
      %get3A_963 = arith.constant 0 : index
      %get3A_964 = tpu.vector_load %arg16[%get3A_962, %get3A_963] {strides = array<i32>} : memref<1600x16xf32, #tpu.memory_space<vmem>>, vector<1x16xf32>,
      %get3A_965 = vector.shape_cast %get3A_964 : vector<1x16xf32> to vector<16xf32>
      %add3A_966 = arith.addf %add3A_938, %get3A_965 : vector<16xf32>
      %add3A_967 = arith.constant 48 : i32
      %add3A_968 = arith.addi %mul3A_635, %add3A_967 : i32
      %get3A_969 = arith.index_cast %add3A_968 : i32 to index
      %get3A_970 = arith.constant 0 : index
      %get3A_971 = tpu.vector_load %arg16[%get3A_969, %get3A_970] {strides = array<i32>} : memref<1600x16xf32, #tpu.memory_space<vmem>>, vector<1x16xf32>,
      %get3A_972 = vector.shape_cast %get3A_971 : vector<1x16xf32> to vector<16xf32>
      %add3A_973 = arith.addf %add3A_945, %get3A_972 : vector<16xf32>
      %add3A_974 = arith.constant 49 : i32
      %add3A_975 = arith.addi %mul3A_635, %add3A_974 : i32
      %get3A_976 = arith.index_cast %add3A_975 : i32 to index
      %get3A_977 = arith.constant 0 : index
      %get3A_978 = tpu.vector_load %arg16[%get3A_976, %get3A_977] {strides = array<i32>} : memref<1600x16xf32, #tpu.memory_space<vmem>>, vector<1x16xf32>,
      %get3A_979 = vector.shape_cast %get3A_978 : vector<1x16xf32> to vector<16xf32>
      %add3A_980 = arith.addf %add3A_952, %get3A_979 : vector<16xf32>
      %add3A_981 = arith.addf %add3A_973, %add3A_980 : vector<16xf32>
      %add3A_982 = arith.addf %add3A_959, %add3A_966 : vector<16xf32>
      %add3A_983 = arith.addf %add3A_981, %add3A_982 : vector<16xf32>
      %mul3A_984 = arith.constant 2.000000e-02 : f32
      %mul3A_985 = vector.broadcast %mul3A_984 : f32 to vector<16xf32>
      %mul3A_986 = arith.mulf %add3A_983, %mul3A_985 : vector<16xf32>
      %mul3A_987 = arith.constant 26 : i32
      %mul3A_988 = arith.muli %scan3A_633, %mul3A_987 : i32
      %add3A_989 = arith.constant 25 : i32
      %add3A_990 = arith.addi %mul3A_988, %add3A_989 : i32
      %mul3A_991 = arith.constant 16 : i32
      %mul3A_992 = arith.muli %add3A_990, %mul3A_991 : i32
      %swap3A = arith.index_cast %mul3A_992 : i32 to index
      %swap3A_993 = tpu.vector_load %arg14[%swap3A] {strides = array<i32>} : memref<13312xf32, #tpu.memory_space<vmem>>, vector<16xf32>,
      %swap3A_994 = vector.shape_cast %swap3A_993 : vector<16xf32> to vector<16xf32>
      %swap3A_995 = vector.shape_cast %mul3A_986 : vector<16xf32> to vector<16xf32>
      tpu.vector_store %arg14[%swap3A], %swap3A_995 {strides = array<i32>} : memref<13312xf32, #tpu.memory_space<vmem>>, vector<16xf32>,
    }
    %scan3A_620 = arith.constant 32 : i32
    %mul3A_621 = arith.constant 128 : i32
    %mul3A_622 = arith.muli %add3A, %mul3A_621 : i32
    %add3A_623 = arith.constant 96 : i32
    %add3A_624 = arith.addi %mul3A_622, %add3A_623 : i32
    %mul3A_625 = arith.constant 416 : i32
    %mul3A_626 = arith.muli %add3A_624, %mul3A_625 : i32
    %dma_start3A_627 = tpu.memref_slice %arg6[%mul3A_626] : memref<1703936xf32, #tpu.memory_space<hbm>> -> memref<13312xf32, #tpu.memory_space<hbm>>
    %dma_start3A_628 = tpu.memref_slice %arg6[%mul3A_626] : memref<1703936xf32, #tpu.memory_space<hbm>> -> memref<13312xf32, #tpu.memory_space<hbm>>
    tpu.enqueue_dma source(%arg14 : memref<13312xf32, #tpu.memory_space<vmem>>) target(%dma_start3A_628 : memref<13312xf32, #tpu.memory_space<hbm>>) target_semaphore(%arg22 : memref<!tpu.dma_semaphore, #tpu.memory_space<semaphore_mem>>)
    %dma_wait3A_629 = tpu.memref_slice %arg6[%mul3A_602] : memref<1703936xf32, #tpu.memory_space<hbm>> -> memref<13312xf32, #tpu.memory_space<hbm>>
    %dma_wait3A_630 = tpu.memref_slice %arg6[%mul3A_602] : memref<1703936xf32, #tpu.memory_space<hbm>> -> memref<13312xf32, #tpu.memory_space<hbm>>
    tpu.wait_dma2 semaphore(%arg21 : memref<!tpu.dma_semaphore, #tpu.memory_space<semaphore_mem>>) src(%arg13 : memref<13312xf32, #tpu.memory_space<vmem>>) dst(%dma_wait3A_630 : memref<13312xf32, #tpu.memory_space<hbm>>)
    %dma_wait3A_631 = tpu.memref_slice %arg6[%mul3A_626] : memref<1703936xf32, #tpu.memory_space<hbm>> -> memref<13312xf32, #tpu.memory_space<hbm>>
    %dma_wait3A_632 = tpu.memref_slice %arg6[%mul3A_626] : memref<1703936xf32, #tpu.memory_space<hbm>> -> memref<13312xf32, #tpu.memory_space<hbm>>
    tpu.wait_dma2 semaphore(%arg22 : memref<!tpu.dma_semaphore, #tpu.memory_space<semaphore_mem>>) src(%arg14 : memref<13312xf32, #tpu.memory_space<vmem>>) dst(%dma_wait3A_632 : memref<13312xf32, #tpu.memory_space<hbm>>)
    return
  }
}

</mosaic_0001>

<sc_bundles>
// kernel: kernel.3.cloned.1.call-start
scs
__scs_entry_jumppad:
0x0: {  	(pc) =	sbr.rel $0x88, $3  }
0x1: {  	(tag) =	ssettag $0x0;
	lr =	simm.s32 $0x1  }
0x2: {  	[smem:$0x3F9E] =	sst lr;
	_ =	strace $0xD0000000  }
0x3: {  	_ = 	snop  }
0x4: {  	_ = 	snop  }
0x5: {  	_ = 	snop  }
0x6: {  	_ = 	snop  }
0x7: {  	_ = 	snop  }
__scs_overlays_trampoline_lowered:
0x8: {  	[smem:$0x3FAD] =	sst s0  }
0x9: {  	[smem:$0x3FAE] =	sst s1  }
0xa: {  	[smem:$0x3FAF] =	sst s2  }
0xb: {  	[smem:$0x3FB0] =	sst s3  }
0xc: {  	[smem:$0x3FB1] =	sst s4  }
0xd: {  	[smem:$0x3FB2] =	sst s5  }
0xe: {  	[smem:$0x3FB3] =	sst s6  }
0xf: {  	[smem:$0x3FB4] =	sst s7  }
0x10: {  	[smem:$0x3FB5] =	sst s8  }
0x11: {  	[smem:$0x3FB6] =	sst s9;
	s0 =	simm.s32 @!p0 $0x0  }
0x12: {  	s1 =	sld [smem:$0x3F9C];
	s0 =	simm.s32 @p0 $0x1  }
0x13: {  	[smem:$0x3FB7] =	sst s0;
	s0 =	simm.s32 @!p1 $0x0  }
0x14: {  	s2 =	sld [smem:$0x3F9B];
	s0 =	simm.s32 @p1 $0x1  }
0x15: {  	[smem:$0x3FB8] =	sst s0;
	s0 =	simm.s32 @!p2 $0x0  }
0x16: {  	s3 =	sld [smem:$0x3FDB];
	s0 =	simm.s32 @p2 $0x1  }
0x17: {  	s4 =	simm.s32 $0x1BF5;
	[smem:$0x3FBA] =	sst s0  }
0x18: {  	s0 =	sld [smem:$0x3F9D];
	_ =	swait.ge [sflag:s4], $0x0  }
0x19: {  	s7 =	sld [smem:$0x3F9E]  }
0x1a: {  	s8 =	sadd.s32 $0xFFFFE003, lr  }
0x1b: {  	s9 =	sadd.s32 $0xFFFFFEF7, lr;
	s5 =	simm.s32 $0xFFFFFFFF;
	p2 =	slt.u32 s8, $0xFFFFF086  }
0x1c: {  	p1 =	slt.u32 s9, $0xF7A;
	s5 =	simm.s32 @!p2 $0x0  }
0x1d: {  	s5 =	simm.s32 @p1 $0x1;
	p0 =	seq.s32 s7, s2  }
0x1e: {  	s7 =	smul.u32 @!p0 $0xF7A, s2;
	p2 =	seq.s32 @!p0 s5, $0x0  }
0x1f: {  	s9 =	smul.u32 $0xF7A, s1;
	s8 =	simm.s32 @!p0 $0x1BF5;
	p2 =	por !p2, p0  }
0x20: {  	[sflag:s8] =	ssyncset.s32 @!p0 $0xFFFFF086;
	s6 =	sadd.s32 @!p0 s3, s7;
	s7 =	simm.s32 @!p0 $0x108  }
0x21: {  	s3 =	sadd.s32 s3, s9;
	s6 =	sadd.s32 @!p0 $0x88, s6;
	s7 =	simm.s32 @p2 $0x1082  }
0x22: {  	[simem:s7], [sflag:s8] =	dma.local @!p0 [hbm:s6], $0xF7A  }
0x23: {  	s9 =	sor.u32 $0xD0000000, s2;
	s6 =	simm.s32 $0x108;
	_ =	swait.ge @!p0 [sflag:s8], $0x0  }
0x24: {  	s3 =	sadd.s32 $0x88, s3;
	s6 =	simm.s32 @!p1 $0x1082;
	[sflag:s4] =	ssyncset.s32 $0xFFFFF086  }
0x25: {  	[simem:s6], [sflag:s4] =	dma.local [hbm:s3], $0xF7A  }
0x26: {  	[smem:$0x3F9E] =	sst s1;
	(tag) =	ssettag s2;
	_ =	strace s9  }
0x27: {  	s1 =	sld [smem:$0x3FAE]  }
0x28: {  	s2 =	sld [smem:$0x3FAF]  }
0x29: {  	s4 =	sld [smem:$0x3FB1]  }
0x2a: {  	p0 =	seq.s32 s5, $0x0;
	s5 =	sld [smem:$0x3FB2]  }
0x2b: {  	s6 =	sld [smem:$0x3FB3]  }
0x2c: {  	s7 =	sld [smem:$0x3FB4]  }
0x2d: {  	s3 =	simm.s32 $0x108;
	s8 =	sld [smem:$0x3FB5]  }
0x2e: {  	s3 =	simm.s32 @!p0 $0x1082;
	s9 =	sld [smem:$0x3FB6]  }
0x2f: {  	lr =	sadd.s32 s0, s3;
	s0 =	sld [smem:$0x3FAD]  }
0x30: {  	s3 =	sld [smem:$0x3FB0]  }
0x31: {  	[smem:$0x3FB9] =	sst s10  }
0x32: {  	s10 =	sld [smem:$0x3FB7];
	_ =	sdelay $0x3  }
0x33: {  	p0 =	seq.s32 s10, $0x1;
	s10 =	sld [smem:$0x3FB9];
	_ =	sdelay $0x3  }
0x34: {  	[smem:$0x3FB9] =	sst s10  }
0x35: {  	s10 =	sld [smem:$0x3FB8];
	_ =	sdelay $0x3  }
0x36: {  	p1 =	seq.s32 s10, $0x1;
	s10 =	sld [smem:$0x3FB9];
	_ =	sdelay $0x3  }
0x37: {  	[smem:$0x3FB9] =	sst s10  }
0x38: {  	s10 =	sld [smem:$0x3FBA]  }
0x39: {  	_ = 	snop;
	(pc) =	sbr.ind lr, $3  }
0x3a: {  	_ = 	snop  }
0x3b: {  	_ = 	snop  }
0x3c: {  	p2 =	seq.s32 s10, $0x1;
	s10 =	sld [smem:$0x3FB9]  }
0x3d: {  	_ =	shalt  }
0x3e: {  	_ =	shalt  }
0x3f: {  	_ =	shalt  }
0x40: {  	_ =	shalt  }
0x41: {  	_ =	shalt  }
0x42: {  	_ =	shalt  }
0x43: {  	_ =	shalt  }
0x44: {  	_ =	shalt  }
0x45: {  	_ =	shalt  }
0x46: {  	_ =	shalt  }
0x47: {  	_ =	shalt  }
0x48: {  	_ =	shalt  }
0x49: {  	_ =	shalt  }
0x4a: {  	_ =	shalt  }
0x4b: {  	_ =	shalt  }
0x4c: {  	_ =	shalt  }
0x4d: {  	_ =	shalt  }
0x4e: {  	_ =	shalt  }
0x4f: {  	_ =	shalt  }
0x50: {  	_ =	shalt  }
0x51: {  	_ =	shalt  }
0x52: {  	_ =	shalt  }
0x53: {  	_ =	shalt  }
0x54: {  	_ =	shalt  }
0x55: {  	_ =	shalt  }
0x56: {  	_ =	shalt  }
0x57: {  	_ =	shalt  }
0x58: {  	_ =	shalt  }
0x59: {  	_ =	shalt  }
0x5a: {  	_ =	shalt  }
0x5b: {  	_ =	shalt  }
0x5c: {  	_ =	shalt  }
0x5d: {  	_ =	shalt  }
0x5e: {  	_ =	shalt  }
0x5f: {  	_ =	shalt  }
0x60: {  	_ =	shalt  }
0x61: {  	_ =	shalt  }
0x62: {  	_ =	shalt  }
0x63: {  	_ =	shalt  }
0x64: {  	_ =	shalt  }
0x65: {  	_ =	shalt  }
0x66: {  	_ =	shalt  }
0x67: {  	_ =	shalt  }
0x68: {  	_ =	shalt  }
0x69: {  	_ =	shalt  }
0x6a: {  	_ =	shalt  }
0x6b: {  	_ =	shalt  }
0x6c: {  	_ =	shalt  }
0x6d: {  	_ =	shalt  }
0x6e: {  	_ =	shalt  }
0x6f: {  	_ =	shalt  }
0x70: {  	_ =	shalt  }
0x71: {  	_ =	shalt  }
0x72: {  	_ =	shalt  }
0x73: {  	_ =	shalt  }
0x74: {  	_ =	shalt  }
0x75: {  	_ =	shalt  }
0x76: {  	_ =	shalt  }
0x77: {  	_ =	shalt  }
0x78: {  	_ =	shalt  }
0x79: {  	_ =	shalt  }
0x7a: {  	_ =	shalt  }
0x7b: {  	_ =	shalt  }
0x7c: {  	_ =	shalt  }
0x7d: {  	_ =	shalt  }
0x7e: {  	_ =	shalt  }
0x7f: {  	_ =	shalt  }
0x80: {  	_ =	shalt  }
0x81: {  	_ =	shalt  }
0x82: {  	_ =	shalt  }
0x83: {  	_ =	shalt  }
0x84: {  	_ =	shalt  }
0x85: {  	_ =	shalt  }
0x86: {  	_ =	shalt  }
0x87: {  	_ =	shalt  }
.Lfunc_end0:
.L_simem_size_0:
called_computation_lowered:
.L_overlay_start_0:
0x88: {  	s2 =	sld [smem:$0x3FD9]  }
0x89: {  	s3 =	sld [smem:$0x3FFE];
	_ =	sdelay $0x1  }
0x8a: {  	s1 =	srdreg.scid  }
0x8b: {  	s0 =	sand.u32 $0x1, s1  }
0x8c: {  	s17 =	sshll.u32 s0, $0xA;
	s2 =	sadd.s32 s3, s2  }
0x8d: {  	s2 =	sadd.s32 s2, s17  }
0x8e: {  	[smem:$0x3FC5] =	sst s2  }
0x8f: {  	_ = 	snop  }
0x90: {  	s2 =	sld [smem:$0x3FD0];
	(tm) =	ssettm $0x1  }
0x91: {  	s18 =	sld [smem:$0x3FFB];
	_ =	sdelay $0x3  }
0x92: {  	_ =	strace s18  }
0x93: {  	s3 =	sld [smem:$0x3FFC];
	_ =	sdelay $0x3  }
0x94: {  	_ =	strace s3  }
0x95: {  	s3 =	sld [smem:$0x3FFD];
	_ =	sdelay $0x3  }
0x96: {  	_ =	strace s3  }
0x97: {  	_ =	strace $0x8FFFFFFF  }
0x98: {  	s19 =	sld [smem:$0x3FDB];
	_ =	sdelay $0x1  }
0x99: {  	s4 =	simm.s32 $_scs_section_size  }
0x9a: {  	s5 =	simm.s32 $_size__tile_overlayer_lowered;
	s6 =	simm.s32 $_tile_overlayer_lowered  }
0x9b: {  	s22 =	simm.s32 $0x1BFF;
	s21 =	sshll.u32 s6, $0x1;
	s3 =	sadd.s32 s4, s19  }
0x9c: {  	s7 =	simm.s32 $0x0;
	s20 =	sshll.u32 s5, $0x1;
	s5 =	sadd.s32 s21, s3  }
0x9d: {  	[timem:s7], [sflag:s22] =	dma.local [hbm:s5], s20  }
0x9e: {  	_ =	swait.ge [sflag:s22], s20  }
0x9f: {  	s4 =	ssub.s32 $0x0, s20;
	[sflag:s22] =	ssyncset.done $0x0  }
0xa0: {  	[sflag:s22] =	ssyncadd.s32 s4;
	_ =	sdelay $0x1  }
0xa1: {  	s23 =	simm.s32 $0x1B8B  }
0xa2: {  	_ =	swait.ge [sflag:s23], $0x1  }
0xa3: {  	[sflag:s23] =	ssyncset.done $0x0  }
0xa4: {  	s25 =	simm.s32 $0x1B8E;
	s24 =	sld [smem:$0x3FFE];
	[sflag:s23] =	ssyncadd.s32 $0xFFFFFFFF  }
0xa5: {  	s26 =	simm.s32 $execute0_lowered;
	[smem:$0x3FD2] =	sst s25  }
0xa6: {  	s5 =	sshll.u32 s26, $0x1;
	_ =	strace $0x80000046;
	[dreg:$0x1] =	wrdreg $0xFFFFFFFF  }
0xa7: {  	s28 =	simm.s32 $_size_execute0_lowered;
	s3 =	sadd.s32 s3, s5;
	[dreg:$0x0] =	wrdreg $0x0  }
0xa8: {  	s5 =	sshll.u32 s28, $0x1;
	[dreg:$0x2] =	wrdreg s3  }
0xa9: {  	[dreg:$0x3] =	wrdreg s5  }
0xaa: {  	[dreg:$0x4] =	wrdreg $0xC0  }
0xab: {  	_ =	task [dreg:s7], $0x5FFFF  }
0xac: {  	[dreg:$0x1] =	wrdreg $0xFFFFFFFF  }
0xad: {  	[dreg:$0x0] =	wrdreg $0x60  }
0xae: {  	[dreg:$0x2] =	wrdreg s24  }
0xaf: {  	[dreg:$0x3] =	wrdreg s2  }
0xb0: {  	[dreg:$0x4] =	wrdreg $0x9  }
0xb1: {  	_ =	task.clear_ibuf [dreg:s7], $0x5FFFF;
	_ =	strace $0x90000046  }
0xb2: {  	s29 =	simm.s32 $0x9;
	_ =	strace $0x80000048  }
0xb3: {  	_ =	swait.ge [sflag:s29], $0x1  }
0xb4: {  	[sflag:s29] =	ssyncadd.s32 $0xFFFFFFFF  }
0xb5: {  	_ =	strace $0x90000048  }
0xb6: {  	_ =	sfence  }
0xb7: {  	s30 =	sld [smem:$0x0];
	_ =	sdelay $0x2  }
0xb8: {  	s31 =	sshll.u32 s1, $0xD;
	s1 =	sshrl.u32 s1, $0x2  }
0xb9: {  	s3 =	sand.u32 $0x4000, s31;
	s1 =	sadd.s32 s1, s30  }
0xba: {  	s0 =	sor.u32 s3, s0;
	s1 =	sshll.u32 s1, $0x11  }
0xbb: {  	s0 =	sor.u32 s1, s0  }
0xbc: {  	s0 =	sadd.s32 $0x8F2B, s0  }
0xbd: {  	[sflag:s0] =	ssyncadd.remote.s32 $0x1  }
0xbe: {  	_ =	sfence.sel $0xFFFF  }
0xbf: {  	[dreg:$0x0] =	wrdreg $0xFFFFFFFF;
	(pc) =	sbr.abs _section_cstart, $3  }
0xc0: {  	[dreg:$0x1] =	wrdreg $0xFFFFFFFF  }
0xc1: {  	_ =	task.clear_ibuf [dreg:s7], $0x2FFFF;
	_ =	strace $0x9FFFFFFF  }
0xc2: {  	(tm) =	ssettm $0x7FFFFFFF  }
0xc3: {  	_ =	shalt  }
tec
execute0_lowered:
.L_overlay_start_1:
0x0: {  	(tag) =	ssettag $0x1  }
0x1: {  	s3 =	srdreg.scid;
	s4 =	stileid.u32  }
0x2: {  	s5 =	sand.u32 $0x1, s3;
	s4 =	sshll.u32 s4, $0x1  }
0x3: {  	s0 =	rddreg [dreg:$0x0];
	s6 =	sor.u32 s5, s4  }
0x4: {  	s1 =	rddreg [dreg:$0x1];
	s7 =	smul.u32 $0x1A0, s6  }
0x5: {  	s2 =	simm.s32 $0x0;
	s8 =	sshll.u32 s6, $0x7;
	s10 =	smul.u32 $0x320, s6  }
0x6: {  	s28 =	simm.s32 $0x5;
	s6 =	smul.u32 $0x1A00, s6;
	s11 =	sor.u32 $0x20, s8  }
0x7: {  	s29 =	simm.s32 $0x6;
	s30 =	simm.s32 $0x0;
	s12 =	smul.u32 $0x1A, s11  }
0x8: {  	[smem:$0x7FF] =	sst s2;
	s15 =	sor.u32 $0x40, s8;
	s14 =	smul.u32 $0x32, s11  }
0x9: {  	s3 =	sadd.s32 $0x1C1A00, s0;
	s9 =	sadd.s32 $0xA00, s0;
	s25 =	smul.u32 $0x1A, s15  }
0xa: {  	_ =	strace $0x80000047;
	s8 =	sor.u32 $0x60, s8;
	s31 =	smul.u32 $0x32, s15  }
0xb: {  	s4 =	sadd.s32 $0x190C00, s0;
	s5 =	ssub.s32 $0x2, s5;
	s17 =	smul.u32 $0x1A, s8  }
0xc: {  	s0 =	sadd.s32 $0x3E00, s0;
	s13 =	sshrl.u32 s5, $0x1;
	s18 =	smul.u32 $0x32, s8  }
0xd: {  	s5 =	ssub.s32 s5, s13;
	s13 =	simm.s32 $0x17F00;
	s20 =	smul.u32 $0x34, s11  }
0xe: {  	s7 =	sadd.s32 s9, s7;
	s10 =	sadd.s32 s0, s10;
	s22 =	smul.u32 $0x34, s15  }
0xf: {  	s6 =	sadd.s32 s1, s6;
	s8 =	smul.u32 $0x34, s8;
	[dreg:$0x3] =	wrdreg s7  }
0x10: {  	s15 =	simm.s32 $0x1140;
	s11 =	simm.s32 $0xAF00;
	[dreg:$0x4] =	wrdreg s10  }
0x11: {  	[dreg:$0x9] =	wrdreg s6;
	s26 =	sshrl.u32 s12, $0x3;
	s14 =	sshrl.u32 s14, $0x3  }
0x12: {  	s7 =	sshrl.u32 s25, $0x3;
	s12 =	sshrl.u32 s31, $0x3;
	s21 =	sshrl.u32 s17, $0x3  }
0x13: {  	s23 =	sshrl.u32 s18, $0x3;
	s24 =	sadd.s32 s1, s20;
	s25 =	sadd.s32 s1, s22  }
0x14: {  	s31 =	smax.u32 s5, $0x1;
	s18 =	simm.s32 $0x680;
	s20 =	simm.s32 $0xCC0  }
0x15: {  	s22 =	simm.s32 $0x80;
	s5 =	simm.s32 $0x2;
	[dreg:$0xc] =	wrdreg s24  }
0x16: {  	s17 =	simm.s32 $0x19700;
	s10 =	sadd.s32 s9, s26;
	[dreg:$0xd] =	wrdreg s25  }
0x17: {  	s16 =	sadd.s32 s0, s14;
	s7 =	sadd.s32 s9, s7;
	[dreg:$0xf] =	wrdreg s31  }
0x18: {  	s19 =	sadd.s32 s0, s12;
	s6 =	sadd.s32 s9, s21;
	[dreg:$0x5] =	wrdreg s10  }
0x19: {  	s0 =	sadd.s32 s0, s23;
	s26 =	sadd.s32 s1, s8;
	[dreg:$0x6] =	wrdreg s16  }
0x1a: {  	v1 =	vlaneseq.u32;
	v0 =	vimm.s32 $0x0;
	v2 =	vimm.s32 $0x1;
	s21 =	simm.s32 $0x1;
	s1 =	simm.s32 $0x40;
	[dreg:$0x7] =	wrdreg s7  }
0x1b: {  	v3 =	vimm.s32 $0x2;
	v4 =	vimm.s32 $0x3;
	v5 =	vimm.s32 $0x4;
	s23 =	simm.s32 $0x3;
	s14 =	simm.s32 $0x10C0;
	[dreg:$0x8] =	wrdreg s19  }
0x1c: {  	v6 =	vimm.s32 $0x5;
	v7 =	vimm.s32 $0x6;
	v8 =	vimm.s32 $0x7;
	s8 =	simm.s32 $0x18700;
	s24 =	simm.s32 $0x1240;
	[dreg:$0xa] =	wrdreg s6  }
0x1d: {  	v9 =	vimm.s32 $0x8;
	v10 =	vimm.s32 $0x9;
	v11 =	vimm.s32 $0xA;
	s25 =	simm.s32 $0x19F00;
	s9 =	simm.s32 $0x12C0;
	[dreg:$0xb] =	wrdreg s0  }
0x1e: {  	v12 =	vimm.s32 $0xB;
	v13 =	vimm.s32 $0xC;
	v14 =	vimm.s32 $0xD;
	[dreg:$0xe] =	wrdreg s26;
	s19 =	simm.s32 $0x18F00;
	s16 =	simm.s32 $0x11C0  }
0x1f: {  	v15 =	vimm.s32 $0xE;
	v16 =	vimm.s32 $0xF;
	v1 =	vmul.u32 $0x186A0, v1;
	s6 =	simm.s32 $0x1A700;
	s10 =	simm.s32 $0x7B00;
	s26 =	simm.s32 $0x4  }
.LBB2_1:
0x20: {  	s0 =	rddreg [dreg:$0x3]  }
0x21: {  	[tilespmem:s2], [sflag:$0x1] =	stream.linear.gather [hbm4b:s0+s2], $0x340, $0x38;
	[tilespmem:$0x1AB00] =	vst v63  }
0x22: {  	s7 =	rddreg [dreg:$0x4]  }
0x23: {  	[tilespmem:s18], [sflag:$0x1] =	stream.linear.gather [hbm4b:s7+s2], $0x640, $0x38;
	[tilespmem:$0x1AB00] =	vst v63  }
0x24: {  	s12 =	rddreg [dreg:$0x5];
	s7 =	simm.s32 $0x340  }
0x25: {  	[tilespmem:s7], [sflag:$0x2] =	stream.linear.gather [hbm4b:s12+s2], $0x340, $0x38;
	[tilespmem:$0x1AB00] =	vst v63  }
0x26: {  	s7 =	rddreg [dreg:$0x6]  }
0x27: {  	[tilespmem:s20], [sflag:$0x2] =	stream.linear.gather [hbm4b:s7+s2], $0x640, $0x38;
	[tilespmem:$0x1AB00] =	vst v63  }
0x28: {  	_ =	swait.ge [sflag:s21], $0x340  }
0x29: {  	[sflag:s21] =	ssyncset.done $0x0  }
0x2a: {  	[sflag:s21] =	ssyncadd.s32 $0xFFFFFCC0  }
0x2b: {  	_ =	swait.ge [sflag:s21], $0x640  }
0x2c: {  	[sflag:s21] =	ssyncset.done $0x0  }
0x2d: {  	s12 =	simm.s32 $0x0;
	[sflag:s21] =	ssyncadd.s32 $0xFFFFF9C0  }
0x2e: {  	v17 =	vld [tilespmem:s12+$0x0];
	_ =	sdelay $0x4  }
0x2f: {  	v18 =	vperm.xlane v17, v0  }
0x30: {  	v19 =	vperm.xlane v17, v2  }
0x31: {  	s0 =	simm.s32 $0x1380;
	v20 =	vperm.xlane v17, v3;
	v18 =	vadd.s32 v1, v18  }
0x32: {  	v21 =	vperm.xlane v17, v4;
	v19 =	vadd.s32 v1, v19;
	[tilespmem:s0+$0xFFFFFF80] =	vst v18  }
0x33: {  	v58 =	vperm.xlane v17, v6;
	v20 =	vadd.s32 v1, v20;
	[tilespmem:s0+$0xFFFFFF90] =	vst v19  }
0x34: {  	v59 =	vperm.xlane v17, v7;
	v19 =	vadd.s32 v1, v21;
	[tilespmem:s0+$0xFFFFFFA0] =	vst v20  }
0x35: {  	v62 =	vperm.xlane v17, v12;
	v21 =	vadd.s32 v1, v58;
	[tilespmem:s0+$0xFFFFFFB0] =	vst v19  }
0x36: {  	v18 =	vperm.xlane v17, v5;
	v20 =	vadd.s32 v1, v59;
	[tilespmem:s0+$0xFFFFFFD0] =	vst v21  }
0x37: {  	v19 =	vperm.xlane v17, v8;
	[tilespmem:s0+$0xFFFFFFE0] =	vst v20;
	v21 =	vadd.s32 v1, v62  }
0x38: {  	v60 =	vperm.xlane v17, v10;
	v18 =	vadd.s32 v1, v18;
	[tilespmem:s0+$0x30] =	vst v21  }
0x39: {  	[tilespmem:s0+$0xFFFFFFC0] =	vst v18;
	v18 =	vperm.xlane v17, v9;
	v19 =	vadd.s32 v1, v19  }
0x3a: {  	v61 =	vperm.xlane v17, v11;
	[tilespmem:s0+$0xFFFFFFF0] =	vst v19;
	v19 =	vadd.s32 v1, v60  }
0x3b: {  	v63 =	vperm.xlane v17, v13;
	v18 =	vadd.s32 v1, v18;
	[tilespmem:s0+$0x10] =	vst v19  }
0x3c: {  	v19 =	vperm.xlane v17, v14;
	[tilespmem:s0+$0x0] =	vst v18;
	v18 =	vadd.s32 v1, v61  }
0x3d: {  	v20 =	vadd.s32 v1, v63;
	[tilespmem:s0+$0x20] =	vst v18;
	v18 =	vperm.xlane v17, v15  }
0x3e: {  	[tilespmem:s0+$0x40] =	vst v20;
	v17 =	vperm.xlane v17, v16;
	v19 =	vadd.s32 v1, v19  }
0x3f: {  	[tilespmem:s0+$0x50] =	vst v19;
	v18 =	vadd.s32 v1, v18  }
0x40: {  	v17 =	vadd.s32 v1, v17;
	[tilespmem:s0+$0x60] =	vst v18  }
0x41: {  	s31 =	simm.s32 $0x10;
	s12 =	simm.s32 $0x80;
	[tilespmem:s0+$0x70] =	vst v17  }
.LBB2_2:
0x42: {  	p0 =	sne.s32 s12, $0xCC0;
	v17 =	vld [tilespmem:s31+$0x0];
	_ =	sdelay $0x4  }
0x43: {  	v18 =	vperm.xlane v17, v0;
	v19 =	vperm.xlane v17, v2  }
0x44: {  	v20 =	vperm.xlane v17, v3;
	v21 =	vperm.xlane v17, v4  }
0x45: {  	s0 =	sadd.s32 $0x100, s0;
	v22 =	vperm.xlane v17, v5;
	v18 =	vadd.s32 v1, v18;
	v19 =	vadd.s32 v1, v19  }
0x46: {  	[tilespmem:s0+$0xFFFFFF80] =	vst v18;
	v18 =	vadd.s32 v1, v20;
	v20 =	vadd.s32 v1, v21;
	v21 =	vperm.xlane v17, v6  }
0x47: {  	v23 =	vperm.xlane v17, v8;
	[tilespmem:s0+$0xFFFFFF90] =	vst v19;
	v19 =	vadd.s32 v1, v22;
	v22 =	vperm.xlane v17, v7  }
0x48: {  	v24 =	vperm.xlane v17, v10;
	[tilespmem:s0+$0xFFFFFFA0] =	vst v18;
	v18 =	vadd.s32 v1, v21;
	v21 =	vperm.xlane v17, v9  }
0x49: {  	[tilespmem:s0+$0xFFFFFFB0] =	vst v20;
	v20 =	vadd.s32 v1, v22;
	v22 =	vadd.s32 v1, v23;
	v23 =	vperm.xlane v17, v11  }
0x4a: {  	[tilespmem:s0+$0xFFFFFFC0] =	vst v19;
	v19 =	vadd.s32 v1, v21;
	v21 =	vadd.s32 v1, v24;
	v24 =	vperm.xlane v17, v12  }
0x4b: {  	v25 =	vperm.xlane v17, v14;
	[tilespmem:s0+$0xFFFFFFD0] =	vst v18;
	v18 =	vadd.s32 v1, v23;
	v23 =	vperm.xlane v17, v13  }
0x4c: {  	[tilespmem:s0+$0xFFFFFFE0] =	vst v20;
	v20 =	vadd.s32 v1, v24;
	v24 =	vperm.xlane v17, v15;
	v17 =	vperm.xlane v17, v16  }
0x4d: {  	[tilespmem:s0+$0xFFFFFFF0] =	vst v22;
	v22 =	vadd.s32 v1, v23;
	v23 =	vadd.s32 v1, v25  }
0x4e: {  	[tilespmem:s0+$0x0] =	vst v19;
	v19 =	vadd.s32 v1, v24;
	v17 =	vadd.s32 v1, v17  }
0x4f: {  	[tilespmem:s0+$0x10] =	vst v21  }
0x50: {  	[tilespmem:s0+$0x20] =	vst v18  }
.Ltmp0:
0x51: {  	[tilespmem:s0+$0x30] =	vst v20;
	(pc) =	sbr.rel @p0 .LBB2_2-.Ltmp0, $4  }
0x52: {  	[tilespmem:s0+$0x40] =	vst v22  }
0x53: {  	[tilespmem:s0+$0x50] =	vst v23  }
0x54: {  	[tilespmem:s0+$0x60] =	vst v19  }
0x55: {  	s31 =	sshra.s32 s12, $0x2;
	s12 =	sadd.s32 $0x40, s12;
	[tilespmem:s0+$0x70] =	vst v17  }
0x56: {  	v17 =	vld [tilespmem:s31+$0x0];
	_ =	sdelay $0x4  }
0x57: {  	v18 =	vperm.xlane v17, v0  }
0x58: {  	v19 =	vperm.xlane v17, v2  }
0x59: {  	s0 =	sadd.s32 $0x100, s0;
	v20 =	vperm.xlane v17, v3;
	v18 =	vadd.s32 v1, v18  }
0x5a: {  	v21 =	vperm.xlane v17, v4;
	v19 =	vadd.s32 v1, v19;
	[tilespmem:s0+$0xFFFFFF80] =	vst v18  }
0x5b: {  	v58 =	vperm.xlane v17, v6;
	v20 =	vadd.s32 v1, v20;
	[tilespmem:s0+$0xFFFFFF90] =	vst v19  }
0x5c: {  	v59 =	vperm.xlane v17, v7;
	v19 =	vadd.s32 v1, v21;
	[tilespmem:s0+$0xFFFFFFA0] =	vst v20  }
0x5d: {  	v62 =	vperm.xlane v17, v12;
	v21 =	vadd.s32 v1, v58;
	[tilespmem:s0+$0xFFFFFFB0] =	vst v19  }
0x5e: {  	v18 =	vperm.xlane v17, v5;
	v20 =	vadd.s32 v1, v59;
	[tilespmem:s0+$0xFFFFFFD0] =	vst v21  }
0x5f: {  	v19 =	vperm.xlane v17, v8;
	[tilespmem:s0+$0xFFFFFFE0] =	vst v20;
	v21 =	vadd.s32 v1, v62  }
0x60: {  	v60 =	vperm.xlane v17, v10;
	v18 =	vadd.s32 v1, v18;
	[tilespmem:s0+$0x30] =	vst v21  }
0x61: {  	[tilespmem:s0+$0xFFFFFFC0] =	vst v18;
	v18 =	vperm.xlane v17, v9;
	v19 =	vadd.s32 v1, v19  }
0x62: {  	v61 =	vperm.xlane v17, v11;
	[tilespmem:s0+$0xFFFFFFF0] =	vst v19;
	v19 =	vadd.s32 v1, v60  }
0x63: {  	v63 =	vperm.xlane v17, v13;
	v18 =	vadd.s32 v1, v18;
	[tilespmem:s0+$0x10] =	vst v19  }
0x64: {  	v19 =	vperm.xlane v17, v14;
	[tilespmem:s0+$0x0] =	vst v18;
	v18 =	vadd.s32 v1, v61  }
0x65: {  	v20 =	vadd.s32 v1, v63;
	[tilespmem:s0+$0x20] =	vst v18;
	v18 =	vperm.xlane v17, v15  }
0x66: {  	[tilespmem:s0+$0x40] =	vst v20;
	v17 =	vperm.xlane v17, v16;
	v19 =	vadd.s32 v1, v19  }
0x67: {  	[tilespmem:s0+$0x50] =	vst v19;
	v18 =	vadd.s32 v1, v18  }
0x68: {  	v17 =	vadd.s32 v1, v17;
	[tilespmem:s0+$0x60] =	vst v18  }
0x69: {  	s12 =	simm.s32 $0x7B00;
	s31 =	simm.s32 $0x1300;
	[tilespmem:s0+$0x70] =	vst v17;
	s0 =	simm.s32 $0x200  }
.LBB2_4:
0x6a: {  	[tilespmem:s12], [sflag:$0x3] =	stream.indirect.gather [hbm4b:s3+s22], $0x1, s31, s22, $0xb8;
	[tilespmem:$0x1AB00] =	vst v63  }
0x6b: {  	s12 =	smov.u32 s0;
	p0 =	sne.s32 s0, $0xCE00  }
.Ltmp1:
0x6c: {  	s0 =	sadd.s32 $0x200, s0;
	(pc) =	sbr.rel @p0 .LBB2_4-.Ltmp1, $3  }
0x6d: {  	_ =	sdelay $0x1  }
0x6e: {  	s31 =	sshra.s32 s12, $0x2  }
0x6f: {  	s12 =	sadd.s32 $0x7B00, s31;
	s31 =	sadd.s32 $0x1300, s31  }
0x70: {  	[tilespmem:s12], [sflag:$0x3] =	stream.indirect.gather [hbm4b:s3+s22], $0x1, s31, s22, $0xb8;
	[tilespmem:$0x1AB00] =	vst v63  }
0x71: {  	s0 =	simm.s32 $0xE300  }
0x72: {  	[tilespmem:s0], [sflag:$0x3] =	stream.indirect.gather [hbm4b:s4+s22], $0x10, s18, s22, $0xb8;
	[tilespmem:$0x1AB00] =	vst v63  }
0x73: {  	s12 =	simm.s32 $0x700;
	s7 =	simm.s32 $0xEB00  }
0x74: {  	[tilespmem:s7], [sflag:$0x3] =	stream.indirect.gather [hbm4b:s4+s22], $0x10, s12, s22, $0xb8;
	[tilespmem:$0x1AB00] =	vst v63  }
0x75: {  	s7 =	simm.s32 $0x780;
	s12 =	simm.s32 $0xF300  }
0x76: {  	[tilespmem:s12], [sflag:$0x3] =	stream.indirect.gather [hbm4b:s4+s22], $0x10, s7, s22, $0xb8;
	[tilespmem:$0x1AB00] =	vst v63  }
0x77: {  	s7 =	simm.s32 $0x800;
	s12 =	simm.s32 $0xFB00  }
0x78: {  	[tilespmem:s12], [sflag:$0x3] =	stream.indirect.gather [hbm4b:s4+s22], $0x10, s7, s22, $0xb8;
	[tilespmem:$0x1AB00] =	vst v63  }
0x79: {  	s7 =	simm.s32 $0x880;
	s12 =	simm.s32 $0x10300  }
0x7a: {  	[tilespmem:s12], [sflag:$0x3] =	stream.indirect.gather [hbm4b:s4+s22], $0x10, s7, s22, $0xb8;
	[tilespmem:$0x1AB00] =	vst v63  }
0x7b: {  	s7 =	simm.s32 $0x900;
	s12 =	simm.s32 $0x10B00  }
0x7c: {  	[tilespmem:s12], [sflag:$0x3] =	stream.indirect.gather [hbm4b:s4+s22], $0x10, s7, s22, $0xb8;
	[tilespmem:$0x1AB00] =	vst v63  }
0x7d: {  	s7 =	simm.s32 $0x980;
	s12 =	simm.s32 $0x11300  }
0x7e: {  	[tilespmem:s12], [sflag:$0x3] =	stream.indirect.gather [hbm4b:s4+s22], $0x10, s7, s22, $0xb8;
	[tilespmem:$0x1AB00] =	vst v63  }
0x7f: {  	s7 =	simm.s32 $0xA00;
	s12 =	simm.s32 $0x11B00  }
0x80: {  	[tilespmem:s12], [sflag:$0x3] =	stream.indirect.gather [hbm4b:s4+s22], $0x10, s7, s22, $0xb8;
	[tilespmem:$0x1AB00] =	vst v63  }
0x81: {  	s7 =	simm.s32 $0xA80;
	s12 =	simm.s32 $0x12300  }
0x82: {  	[tilespmem:s12], [sflag:$0x3] =	stream.indirect.gather [hbm4b:s4+s22], $0x10, s7, s22, $0xb8;
	[tilespmem:$0x1AB00] =	vst v63  }
0x83: {  	s7 =	simm.s32 $0xB00;
	s12 =	simm.s32 $0x12B00  }
0x84: {  	[tilespmem:s12], [sflag:$0x3] =	stream.indirect.gather [hbm4b:s4+s22], $0x10, s7, s22, $0xb8;
	[tilespmem:$0x1AB00] =	vst v63  }
0x85: {  	s7 =	simm.s32 $0xB80;
	s12 =	simm.s32 $0x13300  }
0x86: {  	[tilespmem:s12], [sflag:$0x3] =	stream.indirect.gather [hbm4b:s4+s22], $0x10, s7, s22, $0xb8;
	[tilespmem:$0x1AB00] =	vst v63  }
0x87: {  	s7 =	simm.s32 $0xC00;
	s12 =	simm.s32 $0x13B00  }
0x88: {  	[tilespmem:s12], [sflag:$0x3] =	stream.indirect.gather [hbm4b:s4+s22], $0x10, s7, s22, $0xb8;
	[tilespmem:$0x1AB00] =	vst v63  }
0x89: {  	s7 =	simm.s32 $0xC80;
	s12 =	simm.s32 $0x14300  }
0x8a: {  	[tilespmem:s12], [sflag:$0x3] =	stream.indirect.gather [hbm4b:s4+s1], $0x10, s7, s1, $0xb8;
	[tilespmem:$0x1AB00] =	vst v63  }
0x8b: {  	_ =	swait.ge [sflag:s23], $0x3400  }
0x8c: {  	[sflag:s23] =	ssyncset.done $0x0  }
0x8d: {  	[sflag:s23] =	ssyncadd.s32 $0xFFFFCC00  }
0x8e: {  	_ =	swait.ge [sflag:s23], $0x6400  }
0x8f: {  	[sflag:s23] =	ssyncset.done $0x0  }
0x90: {  	s0 =	simm.s32 $0x0;
	s12 =	rddreg [dreg:$0x7];
	[sflag:s23] =	ssyncadd.s32 $0xFFFF9C00  }
0x91: {  	[tilespmem:s0], [sflag:$0x1] =	stream.linear.gather [hbm4b:s12+s0], $0x340, $0x38;
	[tilespmem:$0x1AB00] =	vst v63  }
0x92: {  	s12 =	rddreg [dreg:$0x8]  }
0x93: {  	[tilespmem:s18], [sflag:$0x1] =	stream.linear.gather [hbm4b:s12+s0], $0x640, $0x38;
	[tilespmem:$0x1AB00] =	vst v63  }
0x94: {  	_ =	swait.ge [sflag:s5], $0x340  }
0x95: {  	[sflag:s5] =	ssyncset.done $0x0  }
0x96: {  	[sflag:s5] =	ssyncadd.s32 $0xFFFFFCC0  }
0x97: {  	_ =	swait.ge [sflag:s5], $0x640  }
0x98: {  	[sflag:s5] =	ssyncset.done $0x0  }
0x99: {  	s12 =	simm.s32 $0x0;
	[sflag:s5] =	ssyncadd.s32 $0xFFFFF9C0  }
0x9a: {  	v17 =	vld [tilespmem:s12+$0x340];
	_ =	sdelay $0x4  }
0x9b: {  	v18 =	vperm.xlane v17, v0  }
0x9c: {  	v19 =	vperm.xlane v17, v2  }
0x9d: {  	s0 =	simm.s32 $0x4780;
	v20 =	vperm.xlane v17, v3;
	v18 =	vadd.s32 v1, v18  }
0x9e: {  	v21 =	vperm.xlane v17, v4;
	v19 =	vadd.s32 v1, v19;
	[tilespmem:s0+$0xFFFFFF80] =	vst v18  }
0x9f: {  	v58 =	vperm.xlane v17, v6;
	v20 =	vadd.s32 v1, v20;
	[tilespmem:s0+$0xFFFFFF90] =	vst v19  }
0xa0: {  	v59 =	vperm.xlane v17, v7;
	v19 =	vadd.s32 v1, v21;
	[tilespmem:s0+$0xFFFFFFA0] =	vst v20  }
0xa1: {  	v62 =	vperm.xlane v17, v12;
	v21 =	vadd.s32 v1, v58;
	[tilespmem:s0+$0xFFFFFFB0] =	vst v19  }
0xa2: {  	v18 =	vperm.xlane v17, v5;
	v20 =	vadd.s32 v1, v59;
	[tilespmem:s0+$0xFFFFFFD0] =	vst v21  }
0xa3: {  	v19 =	vperm.xlane v17, v8;
	[tilespmem:s0+$0xFFFFFFE0] =	vst v20;
	v21 =	vadd.s32 v1, v62  }
0xa4: {  	v60 =	vperm.xlane v17, v10;
	v18 =	vadd.s32 v1, v18;
	[tilespmem:s0+$0x30] =	vst v21  }
0xa5: {  	[tilespmem:s0+$0xFFFFFFC0] =	vst v18;
	v18 =	vperm.xlane v17, v9;
	v19 =	vadd.s32 v1, v19  }
0xa6: {  	v61 =	vperm.xlane v17, v11;
	[tilespmem:s0+$0xFFFFFFF0] =	vst v19;
	v19 =	vadd.s32 v1, v60  }
0xa7: {  	v63 =	vperm.xlane v17, v13;
	v18 =	vadd.s32 v1, v18;
	[tilespmem:s0+$0x10] =	vst v19  }
0xa8: {  	v19 =	vperm.xlane v17, v14;
	[tilespmem:s0+$0x0] =	vst v18;
	v18 =	vadd.s32 v1, v61  }
0xa9: {  	v20 =	vadd.s32 v1, v63;
	[tilespmem:s0+$0x20] =	vst v18;
	v18 =	vperm.xlane v17, v15  }
0xaa: {  	[tilespmem:s0+$0x40] =	vst v20;
	v17 =	vperm.xlane v17, v16;
	v19 =	vadd.s32 v1, v19  }
0xab: {  	[tilespmem:s0+$0x50] =	vst v19;
	v18 =	vadd.s32 v1, v18  }
0xac: {  	v17 =	vadd.s32 v1, v17;
	[tilespmem:s0+$0x60] =	vst v18  }
0xad: {  	s31 =	simm.s32 $0x10;
	s12 =	simm.s32 $0x80;
	[tilespmem:s0+$0x70] =	vst v17  }
.LBB2_6:
0xae: {  	p0 =	sne.s32 s12, $0xCC0;
	v17 =	vld [tilespmem:s31+$0x340];
	_ =	sdelay $0x4  }
0xaf: {  	v18 =	vperm.xlane v17, v0;
	v19 =	vperm.xlane v17, v2  }
0xb0: {  	v20 =	vperm.xlane v17, v3;
	v21 =	vperm.xlane v17, v4  }
0xb1: {  	s0 =	sadd.s32 $0x100, s0;
	v22 =	vperm.xlane v17, v5;
	v18 =	vadd.s32 v1, v18;
	v19 =	vadd.s32 v1, v19  }
0xb2: {  	[tilespmem:s0+$0xFFFFFF80] =	vst v18;
	v18 =	vadd.s32 v1, v20;
	v20 =	vadd.s32 v1, v21;
	v21 =	vperm.xlane v17, v6  }
0xb3: {  	v23 =	vperm.xlane v17, v8;
	[tilespmem:s0+$0xFFFFFF90] =	vst v19;
	v19 =	vadd.s32 v1, v22;
	v22 =	vperm.xlane v17, v7  }
0xb4: {  	v24 =	vperm.xlane v17, v10;
	[tilespmem:s0+$0xFFFFFFA0] =	vst v18;
	v18 =	vadd.s32 v1, v21;
	v21 =	vperm.xlane v17, v9  }
0xb5: {  	[tilespmem:s0+$0xFFFFFFB0] =	vst v20;
	v20 =	vadd.s32 v1, v22;
	v22 =	vadd.s32 v1, v23;
	v23 =	vperm.xlane v17, v11  }
0xb6: {  	[tilespmem:s0+$0xFFFFFFC0] =	vst v19;
	v19 =	vadd.s32 v1, v21;
	v21 =	vadd.s32 v1, v24;
	v24 =	vperm.xlane v17, v12  }
0xb7: {  	v25 =	vperm.xlane v17, v14;
	[tilespmem:s0+$0xFFFFFFD0] =	vst v18;
	v18 =	vadd.s32 v1, v23;
	v23 =	vperm.xlane v17, v13  }
0xb8: {  	[tilespmem:s0+$0xFFFFFFE0] =	vst v20;
	v20 =	vadd.s32 v1, v24;
	v24 =	vperm.xlane v17, v15;
	v17 =	vperm.xlane v17, v16  }
0xb9: {  	[tilespmem:s0+$0xFFFFFFF0] =	vst v22;
	v22 =	vadd.s32 v1, v23;
	v23 =	vadd.s32 v1, v25  }
0xba: {  	[tilespmem:s0+$0x0] =	vst v19;
	v19 =	vadd.s32 v1, v24;
	v17 =	vadd.s32 v1, v17  }
0xbb: {  	[tilespmem:s0+$0x10] =	vst v21  }
0xbc: {  	[tilespmem:s0+$0x20] =	vst v18  }
.Ltmp2:
0xbd: {  	[tilespmem:s0+$0x30] =	vst v20;
	(pc) =	sbr.rel @p0 .LBB2_6-.Ltmp2, $4  }
0xbe: {  	[tilespmem:s0+$0x40] =	vst v22  }
0xbf: {  	[tilespmem:s0+$0x50] =	vst v23  }
0xc0: {  	[tilespmem:s0+$0x60] =	vst v19  }
0xc1: {  	s31 =	sshra.s32 s12, $0x2;
	s12 =	sadd.s32 $0x40, s12;
	[tilespmem:s0+$0x70] =	vst v17  }
0xc2: {  	v17 =	vld [tilespmem:s31+$0x340];
	_ =	sdelay $0x4  }
0xc3: {  	v18 =	vperm.xlane v17, v0  }
0xc4: {  	v19 =	vperm.xlane v17, v2  }
0xc5: {  	s0 =	sadd.s32 $0x100, s0;
	v20 =	vperm.xlane v17, v3;
	v18 =	vadd.s32 v1, v18  }
0xc6: {  	v21 =	vperm.xlane v17, v4;
	v19 =	vadd.s32 v1, v19;
	[tilespmem:s0+$0xFFFFFF80] =	vst v18  }
0xc7: {  	v58 =	vperm.xlane v17, v6;
	v20 =	vadd.s32 v1, v20;
	[tilespmem:s0+$0xFFFFFF90] =	vst v19  }
0xc8: {  	v59 =	vperm.xlane v17, v7;
	v19 =	vadd.s32 v1, v21;
	[tilespmem:s0+$0xFFFFFFA0] =	vst v20  }
0xc9: {  	v62 =	vperm.xlane v17, v12;
	v21 =	vadd.s32 v1, v58;
	[tilespmem:s0+$0xFFFFFFB0] =	vst v19  }
0xca: {  	v18 =	vperm.xlane v17, v5;
	v20 =	vadd.s32 v1, v59;
	[tilespmem:s0+$0xFFFFFFD0] =	vst v21  }
0xcb: {  	v19 =	vperm.xlane v17, v8;
	[tilespmem:s0+$0xFFFFFFE0] =	vst v20;
	v21 =	vadd.s32 v1, v62  }
0xcc: {  	v60 =	vperm.xlane v17, v10;
	v18 =	vadd.s32 v1, v18;
	[tilespmem:s0+$0x30] =	vst v21  }
0xcd: {  	[tilespmem:s0+$0xFFFFFFC0] =	vst v18;
	v18 =	vperm.xlane v17, v9;
	v19 =	vadd.s32 v1, v19  }
0xce: {  	v61 =	vperm.xlane v17, v11;
	[tilespmem:s0+$0xFFFFFFF0] =	vst v19;
	v19 =	vadd.s32 v1, v60  }
0xcf: {  	v63 =	vperm.xlane v17, v13;
	v18 =	vadd.s32 v1, v18;
	[tilespmem:s0+$0x10] =	vst v19  }
0xd0: {  	v19 =	vperm.xlane v17, v14;
	[tilespmem:s0+$0x0] =	vst v18;
	v18 =	vadd.s32 v1, v61  }
0xd1: {  	v20 =	vadd.s32 v1, v63;
	[tilespmem:s0+$0x20] =	vst v18;
	v18 =	vperm.xlane v17, v15  }
0xd2: {  	[tilespmem:s0+$0x40] =	vst v20;
	v17 =	vperm.xlane v17, v16;
	v19 =	vadd.s32 v1, v19  }
0xd3: {  	[tilespmem:s0+$0x50] =	vst v19;
	v18 =	vadd.s32 v1, v18  }
0xd4: {  	v17 =	vadd.s32 v1, v17;
	[tilespmem:s0+$0x60] =	vst v18  }
0xd5: {  	s12 =	simm.s32 $0xAF00;
	s31 =	simm.s32 $0x4700;
	[tilespmem:s0+$0x70] =	vst v17;
	s0 =	simm.s32 $0x200  }
.LBB2_8:
0xd6: {  	[tilespmem:s12], [sflag:$0x4] =	stream.indirect.gather [hbm4b:s3+s22], $0x1, s31, s22, $0xb8;
	[tilespmem:$0x1AB00] =	vst v63  }
0xd7: {  	s12 =	smov.u32 s0;
	p0 =	sne.s32 s0, $0xCE00  }
.Ltmp3:
0xd8: {  	s0 =	sadd.s32 $0x200, s0;
	(pc) =	sbr.rel @p0 .LBB2_8-.Ltmp3, $3  }
0xd9: {  	_ =	sdelay $0x1  }
0xda: {  	s31 =	sshra.s32 s12, $0x2  }
0xdb: {  	s12 =	sadd.s32 $0xAF00, s31;
	s31 =	sadd.s32 $0x4700, s31  }
0xdc: {  	[tilespmem:s12], [sflag:$0x4] =	stream.indirect.gather [hbm4b:s3+s22], $0x1, s31, s22, $0xb8;
	[tilespmem:$0x1AB00] =	vst v63  }
0xdd: {  	s0 =	simm.s32 $0x14700  }
0xde: {  	[tilespmem:s0], [sflag:$0x4] =	stream.indirect.gather [hbm4b:s4+s22], $0x10, s20, s22, $0xb8;
	[tilespmem:$0x1AB00] =	vst v63  }
0xdf: {  	s12 =	simm.s32 $0xD40;
	s7 =	simm.s32 $0x14F00  }
0xe0: {  	[tilespmem:s7], [sflag:$0x4] =	stream.indirect.gather [hbm4b:s4+s22], $0x10, s12, s22, $0xb8;
	[tilespmem:$0x1AB00] =	vst v63  }
0xe1: {  	s7 =	simm.s32 $0xDC0;
	s12 =	simm.s32 $0x15700  }
0xe2: {  	[tilespmem:s12], [sflag:$0x4] =	stream.indirect.gather [hbm4b:s4+s22], $0x10, s7, s22, $0xb8;
	[tilespmem:$0x1AB00] =	vst v63  }
0xe3: {  	s7 =	simm.s32 $0xE40;
	s12 =	simm.s32 $0x15F00  }
0xe4: {  	[tilespmem:s12], [sflag:$0x4] =	stream.indirect.gather [hbm4b:s4+s22], $0x10, s7, s22, $0xb8;
	[tilespmem:$0x1AB00] =	vst v63  }
0xe5: {  	s7 =	simm.s32 $0xEC0;
	s12 =	simm.s32 $0x16700  }
0xe6: {  	[tilespmem:s12], [sflag:$0x4] =	stream.indirect.gather [hbm4b:s4+s22], $0x10, s7, s22, $0xb8;
	[tilespmem:$0x1AB00] =	vst v63  }
0xe7: {  	s7 =	simm.s32 $0xF40;
	s12 =	simm.s32 $0x16F00  }
0xe8: {  	[tilespmem:s12], [sflag:$0x4] =	stream.indirect.gather [hbm4b:s4+s22], $0x10, s7, s22, $0xb8;
	[tilespmem:$0x1AB00] =	vst v63  }
0xe9: {  	s7 =	simm.s32 $0xFC0;
	s12 =	simm.s32 $0x17700  }
0xea: {  	[tilespmem:s12], [sflag:$0x4] =	stream.indirect.gather [hbm4b:s4+s22], $0x10, s7, s22, $0xb8;
	[tilespmem:$0x1AB00] =	vst v63  }
0xeb: {  	s12 =	simm.s32 $0x1040  }
0xec: {  	[tilespmem:s13], [sflag:$0x4] =	stream.indirect.gather [hbm4b:s4+s22], $0x10, s12, s22, $0xb8;
	[tilespmem:$0x1AB00] =	vst v63  }
0xed: {  	_ = 	snop  }
0xee: {  	[tilespmem:s8], [sflag:$0x4] =	stream.indirect.gather [hbm4b:s4+s22], $0x10, s14, s22, $0xb8;
	[tilespmem:$0x1AB00] =	vst v63  }
0xef: {  	_ = 	snop  }
0xf0: {  	[tilespmem:s19], [sflag:$0x4] =	stream.indirect.gather [hbm4b:s4+s22], $0x10, s15, s22, $0xb8;
	[tilespmem:$0x1AB00] =	vst v63  }
0xf1: {  	_ = 	snop  }
0xf2: {  	[tilespmem:s17], [sflag:$0x4] =	stream.indirect.gather [hbm4b:s4+s22], $0x10, s16, s22, $0xb8;
	[tilespmem:$0x1AB00] =	vst v63  }
0xf3: {  	_ = 	snop  }
0xf4: {  	[tilespmem:s25], [sflag:$0x4] =	stream.indirect.gather [hbm4b:s4+s22], $0x10, s24, s22, $0xb8;
	[tilespmem:$0x1AB00] =	vst v63  }
0xf5: {  	s12 =	simm.s32 $0xE490  }
0xf6: {  	[tilespmem:s6], [sflag:$0x4] =	stream.indirect.gather [hbm4b:s4+s1], $0x10, s9, s1, $0xb8;
	[tilespmem:$0x1AB00] =	vst v63  }
0xf7: {  	v17 =	vld [tilespmem:s12+$0x170]  }
0xf8: {  	v18 =	vld [tilespmem:s12+$0x150]  }
0xf9: {  	v19 =	vld [tilespmem:s12+$0x130]  }
0xfa: {  	v20 =	vld [tilespmem:s12+$0x110]  }
0xfb: {  	v21 =	vld [tilespmem:s12+$0xF0]  }
0xfc: {  	v22 =	vld [tilespmem:s12+$0xD0]  }
0xfd: {  	v23 =	vld [tilespmem:s12+$0xB0]  }
0xfe: {  	v24 =	vld [tilespmem:s12+$0x90]  }
0xff: {  	v25 =	vld [tilespmem:s12+$0x70]  }
0x100: {  	v26 =	vld [tilespmem:s12+$0x50]  }
0x101: {  	v27 =	vld [tilespmem:s12+$0x30]  }
0x102: {  	v28 =	vld [tilespmem:s12+$0x10]  }
0x103: {  	v29 =	vld [tilespmem:s12+$0xFFFFFFF0]  }
0x104: {  	v30 =	vld [tilespmem:s12+$0xFFFFFFD0]  }
0x105: {  	v31 =	vld [tilespmem:s12+$0xFFFFFFB0]  }
0x106: {  	v32 =	vld [tilespmem:s12+$0xFFFFFF90]  }
0x107: {  	v33 =	vld [tilespmem:s12+$0xFFFFFF70]  }
0x108: {  	v34 =	vld [tilespmem:s12+$0xFFFFFF50]  }
0x109: {  	v35 =	vld [tilespmem:s12+$0xFFFFFF30]  }
0x10a: {  	v36 =	vld [tilespmem:s12+$0xFFFFFF10]  }
0x10b: {  	v37 =	vld [tilespmem:s12+$0xFFFFFEF0]  }
0x10c: {  	v38 =	vld [tilespmem:s12+$0xFFFFFE90]  }
0x10d: {  	v39 =	vld [tilespmem:s12+$0xFFFFFED0]  }
0x10e: {  	v40 =	vld [tilespmem:s12+$0xFFFFFEA0]  }
0x10f: {  	v41 =	vld [tilespmem:s12+$0xFFFFFEB0]  }
0x110: {  	v42 =	vld [tilespmem:s12+$0xFFFFFE70]  }
0x111: {  	v43 =	vld [tilespmem:s12+$0xFFFFFE80]  }
0x112: {  	s31 =	simm.s32 $0x640;
	s0 =	simm.s32 $0xCC0;
	v44 =	vld [tilespmem:s12+$0xFFFFFEC0]  }
.LBB2_10:
0x113: {  	p0 =	sne.s32 s0, $0xCFC0;
	v45 =	vld [tilespmem:s12+$0xFFFFFEE0]  }
0x114: {  	v46 =	vld [tilespmem:s12+$0xFFFFFF00]  }
0x115: {  	v47 =	vld [tilespmem:s12+$0xFFFFFF20]  }
0x116: {  	v48 =	vld [tilespmem:s12+$0xFFFFFF40]  }
0x117: {  	v41 =	vadd.f32 v41, v42;
	v42 =	vadd.f32 v44, v43;
	v43 =	vld [tilespmem:s12+$0xFFFFFF60]  }
0x118: {  	v38 =	vadd.f32 v39, v38;
	v39 =	vadd.f32 v45, v40;
	v40 =	vld [tilespmem:s12+$0xFFFFFF80]  }
0x119: {  	v37 =	vadd.f32 v37, v41;
	v41 =	vadd.f32 v46, v42;
	v42 =	vld [tilespmem:s12+$0xFFFFFFA0]  }
0x11a: {  	v36 =	vadd.f32 v36, v38;
	v38 =	vadd.f32 v47, v39;
	v39 =	vld [tilespmem:s12+$0xFFFFFFC0]  }
0x11b: {  	v35 =	vadd.f32 v35, v37;
	v37 =	vadd.f32 v48, v41;
	v41 =	vld [tilespmem:s12+$0xFFFFFFE0]  }
0x11c: {  	v34 =	vadd.f32 v34, v36;
	v36 =	vadd.f32 v43, v38;
	v38 =	vld [tilespmem:s12+$0x0]  }
0x11d: {  	v33 =	vadd.f32 v33, v35;
	v35 =	vadd.f32 v40, v37;
	v37 =	vld [tilespmem:s12+$0x20]  }
0x11e: {  	v32 =	vadd.f32 v32, v34;
	v34 =	vadd.f32 v42, v36;
	v36 =	vld [tilespmem:s12+$0x40]  }
0x11f: {  	v31 =	vadd.f32 v31, v33;
	v33 =	vadd.f32 v39, v35;
	v35 =	vld [tilespmem:s12+$0x60]  }
0x120: {  	v30 =	vadd.f32 v30, v32;
	v32 =	vadd.f32 v41, v34;
	v34 =	vld [tilespmem:s12+$0x80]  }
0x121: {  	v29 =	vadd.f32 v29, v31;
	v31 =	vadd.f32 v38, v33;
	v33 =	vld [tilespmem:s12+$0xA0]  }
0x122: {  	v28 =	vadd.f32 v28, v30;
	v30 =	vadd.f32 v37, v32;
	v32 =	vld [tilespmem:s12+$0xC0]  }
0x123: {  	v27 =	vadd.f32 v27, v29;
	v29 =	vadd.f32 v36, v31;
	v31 =	vld [tilespmem:s12+$0xE0]  }
0x124: {  	v26 =	vadd.f32 v26, v28;
	v28 =	vadd.f32 v35, v30;
	v30 =	vld [tilespmem:s12+$0x100]  }
0x125: {  	v25 =	vadd.f32 v25, v27;
	v27 =	vadd.f32 v34, v29;
	v29 =	vld [tilespmem:s12+$0x120]  }
0x126: {  	v24 =	vadd.f32 v24, v26;
	v26 =	vadd.f32 v33, v28;
	v28 =	vld [tilespmem:s12+$0x140]  }
0x127: {  	v23 =	vadd.f32 v23, v25;
	v25 =	vadd.f32 v32, v27;
	v27 =	vld [tilespmem:s12+$0x160]  }
0x128: {  	v22 =	vadd.f32 v22, v24;
	v24 =	vadd.f32 v31, v26;
	v26 =	vld [tilespmem:s12+$0x180]  }
0x129: {  	v21 =	vadd.f32 v21, v23;
	v23 =	vadd.f32 v30, v25  }
0x12a: {  	v20 =	vadd.f32 v20, v22;
	v22 =	vadd.f32 v29, v24  }
0x12b: {  	v19 =	vadd.f32 v19, v21;
	v21 =	vadd.f32 v28, v23  }
0x12c: {  	v18 =	vadd.f32 v18, v20;
	v20 =	vadd.f32 v27, v22  }
0x12d: {  	v17 =	vadd.f32 v17, v19;
	v19 =	vadd.f32 v26, v21;
	_ =	sdelay $0x1  }
0x12e: {  	v18 =	vadd.f32 v20, v18;
	v17 =	vadd.f32 v19, v17;
	_ =	sdelay $0x1  }
0x12f: {  	v17 =	vadd.f32 v17, v18;
	_ =	sdelay $0x1  }
0x130: {  	v17 =	vmul.f32 $1.999999960e-02, v17  }
0x131: {  	s7 =	sshra.s32 s31, $0x2;
	s31 =	smov.u32 s0  }
0x132: {  	s12 =	sadd.s32 $0x320, s12;
	[tilespmem:s7+$0x7B00] =	vst v17  }
0x133: {  	v17 =	vld [tilespmem:s12+$0x170]  }
0x134: {  	v18 =	vld [tilespmem:s12+$0x150]  }
0x135: {  	v19 =	vld [tilespmem:s12+$0x130]  }
0x136: {  	v20 =	vld [tilespmem:s12+$0x110]  }
0x137: {  	v21 =	vld [tilespmem:s12+$0xF0]  }
0x138: {  	v22 =	vld [tilespmem:s12+$0xD0]  }
0x139: {  	v23 =	vld [tilespmem:s12+$0xB0]  }
0x13a: {  	v24 =	vld [tilespmem:s12+$0x90]  }
0x13b: {  	v25 =	vld [tilespmem:s12+$0x70]  }
0x13c: {  	v26 =	vld [tilespmem:s12+$0x50]  }
0x13d: {  	v27 =	vld [tilespmem:s12+$0x30]  }
0x13e: {  	v28 =	vld [tilespmem:s12+$0x10]  }
0x13f: {  	v29 =	vld [tilespmem:s12+$0xFFFFFFF0]  }
0x140: {  	v30 =	vld [tilespmem:s12+$0xFFFFFFD0]  }
0x141: {  	v31 =	vld [tilespmem:s12+$0xFFFFFFB0]  }
0x142: {  	v32 =	vld [tilespmem:s12+$0xFFFFFF90]  }
0x143: {  	v33 =	vld [tilespmem:s12+$0xFFFFFF70]  }
0x144: {  	v34 =	vld [tilespmem:s12+$0xFFFFFF50]  }
0x145: {  	v35 =	vld [tilespmem:s12+$0xFFFFFF30]  }
0x146: {  	v36 =	vld [tilespmem:s12+$0xFFFFFF10]  }
0x147: {  	v37 =	vld [tilespmem:s12+$0xFFFFFEF0]  }
0x148: {  	v38 =	vld [tilespmem:s12+$0xFFFFFE90]  }
0x149: {  	v39 =	vld [tilespmem:s12+$0xFFFFFED0]  }
.Ltmp4:
0x14a: {  	v40 =	vld [tilespmem:s12+$0xFFFFFEA0];
	(pc) =	sbr.rel @p0 .LBB2_10-.Ltmp4, $4  }
0x14b: {  	v41 =	vld [tilespmem:s12+$0xFFFFFEB0]  }
0x14c: {  	v42 =	vld [tilespmem:s12+$0xFFFFFE70]  }
0x14d: {  	v43 =	vld [tilespmem:s12+$0xFFFFFE80]  }
0x14e: {  	s0 =	sadd.s32 $0x680, s0;
	v44 =	vld [tilespmem:s12+$0xFFFFFEC0]  }
0x14f: {  	v45 =	vld [tilespmem:s12+$0xFFFFFEE0]  }
0x150: {  	v46 =	vld [tilespmem:s12+$0xFFFFFF00]  }
0x151: {  	v47 =	vld [tilespmem:s12+$0xFFFFFF20]  }
0x152: {  	v48 =	vld [tilespmem:s12+$0xFFFFFF40];
	v41 =	vadd.f32 v41, v42  }
0x153: {  	v61 =	vld [tilespmem:s12+$0xFFFFFF60];
	v60 =	vadd.f32 v44, v43  }
0x154: {  	v38 =	vadd.f32 v39, v38;
	v63 =	vld [tilespmem:s12+$0xFFFFFF80];
	v37 =	vadd.f32 v37, v41  }
0x155: {  	v49 =	vld [tilespmem:s12+$0xFFFFFFC0];
	v62 =	vadd.f32 v45, v40;
	v45 =	vadd.f32 v46, v60  }
0x156: {  	v36 =	vadd.f32 v36, v38;
	v46 =	vld [tilespmem:s12+$0xFFFFFFA0];
	v35 =	vadd.f32 v35, v37  }
0x157: {  	v51 =	vld [tilespmem:s12+$0xFFFFFFE0];
	v47 =	vadd.f32 v47, v62;
	v50 =	vadd.f32 v48, v45  }
0x158: {  	v53 =	vld [tilespmem:s12+$0x0];
	v34 =	vadd.f32 v34, v36;
	v33 =	vadd.f32 v33, v35  }
0x159: {  	v55 =	vld [tilespmem:s12+$0x20];
	v52 =	vadd.f32 v61, v47;
	v54 =	vadd.f32 v63, v50  }
0x15a: {  	v57 =	vld [tilespmem:s12+$0x40];
	v32 =	vadd.f32 v32, v34;
	v31 =	vadd.f32 v31, v33  }
0x15b: {  	v59 =	vld [tilespmem:s12+$0x60];
	v56 =	vadd.f32 v46, v52;
	v58 =	vadd.f32 v49, v54  }
0x15c: {  	v30 =	vadd.f32 v30, v32;
	v61 =	vld [tilespmem:s12+$0x80];
	v29 =	vadd.f32 v29, v31  }
0x15d: {  	v39 =	vld [tilespmem:s12+$0xC0];
	v60 =	vadd.f32 v51, v56;
	v62 =	vadd.f32 v53, v58  }
0x15e: {  	v63 =	vld [tilespmem:s12+$0xA0];
	v28 =	vadd.f32 v28, v30;
	v27 =	vadd.f32 v27, v29  }
0x15f: {  	v41 =	vld [tilespmem:s12+$0xE0];
	v38 =	vadd.f32 v55, v60;
	v40 =	vadd.f32 v57, v62  }
0x160: {  	v43 =	vld [tilespmem:s12+$0x100];
	v26 =	vadd.f32 v26, v28;
	v25 =	vadd.f32 v25, v27  }
0x161: {  	v45 =	vld [tilespmem:s12+$0x120];
	v42 =	vadd.f32 v59, v38;
	v44 =	vadd.f32 v61, v40  }
0x162: {  	v47 =	vld [tilespmem:s12+$0x140];
	v24 =	vadd.f32 v24, v26;
	v23 =	vadd.f32 v23, v25  }
0x163: {  	v49 =	vld [tilespmem:s12+$0x160];
	v46 =	vadd.f32 v63, v42;
	v48 =	vadd.f32 v39, v44  }
0x164: {  	v51 =	vld [tilespmem:s12+$0x180];
	v22 =	vadd.f32 v22, v24;
	v21 =	vadd.f32 v21, v23  }
0x165: {  	v50 =	vadd.f32 v41, v46;
	v52 =	vadd.f32 v43, v48  }
0x166: {  	v20 =	vadd.f32 v20, v22;
	v19 =	vadd.f32 v19, v21  }
0x167: {  	v53 =	vadd.f32 v45, v50;
	v54 =	vadd.f32 v47, v52  }
0x168: {  	v18 =	vadd.f32 v18, v20;
	v17 =	vadd.f32 v17, v19  }
0x169: {  	v55 =	vadd.f32 v49, v53;
	v19 =	vadd.f32 v51, v54;
	_ =	sdelay $0x1  }
0x16a: {  	v18 =	vadd.f32 v55, v18;
	v17 =	vadd.f32 v19, v17;
	_ =	sdelay $0x1  }
0x16b: {  	v17 =	vadd.f32 v17, v18;
	_ =	sdelay $0x1  }
0x16c: {  	v17 =	vmul.f32 $1.999999960e-02, v17  }
0x16d: {  	s0 =	sshra.s32 s31, $0x2  }
0x16e: {  	s7 =	rddreg [dreg:$0x9];
	[tilespmem:s0+$0x7B00] =	vst v17;
	s0 =	simm.s32 $0x0  }
0x16f: {  	[hbm4b:s7+s0] =	stream.linear.scatter [tilespmem:s10], [sflag:$0x5], $0x3400, $0x38;
	[tilespmem:$0x1AB00] =	vst v63  }
0x170: {  	_ =	swait.ge [sflag:s26], $0x3400  }
0x171: {  	[sflag:s26] =	ssyncset.done $0x0  }
0x172: {  	[sflag:s26] =	ssyncadd.s32 $0xFFFFCC00  }
0x173: {  	_ =	swait.ge [sflag:s26], $0x6400  }
0x174: {  	[sflag:s26] =	ssyncset.done $0x0  }
0x175: {  	s12 =	simm.s32 $0x340;
	s7 =	rddreg [dreg:$0xa];
	[sflag:s26] =	ssyncadd.s32 $0xFFFF9C00  }
0x176: {  	[tilespmem:s12], [sflag:$0x2] =	stream.linear.gather [hbm4b:s7+s0], $0x340, $0x38;
	[tilespmem:$0x1AB00] =	vst v63  }
0x177: {  	s12 =	rddreg [dreg:$0xb]  }
0x178: {  	[tilespmem:s20], [sflag:$0x2] =	stream.linear.gather [hbm4b:s12+s0], $0x640, $0x38;
	[tilespmem:$0x1AB00] =	vst v63  }
0x179: {  	_ =	swait.ge [sflag:s21], $0x340  }
0x17a: {  	[sflag:s21] =	ssyncset.done $0x0  }
0x17b: {  	[sflag:s21] =	ssyncadd.s32 $0xFFFFFCC0  }
0x17c: {  	_ =	swait.ge [sflag:s21], $0x640  }
0x17d: {  	[sflag:s21] =	ssyncset.done $0x0  }
0x17e: {  	[sflag:s21] =	ssyncadd.s32 $0xFFFFF9C0  }
0x17f: {  	_ =	swait.ge [sflag:s28], $0x3400  }
0x180: {  	[sflag:s28] =	ssyncset.done $0x0  }
0x181: {  	s12 =	simm.s32 $0x0;
	[sflag:s28] =	ssyncadd.s32 $0xFFFFCC00  }
0x182: {  	v17 =	vld [tilespmem:s12+$0x0];
	_ =	sdelay $0x4  }
0x183: {  	v18 =	vperm.xlane v17, v0  }
0x184: {  	v19 =	vperm.xlane v17, v2  }
0x185: {  	s0 =	simm.s32 $0x1380;
	v56 =	vperm.xlane v17, v3;
	v18 =	vadd.s32 v1, v18  }
0x186: {  	v58 =	vperm.xlane v17, v6;
	v19 =	vadd.s32 v1, v19;
	[tilespmem:s0+$0xFFFFFF80] =	vst v18  }
0x187: {  	v57 =	vperm.xlane v17, v4;
	v20 =	vadd.s32 v1, v56;
	[tilespmem:s0+$0xFFFFFF90] =	vst v19  }
0x188: {  	v59 =	vperm.xlane v17, v7;
	v21 =	vadd.s32 v1, v58;
	[tilespmem:s0+$0xFFFFFFA0] =	vst v20  }
0x189: {  	v62 =	vperm.xlane v17, v12;
	v19 =	vadd.s32 v1, v57;
	[tilespmem:s0+$0xFFFFFFD0] =	vst v21  }
0x18a: {  	v18 =	vperm.xlane v17, v5;
	v20 =	vadd.s32 v1, v59;
	[tilespmem:s0+$0xFFFFFFB0] =	vst v19  }
0x18b: {  	v21 =	vadd.s32 v1, v62;
	v19 =	vperm.xlane v17, v8;
	[tilespmem:s0+$0xFFFFFFE0] =	vst v20  }
0x18c: {  	v60 =	vperm.xlane v17, v10;
	[tilespmem:s0+$0x30] =	vst v21;
	v18 =	vadd.s32 v1, v18  }
0x18d: {  	[tilespmem:s0+$0xFFFFFFC0] =	vst v18;
	v18 =	vperm.xlane v17, v9;
	v19 =	vadd.s32 v1, v19  }
0x18e: {  	v61 =	vperm.xlane v17, v11;
	[tilespmem:s0+$0xFFFFFFF0] =	vst v19;
	v19 =	vadd.s32 v1, v60  }
0x18f: {  	v63 =	vperm.xlane v17, v13;
	v18 =	vadd.s32 v1, v18;
	[tilespmem:s0+$0x10] =	vst v19  }
0x190: {  	v19 =	vperm.xlane v17, v14;
	[tilespmem:s0+$0x0] =	vst v18;
	v18 =	vadd.s32 v1, v61  }
0x191: {  	v20 =	vadd.s32 v1, v63;
	[tilespmem:s0+$0x20] =	vst v18;
	v18 =	vperm.xlane v17, v15  }
0x192: {  	[tilespmem:s0+$0x40] =	vst v20;
	v17 =	vperm.xlane v17, v16;
	v19 =	vadd.s32 v1, v19  }
0x193: {  	[tilespmem:s0+$0x50] =	vst v19;
	v18 =	vadd.s32 v1, v18  }
0x194: {  	v17 =	vadd.s32 v1, v17;
	[tilespmem:s0+$0x60] =	vst v18  }
0x195: {  	s31 =	simm.s32 $0x10;
	s12 =	simm.s32 $0x80;
	[tilespmem:s0+$0x70] =	vst v17  }
.LBB2_12:
0x196: {  	p0 =	sne.s32 s12, $0xCC0;
	v17 =	vld [tilespmem:s31+$0x0];
	_ =	sdelay $0x4  }
0x197: {  	v18 =	vperm.xlane v17, v0;
	v19 =	vperm.xlane v17, v2  }
0x198: {  	v20 =	vperm.xlane v17, v3;
	v21 =	vperm.xlane v17, v4  }
0x199: {  	s0 =	sadd.s32 $0x100, s0;
	v22 =	vperm.xlane v17, v5;
	v18 =	vadd.s32 v1, v18;
	v19 =	vadd.s32 v1, v19  }
0x19a: {  	[tilespmem:s0+$0xFFFFFF80] =	vst v18;
	v18 =	vadd.s32 v1, v20;
	v20 =	vadd.s32 v1, v21;
	v21 =	vperm.xlane v17, v6  }
0x19b: {  	v23 =	vperm.xlane v17, v8;
	[tilespmem:s0+$0xFFFFFF90] =	vst v19;
	v19 =	vadd.s32 v1, v22;
	v22 =	vperm.xlane v17, v7  }
0x19c: {  	v24 =	vperm.xlane v17, v10;
	[tilespmem:s0+$0xFFFFFFA0] =	vst v18;
	v18 =	vadd.s32 v1, v21;
	v21 =	vperm.xlane v17, v9  }
0x19d: {  	[tilespmem:s0+$0xFFFFFFB0] =	vst v20;
	v20 =	vadd.s32 v1, v22;
	v22 =	vadd.s32 v1, v23;
	v23 =	vperm.xlane v17, v11  }
0x19e: {  	[tilespmem:s0+$0xFFFFFFC0] =	vst v19;
	v19 =	vadd.s32 v1, v21;
	v21 =	vadd.s32 v1, v24;
	v24 =	vperm.xlane v17, v12  }
0x19f: {  	v25 =	vperm.xlane v17, v14;
	[tilespmem:s0+$0xFFFFFFD0] =	vst v18;
	v18 =	vadd.s32 v1, v23;
	v23 =	vperm.xlane v17, v13  }
0x1a0: {  	[tilespmem:s0+$0xFFFFFFE0] =	vst v20;
	v20 =	vadd.s32 v1, v24;
	v24 =	vperm.xlane v17, v15;
	v17 =	vperm.xlane v17, v16  }
0x1a1: {  	[tilespmem:s0+$0xFFFFFFF0] =	vst v22;
	v22 =	vadd.s32 v1, v23;
	v23 =	vadd.s32 v1, v25  }
0x1a2: {  	[tilespmem:s0+$0x0] =	vst v19;
	v19 =	vadd.s32 v1, v24;
	v17 =	vadd.s32 v1, v17  }
0x1a3: {  	[tilespmem:s0+$0x10] =	vst v21  }
0x1a4: {  	[tilespmem:s0+$0x20] =	vst v18  }
.Ltmp5:
0x1a5: {  	[tilespmem:s0+$0x30] =	vst v20;
	(pc) =	sbr.rel @p0 .LBB2_12-.Ltmp5, $4  }
0x1a6: {  	[tilespmem:s0+$0x40] =	vst v22  }
0x1a7: {  	[tilespmem:s0+$0x50] =	vst v23  }
0x1a8: {  	[tilespmem:s0+$0x60] =	vst v19  }
0x1a9: {  	s31 =	sshra.s32 s12, $0x2;
	s12 =	sadd.s32 $0x40, s12;
	[tilespmem:s0+$0x70] =	vst v17  }
0x1aa: {  	v17 =	vld [tilespmem:s31+$0x0];
	_ =	sdelay $0x4  }
0x1ab: {  	v18 =	vperm.xlane v17, v0  }
0x1ac: {  	v19 =	vperm.xlane v17, v2  }
0x1ad: {  	s0 =	sadd.s32 $0x100, s0;
	v20 =	vperm.xlane v17, v3;
	v18 =	vadd.s32 v1, v18  }
0x1ae: {  	v21 =	vperm.xlane v17, v4;
	v19 =	vadd.s32 v1, v19;
	[tilespmem:s0+$0xFFFFFF80] =	vst v18  }
0x1af: {  	v58 =	vperm.xlane v17, v6;
	v20 =	vadd.s32 v1, v20;
	[tilespmem:s0+$0xFFFFFF90] =	vst v19  }
0x1b0: {  	v59 =	vperm.xlane v17, v7;
	v19 =	vadd.s32 v1, v21;
	[tilespmem:s0+$0xFFFFFFA0] =	vst v20  }
0x1b1: {  	v62 =	vperm.xlane v17, v12;
	v21 =	vadd.s32 v1, v58;
	[tilespmem:s0+$0xFFFFFFB0] =	vst v19  }
0x1b2: {  	v18 =	vperm.xlane v17, v5;
	v20 =	vadd.s32 v1, v59;
	[tilespmem:s0+$0xFFFFFFD0] =	vst v21  }
0x1b3: {  	v19 =	vperm.xlane v17, v8;
	[tilespmem:s0+$0xFFFFFFE0] =	vst v20;
	v21 =	vadd.s32 v1, v62  }
0x1b4: {  	v60 =	vperm.xlane v17, v10;
	v18 =	vadd.s32 v1, v18;
	[tilespmem:s0+$0x30] =	vst v21  }
0x1b5: {  	[tilespmem:s0+$0xFFFFFFC0] =	vst v18;
	v18 =	vperm.xlane v17, v9;
	v19 =	vadd.s32 v1, v19  }
0x1b6: {  	v61 =	vperm.xlane v17, v11;
	[tilespmem:s0+$0xFFFFFFF0] =	vst v19;
	v19 =	vadd.s32 v1, v60  }
0x1b7: {  	v63 =	vperm.xlane v17, v13;
	v18 =	vadd.s32 v1, v18;
	[tilespmem:s0+$0x10] =	vst v19  }
0x1b8: {  	v19 =	vperm.xlane v17, v14;
	[tilespmem:s0+$0x0] =	vst v18;
	v18 =	vadd.s32 v1, v61  }
0x1b9: {  	v20 =	vadd.s32 v1, v63;
	[tilespmem:s0+$0x20] =	vst v18;
	v18 =	vperm.xlane v17, v15  }
0x1ba: {  	[tilespmem:s0+$0x40] =	vst v20;
	v17 =	vperm.xlane v17, v16;
	v19 =	vadd.s32 v1, v19  }
0x1bb: {  	[tilespmem:s0+$0x50] =	vst v19;
	v18 =	vadd.s32 v1, v18  }
0x1bc: {  	v17 =	vadd.s32 v1, v17;
	[tilespmem:s0+$0x60] =	vst v18  }
0x1bd: {  	s12 =	simm.s32 $0x7B00;
	s31 =	simm.s32 $0x1300;
	[tilespmem:s0+$0x70] =	vst v17;
	s0 =	simm.s32 $0x200  }
.LBB2_14:
0x1be: {  	[tilespmem:s12], [sflag:$0x3] =	stream.indirect.gather [hbm4b:s3+s22], $0x1, s31, s22, $0xb8;
	[tilespmem:$0x1AB00] =	vst v63  }
0x1bf: {  	s7 =	smov.u32 s0;
	p0 =	sne.s32 s0, $0xCE00  }
.Ltmp6:
0x1c0: {  	s0 =	sadd.s32 $0x200, s0;
	(pc) =	sbr.rel @p0 .LBB2_14-.Ltmp6, $3  }
0x1c1: {  	_ =	sdelay $0x1  }
0x1c2: {  	s7 =	sshra.s32 s7, $0x2  }
0x1c3: {  	s12 =	sadd.s32 $0x7B00, s7;
	s31 =	sadd.s32 $0x1300, s7  }
0x1c4: {  	[tilespmem:s12], [sflag:$0x3] =	stream.indirect.gather [hbm4b:s3+s22], $0x1, s31, s22, $0xb8;
	[tilespmem:$0x1AB00] =	vst v63  }
0x1c5: {  	s0 =	simm.s32 $0xE300  }
0x1c6: {  	[tilespmem:s0], [sflag:$0x3] =	stream.indirect.gather [hbm4b:s4+s22], $0x10, s18, s22, $0xb8;
	[tilespmem:$0x1AB00] =	vst v63  }
0x1c7: {  	s12 =	simm.s32 $0x700;
	s7 =	simm.s32 $0xEB00  }
0x1c8: {  	[tilespmem:s7], [sflag:$0x3] =	stream.indirect.gather [hbm4b:s4+s22], $0x10, s12, s22, $0xb8;
	[tilespmem:$0x1AB00] =	vst v63  }
0x1c9: {  	s7 =	simm.s32 $0x780;
	s12 =	simm.s32 $0xF300  }
0x1ca: {  	[tilespmem:s12], [sflag:$0x3] =	stream.indirect.gather [hbm4b:s4+s22], $0x10, s7, s22, $0xb8;
	[tilespmem:$0x1AB00] =	vst v63  }
0x1cb: {  	s7 =	simm.s32 $0x800;
	s12 =	simm.s32 $0xFB00  }
0x1cc: {  	[tilespmem:s12], [sflag:$0x3] =	stream.indirect.gather [hbm4b:s4+s22], $0x10, s7, s22, $0xb8;
	[tilespmem:$0x1AB00] =	vst v63  }
0x1cd: {  	s7 =	simm.s32 $0x880;
	s12 =	simm.s32 $0x10300  }
0x1ce: {  	[tilespmem:s12], [sflag:$0x3] =	stream.indirect.gather [hbm4b:s4+s22], $0x10, s7, s22, $0xb8;
	[tilespmem:$0x1AB00] =	vst v63  }
0x1cf: {  	s7 =	simm.s32 $0x900;
	s12 =	simm.s32 $0x10B00  }
0x1d0: {  	[tilespmem:s12], [sflag:$0x3] =	stream.indirect.gather [hbm4b:s4+s22], $0x10, s7, s22, $0xb8;
	[tilespmem:$0x1AB00] =	vst v63  }
0x1d1: {  	s7 =	simm.s32 $0x980;
	s12 =	simm.s32 $0x11300  }
0x1d2: {  	[tilespmem:s12], [sflag:$0x3] =	stream.indirect.gather [hbm4b:s4+s22], $0x10, s7, s22, $0xb8;
	[tilespmem:$0x1AB00] =	vst v63  }
0x1d3: {  	s7 =	simm.s32 $0xA00;
	s12 =	simm.s32 $0x11B00  }
0x1d4: {  	[tilespmem:s12], [sflag:$0x3] =	stream.indirect.gather [hbm4b:s4+s22], $0x10, s7, s22, $0xb8;
	[tilespmem:$0x1AB00] =	vst v63  }
0x1d5: {  	s7 =	simm.s32 $0xA80;
	s12 =	simm.s32 $0x12300  }
0x1d6: {  	[tilespmem:s12], [sflag:$0x3] =	stream.indirect.gather [hbm4b:s4+s22], $0x10, s7, s22, $0xb8;
	[tilespmem:$0x1AB00] =	vst v63  }
0x1d7: {  	s7 =	simm.s32 $0xB00;
	s12 =	simm.s32 $0x12B00  }
0x1d8: {  	[tilespmem:s12], [sflag:$0x3] =	stream.indirect.gather [hbm4b:s4+s22], $0x10, s7, s22, $0xb8;
	[tilespmem:$0x1AB00] =	vst v63  }
0x1d9: {  	s7 =	simm.s32 $0xB80;
	s12 =	simm.s32 $0x13300  }
0x1da: {  	[tilespmem:s12], [sflag:$0x3] =	stream.indirect.gather [hbm4b:s4+s22], $0x10, s7, s22, $0xb8;
	[tilespmem:$0x1AB00] =	vst v63  }
0x1db: {  	s7 =	simm.s32 $0xC00;
	s12 =	simm.s32 $0x13B00  }
0x1dc: {  	[tilespmem:s12], [sflag:$0x3] =	stream.indirect.gather [hbm4b:s4+s22], $0x10, s7, s22, $0xb8;
	[tilespmem:$0x1AB00] =	vst v63  }
0x1dd: {  	s7 =	simm.s32 $0xC80;
	s12 =	simm.s32 $0x14300  }
0x1de: {  	[tilespmem:s12], [sflag:$0x3] =	stream.indirect.gather [hbm4b:s4+s1], $0x10, s7, s1, $0xb8;
	[tilespmem:$0x1AB00] =	vst v63  }
0x1df: {  	s12 =	simm.s32 $0x14890  }
0x1e0: {  	v17 =	vld [tilespmem:s12+$0x170]  }
0x1e1: {  	v18 =	vld [tilespmem:s12+$0x150]  }
0x1e2: {  	v19 =	vld [tilespmem:s12+$0x130]  }
0x1e3: {  	v20 =	vld [tilespmem:s12+$0x110]  }
0x1e4: {  	v21 =	vld [tilespmem:s12+$0xF0]  }
0x1e5: {  	v22 =	vld [tilespmem:s12+$0xD0]  }
0x1e6: {  	v23 =	vld [tilespmem:s12+$0xB0]  }
0x1e7: {  	v24 =	vld [tilespmem:s12+$0x90]  }
0x1e8: {  	v25 =	vld [tilespmem:s12+$0x70]  }
0x1e9: {  	v26 =	vld [tilespmem:s12+$0x50]  }
0x1ea: {  	v27 =	vld [tilespmem:s12+$0x30]  }
0x1eb: {  	v28 =	vld [tilespmem:s12+$0x10]  }
0x1ec: {  	v29 =	vld [tilespmem:s12+$0xFFFFFFF0]  }
0x1ed: {  	v30 =	vld [tilespmem:s12+$0xFFFFFFD0]  }
0x1ee: {  	v31 =	vld [tilespmem:s12+$0xFFFFFFB0]  }
0x1ef: {  	v32 =	vld [tilespmem:s12+$0xFFFFFF90]  }
0x1f0: {  	v33 =	vld [tilespmem:s12+$0xFFFFFF70]  }
0x1f1: {  	v34 =	vld [tilespmem:s12+$0xFFFFFF50]  }
0x1f2: {  	v35 =	vld [tilespmem:s12+$0xFFFFFF30]  }
0x1f3: {  	v36 =	vld [tilespmem:s12+$0xFFFFFF10]  }
0x1f4: {  	v37 =	vld [tilespmem:s12+$0xFFFFFEF0]  }
0x1f5: {  	v38 =	vld [tilespmem:s12+$0xFFFFFE90]  }
0x1f6: {  	v39 =	vld [tilespmem:s12+$0xFFFFFED0]  }
0x1f7: {  	v40 =	vld [tilespmem:s12+$0xFFFFFEA0]  }
0x1f8: {  	v41 =	vld [tilespmem:s12+$0xFFFFFEB0]  }
0x1f9: {  	v42 =	vld [tilespmem:s12+$0xFFFFFE70]  }
0x1fa: {  	v43 =	vld [tilespmem:s12+$0xFFFFFE80]  }
0x1fb: {  	s31 =	simm.s32 $0x640;
	s0 =	simm.s32 $0xCC0;
	v44 =	vld [tilespmem:s12+$0xFFFFFEC0]  }
.LBB2_16:
0x1fc: {  	p0 =	sne.s32 s0, $0xCFC0;
	v45 =	vld [tilespmem:s12+$0xFFFFFEE0]  }
0x1fd: {  	v46 =	vld [tilespmem:s12+$0xFFFFFF00]  }
0x1fe: {  	v47 =	vld [tilespmem:s12+$0xFFFFFF20]  }
0x1ff: {  	v48 =	vld [tilespmem:s12+$0xFFFFFF40]  }
0x200: {  	v41 =	vadd.f32 v41, v42;
	v42 =	vadd.f32 v44, v43;
	v43 =	vld [tilespmem:s12+$0xFFFFFF60]  }
0x201: {  	v38 =	vadd.f32 v39, v38;
	v39 =	vadd.f32 v45, v40;
	v40 =	vld [tilespmem:s12+$0xFFFFFF80]  }
0x202: {  	v37 =	vadd.f32 v37, v41;
	v41 =	vadd.f32 v46, v42;
	v42 =	vld [tilespmem:s12+$0xFFFFFFA0]  }
0x203: {  	v36 =	vadd.f32 v36, v38;
	v38 =	vadd.f32 v47, v39;
	v39 =	vld [tilespmem:s12+$0xFFFFFFC0]  }
0x204: {  	v35 =	vadd.f32 v35, v37;
	v37 =	vadd.f32 v48, v41;
	v41 =	vld [tilespmem:s12+$0xFFFFFFE0]  }
0x205: {  	v34 =	vadd.f32 v34, v36;
	v36 =	vadd.f32 v43, v38;
	v38 =	vld [tilespmem:s12+$0x0]  }
0x206: {  	v33 =	vadd.f32 v33, v35;
	v35 =	vadd.f32 v40, v37;
	v37 =	vld [tilespmem:s12+$0x20]  }
0x207: {  	v32 =	vadd.f32 v32, v34;
	v34 =	vadd.f32 v42, v36;
	v36 =	vld [tilespmem:s12+$0x40]  }
0x208: {  	v31 =	vadd.f32 v31, v33;
	v33 =	vadd.f32 v39, v35;
	v35 =	vld [tilespmem:s12+$0x60]  }
0x209: {  	v30 =	vadd.f32 v30, v32;
	v32 =	vadd.f32 v41, v34;
	v34 =	vld [tilespmem:s12+$0x80]  }
0x20a: {  	v29 =	vadd.f32 v29, v31;
	v31 =	vadd.f32 v38, v33;
	v33 =	vld [tilespmem:s12+$0xA0]  }
0x20b: {  	v28 =	vadd.f32 v28, v30;
	v30 =	vadd.f32 v37, v32;
	v32 =	vld [tilespmem:s12+$0xC0]  }
0x20c: {  	v27 =	vadd.f32 v27, v29;
	v29 =	vadd.f32 v36, v31;
	v31 =	vld [tilespmem:s12+$0xE0]  }
0x20d: {  	v26 =	vadd.f32 v26, v28;
	v28 =	vadd.f32 v35, v30;
	v30 =	vld [tilespmem:s12+$0x100]  }
0x20e: {  	v25 =	vadd.f32 v25, v27;
	v27 =	vadd.f32 v34, v29;
	v29 =	vld [tilespmem:s12+$0x120]  }
0x20f: {  	v24 =	vadd.f32 v24, v26;
	v26 =	vadd.f32 v33, v28;
	v28 =	vld [tilespmem:s12+$0x140]  }
0x210: {  	v23 =	vadd.f32 v23, v25;
	v25 =	vadd.f32 v32, v27;
	v27 =	vld [tilespmem:s12+$0x160]  }
0x211: {  	v22 =	vadd.f32 v22, v24;
	v24 =	vadd.f32 v31, v26;
	v26 =	vld [tilespmem:s12+$0x180]  }
0x212: {  	v21 =	vadd.f32 v21, v23;
	v23 =	vadd.f32 v30, v25  }
0x213: {  	v20 =	vadd.f32 v20, v22;
	v22 =	vadd.f32 v29, v24  }
0x214: {  	v19 =	vadd.f32 v19, v21;
	v21 =	vadd.f32 v28, v23  }
0x215: {  	v18 =	vadd.f32 v18, v20;
	v20 =	vadd.f32 v27, v22  }
0x216: {  	v17 =	vadd.f32 v17, v19;
	v19 =	vadd.f32 v26, v21;
	_ =	sdelay $0x1  }
0x217: {  	v18 =	vadd.f32 v20, v18;
	v17 =	vadd.f32 v19, v17;
	_ =	sdelay $0x1  }
0x218: {  	v17 =	vadd.f32 v17, v18;
	_ =	sdelay $0x1  }
0x219: {  	v17 =	vmul.f32 $1.999999960e-02, v17  }
0x21a: {  	s7 =	sshra.s32 s31, $0x2;
	s31 =	smov.u32 s0  }
0x21b: {  	s12 =	sadd.s32 $0x320, s12;
	[tilespmem:s7+$0xAF00] =	vst v17  }
0x21c: {  	v17 =	vld [tilespmem:s12+$0x170]  }
0x21d: {  	v18 =	vld [tilespmem:s12+$0x150]  }
0x21e: {  	v19 =	vld [tilespmem:s12+$0x130]  }
0x21f: {  	v20 =	vld [tilespmem:s12+$0x110]  }
0x220: {  	v21 =	vld [tilespmem:s12+$0xF0]  }
0x221: {  	v22 =	vld [tilespmem:s12+$0xD0]  }
0x222: {  	v23 =	vld [tilespmem:s12+$0xB0]  }
0x223: {  	v24 =	vld [tilespmem:s12+$0x90]  }
0x224: {  	v25 =	vld [tilespmem:s12+$0x70]  }
0x225: {  	v26 =	vld [tilespmem:s12+$0x50]  }
0x226: {  	v27 =	vld [tilespmem:s12+$0x30]  }
0x227: {  	v28 =	vld [tilespmem:s12+$0x10]  }
0x228: {  	v29 =	vld [tilespmem:s12+$0xFFFFFFF0]  }
0x229: {  	v30 =	vld [tilespmem:s12+$0xFFFFFFD0]  }
0x22a: {  	v31 =	vld [tilespmem:s12+$0xFFFFFFB0]  }
0x22b: {  	v32 =	vld [tilespmem:s12+$0xFFFFFF90]  }
0x22c: {  	v33 =	vld [tilespmem:s12+$0xFFFFFF70]  }
0x22d: {  	v34 =	vld [tilespmem:s12+$0xFFFFFF50]  }
0x22e: {  	v35 =	vld [tilespmem:s12+$0xFFFFFF30]  }
0x22f: {  	v36 =	vld [tilespmem:s12+$0xFFFFFF10]  }
0x230: {  	v37 =	vld [tilespmem:s12+$0xFFFFFEF0]  }
0x231: {  	v38 =	vld [tilespmem:s12+$0xFFFFFE90]  }
0x232: {  	v39 =	vld [tilespmem:s12+$0xFFFFFED0]  }
.Ltmp7:
0x233: {  	v40 =	vld [tilespmem:s12+$0xFFFFFEA0];
	(pc) =	sbr.rel @p0 .LBB2_16-.Ltmp7, $4  }
0x234: {  	v41 =	vld [tilespmem:s12+$0xFFFFFEB0]  }
0x235: {  	v42 =	vld [tilespmem:s12+$0xFFFFFE70]  }
0x236: {  	v43 =	vld [tilespmem:s12+$0xFFFFFE80]  }
0x237: {  	s0 =	sadd.s32 $0x680, s0;
	v44 =	vld [tilespmem:s12+$0xFFFFFEC0]  }
0x238: {  	v45 =	vld [tilespmem:s12+$0xFFFFFEE0]  }
0x239: {  	v46 =	vld [tilespmem:s12+$0xFFFFFF00]  }
0x23a: {  	v47 =	vld [tilespmem:s12+$0xFFFFFF20]  }
0x23b: {  	v48 =	vld [tilespmem:s12+$0xFFFFFF40];
	v41 =	vadd.f32 v41, v42  }
0x23c: {  	v61 =	vld [tilespmem:s12+$0xFFFFFF60];
	v60 =	vadd.f32 v44, v43  }
0x23d: {  	v38 =	vadd.f32 v39, v38;
	v63 =	vld [tilespmem:s12+$0xFFFFFF80];
	v37 =	vadd.f32 v37, v41  }
0x23e: {  	v49 =	vld [tilespmem:s12+$0xFFFFFFC0];
	v62 =	vadd.f32 v45, v40;
	v45 =	vadd.f32 v46, v60  }
0x23f: {  	v36 =	vadd.f32 v36, v38;
	v46 =	vld [tilespmem:s12+$0xFFFFFFA0];
	v35 =	vadd.f32 v35, v37  }
0x240: {  	v51 =	vld [tilespmem:s12+$0xFFFFFFE0];
	v47 =	vadd.f32 v47, v62;
	v50 =	vadd.f32 v48, v45  }
0x241: {  	v53 =	vld [tilespmem:s12+$0x0];
	v34 =	vadd.f32 v34, v36;
	v33 =	vadd.f32 v33, v35  }
0x242: {  	v55 =	vld [tilespmem:s12+$0x20];
	v52 =	vadd.f32 v61, v47;
	v54 =	vadd.f32 v63, v50  }
0x243: {  	v57 =	vld [tilespmem:s12+$0x40];
	v32 =	vadd.f32 v32, v34;
	v31 =	vadd.f32 v31, v33  }
0x244: {  	v59 =	vld [tilespmem:s12+$0x60];
	v56 =	vadd.f32 v46, v52;
	v58 =	vadd.f32 v49, v54  }
0x245: {  	v30 =	vadd.f32 v30, v32;
	v61 =	vld [tilespmem:s12+$0x80];
	v29 =	vadd.f32 v29, v31  }
0x246: {  	v39 =	vld [tilespmem:s12+$0xC0];
	v60 =	vadd.f32 v51, v56;
	v62 =	vadd.f32 v53, v58  }
0x247: {  	v63 =	vld [tilespmem:s12+$0xA0];
	v28 =	vadd.f32 v28, v30;
	v27 =	vadd.f32 v27, v29  }
0x248: {  	v41 =	vld [tilespmem:s12+$0xE0];
	v38 =	vadd.f32 v55, v60;
	v40 =	vadd.f32 v57, v62  }
0x249: {  	v43 =	vld [tilespmem:s12+$0x100];
	v26 =	vadd.f32 v26, v28;
	v25 =	vadd.f32 v25, v27  }
0x24a: {  	v45 =	vld [tilespmem:s12+$0x120];
	v42 =	vadd.f32 v59, v38;
	v44 =	vadd.f32 v61, v40  }
0x24b: {  	v47 =	vld [tilespmem:s12+$0x140];
	v24 =	vadd.f32 v24, v26;
	v23 =	vadd.f32 v23, v25  }
0x24c: {  	v49 =	vld [tilespmem:s12+$0x160];
	v46 =	vadd.f32 v63, v42;
	v48 =	vadd.f32 v39, v44  }
0x24d: {  	v51 =	vld [tilespmem:s12+$0x180];
	v22 =	vadd.f32 v22, v24;
	v21 =	vadd.f32 v21, v23  }
0x24e: {  	v50 =	vadd.f32 v41, v46;
	v52 =	vadd.f32 v43, v48  }
0x24f: {  	v20 =	vadd.f32 v20, v22;
	v19 =	vadd.f32 v19, v21  }
0x250: {  	v53 =	vadd.f32 v45, v50;
	v54 =	vadd.f32 v47, v52  }
0x251: {  	v18 =	vadd.f32 v18, v20;
	v17 =	vadd.f32 v17, v19  }
0x252: {  	v55 =	vadd.f32 v49, v53;
	v19 =	vadd.f32 v51, v54;
	_ =	sdelay $0x1  }
0x253: {  	v18 =	vadd.f32 v55, v18;
	v17 =	vadd.f32 v19, v17;
	_ =	sdelay $0x1  }
0x254: {  	v17 =	vadd.f32 v17, v18;
	_ =	sdelay $0x1  }
0x255: {  	v17 =	vmul.f32 $1.999999960e-02, v17  }
0x256: {  	s0 =	sshra.s32 s31, $0x2  }
0x257: {  	s7 =	rddreg [dreg:$0xc];
	s12 =	simm.s32 $0x0;
	[tilespmem:s0+$0xAF00] =	vst v17  }
0x258: {  	[hbm4b:s7+s12] =	stream.linear.scatter [tilespmem:s11], [sflag:$0x6], $0x3400, $0x38;
	[tilespmem:$0x1AB00] =	vst v63  }
0x259: {  	_ =	swait.ge [sflag:s23], $0x3400  }
0x25a: {  	[sflag:s23] =	ssyncset.done $0x0  }
0x25b: {  	[sflag:s23] =	ssyncadd.s32 $0xFFFFCC00  }
0x25c: {  	_ =	swait.ge [sflag:s23], $0x6400  }
0x25d: {  	[sflag:s23] =	ssyncset.done $0x0  }
0x25e: {  	[sflag:s23] =	ssyncadd.s32 $0xFFFF9C00  }
0x25f: {  	_ =	swait.ge [sflag:s5], $0x340  }
0x260: {  	[sflag:s5] =	ssyncset.done $0x0  }
0x261: {  	[sflag:s5] =	ssyncadd.s32 $0xFFFFFCC0  }
0x262: {  	_ =	swait.ge [sflag:s5], $0x640  }
0x263: {  	[sflag:s5] =	ssyncset.done $0x0  }
0x264: {  	[sflag:s5] =	ssyncadd.s32 $0xFFFFF9C0  }
0x265: {  	_ =	swait.ge [sflag:s29], $0x3400  }
0x266: {  	[sflag:s29] =	ssyncset.done $0x0  }
0x267: {  	s12 =	simm.s32 $0x0;
	[sflag:s29] =	ssyncadd.s32 $0xFFFFCC00  }
0x268: {  	v17 =	vld [tilespmem:s12+$0x340];
	_ =	sdelay $0x4  }
0x269: {  	v18 =	vperm.xlane v17, v0  }
0x26a: {  	v19 =	vperm.xlane v17, v2  }
0x26b: {  	s0 =	simm.s32 $0x4780;
	v56 =	vperm.xlane v17, v3;
	v18 =	vadd.s32 v1, v18  }
0x26c: {  	v58 =	vperm.xlane v17, v6;
	v19 =	vadd.s32 v1, v19;
	[tilespmem:s0+$0xFFFFFF80] =	vst v18  }
0x26d: {  	v57 =	vperm.xlane v17, v4;
	v20 =	vadd.s32 v1, v56;
	[tilespmem:s0+$0xFFFFFF90] =	vst v19  }
0x26e: {  	v59 =	vperm.xlane v17, v7;
	v21 =	vadd.s32 v1, v58;
	[tilespmem:s0+$0xFFFFFFA0] =	vst v20  }
0x26f: {  	v62 =	vperm.xlane v17, v12;
	v19 =	vadd.s32 v1, v57;
	[tilespmem:s0+$0xFFFFFFD0] =	vst v21  }
0x270: {  	v18 =	vperm.xlane v17, v5;
	v20 =	vadd.s32 v1, v59;
	[tilespmem:s0+$0xFFFFFFB0] =	vst v19  }
0x271: {  	v21 =	vadd.s32 v1, v62;
	v19 =	vperm.xlane v17, v8;
	[tilespmem:s0+$0xFFFFFFE0] =	vst v20  }
0x272: {  	v60 =	vperm.xlane v17, v10;
	[tilespmem:s0+$0x30] =	vst v21;
	v18 =	vadd.s32 v1, v18  }
0x273: {  	[tilespmem:s0+$0xFFFFFFC0] =	vst v18;
	v18 =	vperm.xlane v17, v9;
	v19 =	vadd.s32 v1, v19  }
0x274: {  	v61 =	vperm.xlane v17, v11;
	[tilespmem:s0+$0xFFFFFFF0] =	vst v19;
	v19 =	vadd.s32 v1, v60  }
0x275: {  	v63 =	vperm.xlane v17, v13;
	v18 =	vadd.s32 v1, v18;
	[tilespmem:s0+$0x10] =	vst v19  }
0x276: {  	v19 =	vperm.xlane v17, v14;
	[tilespmem:s0+$0x0] =	vst v18;
	v18 =	vadd.s32 v1, v61  }
0x277: {  	v20 =	vadd.s32 v1, v63;
	[tilespmem:s0+$0x20] =	vst v18;
	v18 =	vperm.xlane v17, v15  }
0x278: {  	[tilespmem:s0+$0x40] =	vst v20;
	v17 =	vperm.xlane v17, v16;
	v19 =	vadd.s32 v1, v19  }
0x279: {  	[tilespmem:s0+$0x50] =	vst v19;
	v18 =	vadd.s32 v1, v18  }
0x27a: {  	v17 =	vadd.s32 v1, v17;
	[tilespmem:s0+$0x60] =	vst v18  }
0x27b: {  	s31 =	simm.s32 $0x10;
	s12 =	simm.s32 $0x80;
	[tilespmem:s0+$0x70] =	vst v17  }
.LBB2_18:
0x27c: {  	p0 =	sne.s32 s12, $0xCC0;
	v17 =	vld [tilespmem:s31+$0x340];
	_ =	sdelay $0x4  }
0x27d: {  	v18 =	vperm.xlane v17, v0;
	v19 =	vperm.xlane v17, v2  }
0x27e: {  	v20 =	vperm.xlane v17, v3;
	v21 =	vperm.xlane v17, v4  }
0x27f: {  	s0 =	sadd.s32 $0x100, s0;
	v22 =	vperm.xlane v17, v5;
	v18 =	vadd.s32 v1, v18;
	v19 =	vadd.s32 v1, v19  }
0x280: {  	[tilespmem:s0+$0xFFFFFF80] =	vst v18;
	v18 =	vadd.s32 v1, v20;
	v20 =	vadd.s32 v1, v21;
	v21 =	vperm.xlane v17, v6  }
0x281: {  	v23 =	vperm.xlane v17, v8;
	[tilespmem:s0+$0xFFFFFF90] =	vst v19;
	v19 =	vadd.s32 v1, v22;
	v22 =	vperm.xlane v17, v7  }
0x282: {  	v24 =	vperm.xlane v17, v10;
	[tilespmem:s0+$0xFFFFFFA0] =	vst v18;
	v18 =	vadd.s32 v1, v21;
	v21 =	vperm.xlane v17, v9  }
0x283: {  	[tilespmem:s0+$0xFFFFFFB0] =	vst v20;
	v20 =	vadd.s32 v1, v22;
	v22 =	vadd.s32 v1, v23;
	v23 =	vperm.xlane v17, v11  }
0x284: {  	[tilespmem:s0+$0xFFFFFFC0] =	vst v19;
	v19 =	vadd.s32 v1, v21;
	v21 =	vadd.s32 v1, v24;
	v24 =	vperm.xlane v17, v12  }
0x285: {  	v25 =	vperm.xlane v17, v14;
	[tilespmem:s0+$0xFFFFFFD0] =	vst v18;
	v18 =	vadd.s32 v1, v23;
	v23 =	vperm.xlane v17, v13  }
0x286: {  	[tilespmem:s0+$0xFFFFFFE0] =	vst v20;
	v20 =	vadd.s32 v1, v24;
	v24 =	vperm.xlane v17, v15;
	v17 =	vperm.xlane v17, v16  }
0x287: {  	[tilespmem:s0+$0xFFFFFFF0] =	vst v22;
	v22 =	vadd.s32 v1, v23;
	v23 =	vadd.s32 v1, v25  }
0x288: {  	[tilespmem:s0+$0x0] =	vst v19;
	v19 =	vadd.s32 v1, v24;
	v17 =	vadd.s32 v1, v17  }
0x289: {  	[tilespmem:s0+$0x10] =	vst v21  }
0x28a: {  	[tilespmem:s0+$0x20] =	vst v18  }
.Ltmp8:
0x28b: {  	[tilespmem:s0+$0x30] =	vst v20;
	(pc) =	sbr.rel @p0 .LBB2_18-.Ltmp8, $4  }
0x28c: {  	[tilespmem:s0+$0x40] =	vst v22  }
0x28d: {  	[tilespmem:s0+$0x50] =	vst v23  }
0x28e: {  	[tilespmem:s0+$0x60] =	vst v19  }
0x28f: {  	s31 =	sshra.s32 s12, $0x2;
	s12 =	sadd.s32 $0x40, s12;
	[tilespmem:s0+$0x70] =	vst v17  }
0x290: {  	v17 =	vld [tilespmem:s31+$0x340];
	_ =	sdelay $0x4  }
0x291: {  	v18 =	vperm.xlane v17, v0  }
0x292: {  	v19 =	vperm.xlane v17, v2  }
0x293: {  	s0 =	sadd.s32 $0x100, s0;
	v20 =	vperm.xlane v17, v3;
	v18 =	vadd.s32 v1, v18  }
0x294: {  	v21 =	vperm.xlane v17, v4;
	v19 =	vadd.s32 v1, v19;
	[tilespmem:s0+$0xFFFFFF80] =	vst v18  }
0x295: {  	v58 =	vperm.xlane v17, v6;
	v20 =	vadd.s32 v1, v20;
	[tilespmem:s0+$0xFFFFFF90] =	vst v19  }
0x296: {  	v59 =	vperm.xlane v17, v7;
	v19 =	vadd.s32 v1, v21;
	[tilespmem:s0+$0xFFFFFFA0] =	vst v20  }
0x297: {  	v62 =	vperm.xlane v17, v12;
	v21 =	vadd.s32 v1, v58;
	[tilespmem:s0+$0xFFFFFFB0] =	vst v19  }
0x298: {  	v18 =	vperm.xlane v17, v5;
	v20 =	vadd.s32 v1, v59;
	[tilespmem:s0+$0xFFFFFFD0] =	vst v21  }
0x299: {  	v19 =	vperm.xlane v17, v8;
	[tilespmem:s0+$0xFFFFFFE0] =	vst v20;
	v21 =	vadd.s32 v1, v62  }
0x29a: {  	v60 =	vperm.xlane v17, v10;
	v18 =	vadd.s32 v1, v18;
	[tilespmem:s0+$0x30] =	vst v21  }
0x29b: {  	[tilespmem:s0+$0xFFFFFFC0] =	vst v18;
	v18 =	vperm.xlane v17, v9;
	v19 =	vadd.s32 v1, v19  }
0x29c: {  	v61 =	vperm.xlane v17, v11;
	[tilespmem:s0+$0xFFFFFFF0] =	vst v19;
	v19 =	vadd.s32 v1, v60  }
0x29d: {  	v63 =	vperm.xlane v17, v13;
	v18 =	vadd.s32 v1, v18;
	[tilespmem:s0+$0x10] =	vst v19  }
0x29e: {  	v19 =	vperm.xlane v17, v14;
	[tilespmem:s0+$0x0] =	vst v18;
	v18 =	vadd.s32 v1, v61  }
0x29f: {  	v20 =	vadd.s32 v1, v63;
	[tilespmem:s0+$0x20] =	vst v18;
	v18 =	vperm.xlane v17, v15  }
0x2a0: {  	[tilespmem:s0+$0x40] =	vst v20;
	v17 =	vperm.xlane v17, v16;
	v19 =	vadd.s32 v1, v19  }
0x2a1: {  	[tilespmem:s0+$0x50] =	vst v19;
	v18 =	vadd.s32 v1, v18  }
0x2a2: {  	v17 =	vadd.s32 v1, v17;
	[tilespmem:s0+$0x60] =	vst v18  }
0x2a3: {  	s12 =	simm.s32 $0xAF00;
	s31 =	simm.s32 $0x4700;
	[tilespmem:s0+$0x70] =	vst v17;
	s0 =	simm.s32 $0x200  }
.LBB2_20:
0x2a4: {  	[tilespmem:s12], [sflag:$0x4] =	stream.indirect.gather [hbm4b:s3+s22], $0x1, s31, s22, $0xb8;
	[tilespmem:$0x1AB00] =	vst v63  }
0x2a5: {  	s7 =	smov.u32 s0;
	p0 =	sne.s32 s0, $0xCE00  }
.Ltmp9:
0x2a6: {  	s0 =	sadd.s32 $0x200, s0;
	(pc) =	sbr.rel @p0 .LBB2_20-.Ltmp9, $3  }
0x2a7: {  	_ =	sdelay $0x1  }
0x2a8: {  	s7 =	sshra.s32 s7, $0x2  }
0x2a9: {  	s12 =	sadd.s32 $0xAF00, s7;
	s31 =	sadd.s32 $0x4700, s7  }
0x2aa: {  	[tilespmem:s12], [sflag:$0x4] =	stream.indirect.gather [hbm4b:s3+s22], $0x1, s31, s22, $0xb8;
	[tilespmem:$0x1AB00] =	vst v63  }
0x2ab: {  	s0 =	simm.s32 $0x14700  }
0x2ac: {  	[tilespmem:s0], [sflag:$0x4] =	stream.indirect.gather [hbm4b:s4+s22], $0x10, s20, s22, $0xb8;
	[tilespmem:$0x1AB00] =	vst v63  }
0x2ad: {  	s12 =	simm.s32 $0xD40;
	s7 =	simm.s32 $0x14F00  }
0x2ae: {  	[tilespmem:s7], [sflag:$0x4] =	stream.indirect.gather [hbm4b:s4+s22], $0x10, s12, s22, $0xb8;
	[tilespmem:$0x1AB00] =	vst v63  }
0x2af: {  	s7 =	simm.s32 $0xDC0;
	s12 =	simm.s32 $0x15700  }
0x2b0: {  	[tilespmem:s12], [sflag:$0x4] =	stream.indirect.gather [hbm4b:s4+s22], $0x10, s7, s22, $0xb8;
	[tilespmem:$0x1AB00] =	vst v63  }
0x2b1: {  	s7 =	simm.s32 $0xE40;
	s12 =	simm.s32 $0x15F00  }
0x2b2: {  	[tilespmem:s12], [sflag:$0x4] =	stream.indirect.gather [hbm4b:s4+s22], $0x10, s7, s22, $0xb8;
	[tilespmem:$0x1AB00] =	vst v63  }
0x2b3: {  	s7 =	simm.s32 $0xEC0;
	s12 =	simm.s32 $0x16700  }
0x2b4: {  	[tilespmem:s12], [sflag:$0x4] =	stream.indirect.gather [hbm4b:s4+s22], $0x10, s7, s22, $0xb8;
	[tilespmem:$0x1AB00] =	vst v63  }
0x2b5: {  	s7 =	simm.s32 $0xF40;
	s12 =	simm.s32 $0x16F00  }
0x2b6: {  	[tilespmem:s12], [sflag:$0x4] =	stream.indirect.gather [hbm4b:s4+s22], $0x10, s7, s22, $0xb8;
	[tilespmem:$0x1AB00] =	vst v63  }
0x2b7: {  	s7 =	simm.s32 $0xFC0;
	s12 =	simm.s32 $0x17700  }
0x2b8: {  	[tilespmem:s12], [sflag:$0x4] =	stream.indirect.gather [hbm4b:s4+s22], $0x10, s7, s22, $0xb8;
	[tilespmem:$0x1AB00] =	vst v63  }
0x2b9: {  	s12 =	simm.s32 $0x1040  }
0x2ba: {  	[tilespmem:s13], [sflag:$0x4] =	stream.indirect.gather [hbm4b:s4+s22], $0x10, s12, s22, $0xb8;
	[tilespmem:$0x1AB00] =	vst v63  }
0x2bb: {  	_ = 	snop  }
0x2bc: {  	[tilespmem:s8], [sflag:$0x4] =	stream.indirect.gather [hbm4b:s4+s22], $0x10, s14, s22, $0xb8;
	[tilespmem:$0x1AB00] =	vst v63  }
0x2bd: {  	_ = 	snop  }
0x2be: {  	[tilespmem:s19], [sflag:$0x4] =	stream.indirect.gather [hbm4b:s4+s22], $0x10, s15, s22, $0xb8;
	[tilespmem:$0x1AB00] =	vst v63  }
0x2bf: {  	_ = 	snop  }
0x2c0: {  	[tilespmem:s17], [sflag:$0x4] =	stream.indirect.gather [hbm4b:s4+s22], $0x10, s16, s22, $0xb8;
	[tilespmem:$0x1AB00] =	vst v63  }
0x2c1: {  	_ = 	snop  }
0x2c2: {  	[tilespmem:s25], [sflag:$0x4] =	stream.indirect.gather [hbm4b:s4+s22], $0x10, s24, s22, $0xb8;
	[tilespmem:$0x1AB00] =	vst v63  }
0x2c3: {  	s12 =	simm.s32 $0xE490  }
0x2c4: {  	[tilespmem:s6], [sflag:$0x4] =	stream.indirect.gather [hbm4b:s4+s1], $0x10, s9, s1, $0xb8;
	[tilespmem:$0x1AB00] =	vst v63  }
0x2c5: {  	v17 =	vld [tilespmem:s12+$0x170]  }
0x2c6: {  	v18 =	vld [tilespmem:s12+$0x150]  }
0x2c7: {  	v19 =	vld [tilespmem:s12+$0x130]  }
0x2c8: {  	v20 =	vld [tilespmem:s12+$0x110]  }
0x2c9: {  	v21 =	vld [tilespmem:s12+$0xF0]  }
0x2ca: {  	v22 =	vld [tilespmem:s12+$0xD0]  }
0x2cb: {  	v23 =	vld [tilespmem:s12+$0xB0]  }
0x2cc: {  	v24 =	vld [tilespmem:s12+$0x90]  }
0x2cd: {  	v25 =	vld [tilespmem:s12+$0x70]  }
0x2ce: {  	v26 =	vld [tilespmem:s12+$0x50]  }
0x2cf: {  	v27 =	vld [tilespmem:s12+$0x30]  }
0x2d0: {  	v28 =	vld [tilespmem:s12+$0x10]  }
0x2d1: {  	v29 =	vld [tilespmem:s12+$0xFFFFFFF0]  }
0x2d2: {  	v30 =	vld [tilespmem:s12+$0xFFFFFFD0]  }
0x2d3: {  	v31 =	vld [tilespmem:s12+$0xFFFFFFB0]  }
0x2d4: {  	v32 =	vld [tilespmem:s12+$0xFFFFFF90]  }
0x2d5: {  	v33 =	vld [tilespmem:s12+$0xFFFFFF70]  }
0x2d6: {  	v34 =	vld [tilespmem:s12+$0xFFFFFF50]  }
0x2d7: {  	v35 =	vld [tilespmem:s12+$0xFFFFFF30]  }
0x2d8: {  	v36 =	vld [tilespmem:s12+$0xFFFFFF10]  }
0x2d9: {  	v37 =	vld [tilespmem:s12+$0xFFFFFEF0]  }
0x2da: {  	v38 =	vld [tilespmem:s12+$0xFFFFFE90]  }
0x2db: {  	v39 =	vld [tilespmem:s12+$0xFFFFFED0]  }
0x2dc: {  	v40 =	vld [tilespmem:s12+$0xFFFFFEA0]  }
0x2dd: {  	v41 =	vld [tilespmem:s12+$0xFFFFFEB0]  }
0x2de: {  	v42 =	vld [tilespmem:s12+$0xFFFFFE70]  }
0x2df: {  	v43 =	vld [tilespmem:s12+$0xFFFFFE80]  }
0x2e0: {  	s31 =	simm.s32 $0x640;
	s0 =	simm.s32 $0xCC0;
	v44 =	vld [tilespmem:s12+$0xFFFFFEC0]  }
.LBB2_22:
0x2e1: {  	p0 =	sne.s32 s0, $0xCFC0;
	v45 =	vld [tilespmem:s12+$0xFFFFFEE0]  }
0x2e2: {  	v46 =	vld [tilespmem:s12+$0xFFFFFF00]  }
0x2e3: {  	v47 =	vld [tilespmem:s12+$0xFFFFFF20]  }
0x2e4: {  	v48 =	vld [tilespmem:s12+$0xFFFFFF40]  }
0x2e5: {  	v41 =	vadd.f32 v41, v42;
	v42 =	vadd.f32 v44, v43;
	v43 =	vld [tilespmem:s12+$0xFFFFFF60]  }
0x2e6: {  	v38 =	vadd.f32 v39, v38;
	v39 =	vadd.f32 v45, v40;
	v40 =	vld [tilespmem:s12+$0xFFFFFF80]  }
0x2e7: {  	v37 =	vadd.f32 v37, v41;
	v41 =	vadd.f32 v46, v42;
	v42 =	vld [tilespmem:s12+$0xFFFFFFA0]  }
0x2e8: {  	v36 =	vadd.f32 v36, v38;
	v38 =	vadd.f32 v47, v39;
	v39 =	vld [tilespmem:s12+$0xFFFFFFC0]  }
0x2e9: {  	v35 =	vadd.f32 v35, v37;
	v37 =	vadd.f32 v48, v41;
	v41 =	vld [tilespmem:s12+$0xFFFFFFE0]  }
0x2ea: {  	v34 =	vadd.f32 v34, v36;
	v36 =	vadd.f32 v43, v38;
	v38 =	vld [tilespmem:s12+$0x0]  }
0x2eb: {  	v33 =	vadd.f32 v33, v35;
	v35 =	vadd.f32 v40, v37;
	v37 =	vld [tilespmem:s12+$0x20]  }
0x2ec: {  	v32 =	vadd.f32 v32, v34;
	v34 =	vadd.f32 v42, v36;
	v36 =	vld [tilespmem:s12+$0x40]  }
0x2ed: {  	v31 =	vadd.f32 v31, v33;
	v33 =	vadd.f32 v39, v35;
	v35 =	vld [tilespmem:s12+$0x60]  }
0x2ee: {  	v30 =	vadd.f32 v30, v32;
	v32 =	vadd.f32 v41, v34;
	v34 =	vld [tilespmem:s12+$0x80]  }
0x2ef: {  	v29 =	vadd.f32 v29, v31;
	v31 =	vadd.f32 v38, v33;
	v33 =	vld [tilespmem:s12+$0xA0]  }
0x2f0: {  	v28 =	vadd.f32 v28, v30;
	v30 =	vadd.f32 v37, v32;
	v32 =	vld [tilespmem:s12+$0xC0]  }
0x2f1: {  	v27 =	vadd.f32 v27, v29;
	v29 =	vadd.f32 v36, v31;
	v31 =	vld [tilespmem:s12+$0xE0]  }
0x2f2: {  	v26 =	vadd.f32 v26, v28;
	v28 =	vadd.f32 v35, v30;
	v30 =	vld [tilespmem:s12+$0x100]  }
0x2f3: {  	v25 =	vadd.f32 v25, v27;
	v27 =	vadd.f32 v34, v29;
	v29 =	vld [tilespmem:s12+$0x120]  }
0x2f4: {  	v24 =	vadd.f32 v24, v26;
	v26 =	vadd.f32 v33, v28;
	v28 =	vld [tilespmem:s12+$0x140]  }
0x2f5: {  	v23 =	vadd.f32 v23, v25;
	v25 =	vadd.f32 v32, v27;
	v27 =	vld [tilespmem:s12+$0x160]  }
0x2f6: {  	v22 =	vadd.f32 v22, v24;
	v24 =	vadd.f32 v31, v26;
	v26 =	vld [tilespmem:s12+$0x180]  }
0x2f7: {  	v21 =	vadd.f32 v21, v23;
	v23 =	vadd.f32 v30, v25  }
0x2f8: {  	v20 =	vadd.f32 v20, v22;
	v22 =	vadd.f32 v29, v24  }
0x2f9: {  	v19 =	vadd.f32 v19, v21;
	v21 =	vadd.f32 v28, v23  }
0x2fa: {  	v18 =	vadd.f32 v18, v20;
	v20 =	vadd.f32 v27, v22  }
0x2fb: {  	v17 =	vadd.f32 v17, v19;
	v19 =	vadd.f32 v26, v21;
	_ =	sdelay $0x1  }
0x2fc: {  	v18 =	vadd.f32 v20, v18;
	v17 =	vadd.f32 v19, v17;
	_ =	sdelay $0x1  }
0x2fd: {  	v17 =	vadd.f32 v17, v18;
	_ =	sdelay $0x1  }
0x2fe: {  	v17 =	vmul.f32 $1.999999960e-02, v17  }
0x2ff: {  	s7 =	sshra.s32 s31, $0x2;
	s31 =	smov.u32 s0  }
0x300: {  	s12 =	sadd.s32 $0x320, s12;
	[tilespmem:s7+$0x7B00] =	vst v17  }
0x301: {  	v17 =	vld [tilespmem:s12+$0x170]  }
0x302: {  	v18 =	vld [tilespmem:s12+$0x150]  }
0x303: {  	v19 =	vld [tilespmem:s12+$0x130]  }
0x304: {  	v20 =	vld [tilespmem:s12+$0x110]  }
0x305: {  	v21 =	vld [tilespmem:s12+$0xF0]  }
0x306: {  	v22 =	vld [tilespmem:s12+$0xD0]  }
0x307: {  	v23 =	vld [tilespmem:s12+$0xB0]  }
0x308: {  	v24 =	vld [tilespmem:s12+$0x90]  }
0x309: {  	v25 =	vld [tilespmem:s12+$0x70]  }
0x30a: {  	v26 =	vld [tilespmem:s12+$0x50]  }
0x30b: {  	v27 =	vld [tilespmem:s12+$0x30]  }
0x30c: {  	v28 =	vld [tilespmem:s12+$0x10]  }
0x30d: {  	v29 =	vld [tilespmem:s12+$0xFFFFFFF0]  }
0x30e: {  	v30 =	vld [tilespmem:s12+$0xFFFFFFD0]  }
0x30f: {  	v31 =	vld [tilespmem:s12+$0xFFFFFFB0]  }
0x310: {  	v32 =	vld [tilespmem:s12+$0xFFFFFF90]  }
0x311: {  	v33 =	vld [tilespmem:s12+$0xFFFFFF70]  }
0x312: {  	v34 =	vld [tilespmem:s12+$0xFFFFFF50]  }
0x313: {  	v35 =	vld [tilespmem:s12+$0xFFFFFF30]  }
0x314: {  	v36 =	vld [tilespmem:s12+$0xFFFFFF10]  }
0x315: {  	v37 =	vld [tilespmem:s12+$0xFFFFFEF0]  }
0x316: {  	v38 =	vld [tilespmem:s12+$0xFFFFFE90]  }
0x317: {  	v39 =	vld [tilespmem:s12+$0xFFFFFED0]  }
.Ltmp10:
0x318: {  	v40 =	vld [tilespmem:s12+$0xFFFFFEA0];
	(pc) =	sbr.rel @p0 .LBB2_22-.Ltmp10, $4  }
0x319: {  	v41 =	vld [tilespmem:s12+$0xFFFFFEB0]  }
0x31a: {  	v42 =	vld [tilespmem:s12+$0xFFFFFE70]  }
0x31b: {  	v43 =	vld [tilespmem:s12+$0xFFFFFE80]  }
0x31c: {  	s0 =	sadd.s32 $0x680, s0;
	v44 =	vld [tilespmem:s12+$0xFFFFFEC0]  }
0x31d: {  	v45 =	vld [tilespmem:s12+$0xFFFFFEE0]  }
0x31e: {  	v46 =	vld [tilespmem:s12+$0xFFFFFF00]  }
0x31f: {  	v47 =	vld [tilespmem:s12+$0xFFFFFF20]  }
0x320: {  	v48 =	vld [tilespmem:s12+$0xFFFFFF40];
	v41 =	vadd.f32 v41, v42  }
0x321: {  	v61 =	vld [tilespmem:s12+$0xFFFFFF60];
	v38 =	vadd.f32 v39, v38;
	v60 =	vadd.f32 v44, v43  }
0x322: {  	v63 =	vld [tilespmem:s12+$0xFFFFFF80];
	v37 =	vadd.f32 v37, v41;
	v62 =	vadd.f32 v45, v40  }
0x323: {  	v36 =	vadd.f32 v36, v38;
	v45 =	vadd.f32 v46, v60;
	v46 =	vld [tilespmem:s12+$0xFFFFFFA0]  }
0x324: {  	v49 =	vld [tilespmem:s12+$0xFFFFFFC0];
	v35 =	vadd.f32 v35, v37;
	v47 =	vadd.f32 v47, v62  }
0x325: {  	v51 =	vld [tilespmem:s12+$0xFFFFFFE0];
	v34 =	vadd.f32 v34, v36;
	v50 =	vadd.f32 v48, v45  }
0x326: {  	v53 =	vld [tilespmem:s12+$0x0];
	v33 =	vadd.f32 v33, v35;
	v52 =	vadd.f32 v61, v47  }
0x327: {  	v55 =	vld [tilespmem:s12+$0x20];
	v32 =	vadd.f32 v32, v34;
	v54 =	vadd.f32 v63, v50  }
0x328: {  	v57 =	vld [tilespmem:s12+$0x40];
	v31 =	vadd.f32 v31, v33;
	v56 =	vadd.f32 v46, v52  }
0x329: {  	v59 =	vld [tilespmem:s12+$0x60];
	v30 =	vadd.f32 v30, v32;
	v58 =	vadd.f32 v49, v54  }
0x32a: {  	v61 =	vld [tilespmem:s12+$0x80];
	v29 =	vadd.f32 v29, v31;
	v60 =	vadd.f32 v51, v56  }
0x32b: {  	v62 =	vld [tilespmem:s12+$0xA0];
	v28 =	vadd.f32 v28, v30;
	v31 =	vadd.f32 v53, v58  }
0x32c: {  	v63 =	vld [tilespmem:s12+$0xC0];
	v27 =	vadd.f32 v27, v29;
	v30 =	vadd.f32 v55, v60  }
0x32d: {  	v26 =	vadd.f32 v26, v28;
	v29 =	vadd.f32 v57, v31;
	v31 =	vld [tilespmem:s12+$0xE0]  }
0x32e: {  	v25 =	vadd.f32 v25, v27;
	v28 =	vadd.f32 v59, v30;
	v30 =	vld [tilespmem:s12+$0x100]  }
0x32f: {  	v24 =	vadd.f32 v24, v26;
	v27 =	vadd.f32 v61, v29;
	v29 =	vld [tilespmem:s12+$0x120]  }
0x330: {  	v23 =	vadd.f32 v23, v25;
	v26 =	vadd.f32 v62, v28;
	v28 =	vld [tilespmem:s12+$0x140]  }
0x331: {  	v22 =	vadd.f32 v22, v24;
	v25 =	vadd.f32 v63, v27;
	v27 =	vld [tilespmem:s12+$0x160]  }
0x332: {  	v21 =	vadd.f32 v21, v23;
	v24 =	vadd.f32 v31, v26;
	v26 =	vld [tilespmem:s12+$0x180]  }
0x333: {  	v23 =	vadd.f32 v30, v25  }
0x334: {  	v20 =	vadd.f32 v20, v22;
	v19 =	vadd.f32 v19, v21  }
0x335: {  	v22 =	vadd.f32 v29, v24;
	v21 =	vadd.f32 v28, v23  }
0x336: {  	v18 =	vadd.f32 v18, v20;
	v17 =	vadd.f32 v17, v19  }
0x337: {  	v20 =	vadd.f32 v27, v22;
	v19 =	vadd.f32 v26, v21;
	_ =	sdelay $0x1  }
0x338: {  	v18 =	vadd.f32 v20, v18;
	v17 =	vadd.f32 v19, v17;
	_ =	sdelay $0x1  }
0x339: {  	v17 =	vadd.f32 v17, v18;
	_ =	sdelay $0x1  }
0x33a: {  	v17 =	vmul.f32 $1.999999960e-02, v17  }
0x33b: {  	s0 =	sshra.s32 s31, $0x2  }
0x33c: {  	s12 =	rddreg [dreg:$0xd];
	[tilespmem:s0+$0x7B00] =	vst v17  }
0x33d: {  	[hbm4b:s12+s2] =	stream.linear.scatter [tilespmem:s10], [sflag:$0x5], $0x3400, $0x38;
	[tilespmem:$0x1AB00] =	vst v63  }
0x33e: {  	_ =	swait.ge [sflag:s26], $0x3400  }
0x33f: {  	[sflag:s26] =	ssyncset.done $0x0  }
0x340: {  	[sflag:s26] =	ssyncadd.s32 $0xFFFFCC00  }
0x341: {  	_ =	swait.ge [sflag:s26], $0x6400  }
0x342: {  	[sflag:s26] =	ssyncset.done $0x0  }
0x343: {  	s12 =	simm.s32 $0x14890;
	[sflag:s26] =	ssyncadd.s32 $0xFFFF9C00  }
0x344: {  	v17 =	vld [tilespmem:s12+$0x170]  }
0x345: {  	v18 =	vld [tilespmem:s12+$0x150]  }
0x346: {  	v19 =	vld [tilespmem:s12+$0x130]  }
0x347: {  	v20 =	vld [tilespmem:s12+$0x110]  }
0x348: {  	v21 =	vld [tilespmem:s12+$0xF0]  }
0x349: {  	v22 =	vld [tilespmem:s12+$0xD0]  }
0x34a: {  	v23 =	vld [tilespmem:s12+$0xB0]  }
0x34b: {  	v24 =	vld [tilespmem:s12+$0x90]  }
0x34c: {  	v25 =	vld [tilespmem:s12+$0x70]  }
0x34d: {  	v26 =	vld [tilespmem:s12+$0x50]  }
0x34e: {  	v27 =	vld [tilespmem:s12+$0x30]  }
0x34f: {  	v28 =	vld [tilespmem:s12+$0x10]  }
0x350: {  	v29 =	vld [tilespmem:s12+$0xFFFFFFF0]  }
0x351: {  	v30 =	vld [tilespmem:s12+$0xFFFFFFD0]  }
0x352: {  	v31 =	vld [tilespmem:s12+$0xFFFFFFB0]  }
0x353: {  	v32 =	vld [tilespmem:s12+$0xFFFFFF90]  }
0x354: {  	v33 =	vld [tilespmem:s12+$0xFFFFFF70]  }
0x355: {  	v34 =	vld [tilespmem:s12+$0xFFFFFF50]  }
0x356: {  	v35 =	vld [tilespmem:s12+$0xFFFFFF30]  }
0x357: {  	v36 =	vld [tilespmem:s12+$0xFFFFFF10]  }
0x358: {  	v37 =	vld [tilespmem:s12+$0xFFFFFEF0]  }
0x359: {  	v38 =	vld [tilespmem:s12+$0xFFFFFE90]  }
0x35a: {  	v39 =	vld [tilespmem:s12+$0xFFFFFED0]  }
0x35b: {  	v40 =	vld [tilespmem:s12+$0xFFFFFEA0]  }
0x35c: {  	v41 =	vld [tilespmem:s12+$0xFFFFFEB0]  }
0x35d: {  	v42 =	vld [tilespmem:s12+$0xFFFFFE70]  }
0x35e: {  	v43 =	vld [tilespmem:s12+$0xFFFFFE80]  }
0x35f: {  	s31 =	simm.s32 $0x640;
	s0 =	simm.s32 $0xCC0;
	v44 =	vld [tilespmem:s12+$0xFFFFFEC0]  }
.LBB2_24:
0x360: {  	p0 =	sne.s32 s0, $0xCFC0;
	v45 =	vld [tilespmem:s12+$0xFFFFFEE0]  }
0x361: {  	v46 =	vld [tilespmem:s12+$0xFFFFFF00]  }
0x362: {  	v47 =	vld [tilespmem:s12+$0xFFFFFF20]  }
0x363: {  	v48 =	vld [tilespmem:s12+$0xFFFFFF40]  }
0x364: {  	v41 =	vadd.f32 v41, v42;
	v42 =	vadd.f32 v44, v43;
	v43 =	vld [tilespmem:s12+$0xFFFFFF60]  }
0x365: {  	v38 =	vadd.f32 v39, v38;
	v39 =	vadd.f32 v45, v40;
	v40 =	vld [tilespmem:s12+$0xFFFFFF80]  }
0x366: {  	v37 =	vadd.f32 v37, v41;
	v41 =	vadd.f32 v46, v42;
	v42 =	vld [tilespmem:s12+$0xFFFFFFA0]  }
0x367: {  	v36 =	vadd.f32 v36, v38;
	v38 =	vadd.f32 v47, v39;
	v39 =	vld [tilespmem:s12+$0xFFFFFFC0]  }
0x368: {  	v35 =	vadd.f32 v35, v37;
	v37 =	vadd.f32 v48, v41;
	v41 =	vld [tilespmem:s12+$0xFFFFFFE0]  }
0x369: {  	v34 =	vadd.f32 v34, v36;
	v36 =	vadd.f32 v43, v38;
	v38 =	vld [tilespmem:s12+$0x0]  }
0x36a: {  	v33 =	vadd.f32 v33, v35;
	v35 =	vadd.f32 v40, v37;
	v37 =	vld [tilespmem:s12+$0x20]  }
0x36b: {  	v32 =	vadd.f32 v32, v34;
	v34 =	vadd.f32 v42, v36;
	v36 =	vld [tilespmem:s12+$0x40]  }
0x36c: {  	v31 =	vadd.f32 v31, v33;
	v33 =	vadd.f32 v39, v35;
	v35 =	vld [tilespmem:s12+$0x60]  }
0x36d: {  	v30 =	vadd.f32 v30, v32;
	v32 =	vadd.f32 v41, v34;
	v34 =	vld [tilespmem:s12+$0x80]  }
0x36e: {  	v29 =	vadd.f32 v29, v31;
	v31 =	vadd.f32 v38, v33;
	v33 =	vld [tilespmem:s12+$0xA0]  }
0x36f: {  	v28 =	vadd.f32 v28, v30;
	v30 =	vadd.f32 v37, v32;
	v32 =	vld [tilespmem:s12+$0xC0]  }
0x370: {  	v27 =	vadd.f32 v27, v29;
	v29 =	vadd.f32 v36, v31;
	v31 =	vld [tilespmem:s12+$0xE0]  }
0x371: {  	v26 =	vadd.f32 v26, v28;
	v28 =	vadd.f32 v35, v30;
	v30 =	vld [tilespmem:s12+$0x100]  }
0x372: {  	v25 =	vadd.f32 v25, v27;
	v27 =	vadd.f32 v34, v29;
	v29 =	vld [tilespmem:s12+$0x120]  }
0x373: {  	v24 =	vadd.f32 v24, v26;
	v26 =	vadd.f32 v33, v28;
	v28 =	vld [tilespmem:s12+$0x140]  }
0x374: {  	v23 =	vadd.f32 v23, v25;
	v25 =	vadd.f32 v32, v27;
	v27 =	vld [tilespmem:s12+$0x160]  }
0x375: {  	v22 =	vadd.f32 v22, v24;
	v24 =	vadd.f32 v31, v26;
	v26 =	vld [tilespmem:s12+$0x180]  }
0x376: {  	v21 =	vadd.f32 v21, v23;
	v23 =	vadd.f32 v30, v25  }
0x377: {  	v20 =	vadd.f32 v20, v22;
	v22 =	vadd.f32 v29, v24  }
0x378: {  	v19 =	vadd.f32 v19, v21;
	v21 =	vadd.f32 v28, v23  }
0x379: {  	v18 =	vadd.f32 v18, v20;
	v20 =	vadd.f32 v27, v22  }
0x37a: {  	v17 =	vadd.f32 v17, v19;
	v19 =	vadd.f32 v26, v21;
	_ =	sdelay $0x1  }
0x37b: {  	v18 =	vadd.f32 v20, v18;
	v17 =	vadd.f32 v19, v17;
	_ =	sdelay $0x1  }
0x37c: {  	v17 =	vadd.f32 v17, v18;
	_ =	sdelay $0x1  }
0x37d: {  	v17 =	vmul.f32 $1.999999960e-02, v17  }
0x37e: {  	s7 =	sshra.s32 s31, $0x2;
	s31 =	smov.u32 s0  }
0x37f: {  	s12 =	sadd.s32 $0x320, s12;
	[tilespmem:s7+$0xAF00] =	vst v17  }
0x380: {  	v17 =	vld [tilespmem:s12+$0x170]  }
0x381: {  	v18 =	vld [tilespmem:s12+$0x150]  }
0x382: {  	v19 =	vld [tilespmem:s12+$0x130]  }
0x383: {  	v20 =	vld [tilespmem:s12+$0x110]  }
0x384: {  	v21 =	vld [tilespmem:s12+$0xF0]  }
0x385: {  	v22 =	vld [tilespmem:s12+$0xD0]  }
0x386: {  	v23 =	vld [tilespmem:s12+$0xB0]  }
0x387: {  	v24 =	vld [tilespmem:s12+$0x90]  }
0x388: {  	v25 =	vld [tilespmem:s12+$0x70]  }
0x389: {  	v26 =	vld [tilespmem:s12+$0x50]  }
0x38a: {  	v27 =	vld [tilespmem:s12+$0x30]  }
0x38b: {  	v28 =	vld [tilespmem:s12+$0x10]  }
0x38c: {  	v29 =	vld [tilespmem:s12+$0xFFFFFFF0]  }
0x38d: {  	v30 =	vld [tilespmem:s12+$0xFFFFFFD0]  }
0x38e: {  	v31 =	vld [tilespmem:s12+$0xFFFFFFB0]  }
0x38f: {  	v32 =	vld [tilespmem:s12+$0xFFFFFF90]  }
0x390: {  	v33 =	vld [tilespmem:s12+$0xFFFFFF70]  }
0x391: {  	v34 =	vld [tilespmem:s12+$0xFFFFFF50]  }
0x392: {  	v35 =	vld [tilespmem:s12+$0xFFFFFF30]  }
0x393: {  	v36 =	vld [tilespmem:s12+$0xFFFFFF10]  }
0x394: {  	v37 =	vld [tilespmem:s12+$0xFFFFFEF0]  }
0x395: {  	v38 =	vld [tilespmem:s12+$0xFFFFFE90]  }
0x396: {  	v39 =	vld [tilespmem:s12+$0xFFFFFED0]  }
.Ltmp11:
0x397: {  	v40 =	vld [tilespmem:s12+$0xFFFFFEA0];
	(pc) =	sbr.rel @p0 .LBB2_24-.Ltmp11, $4  }
0x398: {  	v41 =	vld [tilespmem:s12+$0xFFFFFEB0]  }
0x399: {  	v42 =	vld [tilespmem:s12+$0xFFFFFE70]  }
0x39a: {  	v43 =	vld [tilespmem:s12+$0xFFFFFE80]  }
0x39b: {  	s0 =	sadd.s32 $0x680, s0;
	v44 =	vld [tilespmem:s12+$0xFFFFFEC0]  }
0x39c: {  	v45 =	vld [tilespmem:s12+$0xFFFFFEE0]  }
0x39d: {  	v46 =	vld [tilespmem:s12+$0xFFFFFF00]  }
0x39e: {  	v47 =	vld [tilespmem:s12+$0xFFFFFF20]  }
0x39f: {  	v48 =	vld [tilespmem:s12+$0xFFFFFF40];
	v41 =	vadd.f32 v41, v42  }
0x3a0: {  	v49 =	vld [tilespmem:s12+$0xFFFFFF60];
	v63 =	vadd.f32 v44, v43  }
0x3a1: {  	v38 =	vadd.f32 v39, v38;
	v51 =	vld [tilespmem:s12+$0xFFFFFF80];
	v37 =	vadd.f32 v37, v41  }
0x3a2: {  	v53 =	vld [tilespmem:s12+$0xFFFFFFA0];
	v50 =	vadd.f32 v45, v40;
	v52 =	vadd.f32 v46, v63  }
0x3a3: {  	v55 =	vld [tilespmem:s12+$0xFFFFFFC0];
	v36 =	vadd.f32 v36, v38;
	v35 =	vadd.f32 v35, v37  }
0x3a4: {  	v57 =	vld [tilespmem:s12+$0xFFFFFFE0];
	v54 =	vadd.f32 v47, v50;
	v56 =	vadd.f32 v48, v52  }
0x3a5: {  	v59 =	vld [tilespmem:s12+$0x0];
	v34 =	vadd.f32 v34, v36;
	v33 =	vadd.f32 v33, v35  }
0x3a6: {  	v61 =	vld [tilespmem:s12+$0x20];
	v58 =	vadd.f32 v49, v54;
	v60 =	vadd.f32 v51, v56  }
0x3a7: {  	v32 =	vadd.f32 v32, v34;
	v63 =	vld [tilespmem:s12+$0x40];
	v31 =	vadd.f32 v31, v33  }
0x3a8: {  	v43 =	vld [tilespmem:s12+$0x80];
	v62 =	vadd.f32 v53, v58;
	v39 =	vadd.f32 v55, v60  }
0x3a9: {  	v40 =	vld [tilespmem:s12+$0x60];
	v30 =	vadd.f32 v30, v32;
	v29 =	vadd.f32 v29, v31  }
0x3aa: {  	v45 =	vld [tilespmem:s12+$0xA0];
	v42 =	vadd.f32 v57, v62;
	v44 =	vadd.f32 v59, v39  }
0x3ab: {  	v47 =	vld [tilespmem:s12+$0xC0];
	v28 =	vadd.f32 v28, v30;
	v27 =	vadd.f32 v27, v29  }
0x3ac: {  	v49 =	vld [tilespmem:s12+$0xE0];
	v46 =	vadd.f32 v61, v42;
	v48 =	vadd.f32 v63, v44  }
0x3ad: {  	v51 =	vld [tilespmem:s12+$0x100];
	v26 =	vadd.f32 v26, v28;
	v25 =	vadd.f32 v25, v27  }
0x3ae: {  	v53 =	vld [tilespmem:s12+$0x120];
	v50 =	vadd.f32 v40, v46;
	v52 =	vadd.f32 v43, v48  }
0x3af: {  	v55 =	vld [tilespmem:s12+$0x140];
	v24 =	vadd.f32 v24, v26;
	v23 =	vadd.f32 v23, v25  }
0x3b0: {  	v57 =	vld [tilespmem:s12+$0x160];
	v54 =	vadd.f32 v45, v50;
	v56 =	vadd.f32 v47, v52  }
0x3b1: {  	v59 =	vld [tilespmem:s12+$0x180];
	v22 =	vadd.f32 v22, v24;
	v21 =	vadd.f32 v21, v23  }
0x3b2: {  	v58 =	vadd.f32 v49, v54;
	v60 =	vadd.f32 v51, v56  }
0x3b3: {  	v20 =	vadd.f32 v20, v22;
	v19 =	vadd.f32 v19, v21  }
0x3b4: {  	v61 =	vadd.f32 v53, v58;
	v62 =	vadd.f32 v55, v60  }
0x3b5: {  	v18 =	vadd.f32 v18, v20;
	v17 =	vadd.f32 v17, v19  }
0x3b6: {  	v63 =	vadd.f32 v57, v61;
	v19 =	vadd.f32 v59, v62;
	_ =	sdelay $0x1  }
0x3b7: {  	v18 =	vadd.f32 v63, v18;
	v17 =	vadd.f32 v19, v17;
	_ =	sdelay $0x1  }
0x3b8: {  	v17 =	vadd.f32 v17, v18;
	_ =	sdelay $0x1  }
0x3b9: {  	v17 =	vmul.f32 $1.999999960e-02, v17  }
0x3ba: {  	s0 =	sshra.s32 s31, $0x2  }
0x3bb: {  	s12 =	rddreg [dreg:$0xe];
	[tilespmem:s0+$0xAF00] =	vst v17  }
0x3bc: {  	[hbm4b:s12+s2] =	stream.linear.scatter [tilespmem:s11], [sflag:$0x6], $0x3400, $0x38;
	[tilespmem:$0x1AB00] =	vst v63  }
0x3bd: {  	_ =	swait.ge [sflag:s28], $0x3400  }
0x3be: {  	[sflag:s28] =	ssyncset.done $0x0  }
0x3bf: {  	[sflag:s28] =	ssyncadd.s32 $0xFFFFCC00  }
0x3c0: {  	_ =	swait.ge [sflag:s29], $0x3400  }
0x3c1: {  	s30 =	sadd.s32 $0x1, s30;
	s31 =	rddreg [dreg:$0xf]  }
0x3c2: {  	p0 =	sne.s32 s30, s31  }
.Ltmp12:
0x3c3: {  	_ = 	snop;
	(pc) =	sbr.rel @p0 .LBB2_1-.Ltmp12, $3  }
0x3c4: {  	_ =	sdelay $0x1  }
0x3c5: {  	[sflag:s29] =	ssyncset.done $0x0  }
0x3c6: {  	[sflag:s29] =	ssyncadd.s32 $0xFFFFCC00  }
0x3c7: {  	_ =	sfence.sel $0x180000  }
0x3c8: {  	[bflag:$0x0] =	sbarrier.arrive $0xFFFF  }
0x3c9: {  	_ =	strace $0x90000047  }
0x3ca: {  	s0 =	stileid.u32;
	[bflag:$0x2] =	sbarrier.arrive $0xFFFF  }
0x3cb: {  	p0 =	sne.s32 s0, $0x0;
	s0 =	rddreg [dreg:$0x2]  }
0x3cc: {  	s0 =	sadd.s32 @!p0 $0x100000, s0  }
0x3cd: {  	[sflag:s0] =	ssyncadd.tile.s32 @!p0 $0x1;
	_ =	shalt  }
.Lfunc_end2:
_tile_overlayer_lowered:
.L_overlay_start_2:
0x3ce: {  	(tag) =	ssettag $0x2  }
0x3cf: {  	s0 =	rddreg [dreg:$0x0];
	s2 =	stileid.u32  }
0x3d0: {  	s1 =	rddreg [dreg:$0x1];
	p0 =	sne.s32 s2, $0x0  }
0x3d1: {  	s3 =	rddreg [dreg:$0x2];
	[bflag:$0x3] =	sbarrier.arrive $0xFFFF;
	s2 =	simm.s32 @!p0 $0x1C07  }
0x3d2: {  	[timem:s3], [sflag:s2] =	dma.local @!p0 [hbm:s0], s1  }
0x3d3: {  	s0 =	simm.s32 @!p0 $0x7  }
0x3d4: {  	_ =	swait.ge @!p0 [sflag:s0], s1  }
0x3d5: {  	s1 =	ssub.s32 @!p0 $0x0, s1;
	[sflag:s0] =	ssyncset.done @!p0 $0x0  }
0x3d6: {  	[sflag:s0] =	ssyncadd.s32 @!p0 s1  }
0x3d7: {  	[bflag:$0x3] =	sbarrier.arrive $0xFFFF  }
0x3d8: {  	_ =	shalt  }

</sc_bundles>
